<compile_context>
chip_gen: v7x
topology: tpu7x:2x2x1
jax: 0.10.2.dev20260603
libtpu: 0.0.44.dev20260713+nightly
codegen_flags: <defaults>
</compile_context>

<pallas_src>
import functools

import jax
import jax.numpy as jnp
from jax import lax
from jax.experimental import pallas as pl
from jax.experimental.pallas import tpu as pltpu
from jax.experimental.pallas import tpu_sc as plsc

F32 = jnp.float32
I32 = jnp.int32
HI = lax.Precision.HIGHEST
K = 80
AW = 16


def _nodes_body(x_ref, w_ref, avs_ref, avd_ref, h_ref, aux_ref):
    x = x_ref[...]
    h = jnp.dot(x, w_ref[...], precision=HI)
    h_ref[...] = h
    asv = jnp.dot(h, avs_ref[0], precision=HI)
    adv = jnp.dot(h, avd_ref[0], precision=HI)
    col = lax.broadcasted_iota(I32, (x.shape[0], AW), 1)
    aux_ref[...] = jnp.where(col == 0, asv[:, None],
                             jnp.where(col == 1, adv[:, None], 0.0))


def _nodes_stage(node_emb, W, att_src, att_dst, NB=1000):
    N, H = node_emb.shape
    return pl.pallas_call(
        _nodes_body,
        grid=(N // NB,),
        in_specs=[
            pl.BlockSpec((NB, H), lambda i: (i, 0)),
            pl.BlockSpec((H, H), lambda i: (0, 0)),
            pl.BlockSpec((1, H), lambda i: (0, 0)),
            pl.BlockSpec((1, H), lambda i: (0, 0)),
        ],
        out_specs=[
            pl.BlockSpec((NB, H), lambda i: (i, 0)),
            pl.BlockSpec((NB, AW), lambda i: (i, 0)),
        ],
        out_shape=[
            jax.ShapeDtypeStruct((N, H), F32),
            jax.ShapeDtypeStruct((N, AW), F32),
        ],
    )(node_emb, W, att_src.reshape(1, H), att_dst.reshape(1, H))


def _edges_body(ea_ref, we_ref, av_ref, ae_ref):
    wv = jnp.dot(we_ref[...], av_ref[...], precision=HI)
    ae_ref[...] = jnp.dot(ea_ref[...], wv, precision=HI)


def _edge_scal_stage(edge_attr, W_e, att_edge, EB=1280):
    E, H = edge_attr.shape
    return pl.pallas_call(
        _edges_body,
        grid=(E // EB,),
        in_specs=[
            pl.BlockSpec((EB, H), lambda i: (i, 0)),
            pl.BlockSpec((H, H), lambda i: (0, 0)),
            pl.BlockSpec((H, 1), lambda i: (0, 0)),
        ],
        out_specs=pl.BlockSpec((EB, 1), lambda i: (i, 0)),
        out_shape=jax.ShapeDtypeStruct((E, 1), F32),
    )(edge_attr, W_e, att_edge.reshape(H, 1))


def _sc_stage(pk, h4, aux, qbase):
    nchT, threeK = pk.shape
    NV, QW = h4.shape
    N = NV // 4
    WID = QW + 16
    NSUB = 16
    nch = nchT // NSUB
    nrc = N // K
    nrc_per_tile = (nrc + NSUB - 1) // NSUB

    mesh = plsc.VectorSubcoreMesh(core_axis_name="c", subcore_axis_name="s")

    def body(pk_hbm, h4_hbm, aux_hbm, acc_hbm,
             inb, gixb, srcb, dstb, pbuf, rowbuf, scbuf, arow, drow,
             acc_sh, sem_in, sem_g0, sem_g1, sem_a0, sem_a1, sem_s0, sem_s1):
        c = lax.axis_index("c")
        s = lax.axis_index("s")
        q = qbase + c
        lanes = lax.iota(I32, 16)
        zeros16 = jnp.zeros((16,), I32)
        ones16 = zeros16 + 1
        sem_g = (sem_g0, sem_g1)
        sem_a = (sem_a0, sem_a1)
        sem_s = (sem_s0, sem_s1)

        def zrow(r, _):
            for v in range(WID // 16):
                scbuf[0, r, pl.ds(v * 16, 16)] = jnp.zeros((16,), F32)
            return 0
        lax.fori_loop(0, K, zrow, 0)

        def zchunk(k, _):
            ci = k * NSUB + s
            @pl.when(ci < nrc)
            def _():
                pltpu.sync_copy(scbuf.at[0], acc_sh.at[pl.ds(ci * K, K)])
            return 0
        lax.fori_loop(0, nrc_per_tile, zchunk, 0)
        plsc.subcore_barrier()

        def start_in(k, slot):
            pltpu.async_copy(pk_hbm.at[s * nch + k], inb.at[slot], sem_in)

        def a_phase(k, slot):
            @pl.when(k >= 2)
            def _():
                pltpu.make_async_copy(acc_hbm.at[0, pl.ds(0, K)],
                                      scbuf.at[slot], sem_s[slot]).wait()
            pltpu.make_async_copy(pk_hbm.at[0], inb.at[slot], sem_in).wait()
            for j in range(K // 16):
                d = pl.ds(j * 16, 16)
                sv = inb[slot, pl.ds(j * 16, 16)]
                dv = inb[slot, pl.ds(K + j * 16, 16)]
                av = plsc.bitcast(inb[slot, pl.ds(2 * K + j * 16, 16)], F32)
                gixb[slot, d] = sv * 4 + q
                srcb[slot, d] = sv
                dstb[slot, d] = dv
                pbuf[slot, pl.ds(K + j * 16, 16)] = av
            @pl.when(k + 1 < nch)
            def _():
                start_in(k + 1, 1 - slot)
            pltpu.async_copy(h4_hbm.at[gixb.at[slot]], rowbuf.at[slot],
                             sem_g[slot])
            pltpu.async_copy(aux_hbm.at[srcb.at[slot]], arow.at[slot],
                             sem_a[slot])
            pltpu.async_copy(aux_hbm.at[dstb.at[slot]], drow.at[slot],
                             sem_a[slot])

        def b_phase(j, slot):
            pltpu.make_async_copy(h4_hbm.at[gixb.at[slot]], rowbuf.at[slot],
                                  sem_g[slot]).wait()
            pltpu.make_async_copy(aux_hbm.at[srcb.at[slot]], arow.at[slot],
                                  sem_a[slot]).wait()
            pltpu.make_async_copy(aux_hbm.at[dstb.at[slot]], drow.at[slot],
                                  sem_a[slot]).wait()
            for j5 in range(K // 16):
                ridx = j5 * 16 + lanes
                a1 = plsc.load_gather(arow.at[slot], [ridx, zeros16])
                a2 = plsc.load_gather(drow.at[slot], [ridx, ones16])
                al = a1 + a2 + pbuf[slot, pl.ds(K + j5 * 16, 16)]
                al = jnp.maximum(al, al * 0.2)
                pbuf[slot, pl.ds(j5 * 16, 16)] = jnp.exp(al)
            def srow(e, _):
                bp = plsc.load_gather(pbuf.at[slot], [jnp.full((16,), e, I32)])
                for v in range(QW // 16):
                    scbuf[slot, e, pl.ds(v * 16, 16)] = (
                        rowbuf[slot, e, pl.ds(v * 16, 16)] * bp)
                bae = plsc.load_gather(pbuf.at[slot],
                                       [jnp.full((16,), K + e, I32)])
                extra = jnp.where(lanes == 0, bp,
                        jnp.where(lanes == 1, bae,
                        jnp.where(lanes == 2, jnp.float32(1.0),
                                  jnp.float32(0.0))))
                scbuf[slot, e, pl.ds(QW, 16)] = extra
                return 0
            lax.fori_loop(0, K, srow, 0)
            pltpu.async_copy(scbuf.at[slot], acc_sh.at[dstb.at[slot]],
                             sem_s[slot], add=True)

        start_in(0, 0)

        def pipe(k, _):
            @pl.when(k < nch)
            def _():
                @pl.when(lax.rem(k, 2) == 0)
                def _():
                    a_phase(k, 0)
                @pl.when(lax.rem(k, 2) == 1)
                def _():
                    a_phase(k, 1)
            @pl.when(k >= 1)
            def _():
                j = k - 1
                @pl.when(lax.rem(j, 2) == 0)
                def _():
                    b_phase(j, 0)
                @pl.when(lax.rem(j, 2) == 1)
                def _():
                    b_phase(j, 1)
            return 0
        lax.fori_loop(0, nch + 1, pipe, 0)

        for slot in (0, 1):
            pltpu.make_async_copy(acc_hbm.at[0, pl.ds(0, K)],
                                  scbuf.at[slot], sem_s[slot]).wait()
        plsc.subcore_barrier()

        def dump(k, _):
            ci = k * NSUB + s
            @pl.when(ci < nrc)
            def _():
                pltpu.sync_copy(acc_sh.at[pl.ds(ci * K, K)],
                                acc_hbm.at[c, pl.ds(ci * K, K)])
            return 0
        lax.fori_loop(0, nrc_per_tile, dump, 0)

    fn = pl.kernel(
        body,
        out_type=jax.ShapeDtypeStruct((2, N, WID), F32),
        mesh=mesh,
        compiler_params=pltpu.CompilerParams(needs_layout_passes=False,
                                             use_tc_tiling_on_sc=False),
        scratch_types=[
            pltpu.VMEM((2, 3 * K), I32),
            pltpu.VMEM((2, K), I32),
            pltpu.VMEM((2, K), I32),
            pltpu.VMEM((2, K), I32),
            pltpu.VMEM((2, 2 * K), F32),
            pltpu.VMEM((2, K, QW), F32),
            pltpu.VMEM((2, K, WID), F32),
            pltpu.VMEM((2, K, AW), F32),
            pltpu.VMEM((2, K, AW), F32),
            pltpu.VMEM_SHARED((N, WID), F32),
            pltpu.SemaphoreType.DMA,
            pltpu.SemaphoreType.DMA,
            pltpu.SemaphoreType.DMA,
            pltpu.SemaphoreType.DMA,
            pltpu.SemaphoreType.DMA,
            pltpu.SemaphoreType.DMA,
            pltpu.SemaphoreType.DMA,
        ],
    )
    return fn(pk, h4, aux)


def _final_body(acc0_ref, acc1_ref, acc2_ref, acc3_ref, h_ref, aux_ref,
                q_ref, b_ref, out_ref, best_ref, brow_ref):
    i = pl.program_id(0)
    n = pl.num_programs(0)

    @pl.when(i == 0)
    def _():
        best_ref[0, 0] = jnp.float32(-3.0)

    acc0 = acc0_ref[0]
    QW = (acc0.shape[1] // 16 - 1) * 16
    rows = jnp.concatenate(
        [acc0[:, :QW], acc1_ref[0][:, :QW], acc2_ref[0][:, :QW],
         acc3_ref[0][:, :QW]], axis=1)
    denom_e = acc0[:, QW]
    sae = acc0[:, QW + 1]
    deg = acc0[:, QW + 2]
    h = h_ref[...]
    ael = sae / jnp.maximum(deg, 1.0)
    al = aux_ref[:, 0] + aux_ref[:, 1] + ael
    al = jnp.maximum(al, al * 0.2)
    ploop = jnp.exp(al)
    denom = denom_e + ploop + 1e-16
    outb = (rows + ploop[:, None] * h) / denom[:, None] + b_ref[...]
    nrm = jnp.sqrt(jnp.sum(outb * outb, axis=1))
    sim = jnp.dot(outb, q_ref[0], precision=HI) / jnp.maximum(nrm, 1e-8)
    m = jnp.max(sim)
    NB = sim.shape[0]
    idxs = lax.broadcasted_iota(I32, (NB,), 0)
    loc = jnp.min(jnp.where(sim == m, idxs, NB))
    onehot = (idxs == loc).astype(F32)
    row = jnp.dot(onehot, outb, precision=HI)

    @pl.when(m > best_ref[0, 0])
    def _():
        best_ref[0, 0] = m
        brow_ref[...] = row[None, :]

    @pl.when(i == n - 1)
    def _():
        out_ref[...] = brow_ref[...]


def _final_stage(acc_a, acc_b, h, aux, q, bias, NB=1000):
    N, H = h.shape
    WID = acc_a.shape[2]
    return pl.pallas_call(
        _final_body,
        grid=(N // NB,),
        in_specs=[
            pl.BlockSpec((1, NB, WID), lambda i: (0, i, 0)),
            pl.BlockSpec((1, NB, WID), lambda i: (1, i, 0)),
            pl.BlockSpec((1, NB, WID), lambda i: (0, i, 0)),
            pl.BlockSpec((1, NB, WID), lambda i: (1, i, 0)),
            pl.BlockSpec((NB, H), lambda i: (i, 0)),
            pl.BlockSpec((NB, AW), lambda i: (i, 0)),
            pl.BlockSpec((1, H), lambda i: (0, 0)),
            pl.BlockSpec((1, H), lambda i: (0, 0)),
        ],
        out_specs=pl.BlockSpec((1, H), lambda i: (0, 0)),
        out_shape=jax.ShapeDtypeStruct((1, H), F32),
        scratch_shapes=[pltpu.SMEM((1, 1), F32), pltpu.VMEM((1, H), F32)],
    )(acc_a, acc_a, acc_b, acc_b, h, aux, q.reshape(1, H), bias.reshape(1, H))


def kernel(query_emb, edge_index, edge_attr, node_emb, W, att_src, att_dst,
           W_e, att_edge, bias):
    N, H = node_emb.shape
    E = edge_index.shape[1]
    h, aux = _nodes_stage(node_emb, W, att_src, att_dst)
    ae = _edge_scal_stage(edge_attr, W_e, att_edge)
    nch = E // K
    pk = jnp.concatenate(
        [edge_index[0].reshape(nch, K), edge_index[1].reshape(nch, K),
         lax.bitcast_convert_type(ae.reshape(nch, K), I32)], axis=1)
    h4 = h.reshape(4 * N, H // 4)
    acc_a = _sc_stage(pk, h4, aux, 0)
    acc_b = _sc_stage(pk, h4, aux, 2)
    out = _final_stage(acc_a, acc_b, h, aux, query_emb, bias)
    return out.reshape(H)

# --- scband reference (transcript-rebuilt; emitter-appended) ---
"""Pipeline reference for scband-graph-memory-11897059410437 (READ-ONLY COPY).

The authoritative reference and input builder live on the scoring server;
editing this copy changes nothing except your own understanding.
"""

import jax, jax.numpy as jnp
import numpy as np

HIDDEN = 384
N_NODES = 10000
N_EDGES = 160000


def setup_inputs(seed: int = 0) -> dict:
    key = jax.random.key(seed)
    ks = jax.random.split(key, 10)
    s = 1.0 / np.sqrt(HIDDEN)
    return {
        "query_emb": jax.random.normal(ks[0], (HIDDEN,), jnp.float32),
        "edge_index": jax.random.randint(ks[1], (2, N_EDGES), 0, N_NODES, dtype=jnp.int32),
        "edge_attr": jax.random.normal(ks[2], (N_EDGES, HIDDEN), jnp.float32),
        "node_emb": jax.random.normal(ks[3], (N_NODES, HIDDEN), jnp.float32),
        "W": jax.random.normal(ks[4], (HIDDEN, HIDDEN), jnp.float32) * s,
        "att_src": jax.random.normal(ks[5], (HIDDEN,), jnp.float32) * s,
        "att_dst": jax.random.normal(ks[6], (HIDDEN,), jnp.float32) * s,
        "W_e": jax.random.normal(ks[7], (HIDDEN, HIDDEN), jnp.float32) * s,
        "att_edge": jax.random.normal(ks[8], (HIDDEN,), jnp.float32) * s,
        "bias": jnp.zeros((HIDDEN,), jnp.float32),
    }


def _gat_conv(x, edge_index, edge_attr, W, att_src, att_dst, W_e, att_edge, bias):
    # PyG GATConv, heads=1, concat=True, negative_slope=0.2, add_self_loops=True,
    # edge_dim=HIDDEN, self-loop edge_attr fill_value='mean' (PyG default)
    N = x.shape[0]
    src, dst = edge_index[0], edge_index[1]
    deg = jax.ops.segment_sum(jnp.ones(src.shape[0], jnp.float32), dst, num_segments=N)
    loop_attr = jax.ops.segment_sum(edge_attr, dst, num_segments=N) / jnp.clip(deg, 1.0)[:, None]
    loop = jnp.arange(N, dtype=src.dtype)
    src = jnp.concatenate([src, loop])
    dst = jnp.concatenate([dst, loop])
    ea = jnp.concatenate([edge_attr, loop_attr], axis=0)
    h = x @ W
    e = ea @ W_e
    a_src = h @ att_src
    a_dst = h @ att_dst
    a_edge = e @ att_edge
    alpha = a_src[src] + a_dst[dst] + a_edge
    alpha = jax.nn.leaky_relu(alpha, negative_slope=0.2)
    amax = jax.ops.segment_max(alpha, dst, num_segments=N)
    alpha = jnp.exp(alpha - amax[dst])
    denom = jax.ops.segment_sum(alpha, dst, num_segments=N)
    alpha = alpha / (denom[dst] + 1e-16)
    out = jax.ops.segment_sum(alpha[:, None] * h[src], dst, num_segments=N)
    return out + bias


def reference(query_emb, edge_index, edge_attr, node_emb, W, att_src, att_dst, W_e, att_edge, bias):
    out = _gat_conv(node_emb, edge_index, edge_attr, W, att_src, att_dst, W_e, att_edge, bias)
    # torch.cosine_similarity(query_emb, out, dim=-1) with broadcasting, eps=1e-8
    qn = query_emb / jnp.clip(jnp.linalg.norm(query_emb), 1e-8)
    on = out / jnp.clip(jnp.linalg.norm(out, axis=-1, keepdims=True), 1e-8)
    sim = on @ qn
    _, idx = jax.lax.top_k(sim, 1)
    return out[idx].mean(axis=0)

if __name__ == "__main__":
    import jax
    _d = setup_inputs()
    print(jax.jit(kernel)(*tuple(_d.values())))

</pallas_src>

<mosaic_0001>
#map = affine_map<(d0, d1) -> (0, 0)>
#map1 = affine_map<(d0, d1) -> (0, 0, 0)>
module attributes {stable_mosaic.version = 14 : i64} {
  func.func @body(%arg0: i32, %arg1: i32, %arg2: memref<2000x240xi32, #tpu.memory_space<hbm>>, %arg3: memref<40000x96xf32, #tpu.memory_space<hbm>>, %arg4: memref<10000x16xf32, #tpu.memory_space<hbm>>, %arg5: memref<2x10000x112xf32, #tpu.memory_space<hbm>>, %arg6: memref<2x240xi32, #tpu.memory_space<vmem>>, %arg7: memref<2x80xi32, #tpu.memory_space<vmem>>, %arg8: memref<2x80xi32, #tpu.memory_space<vmem>>, %arg9: memref<2x80xi32, #tpu.memory_space<vmem>>, %arg10: memref<2x160xf32, #tpu.memory_space<vmem>>, %arg11: memref<2x80x96xf32, #tpu.memory_space<vmem>>, %arg12: memref<2x80x112xf32, #tpu.memory_space<vmem>>, %arg13: memref<2x80x16xf32, #tpu.memory_space<vmem>>, %arg14: memref<2x80x16xf32, #tpu.memory_space<vmem>>, %arg15: memref<10000x112xf32, #tpu.memory_space<vmem_shared>>, %arg16: memref<!tpu.dma_semaphore, #tpu.memory_space<semaphore_mem>>, %arg17: memref<!tpu.dma_semaphore, #tpu.memory_space<semaphore_mem>>, %arg18: memref<!tpu.dma_semaphore, #tpu.memory_space<semaphore_mem>>, %arg19: memref<!tpu.dma_semaphore, #tpu.memory_space<semaphore_mem>>, %arg20: memref<!tpu.dma_semaphore, #tpu.memory_space<semaphore_mem>>, %arg21: memref<!tpu.dma_semaphore, #tpu.memory_space<semaphore_mem>>, %arg22: memref<!tpu.dma_semaphore, #tpu.memory_space<semaphore_mem>>) attributes {dimension_semantics = [#tpu.dimension_semantics<core_parallel>, #tpu.dimension_semantics<subcore_parallel>], iteration_bounds = array<i64: 2, 16>, scalar_prefetch = 0 : i64, scratch_operands = 17 : i64, tpu.core_type = #tpu.core_type<sc_vector_subcore>, window_params = [{transform_indices = #map}, {transform_indices = #map}, {transform_indices = #map}, {transform_indices = #map1}]} {
    %add3A = arith.constant 2 : i32
    %add3A_0 = arith.addi %add3A, %arg0 : i32
    %iota3A = tpu.iota {dimensions = array<i32: 0>} : vector<16xi32>
    %broadcast_in_dim3A = arith.constant 0 : i32
    %broadcast_in_dim3A_1 = vector.broadcast %broadcast_in_dim3A : i32 to vector<16xi32>
    %add3A_2 = arith.constant 1 : i32
    %add3A_3 = vector.broadcast %add3A_2 : i32 to vector<16xi32>
    %add3A_4 = arith.addi %broadcast_in_dim3A_1, %add3A_3 : vector<16xi32>
    %scan3A = arith.constant 0 : i32
    %scan3A_5 = arith.constant 0 : i32
    %scan3A_6 = arith.constant 80 : i32
    %scan3A_7 = arith.addi %scan3A_5, %scan3A_6 : i32
    %scan3A_8 = arith.constant 1 : i32
    %scan3A_9 = scf.for %scan3A_83 = %scan3A_5 to %scan3A_7 step %scan3A_8 iter_args(%scan3A_84 = %scan3A) -> (i32)  : i32 {
      %broadcast_in_dim3A_85 = arith.constant 0.000000e+00 : f32
      %broadcast_in_dim3A_86 = vector.broadcast %broadcast_in_dim3A_85 : f32 to vector<16xf32>
      %swap3A = arith.constant 0 : i32
      %swap3A_87 = arith.index_cast %swap3A : i32 to index
      %swap3A_88 = arith.index_cast %scan3A_83 : i32 to index
      %swap3A_89 = arith.constant 0 : index
      %swap3A_90 = tpu.vector_load %arg12[%swap3A_87, %swap3A_88, %swap3A_89] {strides = array<i32>} : memref<2x80x112xf32, #tpu.memory_space<vmem>>, vector<16xf32>,
      tpu.vector_store %arg12[%swap3A_87, %swap3A_88, %swap3A_89], %broadcast_in_dim3A_86 {strides = array<i32>} : memref<2x80x112xf32, #tpu.memory_space<vmem>>, vector<16xf32>,
      %broadcast_in_dim3A_91 = arith.constant 0.000000e+00 : f32
      %broadcast_in_dim3A_92 = vector.broadcast %broadcast_in_dim3A_91 : f32 to vector<16xf32>
      %swap3A_93 = arith.constant 0 : i32
      %swap3A_94 = arith.index_cast %swap3A_93 : i32 to index
      %swap3A_95 = arith.index_cast %scan3A_83 : i32 to index
      %swap3A_96 = arith.constant 16 : index
      %swap3A_97 = tpu.vector_load %arg12[%swap3A_94, %swap3A_95, %swap3A_96] {strides = array<i32>} : memref<2x80x112xf32, #tpu.memory_space<vmem>>, vector<16xf32>,
      tpu.vector_store %arg12[%swap3A_94, %swap3A_95, %swap3A_96], %broadcast_in_dim3A_92 {strides = array<i32>} : memref<2x80x112xf32, #tpu.memory_space<vmem>>, vector<16xf32>,
      %broadcast_in_dim3A_98 = arith.constant 0.000000e+00 : f32
      %broadcast_in_dim3A_99 = vector.broadcast %broadcast_in_dim3A_98 : f32 to vector<16xf32>
      %swap3A_100 = arith.constant 0 : i32
      %swap3A_101 = arith.index_cast %swap3A_100 : i32 to index
      %swap3A_102 = arith.index_cast %scan3A_83 : i32 to index
      %swap3A_103 = arith.constant 32 : index
      %swap3A_104 = tpu.vector_load %arg12[%swap3A_101, %swap3A_102, %swap3A_103] {strides = array<i32>} : memref<2x80x112xf32, #tpu.memory_space<vmem>>, vector<16xf32>,
      tpu.vector_store %arg12[%swap3A_101, %swap3A_102, %swap3A_103], %broadcast_in_dim3A_99 {strides = array<i32>} : memref<2x80x112xf32, #tpu.memory_space<vmem>>, vector<16xf32>,
      %broadcast_in_dim3A_105 = arith.constant 0.000000e+00 : f32
      %broadcast_in_dim3A_106 = vector.broadcast %broadcast_in_dim3A_105 : f32 to vector<16xf32>
      %swap3A_107 = arith.constant 0 : i32
      %swap3A_108 = arith.index_cast %swap3A_107 : i32 to index
      %swap3A_109 = arith.index_cast %scan3A_83 : i32 to index
      %swap3A_110 = arith.constant 48 : index
      %swap3A_111 = tpu.vector_load %arg12[%swap3A_108, %swap3A_109, %swap3A_110] {strides = array<i32>} : memref<2x80x112xf32, #tpu.memory_space<vmem>>, vector<16xf32>,
      tpu.vector_store %arg12[%swap3A_108, %swap3A_109, %swap3A_110], %broadcast_in_dim3A_106 {strides = array<i32>} : memref<2x80x112xf32, #tpu.memory_space<vmem>>, vector<16xf32>,
      %broadcast_in_dim3A_112 = arith.constant 0.000000e+00 : f32
      %broadcast_in_dim3A_113 = vector.broadcast %broadcast_in_dim3A_112 : f32 to vector<16xf32>
      %swap3A_114 = arith.constant 0 : i32
      %swap3A_115 = arith.index_cast %swap3A_114 : i32 to index
      %swap3A_116 = arith.index_cast %scan3A_83 : i32 to index
      %swap3A_117 = arith.constant 64 : index
      %swap3A_118 = tpu.vector_load %arg12[%swap3A_115, %swap3A_116, %swap3A_117] {strides = array<i32>} : memref<2x80x112xf32, #tpu.memory_space<vmem>>, vector<16xf32>,
      tpu.vector_store %arg12[%swap3A_115, %swap3A_116, %swap3A_117], %broadcast_in_dim3A_113 {strides = array<i32>} : memref<2x80x112xf32, #tpu.memory_space<vmem>>, vector<16xf32>,
      %broadcast_in_dim3A_119 = arith.constant 0.000000e+00 : f32
      %broadcast_in_dim3A_120 = vector.broadcast %broadcast_in_dim3A_119 : f32 to vector<16xf32>
      %swap3A_121 = arith.constant 0 : i32
      %swap3A_122 = arith.index_cast %swap3A_121 : i32 to index
      %swap3A_123 = arith.index_cast %scan3A_83 : i32 to index
      %swap3A_124 = arith.constant 80 : index
      %swap3A_125 = tpu.vector_load %arg12[%swap3A_122, %swap3A_123, %swap3A_124] {strides = array<i32>} : memref<2x80x112xf32, #tpu.memory_space<vmem>>, vector<16xf32>,
      tpu.vector_store %arg12[%swap3A_122, %swap3A_123, %swap3A_124], %broadcast_in_dim3A_120 {strides = array<i32>} : memref<2x80x112xf32, #tpu.memory_space<vmem>>, vector<16xf32>,
      %broadcast_in_dim3A_126 = arith.constant 0.000000e+00 : f32
      %broadcast_in_dim3A_127 = vector.broadcast %broadcast_in_dim3A_126 : f32 to vector<16xf32>
      %swap3A_128 = arith.constant 0 : i32
      %swap3A_129 = arith.index_cast %swap3A_128 : i32 to index
      %swap3A_130 = arith.index_cast %scan3A_83 : i32 to index
      %swap3A_131 = arith.constant 96 : index
      %swap3A_132 = tpu.vector_load %arg12[%swap3A_129, %swap3A_130, %swap3A_131] {strides = array<i32>} : memref<2x80x112xf32, #tpu.memory_space<vmem>>, vector<16xf32>,
      tpu.vector_store %arg12[%swap3A_129, %swap3A_130, %swap3A_131], %broadcast_in_dim3A_127 {strides = array<i32>} : memref<2x80x112xf32, #tpu.memory_space<vmem>>, vector<16xf32>,
      %scan3A_133 = arith.constant 0 : i32
      scf.yield %scan3A_133 : i32
    }
    %scan3A_10 = arith.constant 80 : i32
    %scan3A_11 = arith.constant 0 : i32
    %scan3A_12 = arith.constant 0 : i32
    %scan3A_13 = arith.constant 8 : i32
    %scan3A_14 = arith.addi %scan3A_12, %scan3A_13 : i32
    %scan3A_15 = arith.constant 1 : i32
    %scan3A_16 = scf.for %scan3A_83 = %scan3A_12 to %scan3A_14 step %scan3A_15 iter_args(%scan3A_84 = %scan3A_11) -> (i32)  : i32 {
      %mul3A_85 = arith.constant 16 : i32
      %mul3A_86 = arith.muli %scan3A_83, %mul3A_85 : i32
      %add3A_87 = arith.addi %mul3A_86, %arg1 : i32
      %lt3A = arith.constant 125 : i32
      %lt3A_88 = arith.cmpi slt, %add3A_87, %lt3A : i32
      %convert_element_type3A = arith.extui %lt3A_88 : i1 to i32
      %cond3A = arith.constant 0 : i32
      %cond3A_89 = arith.cmpi ne, %convert_element_type3A, %cond3A : i32
      scf.if %cond3A_89 {
        %mul3A_91 = arith.constant 80 : i32
        %mul3A_92 = arith.muli %add3A_87, %mul3A_91 : i32
        %run_scoped3A = arith.constant 0 : i32
        "tpu.region"() ({
          %run_scoped3A_93 = tpu.sem_alloc : memref<!tpu.dma_semaphore, #tpu.memory_space<semaphore_mem>>
          %dma_start3A_94 = arith.constant 0 : i32
          %dma_start3A_95 = arith.constant 0 : i32
          %dma_start3A_96 = tpu.memref_slice %arg12[%run_scoped3A, %dma_start3A_94, %dma_start3A_95] : memref<2x80x112xf32, #tpu.memory_space<vmem>> -> memref<1x80x112xf32, #tpu.memory_space<vmem>>
          %dma_start3A_97 = tpu.memref_squeeze %dma_start3A_96 : memref<1x80x112xf32, #tpu.memory_space<vmem>> -> memref<80x112xf32, #tpu.memory_space<vmem>>
          %dma_start3A_98 = arith.constant 0 : i32
          %dma_start3A_99 = tpu.memref_slice %arg15[%mul3A_92, %dma_start3A_98] : memref<10000x112xf32, #tpu.memory_space<vmem_shared>> -> memref<80x112xf32, #tpu.memory_space<vmem_shared>>
          %dma_start3A_100 = arith.constant 0 : i32
          %dma_start3A_101 = tpu.memref_slice %arg15[%mul3A_92, %dma_start3A_100] : memref<10000x112xf32, #tpu.memory_space<vmem_shared>> -> memref<80x112xf32, #tpu.memory_space<vmem_shared>>
          %dma_start3A_102 = arith.constant 0 : i32
          %dma_start3A_103 = arith.constant 0 : i32
          %dma_start3A_104 = tpu.memref_slice %arg12[%run_scoped3A, %dma_start3A_102, %dma_start3A_103] : memref<2x80x112xf32, #tpu.memory_space<vmem>> -> memref<1x80x112xf32, #tpu.memory_space<vmem>>
          %dma_start3A_105 = tpu.memref_squeeze %dma_start3A_104 : memref<1x80x112xf32, #tpu.memory_space<vmem>> -> memref<80x112xf32, #tpu.memory_space<vmem>>
          tpu.enqueue_dma source(%dma_start3A_105 : memref<80x112xf32, #tpu.memory_space<vmem>>) target(%dma_start3A_101 : memref<80x112xf32, #tpu.memory_space<vmem_shared>>) target_semaphore(%run_scoped3A_93 : memref<!tpu.dma_semaphore, #tpu.memory_space<semaphore_mem>>)
          %dma_wait3A_106 = arith.constant 0 : i32
          %dma_wait3A_107 = arith.constant 0 : i32
          %dma_wait3A_108 = tpu.memref_slice %arg12[%run_scoped3A, %dma_wait3A_106, %dma_wait3A_107] : memref<2x80x112xf32, #tpu.memory_space<vmem>> -> memref<1x80x112xf32, #tpu.memory_space<vmem>>
          %dma_wait3A_109 = tpu.memref_squeeze %dma_wait3A_108 : memref<1x80x112xf32, #tpu.memory_space<vmem>> -> memref<80x112xf32, #tpu.memory_space<vmem>>
          %dma_wait3A_110 = arith.constant 0 : i32
          %dma_wait3A_111 = tpu.memref_slice %arg15[%mul3A_92, %dma_wait3A_110] : memref<10000x112xf32, #tpu.memory_space<vmem_shared>> -> memref<80x112xf32, #tpu.memory_space<vmem_shared>>
          %dma_wait3A_112 = arith.constant 0 : i32
          %dma_wait3A_113 = tpu.memref_slice %arg15[%mul3A_92, %dma_wait3A_112] : memref<10000x112xf32, #tpu.memory_space<vmem_shared>> -> memref<80x112xf32, #tpu.memory_space<vmem_shared>>
          %dma_wait3A_114 = arith.constant 0 : i32
          %dma_wait3A_115 = arith.constant 0 : i32
          %dma_wait3A_116 = tpu.memref_slice %arg12[%run_scoped3A, %dma_wait3A_114, %dma_wait3A_115] : memref<2x80x112xf32, #tpu.memory_space<vmem>> -> memref<1x80x112xf32, #tpu.memory_space<vmem>>
          %dma_wait3A_117 = tpu.memref_squeeze %dma_wait3A_116 : memref<1x80x112xf32, #tpu.memory_space<vmem>> -> memref<80x112xf32, #tpu.memory_space<vmem>>
          tpu.wait_dma2 semaphore(%run_scoped3A_93 : memref<!tpu.dma_semaphore, #tpu.memory_space<semaphore_mem>>) src(%dma_wait3A_117 : memref<80x112xf32, #tpu.memory_space<vmem>>) dst(%dma_wait3A_113 : memref<80x112xf32, #tpu.memory_space<vmem_shared>>)
          tpu.yield
        }) : () -> ()
      } else {
      }
      %scan3A_90 = arith.constant 0 : i32
      scf.yield %scan3A_90 : i32
    }
    %scan3A_17 = arith.constant 8 : i32
    %barrier3A = arith.constant 0 : index
    tpu.barrier barrier_id(%barrier3A)
    %mul3A = arith.constant 125 : i32
    %mul3A_18 = arith.muli %arg1, %mul3A : i32
    %add3A_19 = arith.constant 0 : i32
    %add3A_20 = arith.addi %mul3A_18, %add3A_19 : i32
    %dma_start3A = arith.constant 0 : i32
    %dma_start3A_21 = arith.constant 0 : i32
    %dma_start3A_22 = tpu.memref_slice %arg6[%dma_start3A, %dma_start3A_21] : memref<2x240xi32, #tpu.memory_space<vmem>> -> memref<1x240xi32, #tpu.memory_space<vmem>>
    %dma_start3A_23 = tpu.memref_squeeze %dma_start3A_22 : memref<1x240xi32, #tpu.memory_space<vmem>> -> memref<240xi32, #tpu.memory_space<vmem>>
    %dma_start3A_24 = arith.constant 0 : i32
    %dma_start3A_25 = tpu.memref_slice %arg2[%add3A_20, %dma_start3A_24] : memref<2000x240xi32, #tpu.memory_space<hbm>> -> memref<1x240xi32, #tpu.memory_space<hbm>>
    %dma_start3A_26 = tpu.memref_squeeze %dma_start3A_25 : memref<1x240xi32, #tpu.memory_space<hbm>> -> memref<240xi32, #tpu.memory_space<hbm>>
    %dma_start3A_27 = arith.constant 0 : i32
    %dma_start3A_28 = tpu.memref_slice %arg6[%dma_start3A, %dma_start3A_27] : memref<2x240xi32, #tpu.memory_space<vmem>> -> memref<1x240xi32, #tpu.memory_space<vmem>>
    %dma_start3A_29 = tpu.memref_squeeze %dma_start3A_28 : memref<1x240xi32, #tpu.memory_space<vmem>> -> memref<240xi32, #tpu.memory_space<vmem>>
    %dma_start3A_30 = arith.constant 0 : i32
    %dma_start3A_31 = tpu.memref_slice %arg2[%add3A_20, %dma_start3A_30] : memref<2000x240xi32, #tpu.memory_space<hbm>> -> memref<1x240xi32, #tpu.memory_space<hbm>>
    %dma_start3A_32 = tpu.memref_squeeze %dma_start3A_31 : memref<1x240xi32, #tpu.memory_space<hbm>> -> memref<240xi32, #tpu.memory_space<hbm>>
    tpu.enqueue_dma source(%dma_start3A_32 : memref<240xi32, #tpu.memory_space<hbm>>) target(%dma_start3A_29 : memref<240xi32, #tpu.memory_space<vmem>>) target_semaphore(%arg16 : memref<!tpu.dma_semaphore, #tpu.memory_space<semaphore_mem>>)
    %scan3A_33 = arith.constant 0 : i32
    %scan3A_34 = arith.constant 0 : i32
    %scan3A_35 = arith.constant 126 : i32
    %scan3A_36 = arith.addi %scan3A_34, %scan3A_35 : i32
    %scan3A_37 = arith.constant 1 : i32
    %scan3A_38 = scf.for %scan3A_83 = %scan3A_34 to %scan3A_36 step %scan3A_37 iter_args(%scan3A_84 = %scan3A_33) -> (i32)  : i32 {
      %lt3A = arith.constant 125 : i32
      %lt3A_85 = arith.cmpi slt, %scan3A_83, %lt3A : i32
      %convert_element_type3A = arith.extui %lt3A_85 : i1 to i32
      %cond3A = arith.constant 0 : i32
      %cond3A_86 = arith.cmpi ne, %convert_element_type3A, %cond3A : i32
      scf.if %cond3A_86 {
        %rem3A = arith.constant 2 : i32
        %rem3A_92 = arith.remsi %scan3A_83, %rem3A : i32
        %eq3A = arith.constant 0 : i32
        %eq3A_93 = arith.cmpi eq, %rem3A_92, %eq3A : i32
        %convert_element_type3A_94 = arith.extui %eq3A_93 : i1 to i32
        %cond3A_95 = arith.constant 0 : i32
        %cond3A_96 = arith.cmpi ne, %convert_element_type3A_94, %cond3A_95 : i32
        scf.if %cond3A_96 {
          %ge3A_104 = arith.constant 2 : i32
          %ge3A_105 = arith.cmpi sge, %scan3A_83, %ge3A_104 : i32
          %convert_element_type3A_106 = arith.extui %ge3A_105 : i1 to i32
          %cond3A_107 = arith.constant 0 : i32
          %cond3A_108 = arith.cmpi ne, %convert_element_type3A_106, %cond3A_107 : i32
          scf.if %cond3A_108 {
            %dma_wait3A_333 = arith.constant 0 : i32
            %dma_wait3A_334 = arith.constant 0 : i32
            %dma_wait3A_335 = arith.constant 0 : i32
            %dma_wait3A_336 = arith.constant 0 : i32
            %dma_wait3A_337 = tpu.memref_slice %arg12[%dma_wait3A_334, %dma_wait3A_335, %dma_wait3A_336] : memref<2x80x112xf32, #tpu.memory_space<vmem>> -> memref<1x80x112xf32, #tpu.memory_space<vmem>>
            %dma_wait3A_338 = tpu.memref_squeeze %dma_wait3A_337 : memref<1x80x112xf32, #tpu.memory_space<vmem>> -> memref<80x112xf32, #tpu.memory_space<vmem>>
            %dma_wait3A_339 = arith.constant 0 : i32
            %dma_wait3A_340 = arith.constant 0 : i32
            %dma_wait3A_341 = tpu.memref_slice %arg5[%dma_wait3A_333, %dma_wait3A_339, %dma_wait3A_340] : memref<2x10000x112xf32, #tpu.memory_space<hbm>> -> memref<1x80x112xf32, #tpu.memory_space<hbm>>
            %dma_wait3A_342 = tpu.memref_squeeze %dma_wait3A_341 : memref<1x80x112xf32, #tpu.memory_space<hbm>> -> memref<80x112xf32, #tpu.memory_space<hbm>>
            %dma_wait3A_343 = arith.constant 0 : i32
            %dma_wait3A_344 = arith.constant 0 : i32
            %dma_wait3A_345 = tpu.memref_slice %arg12[%dma_wait3A_334, %dma_wait3A_343, %dma_wait3A_344] : memref<2x80x112xf32, #tpu.memory_space<vmem>> -> memref<1x80x112xf32, #tpu.memory_space<vmem>>
            %dma_wait3A_346 = tpu.memref_squeeze %dma_wait3A_345 : memref<1x80x112xf32, #tpu.memory_space<vmem>> -> memref<80x112xf32, #tpu.memory_space<vmem>>
            %dma_wait3A_347 = arith.constant 0 : i32
            %dma_wait3A_348 = arith.constant 0 : i32
            %dma_wait3A_349 = tpu.memref_slice %arg5[%dma_wait3A_333, %dma_wait3A_347, %dma_wait3A_348] : memref<2x10000x112xf32, #tpu.memory_space<hbm>> -> memref<1x80x112xf32, #tpu.memory_space<hbm>>
            %dma_wait3A_350 = tpu.memref_squeeze %dma_wait3A_349 : memref<1x80x112xf32, #tpu.memory_space<hbm>> -> memref<80x112xf32, #tpu.memory_space<hbm>>
            tpu.wait_dma2 semaphore(%arg21 : memref<!tpu.dma_semaphore, #tpu.memory_space<semaphore_mem>>) src(%dma_wait3A_350 : memref<80x112xf32, #tpu.memory_space<hbm>>) dst(%dma_wait3A_346 : memref<80x112xf32, #tpu.memory_space<vmem>>)
          } else {
          }
          %dma_wait3A_109 = arith.constant 0 : i32
          %dma_wait3A_110 = arith.constant 0 : i32
          %dma_wait3A_111 = arith.constant 0 : i32
          %dma_wait3A_112 = tpu.memref_slice %arg6[%dma_wait3A_110, %dma_wait3A_111] : memref<2x240xi32, #tpu.memory_space<vmem>> -> memref<1x240xi32, #tpu.memory_space<vmem>>
          %dma_wait3A_113 = tpu.memref_squeeze %dma_wait3A_112 : memref<1x240xi32, #tpu.memory_space<vmem>> -> memref<240xi32, #tpu.memory_space<vmem>>
          %dma_wait3A_114 = arith.constant 0 : i32
          %dma_wait3A_115 = tpu.memref_slice %arg2[%dma_wait3A_109, %dma_wait3A_114] : memref<2000x240xi32, #tpu.memory_space<hbm>> -> memref<1x240xi32, #tpu.memory_space<hbm>>
          %dma_wait3A_116 = tpu.memref_squeeze %dma_wait3A_115 : memref<1x240xi32, #tpu.memory_space<hbm>> -> memref<240xi32, #tpu.memory_space<hbm>>
          %dma_wait3A_117 = arith.constant 0 : i32
          %dma_wait3A_118 = tpu.memref_slice %arg6[%dma_wait3A_110, %dma_wait3A_117] : memref<2x240xi32, #tpu.memory_space<vmem>> -> memref<1x240xi32, #tpu.memory_space<vmem>>
          %dma_wait3A_119 = tpu.memref_squeeze %dma_wait3A_118 : memref<1x240xi32, #tpu.memory_space<vmem>> -> memref<240xi32, #tpu.memory_space<vmem>>
          %dma_wait3A_120 = arith.constant 0 : i32
          %dma_wait3A_121 = tpu.memref_slice %arg2[%dma_wait3A_109, %dma_wait3A_120] : memref<2000x240xi32, #tpu.memory_space<hbm>> -> memref<1x240xi32, #tpu.memory_space<hbm>>
          %dma_wait3A_122 = tpu.memref_squeeze %dma_wait3A_121 : memref<1x240xi32, #tpu.memory_space<hbm>> -> memref<240xi32, #tpu.memory_space<hbm>>
          tpu.wait_dma2 semaphore(%arg16 : memref<!tpu.dma_semaphore, #tpu.memory_space<semaphore_mem>>) src(%dma_wait3A_122 : memref<240xi32, #tpu.memory_space<hbm>>) dst(%dma_wait3A_119 : memref<240xi32, #tpu.memory_space<vmem>>)
          %get3A = arith.constant 0 : i32
          %get3A_123 = arith.index_cast %get3A : i32 to index
          %get3A_124 = arith.constant 0 : index
          %get3A_125 = tpu.vector_load %arg6[%get3A_123, %get3A_124] {strides = array<i32>} : memref<2x240xi32, #tpu.memory_space<vmem>>, vector<16xi32>,
          %get3A_126 = arith.constant 0 : i32
          %get3A_127 = arith.index_cast %get3A_126 : i32 to index
          %get3A_128 = arith.constant 80 : index
          %get3A_129 = tpu.vector_load %arg6[%get3A_127, %get3A_128] {strides = array<i32>} : memref<2x240xi32, #tpu.memory_space<vmem>>, vector<16xi32>,
          %get3A_130 = arith.constant 0 : i32
          %get3A_131 = arith.index_cast %get3A_130 : i32 to index
          %get3A_132 = arith.constant 160 : index
          %get3A_133 = tpu.vector_load %arg6[%get3A_131, %get3A_132] {strides = array<i32>} : memref<2x240xi32, #tpu.memory_space<vmem>>, vector<16xi32>,
          %bitcast3A = vector.bitcast %get3A_133 : vector<16xi32> to vector<16xf32>
          %mul3A_134 = arith.constant 4 : i32
          %mul3A_135 = vector.broadcast %mul3A_134 : i32 to vector<16xi32>
          %mul3A_136 = arith.muli %get3A_125, %mul3A_135 : vector<16xi32>
          %add3A_137 = vector.broadcast %add3A_0 : i32 to vector<16xi32>
          %add3A_138 = arith.addi %mul3A_136, %add3A_137 : vector<16xi32>
          %swap3A = arith.constant 0 : i32
          %swap3A_139 = arith.index_cast %swap3A : i32 to index
          %swap3A_140 = arith.constant 0 : index
          %swap3A_141 = tpu.vector_load %arg7[%swap3A_139, %swap3A_140] {strides = array<i32>} : memref<2x80xi32, #tpu.memory_space<vmem>>, vector<16xi32>,
          tpu.vector_store %arg7[%swap3A_139, %swap3A_140], %add3A_138 {strides = array<i32>} : memref<2x80xi32, #tpu.memory_space<vmem>>, vector<16xi32>,
          %swap3A_142 = arith.constant 0 : i32
          %swap3A_143 = arith.index_cast %swap3A_142 : i32 to index
          %swap3A_144 = arith.constant 0 : index
          %swap3A_145 = tpu.vector_load %arg8[%swap3A_143, %swap3A_144] {strides = array<i32>} : memref<2x80xi32, #tpu.memory_space<vmem>>, vector<16xi32>,
          tpu.vector_store %arg8[%swap3A_143, %swap3A_144], %get3A_125 {strides = array<i32>} : memref<2x80xi32, #tpu.memory_space<vmem>>, vector<16xi32>,
          %swap3A_146 = arith.constant 0 : i32
          %swap3A_147 = arith.index_cast %swap3A_146 : i32 to index
          %swap3A_148 = arith.constant 0 : index
          %swap3A_149 = tpu.vector_load %arg9[%swap3A_147, %swap3A_148] {strides = array<i32>} : memref<2x80xi32, #tpu.memory_space<vmem>>, vector<16xi32>,
          tpu.vector_store %arg9[%swap3A_147, %swap3A_148], %get3A_129 {strides = array<i32>} : memref<2x80xi32, #tpu.memory_space<vmem>>, vector<16xi32>,
          %swap3A_150 = arith.constant 0 : i32
          %swap3A_151 = arith.index_cast %swap3A_150 : i32 to index
          %swap3A_152 = arith.constant 80 : index
          %swap3A_153 = tpu.vector_load %arg10[%swap3A_151, %swap3A_152] {strides = array<i32>} : memref<2x160xf32, #tpu.memory_space<vmem>>, vector<16xf32>,
          tpu.vector_store %arg10[%swap3A_151, %swap3A_152], %bitcast3A {strides = array<i32>} : memref<2x160xf32, #tpu.memory_space<vmem>>, vector<16xf32>,
          %get3A_154 = arith.constant 0 : i32
          %get3A_155 = arith.index_cast %get3A_154 : i32 to index
          %get3A_156 = arith.constant 16 : index
          %get3A_157 = tpu.vector_load %arg6[%get3A_155, %get3A_156] {strides = array<i32>} : memref<2x240xi32, #tpu.memory_space<vmem>>, vector<16xi32>,
          %get3A_158 = arith.constant 0 : i32
          %get3A_159 = arith.index_cast %get3A_158 : i32 to index
          %get3A_160 = arith.constant 96 : index
          %get3A_161 = tpu.vector_load %arg6[%get3A_159, %get3A_160] {strides = array<i32>} : memref<2x240xi32, #tpu.memory_space<vmem>>, vector<16xi32>,
          %get3A_162 = arith.constant 0 : i32
          %get3A_163 = arith.index_cast %get3A_162 : i32 to index
          %get3A_164 = arith.constant 176 : index
          %get3A_165 = tpu.vector_load %arg6[%get3A_163, %get3A_164] {strides = array<i32>} : memref<2x240xi32, #tpu.memory_space<vmem>>, vector<16xi32>,
          %bitcast3A_166 = vector.bitcast %get3A_165 : vector<16xi32> to vector<16xf32>
          %mul3A_167 = arith.constant 4 : i32
          %mul3A_168 = vector.broadcast %mul3A_167 : i32 to vector<16xi32>
          %mul3A_169 = arith.muli %get3A_157, %mul3A_168 : vector<16xi32>
          %add3A_170 = vector.broadcast %add3A_0 : i32 to vector<16xi32>
          %add3A_171 = arith.addi %mul3A_169, %add3A_170 : vector<16xi32>
          %swap3A_172 = arith.constant 0 : i32
          %swap3A_173 = arith.index_cast %swap3A_172 : i32 to index
          %swap3A_174 = arith.constant 16 : index
          %swap3A_175 = tpu.vector_load %arg7[%swap3A_173, %swap3A_174] {strides = array<i32>} : memref<2x80xi32, #tpu.memory_space<vmem>>, vector<16xi32>,
          tpu.vector_store %arg7[%swap3A_173, %swap3A_174], %add3A_171 {strides = array<i32>} : memref<2x80xi32, #tpu.memory_space<vmem>>, vector<16xi32>,
          %swap3A_176 = arith.constant 0 : i32
          %swap3A_177 = arith.index_cast %swap3A_176 : i32 to index
          %swap3A_178 = arith.constant 16 : index
          %swap3A_179 = tpu.vector_load %arg8[%swap3A_177, %swap3A_178] {strides = array<i32>} : memref<2x80xi32, #tpu.memory_space<vmem>>, vector<16xi32>,
          tpu.vector_store %arg8[%swap3A_177, %swap3A_178], %get3A_157 {strides = array<i32>} : memref<2x80xi32, #tpu.memory_space<vmem>>, vector<16xi32>,
          %swap3A_180 = arith.constant 0 : i32
          %swap3A_181 = arith.index_cast %swap3A_180 : i32 to index
          %swap3A_182 = arith.constant 16 : index
          %swap3A_183 = tpu.vector_load %arg9[%swap3A_181, %swap3A_182] {strides = array<i32>} : memref<2x80xi32, #tpu.memory_space<vmem>>, vector<16xi32>,
          tpu.vector_store %arg9[%swap3A_181, %swap3A_182], %get3A_161 {strides = array<i32>} : memref<2x80xi32, #tpu.memory_space<vmem>>, vector<16xi32>,
          %swap3A_184 = arith.constant 0 : i32
          %swap3A_185 = arith.index_cast %swap3A_184 : i32 to index
          %swap3A_186 = arith.constant 96 : index
          %swap3A_187 = tpu.vector_load %arg10[%swap3A_185, %swap3A_186] {strides = array<i32>} : memref<2x160xf32, #tpu.memory_space<vmem>>, vector<16xf32>,
          tpu.vector_store %arg10[%swap3A_185, %swap3A_186], %bitcast3A_166 {strides = array<i32>} : memref<2x160xf32, #tpu.memory_space<vmem>>, vector<16xf32>,
          %get3A_188 = arith.constant 0 : i32
          %get3A_189 = arith.index_cast %get3A_188 : i32 to index
          %get3A_190 = arith.constant 32 : index
          %get3A_191 = tpu.vector_load %arg6[%get3A_189, %get3A_190] {strides = array<i32>} : memref<2x240xi32, #tpu.memory_space<vmem>>, vector<16xi32>,
          %get3A_192 = arith.constant 0 : i32
          %get3A_193 = arith.index_cast %get3A_192 : i32 to index
          %get3A_194 = arith.constant 112 : index
          %get3A_195 = tpu.vector_load %arg6[%get3A_193, %get3A_194] {strides = array<i32>} : memref<2x240xi32, #tpu.memory_space<vmem>>, vector<16xi32>,
          %get3A_196 = arith.constant 0 : i32
          %get3A_197 = arith.index_cast %get3A_196 : i32 to index
          %get3A_198 = arith.constant 192 : index
          %get3A_199 = tpu.vector_load %arg6[%get3A_197, %get3A_198] {strides = array<i32>} : memref<2x240xi32, #tpu.memory_space<vmem>>, vector<16xi32>,
          %bitcast3A_200 = vector.bitcast %get3A_199 : vector<16xi32> to vector<16xf32>
          %mul3A_201 = arith.constant 4 : i32
          %mul3A_202 = vector.broadcast %mul3A_201 : i32 to vector<16xi32>
          %mul3A_203 = arith.muli %get3A_191, %mul3A_202 : vector<16xi32>
          %add3A_204 = vector.broadcast %add3A_0 : i32 to vector<16xi32>
          %add3A_205 = arith.addi %mul3A_203, %add3A_204 : vector<16xi32>
          %swap3A_206 = arith.constant 0 : i32
          %swap3A_207 = arith.index_cast %swap3A_206 : i32 to index
          %swap3A_208 = arith.constant 32 : index
          %swap3A_209 = tpu.vector_load %arg7[%swap3A_207, %swap3A_208] {strides = array<i32>} : memref<2x80xi32, #tpu.memory_space<vmem>>, vector<16xi32>,
          tpu.vector_store %arg7[%swap3A_207, %swap3A_208], %add3A_205 {strides = array<i32>} : memref<2x80xi32, #tpu.memory_space<vmem>>, vector<16xi32>,
          %swap3A_210 = arith.constant 0 : i32
          %swap3A_211 = arith.index_cast %swap3A_210 : i32 to index
          %swap3A_212 = arith.constant 32 : index
          %swap3A_213 = tpu.vector_load %arg8[%swap3A_211, %swap3A_212] {strides = array<i32>} : memref<2x80xi32, #tpu.memory_space<vmem>>, vector<16xi32>,
          tpu.vector_store %arg8[%swap3A_211, %swap3A_212], %get3A_191 {strides = array<i32>} : memref<2x80xi32, #tpu.memory_space<vmem>>, vector<16xi32>,
          %swap3A_214 = arith.constant 0 : i32
          %swap3A_215 = arith.index_cast %swap3A_214 : i32 to index
          %swap3A_216 = arith.constant 32 : index
          %swap3A_217 = tpu.vector_load %arg9[%swap3A_215, %swap3A_216] {strides = array<i32>} : memref<2x80xi32, #tpu.memory_space<vmem>>, vector<16xi32>,
          tpu.vector_store %arg9[%swap3A_215, %swap3A_216], %get3A_195 {strides = array<i32>} : memref<2x80xi32, #tpu.memory_space<vmem>>, vector<16xi32>,
          %swap3A_218 = arith.constant 0 : i32
          %swap3A_219 = arith.index_cast %swap3A_218 : i32 to index
          %swap3A_220 = arith.constant 112 : index
          %swap3A_221 = tpu.vector_load %arg10[%swap3A_219, %swap3A_220] {strides = array<i32>} : memref<2x160xf32, #tpu.memory_space<vmem>>, vector<16xf32>,
          tpu.vector_store %arg10[%swap3A_219, %swap3A_220], %bitcast3A_200 {strides = array<i32>} : memref<2x160xf32, #tpu.memory_space<vmem>>, vector<16xf32>,
          %get3A_222 = arith.constant 0 : i32
          %get3A_223 = arith.index_cast %get3A_222 : i32 to index
          %get3A_224 = arith.constant 48 : index
          %get3A_225 = tpu.vector_load %arg6[%get3A_223, %get3A_224] {strides = array<i32>} : memref<2x240xi32, #tpu.memory_space<vmem>>, vector<16xi32>,
          %get3A_226 = arith.constant 0 : i32
          %get3A_227 = arith.index_cast %get3A_226 : i32 to index
          %get3A_228 = arith.constant 128 : index
          %get3A_229 = tpu.vector_load %arg6[%get3A_227, %get3A_228] {strides = array<i32>} : memref<2x240xi32, #tpu.memory_space<vmem>>, vector<16xi32>,
          %get3A_230 = arith.constant 0 : i32
          %get3A_231 = arith.index_cast %get3A_230 : i32 to index
          %get3A_232 = arith.constant 208 : index
          %get3A_233 = tpu.vector_load %arg6[%get3A_231, %get3A_232] {strides = array<i32>} : memref<2x240xi32, #tpu.memory_space<vmem>>, vector<16xi32>,
          %bitcast3A_234 = vector.bitcast %get3A_233 : vector<16xi32> to vector<16xf32>
          %mul3A_235 = arith.constant 4 : i32
          %mul3A_236 = vector.broadcast %mul3A_235 : i32 to vector<16xi32>
          %mul3A_237 = arith.muli %get3A_225, %mul3A_236 : vector<16xi32>
          %add3A_238 = vector.broadcast %add3A_0 : i32 to vector<16xi32>
          %add3A_239 = arith.addi %mul3A_237, %add3A_238 : vector<16xi32>
          %swap3A_240 = arith.constant 0 : i32
          %swap3A_241 = arith.index_cast %swap3A_240 : i32 to index
          %swap3A_242 = arith.constant 48 : index
          %swap3A_243 = tpu.vector_load %arg7[%swap3A_241, %swap3A_242] {strides = array<i32>} : memref<2x80xi32, #tpu.memory_space<vmem>>, vector<16xi32>,
          tpu.vector_store %arg7[%swap3A_241, %swap3A_242], %add3A_239 {strides = array<i32>} : memref<2x80xi32, #tpu.memory_space<vmem>>, vector<16xi32>,
          %swap3A_244 = arith.constant 0 : i32
          %swap3A_245 = arith.index_cast %swap3A_244 : i32 to index
          %swap3A_246 = arith.constant 48 : index
          %swap3A_247 = tpu.vector_load %arg8[%swap3A_245, %swap3A_246] {strides = array<i32>} : memref<2x80xi32, #tpu.memory_space<vmem>>, vector<16xi32>,
          tpu.vector_store %arg8[%swap3A_245, %swap3A_246], %get3A_225 {strides = array<i32>} : memref<2x80xi32, #tpu.memory_space<vmem>>, vector<16xi32>,
          %swap3A_248 = arith.constant 0 : i32
          %swap3A_249 = arith.index_cast %swap3A_248 : i32 to index
          %swap3A_250 = arith.constant 48 : index
          %swap3A_251 = tpu.vector_load %arg9[%swap3A_249, %swap3A_250] {strides = array<i32>} : memref<2x80xi32, #tpu.memory_space<vmem>>, vector<16xi32>,
          tpu.vector_store %arg9[%swap3A_249, %swap3A_250], %get3A_229 {strides = array<i32>} : memref<2x80xi32, #tpu.memory_space<vmem>>, vector<16xi32>,
          %swap3A_252 = arith.constant 0 : i32
          %swap3A_253 = arith.index_cast %swap3A_252 : i32 to index
          %swap3A_254 = arith.constant 128 : index
          %swap3A_255 = tpu.vector_load %arg10[%swap3A_253, %swap3A_254] {strides = array<i32>} : memref<2x160xf32, #tpu.memory_space<vmem>>, vector<16xf32>,
          tpu.vector_store %arg10[%swap3A_253, %swap3A_254], %bitcast3A_234 {strides = array<i32>} : memref<2x160xf32, #tpu.memory_space<vmem>>, vector<16xf32>,
          %get3A_256 = arith.constant 0 : i32
          %get3A_257 = arith.index_cast %get3A_256 : i32 to index
          %get3A_258 = arith.constant 64 : index
          %get3A_259 = tpu.vector_load %arg6[%get3A_257, %get3A_258] {strides = array<i32>} : memref<2x240xi32, #tpu.memory_space<vmem>>, vector<16xi32>,
          %get3A_260 = arith.constant 0 : i32
          %get3A_261 = arith.index_cast %get3A_260 : i32 to index
          %get3A_262 = arith.constant 144 : index
          %get3A_263 = tpu.vector_load %arg6[%get3A_261, %get3A_262] {strides = array<i32>} : memref<2x240xi32, #tpu.memory_space<vmem>>, vector<16xi32>,
          %get3A_264 = arith.constant 0 : i32
          %get3A_265 = arith.index_cast %get3A_264 : i32 to index
          %get3A_266 = arith.constant 224 : index
          %get3A_267 = tpu.vector_load %arg6[%get3A_265, %get3A_266] {strides = array<i32>} : memref<2x240xi32, #tpu.memory_space<vmem>>, vector<16xi32>,
          %bitcast3A_268 = vector.bitcast %get3A_267 : vector<16xi32> to vector<16xf32>
          %mul3A_269 = arith.constant 4 : i32
          %mul3A_270 = vector.broadcast %mul3A_269 : i32 to vector<16xi32>
          %mul3A_271 = arith.muli %get3A_259, %mul3A_270 : vector<16xi32>
          %add3A_272 = vector.broadcast %add3A_0 : i32 to vector<16xi32>
          %add3A_273 = arith.addi %mul3A_271, %add3A_272 : vector<16xi32>
          %swap3A_274 = arith.constant 0 : i32
          %swap3A_275 = arith.index_cast %swap3A_274 : i32 to index
          %swap3A_276 = arith.constant 64 : index
          %swap3A_277 = tpu.vector_load %arg7[%swap3A_275, %swap3A_276] {strides = array<i32>} : memref<2x80xi32, #tpu.memory_space<vmem>>, vector<16xi32>,
          tpu.vector_store %arg7[%swap3A_275, %swap3A_276], %add3A_273 {strides = array<i32>} : memref<2x80xi32, #tpu.memory_space<vmem>>, vector<16xi32>,
          %swap3A_278 = arith.constant 0 : i32
          %swap3A_279 = arith.index_cast %swap3A_278 : i32 to index
          %swap3A_280 = arith.constant 64 : index
          %swap3A_281 = tpu.vector_load %arg8[%swap3A_279, %swap3A_280] {strides = array<i32>} : memref<2x80xi32, #tpu.memory_space<vmem>>, vector<16xi32>,
          tpu.vector_store %arg8[%swap3A_279, %swap3A_280], %get3A_259 {strides = array<i32>} : memref<2x80xi32, #tpu.memory_space<vmem>>, vector<16xi32>,
          %swap3A_282 = arith.constant 0 : i32
          %swap3A_283 = arith.index_cast %swap3A_282 : i32 to index
          %swap3A_284 = arith.constant 64 : index
          %swap3A_285 = tpu.vector_load %arg9[%swap3A_283, %swap3A_284] {strides = array<i32>} : memref<2x80xi32, #tpu.memory_space<vmem>>, vector<16xi32>,
          tpu.vector_store %arg9[%swap3A_283, %swap3A_284], %get3A_263 {strides = array<i32>} : memref<2x80xi32, #tpu.memory_space<vmem>>, vector<16xi32>,
          %swap3A_286 = arith.constant 0 : i32
          %swap3A_287 = arith.index_cast %swap3A_286 : i32 to index
          %swap3A_288 = arith.constant 144 : index
          %swap3A_289 = tpu.vector_load %arg10[%swap3A_287, %swap3A_288] {strides = array<i32>} : memref<2x160xf32, #tpu.memory_space<vmem>>, vector<16xf32>,
          tpu.vector_store %arg10[%swap3A_287, %swap3A_288], %bitcast3A_268 {strides = array<i32>} : memref<2x160xf32, #tpu.memory_space<vmem>>, vector<16xf32>,
          %add3A_290 = arith.constant 1 : i32
          %add3A_291 = arith.addi %scan3A_83, %add3A_290 : i32
          %lt3A_292 = arith.constant 125 : i32
          %lt3A_293 = arith.cmpi slt, %add3A_291, %lt3A_292 : i32
          %convert_element_type3A_294 = arith.extui %lt3A_293 : i1 to i32
          %cond3A_295 = arith.constant 0 : i32
          %cond3A_296 = arith.cmpi ne, %convert_element_type3A_294, %cond3A_295 : i32
          scf.if %cond3A_296 {
            %add3A_333 = arith.constant 1 : i32
            %add3A_334 = arith.addi %scan3A_83, %add3A_333 : i32
            %mul3A_335 = arith.constant 125 : i32
            %mul3A_336 = arith.muli %arg1, %mul3A_335 : i32
            %add3A_337 = arith.addi %mul3A_336, %add3A_334 : i32
            %dma_start3A_338 = arith.constant 1 : i32
            %dma_start3A_339 = arith.constant 0 : i32
            %dma_start3A_340 = tpu.memref_slice %arg6[%dma_start3A_338, %dma_start3A_339] : memref<2x240xi32, #tpu.memory_space<vmem>> -> memref<1x240xi32, #tpu.memory_space<vmem>>
            %dma_start3A_341 = tpu.memref_squeeze %dma_start3A_340 : memref<1x240xi32, #tpu.memory_space<vmem>> -> memref<240xi32, #tpu.memory_space<vmem>>
            %dma_start3A_342 = arith.constant 0 : i32
            %dma_start3A_343 = tpu.memref_slice %arg2[%add3A_337, %dma_start3A_342] : memref<2000x240xi32, #tpu.memory_space<hbm>> -> memref<1x240xi32, #tpu.memory_space<hbm>>
            %dma_start3A_344 = tpu.memref_squeeze %dma_start3A_343 : memref<1x240xi32, #tpu.memory_space<hbm>> -> memref<240xi32, #tpu.memory_space<hbm>>
            %dma_start3A_345 = arith.constant 0 : i32
            %dma_start3A_346 = tpu.memref_slice %arg6[%dma_start3A_338, %dma_start3A_345] : memref<2x240xi32, #tpu.memory_space<vmem>> -> memref<1x240xi32, #tpu.memory_space<vmem>>
            %dma_start3A_347 = tpu.memref_squeeze %dma_start3A_346 : memref<1x240xi32, #tpu.memory_space<vmem>> -> memref<240xi32, #tpu.memory_space<vmem>>
            %dma_start3A_348 = arith.constant 0 : i32
            %dma_start3A_349 = tpu.memref_slice %arg2[%add3A_337, %dma_start3A_348] : memref<2000x240xi32, #tpu.memory_space<hbm>> -> memref<1x240xi32, #tpu.memory_space<hbm>>
            %dma_start3A_350 = tpu.memref_squeeze %dma_start3A_349 : memref<1x240xi32, #tpu.memory_space<hbm>> -> memref<240xi32, #tpu.memory_space<hbm>>
            tpu.enqueue_dma source(%dma_start3A_350 : memref<240xi32, #tpu.memory_space<hbm>>) target(%dma_start3A_347 : memref<240xi32, #tpu.memory_space<vmem>>) target_semaphore(%arg16 : memref<!tpu.dma_semaphore, #tpu.memory_space<semaphore_mem>>)
          } else {
          }
          %dma_start3A_297 = arith.constant 0 : i32
          %dma_start3A_298 = arith.constant 0 : i32
          %dma_start3A_299 = arith.constant 0 : i32
          %dma_start3A_300 = arith.constant 0 : i32
          %dma_start3A_301 = tpu.memref_slice %arg11[%dma_start3A_298, %dma_start3A_299, %dma_start3A_300] : memref<2x80x96xf32, #tpu.memory_space<vmem>> -> memref<1x80x96xf32, #tpu.memory_space<vmem>>
          %dma_start3A_302 = tpu.memref_squeeze %dma_start3A_301 : memref<1x80x96xf32, #tpu.memory_space<vmem>> -> memref<80x96xf32, #tpu.memory_space<vmem>>
          %dma_start3A_303 = arith.constant 0 : i32
          %dma_start3A_304 = tpu.memref_slice %arg7[%dma_start3A_297, %dma_start3A_303] : memref<2x80xi32, #tpu.memory_space<vmem>> -> memref<1x80xi32, #tpu.memory_space<vmem>>
          %dma_start3A_305 = tpu.memref_squeeze %dma_start3A_304 : memref<1x80xi32, #tpu.memory_space<vmem>> -> memref<80xi32, #tpu.memory_space<vmem>>
          %dma_start3A_306 = arith.constant 0 : i32
          %dma_start3A_307 = arith.constant 0 : i32
          %dma_start3A_308 = tpu.memref_slice %arg3[%dma_start3A_306, %dma_start3A_307] : memref<40000x96xf32, #tpu.memory_space<hbm>> -> memref<40000x96xf32, #tpu.memory_space<hbm>>
          tpu.enqueue_indirect_dma source(%dma_start3A_308 : memref<40000x96xf32, #tpu.memory_space<hbm>>) target(%dma_start3A_302 : memref<80x96xf32, #tpu.memory_space<vmem>>) offsets(%dma_start3A_305 : memref<80xi32, #tpu.memory_space<vmem>>) semaphore(%arg17 : memref<!tpu.dma_semaphore, #tpu.memory_space<semaphore_mem>>)
          %dma_start3A_309 = arith.constant 0 : i32
          %dma_start3A_310 = arith.constant 0 : i32
          %dma_start3A_311 = arith.constant 0 : i32
          %dma_start3A_312 = arith.constant 0 : i32
          %dma_start3A_313 = tpu.memref_slice %arg13[%dma_start3A_310, %dma_start3A_311, %dma_start3A_312] : memref<2x80x16xf32, #tpu.memory_space<vmem>> -> memref<1x80x16xf32, #tpu.memory_space<vmem>>
          %dma_start3A_314 = tpu.memref_squeeze %dma_start3A_313 : memref<1x80x16xf32, #tpu.memory_space<vmem>> -> memref<80x16xf32, #tpu.memory_space<vmem>>
          %dma_start3A_315 = arith.constant 0 : i32
          %dma_start3A_316 = tpu.memref_slice %arg8[%dma_start3A_309, %dma_start3A_315] : memref<2x80xi32, #tpu.memory_space<vmem>> -> memref<1x80xi32, #tpu.memory_space<vmem>>
          %dma_start3A_317 = tpu.memref_squeeze %dma_start3A_316 : memref<1x80xi32, #tpu.memory_space<vmem>> -> memref<80xi32, #tpu.memory_space<vmem>>
          %dma_start3A_318 = arith.constant 0 : i32
          %dma_start3A_319 = arith.constant 0 : i32
          %dma_start3A_320 = tpu.memref_slice %arg4[%dma_start3A_318, %dma_start3A_319] : memref<10000x16xf32, #tpu.memory_space<hbm>> -> memref<10000x16xf32, #tpu.memory_space<hbm>>
          tpu.enqueue_indirect_dma source(%dma_start3A_320 : memref<10000x16xf32, #tpu.memory_space<hbm>>) target(%dma_start3A_314 : memref<80x16xf32, #tpu.memory_space<vmem>>) offsets(%dma_start3A_317 : memref<80xi32, #tpu.memory_space<vmem>>) semaphore(%arg19 : memref<!tpu.dma_semaphore, #tpu.memory_space<semaphore_mem>>)
          %dma_start3A_321 = arith.constant 0 : i32
          %dma_start3A_322 = arith.constant 0 : i32
          %dma_start3A_323 = arith.constant 0 : i32
          %dma_start3A_324 = arith.constant 0 : i32
          %dma_start3A_325 = tpu.memref_slice %arg14[%dma_start3A_322, %dma_start3A_323, %dma_start3A_324] : memref<2x80x16xf32, #tpu.memory_space<vmem>> -> memref<1x80x16xf32, #tpu.memory_space<vmem>>
          %dma_start3A_326 = tpu.memref_squeeze %dma_start3A_325 : memref<1x80x16xf32, #tpu.memory_space<vmem>> -> memref<80x16xf32, #tpu.memory_space<vmem>>
          %dma_start3A_327 = arith.constant 0 : i32
          %dma_start3A_328 = tpu.memref_slice %arg9[%dma_start3A_321, %dma_start3A_327] : memref<2x80xi32, #tpu.memory_space<vmem>> -> memref<1x80xi32, #tpu.memory_space<vmem>>
          %dma_start3A_329 = tpu.memref_squeeze %dma_start3A_328 : memref<1x80xi32, #tpu.memory_space<vmem>> -> memref<80xi32, #tpu.memory_space<vmem>>
          %dma_start3A_330 = arith.constant 0 : i32
          %dma_start3A_331 = arith.constant 0 : i32
          %dma_start3A_332 = tpu.memref_slice %arg4[%dma_start3A_330, %dma_start3A_331] : memref<10000x16xf32, #tpu.memory_space<hbm>> -> memref<10000x16xf32, #tpu.memory_space<hbm>>
          tpu.enqueue_indirect_dma source(%dma_start3A_332 : memref<10000x16xf32, #tpu.memory_space<hbm>>) target(%dma_start3A_326 : memref<80x16xf32, #tpu.memory_space<vmem>>) offsets(%dma_start3A_329 : memref<80xi32, #tpu.memory_space<vmem>>) semaphore(%arg19 : memref<!tpu.dma_semaphore, #tpu.memory_space<semaphore_mem>>)
        } else {
        }
        %rem3A_97 = arith.constant 2 : i32
        %rem3A_98 = arith.remsi %scan3A_83, %rem3A_97 : i32
        %eq3A_99 = arith.constant 1 : i32
        %eq3A_100 = arith.cmpi eq, %rem3A_98, %eq3A_99 : i32
        %convert_element_type3A_101 = arith.extui %eq3A_100 : i1 to i32
        %cond3A_102 = arith.constant 0 : i32
        %cond3A_103 = arith.cmpi ne, %convert_element_type3A_101, %cond3A_102 : i32
        scf.if %cond3A_103 {
          %ge3A_104 = arith.constant 2 : i32
          %ge3A_105 = arith.cmpi sge, %scan3A_83, %ge3A_104 : i32
          %convert_element_type3A_106 = arith.extui %ge3A_105 : i1 to i32
          %cond3A_107 = arith.constant 0 : i32
          %cond3A_108 = arith.cmpi ne, %convert_element_type3A_106, %cond3A_107 : i32
          scf.if %cond3A_108 {
            %dma_wait3A_333 = arith.constant 0 : i32
            %dma_wait3A_334 = arith.constant 1 : i32
            %dma_wait3A_335 = arith.constant 0 : i32
            %dma_wait3A_336 = arith.constant 0 : i32
            %dma_wait3A_337 = tpu.memref_slice %arg12[%dma_wait3A_334, %dma_wait3A_335, %dma_wait3A_336] : memref<2x80x112xf32, #tpu.memory_space<vmem>> -> memref<1x80x112xf32, #tpu.memory_space<vmem>>
            %dma_wait3A_338 = tpu.memref_squeeze %dma_wait3A_337 : memref<1x80x112xf32, #tpu.memory_space<vmem>> -> memref<80x112xf32, #tpu.memory_space<vmem>>
            %dma_wait3A_339 = arith.constant 0 : i32
            %dma_wait3A_340 = arith.constant 0 : i32
            %dma_wait3A_341 = tpu.memref_slice %arg5[%dma_wait3A_333, %dma_wait3A_339, %dma_wait3A_340] : memref<2x10000x112xf32, #tpu.memory_space<hbm>> -> memref<1x80x112xf32, #tpu.memory_space<hbm>>
            %dma_wait3A_342 = tpu.memref_squeeze %dma_wait3A_341 : memref<1x80x112xf32, #tpu.memory_space<hbm>> -> memref<80x112xf32, #tpu.memory_space<hbm>>
            %dma_wait3A_343 = arith.constant 0 : i32
            %dma_wait3A_344 = arith.constant 0 : i32
            %dma_wait3A_345 = tpu.memref_slice %arg12[%dma_wait3A_334, %dma_wait3A_343, %dma_wait3A_344] : memref<2x80x112xf32, #tpu.memory_space<vmem>> -> memref<1x80x112xf32, #tpu.memory_space<vmem>>
            %dma_wait3A_346 = tpu.memref_squeeze %dma_wait3A_345 : memref<1x80x112xf32, #tpu.memory_space<vmem>> -> memref<80x112xf32, #tpu.memory_space<vmem>>
            %dma_wait3A_347 = arith.constant 0 : i32
            %dma_wait3A_348 = arith.constant 0 : i32
            %dma_wait3A_349 = tpu.memref_slice %arg5[%dma_wait3A_333, %dma_wait3A_347, %dma_wait3A_348] : memref<2x10000x112xf32, #tpu.memory_space<hbm>> -> memref<1x80x112xf32, #tpu.memory_space<hbm>>
            %dma_wait3A_350 = tpu.memref_squeeze %dma_wait3A_349 : memref<1x80x112xf32, #tpu.memory_space<hbm>> -> memref<80x112xf32, #tpu.memory_space<hbm>>
            tpu.wait_dma2 semaphore(%arg22 : memref<!tpu.dma_semaphore, #tpu.memory_space<semaphore_mem>>) src(%dma_wait3A_350 : memref<80x112xf32, #tpu.memory_space<hbm>>) dst(%dma_wait3A_346 : memref<80x112xf32, #tpu.memory_space<vmem>>)
          } else {
          }
          %dma_wait3A_109 = arith.constant 0 : i32
          %dma_wait3A_110 = arith.constant 1 : i32
          %dma_wait3A_111 = arith.constant 0 : i32
          %dma_wait3A_112 = tpu.memref_slice %arg6[%dma_wait3A_110, %dma_wait3A_111] : memref<2x240xi32, #tpu.memory_space<vmem>> -> memref<1x240xi32, #tpu.memory_space<vmem>>
          %dma_wait3A_113 = tpu.memref_squeeze %dma_wait3A_112 : memref<1x240xi32, #tpu.memory_space<vmem>> -> memref<240xi32, #tpu.memory_space<vmem>>
          %dma_wait3A_114 = arith.constant 0 : i32
          %dma_wait3A_115 = tpu.memref_slice %arg2[%dma_wait3A_109, %dma_wait3A_114] : memref<2000x240xi32, #tpu.memory_space<hbm>> -> memref<1x240xi32, #tpu.memory_space<hbm>>
          %dma_wait3A_116 = tpu.memref_squeeze %dma_wait3A_115 : memref<1x240xi32, #tpu.memory_space<hbm>> -> memref<240xi32, #tpu.memory_space<hbm>>
          %dma_wait3A_117 = arith.constant 0 : i32
          %dma_wait3A_118 = tpu.memref_slice %arg6[%dma_wait3A_110, %dma_wait3A_117] : memref<2x240xi32, #tpu.memory_space<vmem>> -> memref<1x240xi32, #tpu.memory_space<vmem>>
          %dma_wait3A_119 = tpu.memref_squeeze %dma_wait3A_118 : memref<1x240xi32, #tpu.memory_space<vmem>> -> memref<240xi32, #tpu.memory_space<vmem>>
          %dma_wait3A_120 = arith.constant 0 : i32
          %dma_wait3A_121 = tpu.memref_slice %arg2[%dma_wait3A_109, %dma_wait3A_120] : memref<2000x240xi32, #tpu.memory_space<hbm>> -> memref<1x240xi32, #tpu.memory_space<hbm>>
          %dma_wait3A_122 = tpu.memref_squeeze %dma_wait3A_121 : memref<1x240xi32, #tpu.memory_space<hbm>> -> memref<240xi32, #tpu.memory_space<hbm>>
          tpu.wait_dma2 semaphore(%arg16 : memref<!tpu.dma_semaphore, #tpu.memory_space<semaphore_mem>>) src(%dma_wait3A_122 : memref<240xi32, #tpu.memory_space<hbm>>) dst(%dma_wait3A_119 : memref<240xi32, #tpu.memory_space<vmem>>)
          %get3A = arith.constant 1 : i32
          %get3A_123 = arith.index_cast %get3A : i32 to index
          %get3A_124 = arith.constant 0 : index
          %get3A_125 = tpu.vector_load %arg6[%get3A_123, %get3A_124] {strides = array<i32>} : memref<2x240xi32, #tpu.memory_space<vmem>>, vector<16xi32>,
          %get3A_126 = arith.constant 1 : i32
          %get3A_127 = arith.index_cast %get3A_126 : i32 to index
          %get3A_128 = arith.constant 80 : index
          %get3A_129 = tpu.vector_load %arg6[%get3A_127, %get3A_128] {strides = array<i32>} : memref<2x240xi32, #tpu.memory_space<vmem>>, vector<16xi32>,
          %get3A_130 = arith.constant 1 : i32
          %get3A_131 = arith.index_cast %get3A_130 : i32 to index
          %get3A_132 = arith.constant 160 : index
          %get3A_133 = tpu.vector_load %arg6[%get3A_131, %get3A_132] {strides = array<i32>} : memref<2x240xi32, #tpu.memory_space<vmem>>, vector<16xi32>,
          %bitcast3A = vector.bitcast %get3A_133 : vector<16xi32> to vector<16xf32>
          %mul3A_134 = arith.constant 4 : i32
          %mul3A_135 = vector.broadcast %mul3A_134 : i32 to vector<16xi32>
          %mul3A_136 = arith.muli %get3A_125, %mul3A_135 : vector<16xi32>
          %add3A_137 = vector.broadcast %add3A_0 : i32 to vector<16xi32>
          %add3A_138 = arith.addi %mul3A_136, %add3A_137 : vector<16xi32>
          %swap3A = arith.constant 1 : i32
          %swap3A_139 = arith.index_cast %swap3A : i32 to index
          %swap3A_140 = arith.constant 0 : index
          %swap3A_141 = tpu.vector_load %arg7[%swap3A_139, %swap3A_140] {strides = array<i32>} : memref<2x80xi32, #tpu.memory_space<vmem>>, vector<16xi32>,
          tpu.vector_store %arg7[%swap3A_139, %swap3A_140], %add3A_138 {strides = array<i32>} : memref<2x80xi32, #tpu.memory_space<vmem>>, vector<16xi32>,
          %swap3A_142 = arith.constant 1 : i32
          %swap3A_143 = arith.index_cast %swap3A_142 : i32 to index
          %swap3A_144 = arith.constant 0 : index
          %swap3A_145 = tpu.vector_load %arg8[%swap3A_143, %swap3A_144] {strides = array<i32>} : memref<2x80xi32, #tpu.memory_space<vmem>>, vector<16xi32>,
          tpu.vector_store %arg8[%swap3A_143, %swap3A_144], %get3A_125 {strides = array<i32>} : memref<2x80xi32, #tpu.memory_space<vmem>>, vector<16xi32>,
          %swap3A_146 = arith.constant 1 : i32
          %swap3A_147 = arith.index_cast %swap3A_146 : i32 to index
          %swap3A_148 = arith.constant 0 : index
          %swap3A_149 = tpu.vector_load %arg9[%swap3A_147, %swap3A_148] {strides = array<i32>} : memref<2x80xi32, #tpu.memory_space<vmem>>, vector<16xi32>,
          tpu.vector_store %arg9[%swap3A_147, %swap3A_148], %get3A_129 {strides = array<i32>} : memref<2x80xi32, #tpu.memory_space<vmem>>, vector<16xi32>,
          %swap3A_150 = arith.constant 1 : i32
          %swap3A_151 = arith.index_cast %swap3A_150 : i32 to index
          %swap3A_152 = arith.constant 80 : index
          %swap3A_153 = tpu.vector_load %arg10[%swap3A_151, %swap3A_152] {strides = array<i32>} : memref<2x160xf32, #tpu.memory_space<vmem>>, vector<16xf32>,
          tpu.vector_store %arg10[%swap3A_151, %swap3A_152], %bitcast3A {strides = array<i32>} : memref<2x160xf32, #tpu.memory_space<vmem>>, vector<16xf32>,
          %get3A_154 = arith.constant 1 : i32
          %get3A_155 = arith.index_cast %get3A_154 : i32 to index
          %get3A_156 = arith.constant 16 : index
          %get3A_157 = tpu.vector_load %arg6[%get3A_155, %get3A_156] {strides = array<i32>} : memref<2x240xi32, #tpu.memory_space<vmem>>, vector<16xi32>,
          %get3A_158 = arith.constant 1 : i32
          %get3A_159 = arith.index_cast %get3A_158 : i32 to index
          %get3A_160 = arith.constant 96 : index
          %get3A_161 = tpu.vector_load %arg6[%get3A_159, %get3A_160] {strides = array<i32>} : memref<2x240xi32, #tpu.memory_space<vmem>>, vector<16xi32>,
          %get3A_162 = arith.constant 1 : i32
          %get3A_163 = arith.index_cast %get3A_162 : i32 to index
          %get3A_164 = arith.constant 176 : index
          %get3A_165 = tpu.vector_load %arg6[%get3A_163, %get3A_164] {strides = array<i32>} : memref<2x240xi32, #tpu.memory_space<vmem>>, vector<16xi32>,
          %bitcast3A_166 = vector.bitcast %get3A_165 : vector<16xi32> to vector<16xf32>
          %mul3A_167 = arith.constant 4 : i32
          %mul3A_168 = vector.broadcast %mul3A_167 : i32 to vector<16xi32>
          %mul3A_169 = arith.muli %get3A_157, %mul3A_168 : vector<16xi32>
          %add3A_170 = vector.broadcast %add3A_0 : i32 to vector<16xi32>
          %add3A_171 = arith.addi %mul3A_169, %add3A_170 : vector<16xi32>
          %swap3A_172 = arith.constant 1 : i32
          %swap3A_173 = arith.index_cast %swap3A_172 : i32 to index
          %swap3A_174 = arith.constant 16 : index
          %swap3A_175 = tpu.vector_load %arg7[%swap3A_173, %swap3A_174] {strides = array<i32>} : memref<2x80xi32, #tpu.memory_space<vmem>>, vector<16xi32>,
          tpu.vector_store %arg7[%swap3A_173, %swap3A_174], %add3A_171 {strides = array<i32>} : memref<2x80xi32, #tpu.memory_space<vmem>>, vector<16xi32>,
          %swap3A_176 = arith.constant 1 : i32
          %swap3A_177 = arith.index_cast %swap3A_176 : i32 to index
          %swap3A_178 = arith.constant 16 : index
          %swap3A_179 = tpu.vector_load %arg8[%swap3A_177, %swap3A_178] {strides = array<i32>} : memref<2x80xi32, #tpu.memory_space<vmem>>, vector<16xi32>,
          tpu.vector_store %arg8[%swap3A_177, %swap3A_178], %get3A_157 {strides = array<i32>} : memref<2x80xi32, #tpu.memory_space<vmem>>, vector<16xi32>,
          %swap3A_180 = arith.constant 1 : i32
          %swap3A_181 = arith.index_cast %swap3A_180 : i32 to index
          %swap3A_182 = arith.constant 16 : index
          %swap3A_183 = tpu.vector_load %arg9[%swap3A_181, %swap3A_182] {strides = array<i32>} : memref<2x80xi32, #tpu.memory_space<vmem>>, vector<16xi32>,
          tpu.vector_store %arg9[%swap3A_181, %swap3A_182], %get3A_161 {strides = array<i32>} : memref<2x80xi32, #tpu.memory_space<vmem>>, vector<16xi32>,
          %swap3A_184 = arith.constant 1 : i32
          %swap3A_185 = arith.index_cast %swap3A_184 : i32 to index
          %swap3A_186 = arith.constant 96 : index
          %swap3A_187 = tpu.vector_load %arg10[%swap3A_185, %swap3A_186] {strides = array<i32>} : memref<2x160xf32, #tpu.memory_space<vmem>>, vector<16xf32>,
          tpu.vector_store %arg10[%swap3A_185, %swap3A_186], %bitcast3A_166 {strides = array<i32>} : memref<2x160xf32, #tpu.memory_space<vmem>>, vector<16xf32>,
          %get3A_188 = arith.constant 1 : i32
          %get3A_189 = arith.index_cast %get3A_188 : i32 to index
          %get3A_190 = arith.constant 32 : index
          %get3A_191 = tpu.vector_load %arg6[%get3A_189, %get3A_190] {strides = array<i32>} : memref<2x240xi32, #tpu.memory_space<vmem>>, vector<16xi32>,
          %get3A_192 = arith.constant 1 : i32
          %get3A_193 = arith.index_cast %get3A_192 : i32 to index
          %get3A_194 = arith.constant 112 : index
          %get3A_195 = tpu.vector_load %arg6[%get3A_193, %get3A_194] {strides = array<i32>} : memref<2x240xi32, #tpu.memory_space<vmem>>, vector<16xi32>,
          %get3A_196 = arith.constant 1 : i32
          %get3A_197 = arith.index_cast %get3A_196 : i32 to index
          %get3A_198 = arith.constant 192 : index
          %get3A_199 = tpu.vector_load %arg6[%get3A_197, %get3A_198] {strides = array<i32>} : memref<2x240xi32, #tpu.memory_space<vmem>>, vector<16xi32>,
          %bitcast3A_200 = vector.bitcast %get3A_199 : vector<16xi32> to vector<16xf32>
          %mul3A_201 = arith.constant 4 : i32
          %mul3A_202 = vector.broadcast %mul3A_201 : i32 to vector<16xi32>
          %mul3A_203 = arith.muli %get3A_191, %mul3A_202 : vector<16xi32>
          %add3A_204 = vector.broadcast %add3A_0 : i32 to vector<16xi32>
          %add3A_205 = arith.addi %mul3A_203, %add3A_204 : vector<16xi32>
          %swap3A_206 = arith.constant 1 : i32
          %swap3A_207 = arith.index_cast %swap3A_206 : i32 to index
          %swap3A_208 = arith.constant 32 : index
          %swap3A_209 = tpu.vector_load %arg7[%swap3A_207, %swap3A_208] {strides = array<i32>} : memref<2x80xi32, #tpu.memory_space<vmem>>, vector<16xi32>,
          tpu.vector_store %arg7[%swap3A_207, %swap3A_208], %add3A_205 {strides = array<i32>} : memref<2x80xi32, #tpu.memory_space<vmem>>, vector<16xi32>,
          %swap3A_210 = arith.constant 1 : i32
          %swap3A_211 = arith.index_cast %swap3A_210 : i32 to index
          %swap3A_212 = arith.constant 32 : index
          %swap3A_213 = tpu.vector_load %arg8[%swap3A_211, %swap3A_212] {strides = array<i32>} : memref<2x80xi32, #tpu.memory_space<vmem>>, vector<16xi32>,
          tpu.vector_store %arg8[%swap3A_211, %swap3A_212], %get3A_191 {strides = array<i32>} : memref<2x80xi32, #tpu.memory_space<vmem>>, vector<16xi32>,
          %swap3A_214 = arith.constant 1 : i32
          %swap3A_215 = arith.index_cast %swap3A_214 : i32 to index
          %swap3A_216 = arith.constant 32 : index
          %swap3A_217 = tpu.vector_load %arg9[%swap3A_215, %swap3A_216] {strides = array<i32>} : memref<2x80xi32, #tpu.memory_space<vmem>>, vector<16xi32>,
          tpu.vector_store %arg9[%swap3A_215, %swap3A_216], %get3A_195 {strides = array<i32>} : memref<2x80xi32, #tpu.memory_space<vmem>>, vector<16xi32>,
          %swap3A_218 = arith.constant 1 : i32
          %swap3A_219 = arith.index_cast %swap3A_218 : i32 to index
          %swap3A_220 = arith.constant 112 : index
          %swap3A_221 = tpu.vector_load %arg10[%swap3A_219, %swap3A_220] {strides = array<i32>} : memref<2x160xf32, #tpu.memory_space<vmem>>, vector<16xf32>,
          tpu.vector_store %arg10[%swap3A_219, %swap3A_220], %bitcast3A_200 {strides = array<i32>} : memref<2x160xf32, #tpu.memory_space<vmem>>, vector<16xf32>,
          %get3A_222 = arith.constant 1 : i32
          %get3A_223 = arith.index_cast %get3A_222 : i32 to index
          %get3A_224 = arith.constant 48 : index
          %get3A_225 = tpu.vector_load %arg6[%get3A_223, %get3A_224] {strides = array<i32>} : memref<2x240xi32, #tpu.memory_space<vmem>>, vector<16xi32>,
          %get3A_226 = arith.constant 1 : i32
          %get3A_227 = arith.index_cast %get3A_226 : i32 to index
          %get3A_228 = arith.constant 128 : index
          %get3A_229 = tpu.vector_load %arg6[%get3A_227, %get3A_228] {strides = array<i32>} : memref<2x240xi32, #tpu.memory_space<vmem>>, vector<16xi32>,
          %get3A_230 = arith.constant 1 : i32
          %get3A_231 = arith.index_cast %get3A_230 : i32 to index
          %get3A_232 = arith.constant 208 : index
          %get3A_233 = tpu.vector_load %arg6[%get3A_231, %get3A_232] {strides = array<i32>} : memref<2x240xi32, #tpu.memory_space<vmem>>, vector<16xi32>,
          %bitcast3A_234 = vector.bitcast %get3A_233 : vector<16xi32> to vector<16xf32>
          %mul3A_235 = arith.constant 4 : i32
          %mul3A_236 = vector.broadcast %mul3A_235 : i32 to vector<16xi32>
          %mul3A_237 = arith.muli %get3A_225, %mul3A_236 : vector<16xi32>
          %add3A_238 = vector.broadcast %add3A_0 : i32 to vector<16xi32>
          %add3A_239 = arith.addi %mul3A_237, %add3A_238 : vector<16xi32>
          %swap3A_240 = arith.constant 1 : i32
          %swap3A_241 = arith.index_cast %swap3A_240 : i32 to index
          %swap3A_242 = arith.constant 48 : index
          %swap3A_243 = tpu.vector_load %arg7[%swap3A_241, %swap3A_242] {strides = array<i32>} : memref<2x80xi32, #tpu.memory_space<vmem>>, vector<16xi32>,
          tpu.vector_store %arg7[%swap3A_241, %swap3A_242], %add3A_239 {strides = array<i32>} : memref<2x80xi32, #tpu.memory_space<vmem>>, vector<16xi32>,
          %swap3A_244 = arith.constant 1 : i32
          %swap3A_245 = arith.index_cast %swap3A_244 : i32 to index
          %swap3A_246 = arith.constant 48 : index
          %swap3A_247 = tpu.vector_load %arg8[%swap3A_245, %swap3A_246] {strides = array<i32>} : memref<2x80xi32, #tpu.memory_space<vmem>>, vector<16xi32>,
          tpu.vector_store %arg8[%swap3A_245, %swap3A_246], %get3A_225 {strides = array<i32>} : memref<2x80xi32, #tpu.memory_space<vmem>>, vector<16xi32>,
          %swap3A_248 = arith.constant 1 : i32
          %swap3A_249 = arith.index_cast %swap3A_248 : i32 to index
          %swap3A_250 = arith.constant 48 : index
          %swap3A_251 = tpu.vector_load %arg9[%swap3A_249, %swap3A_250] {strides = array<i32>} : memref<2x80xi32, #tpu.memory_space<vmem>>, vector<16xi32>,
          tpu.vector_store %arg9[%swap3A_249, %swap3A_250], %get3A_229 {strides = array<i32>} : memref<2x80xi32, #tpu.memory_space<vmem>>, vector<16xi32>,
          %swap3A_252 = arith.constant 1 : i32
          %swap3A_253 = arith.index_cast %swap3A_252 : i32 to index
          %swap3A_254 = arith.constant 128 : index
          %swap3A_255 = tpu.vector_load %arg10[%swap3A_253, %swap3A_254] {strides = array<i32>} : memref<2x160xf32, #tpu.memory_space<vmem>>, vector<16xf32>,
          tpu.vector_store %arg10[%swap3A_253, %swap3A_254], %bitcast3A_234 {strides = array<i32>} : memref<2x160xf32, #tpu.memory_space<vmem>>, vector<16xf32>,
          %get3A_256 = arith.constant 1 : i32
          %get3A_257 = arith.index_cast %get3A_256 : i32 to index
          %get3A_258 = arith.constant 64 : index
          %get3A_259 = tpu.vector_load %arg6[%get3A_257, %get3A_258] {strides = array<i32>} : memref<2x240xi32, #tpu.memory_space<vmem>>, vector<16xi32>,
          %get3A_260 = arith.constant 1 : i32
          %get3A_261 = arith.index_cast %get3A_260 : i32 to index
          %get3A_262 = arith.constant 144 : index
          %get3A_263 = tpu.vector_load %arg6[%get3A_261, %get3A_262] {strides = array<i32>} : memref<2x240xi32, #tpu.memory_space<vmem>>, vector<16xi32>,
          %get3A_264 = arith.constant 1 : i32
          %get3A_265 = arith.index_cast %get3A_264 : i32 to index
          %get3A_266 = arith.constant 224 : index
          %get3A_267 = tpu.vector_load %arg6[%get3A_265, %get3A_266] {strides = array<i32>} : memref<2x240xi32, #tpu.memory_space<vmem>>, vector<16xi32>,
          %bitcast3A_268 = vector.bitcast %get3A_267 : vector<16xi32> to vector<16xf32>
          %mul3A_269 = arith.constant 4 : i32
          %mul3A_270 = vector.broadcast %mul3A_269 : i32 to vector<16xi32>
          %mul3A_271 = arith.muli %get3A_259, %mul3A_270 : vector<16xi32>
          %add3A_272 = vector.broadcast %add3A_0 : i32 to vector<16xi32>
          %add3A_273 = arith.addi %mul3A_271, %add3A_272 : vector<16xi32>
          %swap3A_274 = arith.constant 1 : i32
          %swap3A_275 = arith.index_cast %swap3A_274 : i32 to index
          %swap3A_276 = arith.constant 64 : index
          %swap3A_277 = tpu.vector_load %arg7[%swap3A_275, %swap3A_276] {strides = array<i32>} : memref<2x80xi32, #tpu.memory_space<vmem>>, vector<16xi32>,
          tpu.vector_store %arg7[%swap3A_275, %swap3A_276], %add3A_273 {strides = array<i32>} : memref<2x80xi32, #tpu.memory_space<vmem>>, vector<16xi32>,
          %swap3A_278 = arith.constant 1 : i32
          %swap3A_279 = arith.index_cast %swap3A_278 : i32 to index
          %swap3A_280 = arith.constant 64 : index
          %swap3A_281 = tpu.vector_load %arg8[%swap3A_279, %swap3A_280] {strides = array<i32>} : memref<2x80xi32, #tpu.memory_space<vmem>>, vector<16xi32>,
          tpu.vector_store %arg8[%swap3A_279, %swap3A_280], %get3A_259 {strides = array<i32>} : memref<2x80xi32, #tpu.memory_space<vmem>>, vector<16xi32>,
          %swap3A_282 = arith.constant 1 : i32
          %swap3A_283 = arith.index_cast %swap3A_282 : i32 to index
          %swap3A_284 = arith.constant 64 : index
          %swap3A_285 = tpu.vector_load %arg9[%swap3A_283, %swap3A_284] {strides = array<i32>} : memref<2x80xi32, #tpu.memory_space<vmem>>, vector<16xi32>,
          tpu.vector_store %arg9[%swap3A_283, %swap3A_284], %get3A_263 {strides = array<i32>} : memref<2x80xi32, #tpu.memory_space<vmem>>, vector<16xi32>,
          %swap3A_286 = arith.constant 1 : i32
          %swap3A_287 = arith.index_cast %swap3A_286 : i32 to index
          %swap3A_288 = arith.constant 144 : index
          %swap3A_289 = tpu.vector_load %arg10[%swap3A_287, %swap3A_288] {strides = array<i32>} : memref<2x160xf32, #tpu.memory_space<vmem>>, vector<16xf32>,
          tpu.vector_store %arg10[%swap3A_287, %swap3A_288], %bitcast3A_268 {strides = array<i32>} : memref<2x160xf32, #tpu.memory_space<vmem>>, vector<16xf32>,
          %add3A_290 = arith.constant 1 : i32
          %add3A_291 = arith.addi %scan3A_83, %add3A_290 : i32
          %lt3A_292 = arith.constant 125 : i32
          %lt3A_293 = arith.cmpi slt, %add3A_291, %lt3A_292 : i32
          %convert_element_type3A_294 = arith.extui %lt3A_293 : i1 to i32
          %cond3A_295 = arith.constant 0 : i32
          %cond3A_296 = arith.cmpi ne, %convert_element_type3A_294, %cond3A_295 : i32
          scf.if %cond3A_296 {
            %add3A_333 = arith.constant 1 : i32
            %add3A_334 = arith.addi %scan3A_83, %add3A_333 : i32
            %mul3A_335 = arith.constant 125 : i32
            %mul3A_336 = arith.muli %arg1, %mul3A_335 : i32
            %add3A_337 = arith.addi %mul3A_336, %add3A_334 : i32
            %dma_start3A_338 = arith.constant 0 : i32
            %dma_start3A_339 = arith.constant 0 : i32
            %dma_start3A_340 = tpu.memref_slice %arg6[%dma_start3A_338, %dma_start3A_339] : memref<2x240xi32, #tpu.memory_space<vmem>> -> memref<1x240xi32, #tpu.memory_space<vmem>>
            %dma_start3A_341 = tpu.memref_squeeze %dma_start3A_340 : memref<1x240xi32, #tpu.memory_space<vmem>> -> memref<240xi32, #tpu.memory_space<vmem>>
            %dma_start3A_342 = arith.constant 0 : i32
            %dma_start3A_343 = tpu.memref_slice %arg2[%add3A_337, %dma_start3A_342] : memref<2000x240xi32, #tpu.memory_space<hbm>> -> memref<1x240xi32, #tpu.memory_space<hbm>>
            %dma_start3A_344 = tpu.memref_squeeze %dma_start3A_343 : memref<1x240xi32, #tpu.memory_space<hbm>> -> memref<240xi32, #tpu.memory_space<hbm>>
            %dma_start3A_345 = arith.constant 0 : i32
            %dma_start3A_346 = tpu.memref_slice %arg6[%dma_start3A_338, %dma_start3A_345] : memref<2x240xi32, #tpu.memory_space<vmem>> -> memref<1x240xi32, #tpu.memory_space<vmem>>
            %dma_start3A_347 = tpu.memref_squeeze %dma_start3A_346 : memref<1x240xi32, #tpu.memory_space<vmem>> -> memref<240xi32, #tpu.memory_space<vmem>>
            %dma_start3A_348 = arith.constant 0 : i32
            %dma_start3A_349 = tpu.memref_slice %arg2[%add3A_337, %dma_start3A_348] : memref<2000x240xi32, #tpu.memory_space<hbm>> -> memref<1x240xi32, #tpu.memory_space<hbm>>
            %dma_start3A_350 = tpu.memref_squeeze %dma_start3A_349 : memref<1x240xi32, #tpu.memory_space<hbm>> -> memref<240xi32, #tpu.memory_space<hbm>>
            tpu.enqueue_dma source(%dma_start3A_350 : memref<240xi32, #tpu.memory_space<hbm>>) target(%dma_start3A_347 : memref<240xi32, #tpu.memory_space<vmem>>) target_semaphore(%arg16 : memref<!tpu.dma_semaphore, #tpu.memory_space<semaphore_mem>>)
          } else {
          }
          %dma_start3A_297 = arith.constant 1 : i32
          %dma_start3A_298 = arith.constant 1 : i32
          %dma_start3A_299 = arith.constant 0 : i32
          %dma_start3A_300 = arith.constant 0 : i32
          %dma_start3A_301 = tpu.memref_slice %arg11[%dma_start3A_298, %dma_start3A_299, %dma_start3A_300] : memref<2x80x96xf32, #tpu.memory_space<vmem>> -> memref<1x80x96xf32, #tpu.memory_space<vmem>>
          %dma_start3A_302 = tpu.memref_squeeze %dma_start3A_301 : memref<1x80x96xf32, #tpu.memory_space<vmem>> -> memref<80x96xf32, #tpu.memory_space<vmem>>
          %dma_start3A_303 = arith.constant 0 : i32
          %dma_start3A_304 = tpu.memref_slice %arg7[%dma_start3A_297, %dma_start3A_303] : memref<2x80xi32, #tpu.memory_space<vmem>> -> memref<1x80xi32, #tpu.memory_space<vmem>>
          %dma_start3A_305 = tpu.memref_squeeze %dma_start3A_304 : memref<1x80xi32, #tpu.memory_space<vmem>> -> memref<80xi32, #tpu.memory_space<vmem>>
          %dma_start3A_306 = arith.constant 0 : i32
          %dma_start3A_307 = arith.constant 0 : i32
          %dma_start3A_308 = tpu.memref_slice %arg3[%dma_start3A_306, %dma_start3A_307] : memref<40000x96xf32, #tpu.memory_space<hbm>> -> memref<40000x96xf32, #tpu.memory_space<hbm>>
          tpu.enqueue_indirect_dma source(%dma_start3A_308 : memref<40000x96xf32, #tpu.memory_space<hbm>>) target(%dma_start3A_302 : memref<80x96xf32, #tpu.memory_space<vmem>>) offsets(%dma_start3A_305 : memref<80xi32, #tpu.memory_space<vmem>>) semaphore(%arg18 : memref<!tpu.dma_semaphore, #tpu.memory_space<semaphore_mem>>)
          %dma_start3A_309 = arith.constant 1 : i32
          %dma_start3A_310 = arith.constant 1 : i32
          %dma_start3A_311 = arith.constant 0 : i32
          %dma_start3A_312 = arith.constant 0 : i32
          %dma_start3A_313 = tpu.memref_slice %arg13[%dma_start3A_310, %dma_start3A_311, %dma_start3A_312] : memref<2x80x16xf32, #tpu.memory_space<vmem>> -> memref<1x80x16xf32, #tpu.memory_space<vmem>>
          %dma_start3A_314 = tpu.memref_squeeze %dma_start3A_313 : memref<1x80x16xf32, #tpu.memory_space<vmem>> -> memref<80x16xf32, #tpu.memory_space<vmem>>
          %dma_start3A_315 = arith.constant 0 : i32
          %dma_start3A_316 = tpu.memref_slice %arg8[%dma_start3A_309, %dma_start3A_315] : memref<2x80xi32, #tpu.memory_space<vmem>> -> memref<1x80xi32, #tpu.memory_space<vmem>>
          %dma_start3A_317 = tpu.memref_squeeze %dma_start3A_316 : memref<1x80xi32, #tpu.memory_space<vmem>> -> memref<80xi32, #tpu.memory_space<vmem>>
          %dma_start3A_318 = arith.constant 0 : i32
          %dma_start3A_319 = arith.constant 0 : i32
          %dma_start3A_320 = tpu.memref_slice %arg4[%dma_start3A_318, %dma_start3A_319] : memref<10000x16xf32, #tpu.memory_space<hbm>> -> memref<10000x16xf32, #tpu.memory_space<hbm>>
          tpu.enqueue_indirect_dma source(%dma_start3A_320 : memref<10000x16xf32, #tpu.memory_space<hbm>>) target(%dma_start3A_314 : memref<80x16xf32, #tpu.memory_space<vmem>>) offsets(%dma_start3A_317 : memref<80xi32, #tpu.memory_space<vmem>>) semaphore(%arg20 : memref<!tpu.dma_semaphore, #tpu.memory_space<semaphore_mem>>)
          %dma_start3A_321 = arith.constant 1 : i32
          %dma_start3A_322 = arith.constant 1 : i32
          %dma_start3A_323 = arith.constant 0 : i32
          %dma_start3A_324 = arith.constant 0 : i32
          %dma_start3A_325 = tpu.memref_slice %arg14[%dma_start3A_322, %dma_start3A_323, %dma_start3A_324] : memref<2x80x16xf32, #tpu.memory_space<vmem>> -> memref<1x80x16xf32, #tpu.memory_space<vmem>>
          %dma_start3A_326 = tpu.memref_squeeze %dma_start3A_325 : memref<1x80x16xf32, #tpu.memory_space<vmem>> -> memref<80x16xf32, #tpu.memory_space<vmem>>
          %dma_start3A_327 = arith.constant 0 : i32
          %dma_start3A_328 = tpu.memref_slice %arg9[%dma_start3A_321, %dma_start3A_327] : memref<2x80xi32, #tpu.memory_space<vmem>> -> memref<1x80xi32, #tpu.memory_space<vmem>>
          %dma_start3A_329 = tpu.memref_squeeze %dma_start3A_328 : memref<1x80xi32, #tpu.memory_space<vmem>> -> memref<80xi32, #tpu.memory_space<vmem>>
          %dma_start3A_330 = arith.constant 0 : i32
          %dma_start3A_331 = arith.constant 0 : i32
          %dma_start3A_332 = tpu.memref_slice %arg4[%dma_start3A_330, %dma_start3A_331] : memref<10000x16xf32, #tpu.memory_space<hbm>> -> memref<10000x16xf32, #tpu.memory_space<hbm>>
          tpu.enqueue_indirect_dma source(%dma_start3A_332 : memref<10000x16xf32, #tpu.memory_space<hbm>>) target(%dma_start3A_326 : memref<80x16xf32, #tpu.memory_space<vmem>>) offsets(%dma_start3A_329 : memref<80xi32, #tpu.memory_space<vmem>>) semaphore(%arg20 : memref<!tpu.dma_semaphore, #tpu.memory_space<semaphore_mem>>)
        } else {
        }
      } else {
      }
      %ge3A = arith.constant 1 : i32
      %ge3A_87 = arith.cmpi sge, %scan3A_83, %ge3A : i32
      %convert_element_type3A_88 = arith.extui %ge3A_87 : i1 to i32
      %cond3A_89 = arith.constant 0 : i32
      %cond3A_90 = arith.cmpi ne, %convert_element_type3A_88, %cond3A_89 : i32
      scf.if %cond3A_90 {
        %sub3A = arith.constant 1 : i32
        %sub3A_92 = arith.subi %scan3A_83, %sub3A : i32
        %rem3A = arith.constant 2 : i32
        %rem3A_93 = arith.remsi %sub3A_92, %rem3A : i32
        %eq3A = arith.constant 0 : i32
        %eq3A_94 = arith.cmpi eq, %rem3A_93, %eq3A : i32
        %convert_element_type3A_95 = arith.extui %eq3A_94 : i1 to i32
        %cond3A_96 = arith.constant 0 : i32
        %cond3A_97 = arith.cmpi ne, %convert_element_type3A_95, %cond3A_96 : i32
        scf.if %cond3A_97 {
          %dma_wait3A_105 = arith.constant 0 : i32
          %dma_wait3A_106 = arith.constant 0 : i32
          %dma_wait3A_107 = arith.constant 0 : i32
          %dma_wait3A_108 = arith.constant 0 : i32
          %dma_wait3A_109 = tpu.memref_slice %arg11[%dma_wait3A_106, %dma_wait3A_107, %dma_wait3A_108] : memref<2x80x96xf32, #tpu.memory_space<vmem>> -> memref<1x80x96xf32, #tpu.memory_space<vmem>>
          %dma_wait3A_110 = tpu.memref_squeeze %dma_wait3A_109 : memref<1x80x96xf32, #tpu.memory_space<vmem>> -> memref<80x96xf32, #tpu.memory_space<vmem>>
          %dma_wait3A_111 = arith.constant 0 : i32
          %dma_wait3A_112 = tpu.memref_slice %arg7[%dma_wait3A_105, %dma_wait3A_111] : memref<2x80xi32, #tpu.memory_space<vmem>> -> memref<1x80xi32, #tpu.memory_space<vmem>>
          %dma_wait3A_113 = tpu.memref_squeeze %dma_wait3A_112 : memref<1x80xi32, #tpu.memory_space<vmem>> -> memref<80xi32, #tpu.memory_space<vmem>>
          %dma_wait3A_114 = arith.constant 0 : i32
          %dma_wait3A_115 = arith.constant 0 : i32
          %dma_wait3A_116 = tpu.memref_slice %arg3[%dma_wait3A_114, %dma_wait3A_115] : memref<40000x96xf32, #tpu.memory_space<hbm>> -> memref<40000x96xf32, #tpu.memory_space<hbm>>
          tpu.wait_indirect_dma semaphore(%arg17 : memref<!tpu.dma_semaphore, #tpu.memory_space<semaphore_mem>>) src(%dma_wait3A_116 : memref<40000x96xf32, #tpu.memory_space<hbm>>) dst(%dma_wait3A_110 : memref<80x96xf32, #tpu.memory_space<vmem>>)
          %dma_wait3A_117 = arith.constant 0 : i32
          %dma_wait3A_118 = arith.constant 0 : i32
          %dma_wait3A_119 = arith.constant 0 : i32
          %dma_wait3A_120 = arith.constant 0 : i32
          %dma_wait3A_121 = tpu.memref_slice %arg13[%dma_wait3A_118, %dma_wait3A_119, %dma_wait3A_120] : memref<2x80x16xf32, #tpu.memory_space<vmem>> -> memref<1x80x16xf32, #tpu.memory_space<vmem>>
          %dma_wait3A_122 = tpu.memref_squeeze %dma_wait3A_121 : memref<1x80x16xf32, #tpu.memory_space<vmem>> -> memref<80x16xf32, #tpu.memory_space<vmem>>
          %dma_wait3A_123 = arith.constant 0 : i32
          %dma_wait3A_124 = tpu.memref_slice %arg8[%dma_wait3A_117, %dma_wait3A_123] : memref<2x80xi32, #tpu.memory_space<vmem>> -> memref<1x80xi32, #tpu.memory_space<vmem>>
          %dma_wait3A_125 = tpu.memref_squeeze %dma_wait3A_124 : memref<1x80xi32, #tpu.memory_space<vmem>> -> memref<80xi32, #tpu.memory_space<vmem>>
          %dma_wait3A_126 = arith.constant 0 : i32
          %dma_wait3A_127 = arith.constant 0 : i32
          %dma_wait3A_128 = tpu.memref_slice %arg4[%dma_wait3A_126, %dma_wait3A_127] : memref<10000x16xf32, #tpu.memory_space<hbm>> -> memref<10000x16xf32, #tpu.memory_space<hbm>>
          tpu.wait_indirect_dma semaphore(%arg19 : memref<!tpu.dma_semaphore, #tpu.memory_space<semaphore_mem>>) src(%dma_wait3A_128 : memref<10000x16xf32, #tpu.memory_space<hbm>>) dst(%dma_wait3A_122 : memref<80x16xf32, #tpu.memory_space<vmem>>)
          %dma_wait3A_129 = arith.constant 0 : i32
          %dma_wait3A_130 = arith.constant 0 : i32
          %dma_wait3A_131 = arith.constant 0 : i32
          %dma_wait3A_132 = arith.constant 0 : i32
          %dma_wait3A_133 = tpu.memref_slice %arg14[%dma_wait3A_130, %dma_wait3A_131, %dma_wait3A_132] : memref<2x80x16xf32, #tpu.memory_space<vmem>> -> memref<1x80x16xf32, #tpu.memory_space<vmem>>
          %dma_wait3A_134 = tpu.memref_squeeze %dma_wait3A_133 : memref<1x80x16xf32, #tpu.memory_space<vmem>> -> memref<80x16xf32, #tpu.memory_space<vmem>>
          %dma_wait3A_135 = arith.constant 0 : i32
          %dma_wait3A_136 = tpu.memref_slice %arg9[%dma_wait3A_129, %dma_wait3A_135] : memref<2x80xi32, #tpu.memory_space<vmem>> -> memref<1x80xi32, #tpu.memory_space<vmem>>
          %dma_wait3A_137 = tpu.memref_squeeze %dma_wait3A_136 : memref<1x80xi32, #tpu.memory_space<vmem>> -> memref<80xi32, #tpu.memory_space<vmem>>
          %dma_wait3A_138 = arith.constant 0 : i32
          %dma_wait3A_139 = arith.constant 0 : i32
          %dma_wait3A_140 = tpu.memref_slice %arg4[%dma_wait3A_138, %dma_wait3A_139] : memref<10000x16xf32, #tpu.memory_space<hbm>> -> memref<10000x16xf32, #tpu.memory_space<hbm>>
          tpu.wait_indirect_dma semaphore(%arg19 : memref<!tpu.dma_semaphore, #tpu.memory_space<semaphore_mem>>) src(%dma_wait3A_140 : memref<10000x16xf32, #tpu.memory_space<hbm>>) dst(%dma_wait3A_134 : memref<80x16xf32, #tpu.memory_space<vmem>>)
          %add3A_141 = arith.constant 0 : i32
          %add3A_142 = vector.broadcast %add3A_141 : i32 to vector<16xi32>
          %add3A_143 = arith.addi %add3A_142, %iota3A : vector<16xi32>
          %gather3A = arith.constant 0 : i32
          %gather3A_144 = arith.constant 0 : i32
          %gather3A_145 = arith.constant 0 : i32
          %gather3A_146 = tpu.memref_slice %arg13[%gather3A, %gather3A_144, %gather3A_145] : memref<2x80x16xf32, #tpu.memory_space<vmem>> -> memref<1x80x16xf32, #tpu.memory_space<vmem>>
          %gather3A_147 = tpu.memref_squeeze %gather3A_146 : memref<1x80x16xf32, #tpu.memory_space<vmem>> -> memref<80x16xf32, #tpu.memory_space<vmem>>
          %gather3A_148 = tpu.vector_load_idx %gather3A_147[%add3A_143, %broadcast_in_dim3A_1] : memref<80x16xf32, #tpu.memory_space<vmem>>[vector<16xi32>, vector<16xi32>], vector<16xf32>,
          %gather3A_149 = arith.constant 0 : i32
          %gather3A_150 = arith.constant 0 : i32
          %gather3A_151 = arith.constant 0 : i32
          %gather3A_152 = tpu.memref_slice %arg14[%gather3A_149, %gather3A_150, %gather3A_151] : memref<2x80x16xf32, #tpu.memory_space<vmem>> -> memref<1x80x16xf32, #tpu.memory_space<vmem>>
          %gather3A_153 = tpu.memref_squeeze %gather3A_152 : memref<1x80x16xf32, #tpu.memory_space<vmem>> -> memref<80x16xf32, #tpu.memory_space<vmem>>
          %gather3A_154 = tpu.vector_load_idx %gather3A_153[%add3A_143, %add3A_4] : memref<80x16xf32, #tpu.memory_space<vmem>>[vector<16xi32>, vector<16xi32>], vector<16xf32>,
          %add3A_155 = arith.addf %gather3A_148, %gather3A_154 : vector<16xf32>
          %get3A = arith.constant 0 : i32
          %get3A_156 = arith.index_cast %get3A : i32 to index
          %get3A_157 = arith.constant 80 : index
          %get3A_158 = tpu.vector_load %arg10[%get3A_156, %get3A_157] {strides = array<i32>} : memref<2x160xf32, #tpu.memory_space<vmem>>, vector<16xf32>,
          %add3A_159 = arith.addf %add3A_155, %get3A_158 : vector<16xf32>
          %mul3A_160 = arith.constant 2.000000e-01 : f32
          %mul3A_161 = vector.broadcast %mul3A_160 : f32 to vector<16xf32>
          %mul3A_162 = arith.mulf %add3A_159, %mul3A_161 : vector<16xf32>
          %max3A = arith.maximumf %add3A_159, %mul3A_162 : vector<16xf32>
          %exp3A = math.exp %max3A : vector<16xf32>
          %swap3A = arith.constant 0 : i32
          %swap3A_163 = arith.index_cast %swap3A : i32 to index
          %swap3A_164 = arith.constant 0 : index
          %swap3A_165 = tpu.vector_load %arg10[%swap3A_163, %swap3A_164] {strides = array<i32>} : memref<2x160xf32, #tpu.memory_space<vmem>>, vector<16xf32>,
          tpu.vector_store %arg10[%swap3A_163, %swap3A_164], %exp3A {strides = array<i32>} : memref<2x160xf32, #tpu.memory_space<vmem>>, vector<16xf32>,
          %add3A_166 = arith.constant 16 : i32
          %add3A_167 = vector.broadcast %add3A_166 : i32 to vector<16xi32>
          %add3A_168 = arith.addi %add3A_167, %iota3A : vector<16xi32>
          %gather3A_169 = arith.constant 0 : i32
          %gather3A_170 = arith.constant 0 : i32
          %gather3A_171 = arith.constant 0 : i32
          %gather3A_172 = tpu.memref_slice %arg13[%gather3A_169, %gather3A_170, %gather3A_171] : memref<2x80x16xf32, #tpu.memory_space<vmem>> -> memref<1x80x16xf32, #tpu.memory_space<vmem>>
          %gather3A_173 = tpu.memref_squeeze %gather3A_172 : memref<1x80x16xf32, #tpu.memory_space<vmem>> -> memref<80x16xf32, #tpu.memory_space<vmem>>
          %gather3A_174 = tpu.vector_load_idx %gather3A_173[%add3A_168, %broadcast_in_dim3A_1] : memref<80x16xf32, #tpu.memory_space<vmem>>[vector<16xi32>, vector<16xi32>], vector<16xf32>,
          %gather3A_175 = arith.constant 0 : i32
          %gather3A_176 = arith.constant 0 : i32
          %gather3A_177 = arith.constant 0 : i32
          %gather3A_178 = tpu.memref_slice %arg14[%gather3A_175, %gather3A_176, %gather3A_177] : memref<2x80x16xf32, #tpu.memory_space<vmem>> -> memref<1x80x16xf32, #tpu.memory_space<vmem>>
          %gather3A_179 = tpu.memref_squeeze %gather3A_178 : memref<1x80x16xf32, #tpu.memory_space<vmem>> -> memref<80x16xf32, #tpu.memory_space<vmem>>
          %gather3A_180 = tpu.vector_load_idx %gather3A_179[%add3A_168, %add3A_4] : memref<80x16xf32, #tpu.memory_space<vmem>>[vector<16xi32>, vector<16xi32>], vector<16xf32>,
          %add3A_181 = arith.addf %gather3A_174, %gather3A_180 : vector<16xf32>
          %get3A_182 = arith.constant 0 : i32
          %get3A_183 = arith.index_cast %get3A_182 : i32 to index
          %get3A_184 = arith.constant 96 : index
          %get3A_185 = tpu.vector_load %arg10[%get3A_183, %get3A_184] {strides = array<i32>} : memref<2x160xf32, #tpu.memory_space<vmem>>, vector<16xf32>,
          %add3A_186 = arith.addf %add3A_181, %get3A_185 : vector<16xf32>
          %mul3A_187 = arith.constant 2.000000e-01 : f32
          %mul3A_188 = vector.broadcast %mul3A_187 : f32 to vector<16xf32>
          %mul3A_189 = arith.mulf %add3A_186, %mul3A_188 : vector<16xf32>
          %max3A_190 = arith.maximumf %add3A_186, %mul3A_189 : vector<16xf32>
          %exp3A_191 = math.exp %max3A_190 : vector<16xf32>
          %swap3A_192 = arith.constant 0 : i32
          %swap3A_193 = arith.index_cast %swap3A_192 : i32 to index
          %swap3A_194 = arith.constant 16 : index
          %swap3A_195 = tpu.vector_load %arg10[%swap3A_193, %swap3A_194] {strides = array<i32>} : memref<2x160xf32, #tpu.memory_space<vmem>>, vector<16xf32>,
          tpu.vector_store %arg10[%swap3A_193, %swap3A_194], %exp3A_191 {strides = array<i32>} : memref<2x160xf32, #tpu.memory_space<vmem>>, vector<16xf32>,
          %add3A_196 = arith.constant 32 : i32
          %add3A_197 = vector.broadcast %add3A_196 : i32 to vector<16xi32>
          %add3A_198 = arith.addi %add3A_197, %iota3A : vector<16xi32>
          %gather3A_199 = arith.constant 0 : i32
          %gather3A_200 = arith.constant 0 : i32
          %gather3A_201 = arith.constant 0 : i32
          %gather3A_202 = tpu.memref_slice %arg13[%gather3A_199, %gather3A_200, %gather3A_201] : memref<2x80x16xf32, #tpu.memory_space<vmem>> -> memref<1x80x16xf32, #tpu.memory_space<vmem>>
          %gather3A_203 = tpu.memref_squeeze %gather3A_202 : memref<1x80x16xf32, #tpu.memory_space<vmem>> -> memref<80x16xf32, #tpu.memory_space<vmem>>
          %gather3A_204 = tpu.vector_load_idx %gather3A_203[%add3A_198, %broadcast_in_dim3A_1] : memref<80x16xf32, #tpu.memory_space<vmem>>[vector<16xi32>, vector<16xi32>], vector<16xf32>,
          %gather3A_205 = arith.constant 0 : i32
          %gather3A_206 = arith.constant 0 : i32
          %gather3A_207 = arith.constant 0 : i32
          %gather3A_208 = tpu.memref_slice %arg14[%gather3A_205, %gather3A_206, %gather3A_207] : memref<2x80x16xf32, #tpu.memory_space<vmem>> -> memref<1x80x16xf32, #tpu.memory_space<vmem>>
          %gather3A_209 = tpu.memref_squeeze %gather3A_208 : memref<1x80x16xf32, #tpu.memory_space<vmem>> -> memref<80x16xf32, #tpu.memory_space<vmem>>
          %gather3A_210 = tpu.vector_load_idx %gather3A_209[%add3A_198, %add3A_4] : memref<80x16xf32, #tpu.memory_space<vmem>>[vector<16xi32>, vector<16xi32>], vector<16xf32>,
          %add3A_211 = arith.addf %gather3A_204, %gather3A_210 : vector<16xf32>
          %get3A_212 = arith.constant 0 : i32
          %get3A_213 = arith.index_cast %get3A_212 : i32 to index
          %get3A_214 = arith.constant 112 : index
          %get3A_215 = tpu.vector_load %arg10[%get3A_213, %get3A_214] {strides = array<i32>} : memref<2x160xf32, #tpu.memory_space<vmem>>, vector<16xf32>,
          %add3A_216 = arith.addf %add3A_211, %get3A_215 : vector<16xf32>
          %mul3A_217 = arith.constant 2.000000e-01 : f32
          %mul3A_218 = vector.broadcast %mul3A_217 : f32 to vector<16xf32>
          %mul3A_219 = arith.mulf %add3A_216, %mul3A_218 : vector<16xf32>
          %max3A_220 = arith.maximumf %add3A_216, %mul3A_219 : vector<16xf32>
          %exp3A_221 = math.exp %max3A_220 : vector<16xf32>
          %swap3A_222 = arith.constant 0 : i32
          %swap3A_223 = arith.index_cast %swap3A_222 : i32 to index
          %swap3A_224 = arith.constant 32 : index
          %swap3A_225 = tpu.vector_load %arg10[%swap3A_223, %swap3A_224] {strides = array<i32>} : memref<2x160xf32, #tpu.memory_space<vmem>>, vector<16xf32>,
          tpu.vector_store %arg10[%swap3A_223, %swap3A_224], %exp3A_221 {strides = array<i32>} : memref<2x160xf32, #tpu.memory_space<vmem>>, vector<16xf32>,
          %add3A_226 = arith.constant 48 : i32
          %add3A_227 = vector.broadcast %add3A_226 : i32 to vector<16xi32>
          %add3A_228 = arith.addi %add3A_227, %iota3A : vector<16xi32>
          %gather3A_229 = arith.constant 0 : i32
          %gather3A_230 = arith.constant 0 : i32
          %gather3A_231 = arith.constant 0 : i32
          %gather3A_232 = tpu.memref_slice %arg13[%gather3A_229, %gather3A_230, %gather3A_231] : memref<2x80x16xf32, #tpu.memory_space<vmem>> -> memref<1x80x16xf32, #tpu.memory_space<vmem>>
          %gather3A_233 = tpu.memref_squeeze %gather3A_232 : memref<1x80x16xf32, #tpu.memory_space<vmem>> -> memref<80x16xf32, #tpu.memory_space<vmem>>
          %gather3A_234 = tpu.vector_load_idx %gather3A_233[%add3A_228, %broadcast_in_dim3A_1] : memref<80x16xf32, #tpu.memory_space<vmem>>[vector<16xi32>, vector<16xi32>], vector<16xf32>,
          %gather3A_235 = arith.constant 0 : i32
          %gather3A_236 = arith.constant 0 : i32
          %gather3A_237 = arith.constant 0 : i32
          %gather3A_238 = tpu.memref_slice %arg14[%gather3A_235, %gather3A_236, %gather3A_237] : memref<2x80x16xf32, #tpu.memory_space<vmem>> -> memref<1x80x16xf32, #tpu.memory_space<vmem>>
          %gather3A_239 = tpu.memref_squeeze %gather3A_238 : memref<1x80x16xf32, #tpu.memory_space<vmem>> -> memref<80x16xf32, #tpu.memory_space<vmem>>
          %gather3A_240 = tpu.vector_load_idx %gather3A_239[%add3A_228, %add3A_4] : memref<80x16xf32, #tpu.memory_space<vmem>>[vector<16xi32>, vector<16xi32>], vector<16xf32>,
          %add3A_241 = arith.addf %gather3A_234, %gather3A_240 : vector<16xf32>
          %get3A_242 = arith.constant 0 : i32
          %get3A_243 = arith.index_cast %get3A_242 : i32 to index
          %get3A_244 = arith.constant 128 : index
          %get3A_245 = tpu.vector_load %arg10[%get3A_243, %get3A_244] {strides = array<i32>} : memref<2x160xf32, #tpu.memory_space<vmem>>, vector<16xf32>,
          %add3A_246 = arith.addf %add3A_241, %get3A_245 : vector<16xf32>
          %mul3A_247 = arith.constant 2.000000e-01 : f32
          %mul3A_248 = vector.broadcast %mul3A_247 : f32 to vector<16xf32>
          %mul3A_249 = arith.mulf %add3A_246, %mul3A_248 : vector<16xf32>
          %max3A_250 = arith.maximumf %add3A_246, %mul3A_249 : vector<16xf32>
          %exp3A_251 = math.exp %max3A_250 : vector<16xf32>
          %swap3A_252 = arith.constant 0 : i32
          %swap3A_253 = arith.index_cast %swap3A_252 : i32 to index
          %swap3A_254 = arith.constant 48 : index
          %swap3A_255 = tpu.vector_load %arg10[%swap3A_253, %swap3A_254] {strides = array<i32>} : memref<2x160xf32, #tpu.memory_space<vmem>>, vector<16xf32>,
          tpu.vector_store %arg10[%swap3A_253, %swap3A_254], %exp3A_251 {strides = array<i32>} : memref<2x160xf32, #tpu.memory_space<vmem>>, vector<16xf32>,
          %add3A_256 = arith.constant 64 : i32
          %add3A_257 = vector.broadcast %add3A_256 : i32 to vector<16xi32>
          %add3A_258 = arith.addi %add3A_257, %iota3A : vector<16xi32>
          %gather3A_259 = arith.constant 0 : i32
          %gather3A_260 = arith.constant 0 : i32
          %gather3A_261 = arith.constant 0 : i32
          %gather3A_262 = tpu.memref_slice %arg13[%gather3A_259, %gather3A_260, %gather3A_261] : memref<2x80x16xf32, #tpu.memory_space<vmem>> -> memref<1x80x16xf32, #tpu.memory_space<vmem>>
          %gather3A_263 = tpu.memref_squeeze %gather3A_262 : memref<1x80x16xf32, #tpu.memory_space<vmem>> -> memref<80x16xf32, #tpu.memory_space<vmem>>
          %gather3A_264 = tpu.vector_load_idx %gather3A_263[%add3A_258, %broadcast_in_dim3A_1] : memref<80x16xf32, #tpu.memory_space<vmem>>[vector<16xi32>, vector<16xi32>], vector<16xf32>,
          %gather3A_265 = arith.constant 0 : i32
          %gather3A_266 = arith.constant 0 : i32
          %gather3A_267 = arith.constant 0 : i32
          %gather3A_268 = tpu.memref_slice %arg14[%gather3A_265, %gather3A_266, %gather3A_267] : memref<2x80x16xf32, #tpu.memory_space<vmem>> -> memref<1x80x16xf32, #tpu.memory_space<vmem>>
          %gather3A_269 = tpu.memref_squeeze %gather3A_268 : memref<1x80x16xf32, #tpu.memory_space<vmem>> -> memref<80x16xf32, #tpu.memory_space<vmem>>
          %gather3A_270 = tpu.vector_load_idx %gather3A_269[%add3A_258, %add3A_4] : memref<80x16xf32, #tpu.memory_space<vmem>>[vector<16xi32>, vector<16xi32>], vector<16xf32>,
          %add3A_271 = arith.addf %gather3A_264, %gather3A_270 : vector<16xf32>
          %get3A_272 = arith.constant 0 : i32
          %get3A_273 = arith.index_cast %get3A_272 : i32 to index
          %get3A_274 = arith.constant 144 : index
          %get3A_275 = tpu.vector_load %arg10[%get3A_273, %get3A_274] {strides = array<i32>} : memref<2x160xf32, #tpu.memory_space<vmem>>, vector<16xf32>,
          %add3A_276 = arith.addf %add3A_271, %get3A_275 : vector<16xf32>
          %mul3A_277 = arith.constant 2.000000e-01 : f32
          %mul3A_278 = vector.broadcast %mul3A_277 : f32 to vector<16xf32>
          %mul3A_279 = arith.mulf %add3A_276, %mul3A_278 : vector<16xf32>
          %max3A_280 = arith.maximumf %add3A_276, %mul3A_279 : vector<16xf32>
          %exp3A_281 = math.exp %max3A_280 : vector<16xf32>
          %swap3A_282 = arith.constant 0 : i32
          %swap3A_283 = arith.index_cast %swap3A_282 : i32 to index
          %swap3A_284 = arith.constant 64 : index
          %swap3A_285 = tpu.vector_load %arg10[%swap3A_283, %swap3A_284] {strides = array<i32>} : memref<2x160xf32, #tpu.memory_space<vmem>>, vector<16xf32>,
          tpu.vector_store %arg10[%swap3A_283, %swap3A_284], %exp3A_281 {strides = array<i32>} : memref<2x160xf32, #tpu.memory_space<vmem>>, vector<16xf32>,
          %scan3A_286 = arith.constant 0 : i32
          %scan3A_287 = arith.constant 0 : i32
          %scan3A_288 = arith.constant 80 : i32
          %scan3A_289 = arith.addi %scan3A_287, %scan3A_288 : i32
          %scan3A_290 = arith.constant 1 : i32
          %scan3A_291 = scf.for %scan3A_305 = %scan3A_287 to %scan3A_289 step %scan3A_290 iter_args(%scan3A_306 = %scan3A_286) -> (i32)  : i32 {
            %broadcast_in_dim3A_307 = vector.broadcast %scan3A_305 : i32 to vector<16xi32>
            %gather3A_308 = arith.constant 0 : i32
            %gather3A_309 = arith.constant 0 : i32
            %gather3A_310 = tpu.memref_slice %arg10[%gather3A_308, %gather3A_309] : memref<2x160xf32, #tpu.memory_space<vmem>> -> memref<1x160xf32, #tpu.memory_space<vmem>>
            %gather3A_311 = tpu.memref_squeeze %gather3A_310 : memref<1x160xf32, #tpu.memory_space<vmem>> -> memref<160xf32, #tpu.memory_space<vmem>>
            %gather3A_312 = tpu.vector_load_idx %gather3A_311[%broadcast_in_dim3A_307] : memref<160xf32, #tpu.memory_space<vmem>>[vector<16xi32>], vector<16xf32>,
            %get3A_313 = arith.constant 0 : i32
            %get3A_314 = arith.index_cast %get3A_313 : i32 to index
            %get3A_315 = arith.index_cast %scan3A_305 : i32 to index
            %get3A_316 = arith.constant 0 : index
            %get3A_317 = tpu.vector_load %arg11[%get3A_314, %get3A_315, %get3A_316] {strides = array<i32>} : memref<2x80x96xf32, #tpu.memory_space<vmem>>, vector<16xf32>,
            %mul3A_318 = arith.mulf %get3A_317, %gather3A_312 : vector<16xf32>
            %swap3A_319 = arith.constant 0 : i32
            %swap3A_320 = arith.index_cast %swap3A_319 : i32 to index
            %swap3A_321 = arith.index_cast %scan3A_305 : i32 to index
            %swap3A_322 = arith.constant 0 : index
            %swap3A_323 = tpu.vector_load %arg12[%swap3A_320, %swap3A_321, %swap3A_322] {strides = array<i32>} : memref<2x80x112xf32, #tpu.memory_space<vmem>>, vector<16xf32>,
            tpu.vector_store %arg12[%swap3A_320, %swap3A_321, %swap3A_322], %mul3A_318 {strides = array<i32>} : memref<2x80x112xf32, #tpu.memory_space<vmem>>, vector<16xf32>,
            %get3A_324 = arith.constant 0 : i32
            %get3A_325 = arith.index_cast %get3A_324 : i32 to index
            %get3A_326 = arith.index_cast %scan3A_305 : i32 to index
            %get3A_327 = arith.constant 16 : index
            %get3A_328 = tpu.vector_load %arg11[%get3A_325, %get3A_326, %get3A_327] {strides = array<i32>} : memref<2x80x96xf32, #tpu.memory_space<vmem>>, vector<16xf32>,
            %mul3A_329 = arith.mulf %get3A_328, %gather3A_312 : vector<16xf32>
            %swap3A_330 = arith.constant 0 : i32
            %swap3A_331 = arith.index_cast %swap3A_330 : i32 to index
            %swap3A_332 = arith.index_cast %scan3A_305 : i32 to index
            %swap3A_333 = arith.constant 16 : index
            %swap3A_334 = tpu.vector_load %arg12[%swap3A_331, %swap3A_332, %swap3A_333] {strides = array<i32>} : memref<2x80x112xf32, #tpu.memory_space<vmem>>, vector<16xf32>,
            tpu.vector_store %arg12[%swap3A_331, %swap3A_332, %swap3A_333], %mul3A_329 {strides = array<i32>} : memref<2x80x112xf32, #tpu.memory_space<vmem>>, vector<16xf32>,
            %get3A_335 = arith.constant 0 : i32
            %get3A_336 = arith.index_cast %get3A_335 : i32 to index
            %get3A_337 = arith.index_cast %scan3A_305 : i32 to index
            %get3A_338 = arith.constant 32 : index
            %get3A_339 = tpu.vector_load %arg11[%get3A_336, %get3A_337, %get3A_338] {strides = array<i32>} : memref<2x80x96xf32, #tpu.memory_space<vmem>>, vector<16xf32>,
            %mul3A_340 = arith.mulf %get3A_339, %gather3A_312 : vector<16xf32>
            %swap3A_341 = arith.constant 0 : i32
            %swap3A_342 = arith.index_cast %swap3A_341 : i32 to index
            %swap3A_343 = arith.index_cast %scan3A_305 : i32 to index
            %swap3A_344 = arith.constant 32 : index
            %swap3A_345 = tpu.vector_load %arg12[%swap3A_342, %swap3A_343, %swap3A_344] {strides = array<i32>} : memref<2x80x112xf32, #tpu.memory_space<vmem>>, vector<16xf32>,
            tpu.vector_store %arg12[%swap3A_342, %swap3A_343, %swap3A_344], %mul3A_340 {strides = array<i32>} : memref<2x80x112xf32, #tpu.memory_space<vmem>>, vector<16xf32>,
            %get3A_346 = arith.constant 0 : i32
            %get3A_347 = arith.index_cast %get3A_346 : i32 to index
            %get3A_348 = arith.index_cast %scan3A_305 : i32 to index
            %get3A_349 = arith.constant 48 : index
            %get3A_350 = tpu.vector_load %arg11[%get3A_347, %get3A_348, %get3A_349] {strides = array<i32>} : memref<2x80x96xf32, #tpu.memory_space<vmem>>, vector<16xf32>,
            %mul3A_351 = arith.mulf %get3A_350, %gather3A_312 : vector<16xf32>
            %swap3A_352 = arith.constant 0 : i32
            %swap3A_353 = arith.index_cast %swap3A_352 : i32 to index
            %swap3A_354 = arith.index_cast %scan3A_305 : i32 to index
            %swap3A_355 = arith.constant 48 : index
            %swap3A_356 = tpu.vector_load %arg12[%swap3A_353, %swap3A_354, %swap3A_355] {strides = array<i32>} : memref<2x80x112xf32, #tpu.memory_space<vmem>>, vector<16xf32>,
            tpu.vector_store %arg12[%swap3A_353, %swap3A_354, %swap3A_355], %mul3A_351 {strides = array<i32>} : memref<2x80x112xf32, #tpu.memory_space<vmem>>, vector<16xf32>,
            %get3A_357 = arith.constant 0 : i32
            %get3A_358 = arith.index_cast %get3A_357 : i32 to index
            %get3A_359 = arith.index_cast %scan3A_305 : i32 to index
            %get3A_360 = arith.constant 64 : index
            %get3A_361 = tpu.vector_load %arg11[%get3A_358, %get3A_359, %get3A_360] {strides = array<i32>} : memref<2x80x96xf32, #tpu.memory_space<vmem>>, vector<16xf32>,
            %mul3A_362 = arith.mulf %get3A_361, %gather3A_312 : vector<16xf32>
            %swap3A_363 = arith.constant 0 : i32
            %swap3A_364 = arith.index_cast %swap3A_363 : i32 to index
            %swap3A_365 = arith.index_cast %scan3A_305 : i32 to index
            %swap3A_366 = arith.constant 64 : index
            %swap3A_367 = tpu.vector_load %arg12[%swap3A_364, %swap3A_365, %swap3A_366] {strides = array<i32>} : memref<2x80x112xf32, #tpu.memory_space<vmem>>, vector<16xf32>,
            tpu.vector_store %arg12[%swap3A_364, %swap3A_365, %swap3A_366], %mul3A_362 {strides = array<i32>} : memref<2x80x112xf32, #tpu.memory_space<vmem>>, vector<16xf32>,
            %get3A_368 = arith.constant 0 : i32
            %get3A_369 = arith.index_cast %get3A_368 : i32 to index
            %get3A_370 = arith.index_cast %scan3A_305 : i32 to index
            %get3A_371 = arith.constant 80 : index
            %get3A_372 = tpu.vector_load %arg11[%get3A_369, %get3A_370, %get3A_371] {strides = array<i32>} : memref<2x80x96xf32, #tpu.memory_space<vmem>>, vector<16xf32>,
            %mul3A_373 = arith.mulf %get3A_372, %gather3A_312 : vector<16xf32>
            %swap3A_374 = arith.constant 0 : i32
            %swap3A_375 = arith.index_cast %swap3A_374 : i32 to index
            %swap3A_376 = arith.index_cast %scan3A_305 : i32 to index
            %swap3A_377 = arith.constant 80 : index
            %swap3A_378 = tpu.vector_load %arg12[%swap3A_375, %swap3A_376, %swap3A_377] {strides = array<i32>} : memref<2x80x112xf32, #tpu.memory_space<vmem>>, vector<16xf32>,
            tpu.vector_store %arg12[%swap3A_375, %swap3A_376, %swap3A_377], %mul3A_373 {strides = array<i32>} : memref<2x80x112xf32, #tpu.memory_space<vmem>>, vector<16xf32>,
            %add3A_379 = arith.constant 80 : i32
            %add3A_380 = arith.addi %add3A_379, %scan3A_305 : i32
            %broadcast_in_dim3A_381 = vector.broadcast %add3A_380 : i32 to vector<16xi32>
            %gather3A_382 = arith.constant 0 : i32
            %gather3A_383 = arith.constant 0 : i32
            %gather3A_384 = tpu.memref_slice %arg10[%gather3A_382, %gather3A_383] : memref<2x160xf32, #tpu.memory_space<vmem>> -> memref<1x160xf32, #tpu.memory_space<vmem>>
            %gather3A_385 = tpu.memref_squeeze %gather3A_384 : memref<1x160xf32, #tpu.memory_space<vmem>> -> memref<160xf32, #tpu.memory_space<vmem>>
            %gather3A_386 = tpu.vector_load_idx %gather3A_385[%broadcast_in_dim3A_381] : memref<160xf32, #tpu.memory_space<vmem>>[vector<16xi32>], vector<16xf32>,
            %eq3A_387 = arith.constant 0 : i32
            %eq3A_388 = vector.broadcast %eq3A_387 : i32 to vector<16xi32>
            %eq3A_389 = arith.cmpi eq, %iota3A, %eq3A_388 : vector<16xi32>
            %eq3A_390 = arith.constant 1 : i32
            %eq3A_391 = vector.broadcast %eq3A_390 : i32 to vector<16xi32>
            %eq3A_392 = arith.cmpi eq, %iota3A, %eq3A_391 : vector<16xi32>
            %eq3A_393 = arith.constant 2 : i32
            %eq3A_394 = vector.broadcast %eq3A_393 : i32 to vector<16xi32>
            %eq3A_395 = arith.cmpi eq, %iota3A, %eq3A_394 : vector<16xi32>
            %jit3A = arith.constant 1.000000e+00 : f32
            %jit3A_396 = arith.constant 0.000000e+00 : f32
            %broadcast_in_dim3A_397 = vector.broadcast %jit3A : f32 to vector<16xf32>
            %broadcast_in_dim3A_398 = vector.broadcast %jit3A_396 : f32 to vector<16xf32>
            %select_n3A = arith.select %eq3A_395, %broadcast_in_dim3A_397, %broadcast_in_dim3A_398 : vector<16xi1>, vector<16xf32>
            %select_n3A_399 = arith.select %eq3A_392, %gather3A_386, %select_n3A : vector<16xi1>, vector<16xf32>
            %select_n3A_400 = arith.select %eq3A_389, %gather3A_312, %select_n3A_399 : vector<16xi1>, vector<16xf32>
            %swap3A_401 = arith.constant 0 : i32
            %swap3A_402 = arith.index_cast %swap3A_401 : i32 to index
            %swap3A_403 = arith.index_cast %scan3A_305 : i32 to index
            %swap3A_404 = arith.constant 96 : index
            %swap3A_405 = tpu.vector_load %arg12[%swap3A_402, %swap3A_403, %swap3A_404] {strides = array<i32>} : memref<2x80x112xf32, #tpu.memory_space<vmem>>, vector<16xf32>,
            tpu.vector_store %arg12[%swap3A_402, %swap3A_403, %swap3A_404], %select_n3A_400 {strides = array<i32>} : memref<2x80x112xf32, #tpu.memory_space<vmem>>, vector<16xf32>,
            %scan3A_406 = arith.constant 0 : i32
            scf.yield %scan3A_406 : i32
          }
          %scan3A_292 = arith.constant 80 : i32
          %dma_start3A_293 = arith.constant 0 : i32
          %dma_start3A_294 = arith.constant 0 : i32
          %dma_start3A_295 = arith.constant 0 : i32
          %dma_start3A_296 = arith.constant 0 : i32
          %dma_start3A_297 = tpu.memref_slice %arg12[%dma_start3A_293, %dma_start3A_295, %dma_start3A_296] : memref<2x80x112xf32, #tpu.memory_space<vmem>> -> memref<1x80x112xf32, #tpu.memory_space<vmem>>
          %dma_start3A_298 = tpu.memref_squeeze %dma_start3A_297 : memref<1x80x112xf32, #tpu.memory_space<vmem>> -> memref<80x112xf32, #tpu.memory_space<vmem>>
          %dma_start3A_299 = arith.constant 0 : i32
          %dma_start3A_300 = tpu.memref_slice %arg9[%dma_start3A_294, %dma_start3A_299] : memref<2x80xi32, #tpu.memory_space<vmem>> -> memref<1x80xi32, #tpu.memory_space<vmem>>
          %dma_start3A_301 = tpu.memref_squeeze %dma_start3A_300 : memref<1x80xi32, #tpu.memory_space<vmem>> -> memref<80xi32, #tpu.memory_space<vmem>>
          %dma_start3A_302 = arith.constant 0 : i32
          %dma_start3A_303 = arith.constant 0 : i32
          %dma_start3A_304 = tpu.memref_slice %arg15[%dma_start3A_302, %dma_start3A_303] : memref<10000x112xf32, #tpu.memory_space<vmem_shared>> -> memref<10000x112xf32, #tpu.memory_space<vmem_shared>>
          tpu.enqueue_indirect_dma source(%dma_start3A_298 : memref<80x112xf32, #tpu.memory_space<vmem>>) target(%dma_start3A_304 : memref<10000x112xf32, #tpu.memory_space<vmem_shared>>) offsets(%dma_start3A_301 : memref<80xi32, #tpu.memory_space<vmem>>) semaphore(%arg21 : memref<!tpu.dma_semaphore, #tpu.memory_space<semaphore_mem>>) {add = true}
        } else {
        }
        %rem3A_98 = arith.constant 2 : i32
        %rem3A_99 = arith.remsi %sub3A_92, %rem3A_98 : i32
        %eq3A_100 = arith.constant 1 : i32
        %eq3A_101 = arith.cmpi eq, %rem3A_99, %eq3A_100 : i32
        %convert_element_type3A_102 = arith.extui %eq3A_101 : i1 to i32
        %cond3A_103 = arith.constant 0 : i32
        %cond3A_104 = arith.cmpi ne, %convert_element_type3A_102, %cond3A_103 : i32
        scf.if %cond3A_104 {
          %dma_wait3A_105 = arith.constant 1 : i32
          %dma_wait3A_106 = arith.constant 1 : i32
          %dma_wait3A_107 = arith.constant 0 : i32
          %dma_wait3A_108 = arith.constant 0 : i32
          %dma_wait3A_109 = tpu.memref_slice %arg11[%dma_wait3A_106, %dma_wait3A_107, %dma_wait3A_108] : memref<2x80x96xf32, #tpu.memory_space<vmem>> -> memref<1x80x96xf32, #tpu.memory_space<vmem>>
          %dma_wait3A_110 = tpu.memref_squeeze %dma_wait3A_109 : memref<1x80x96xf32, #tpu.memory_space<vmem>> -> memref<80x96xf32, #tpu.memory_space<vmem>>
          %dma_wait3A_111 = arith.constant 0 : i32
          %dma_wait3A_112 = tpu.memref_slice %arg7[%dma_wait3A_105, %dma_wait3A_111] : memref<2x80xi32, #tpu.memory_space<vmem>> -> memref<1x80xi32, #tpu.memory_space<vmem>>
          %dma_wait3A_113 = tpu.memref_squeeze %dma_wait3A_112 : memref<1x80xi32, #tpu.memory_space<vmem>> -> memref<80xi32, #tpu.memory_space<vmem>>
          %dma_wait3A_114 = arith.constant 0 : i32
          %dma_wait3A_115 = arith.constant 0 : i32
          %dma_wait3A_116 = tpu.memref_slice %arg3[%dma_wait3A_114, %dma_wait3A_115] : memref<40000x96xf32, #tpu.memory_space<hbm>> -> memref<40000x96xf32, #tpu.memory_space<hbm>>
          tpu.wait_indirect_dma semaphore(%arg18 : memref<!tpu.dma_semaphore, #tpu.memory_space<semaphore_mem>>) src(%dma_wait3A_116 : memref<40000x96xf32, #tpu.memory_space<hbm>>) dst(%dma_wait3A_110 : memref<80x96xf32, #tpu.memory_space<vmem>>)
          %dma_wait3A_117 = arith.constant 1 : i32
          %dma_wait3A_118 = arith.constant 1 : i32
          %dma_wait3A_119 = arith.constant 0 : i32
          %dma_wait3A_120 = arith.constant 0 : i32
          %dma_wait3A_121 = tpu.memref_slice %arg13[%dma_wait3A_118, %dma_wait3A_119, %dma_wait3A_120] : memref<2x80x16xf32, #tpu.memory_space<vmem>> -> memref<1x80x16xf32, #tpu.memory_space<vmem>>
          %dma_wait3A_122 = tpu.memref_squeeze %dma_wait3A_121 : memref<1x80x16xf32, #tpu.memory_space<vmem>> -> memref<80x16xf32, #tpu.memory_space<vmem>>
          %dma_wait3A_123 = arith.constant 0 : i32
          %dma_wait3A_124 = tpu.memref_slice %arg8[%dma_wait3A_117, %dma_wait3A_123] : memref<2x80xi32, #tpu.memory_space<vmem>> -> memref<1x80xi32, #tpu.memory_space<vmem>>
          %dma_wait3A_125 = tpu.memref_squeeze %dma_wait3A_124 : memref<1x80xi32, #tpu.memory_space<vmem>> -> memref<80xi32, #tpu.memory_space<vmem>>
          %dma_wait3A_126 = arith.constant 0 : i32
          %dma_wait3A_127 = arith.constant 0 : i32
          %dma_wait3A_128 = tpu.memref_slice %arg4[%dma_wait3A_126, %dma_wait3A_127] : memref<10000x16xf32, #tpu.memory_space<hbm>> -> memref<10000x16xf32, #tpu.memory_space<hbm>>
          tpu.wait_indirect_dma semaphore(%arg20 : memref<!tpu.dma_semaphore, #tpu.memory_space<semaphore_mem>>) src(%dma_wait3A_128 : memref<10000x16xf32, #tpu.memory_space<hbm>>) dst(%dma_wait3A_122 : memref<80x16xf32, #tpu.memory_space<vmem>>)
          %dma_wait3A_129 = arith.constant 1 : i32
          %dma_wait3A_130 = arith.constant 1 : i32
          %dma_wait3A_131 = arith.constant 0 : i32
          %dma_wait3A_132 = arith.constant 0 : i32
          %dma_wait3A_133 = tpu.memref_slice %arg14[%dma_wait3A_130, %dma_wait3A_131, %dma_wait3A_132] : memref<2x80x16xf32, #tpu.memory_space<vmem>> -> memref<1x80x16xf32, #tpu.memory_space<vmem>>
          %dma_wait3A_134 = tpu.memref_squeeze %dma_wait3A_133 : memref<1x80x16xf32, #tpu.memory_space<vmem>> -> memref<80x16xf32, #tpu.memory_space<vmem>>
          %dma_wait3A_135 = arith.constant 0 : i32
          %dma_wait3A_136 = tpu.memref_slice %arg9[%dma_wait3A_129, %dma_wait3A_135] : memref<2x80xi32, #tpu.memory_space<vmem>> -> memref<1x80xi32, #tpu.memory_space<vmem>>
          %dma_wait3A_137 = tpu.memref_squeeze %dma_wait3A_136 : memref<1x80xi32, #tpu.memory_space<vmem>> -> memref<80xi32, #tpu.memory_space<vmem>>
          %dma_wait3A_138 = arith.constant 0 : i32
          %dma_wait3A_139 = arith.constant 0 : i32
          %dma_wait3A_140 = tpu.memref_slice %arg4[%dma_wait3A_138, %dma_wait3A_139] : memref<10000x16xf32, #tpu.memory_space<hbm>> -> memref<10000x16xf32, #tpu.memory_space<hbm>>
          tpu.wait_indirect_dma semaphore(%arg20 : memref<!tpu.dma_semaphore, #tpu.memory_space<semaphore_mem>>) src(%dma_wait3A_140 : memref<10000x16xf32, #tpu.memory_space<hbm>>) dst(%dma_wait3A_134 : memref<80x16xf32, #tpu.memory_space<vmem>>)
          %add3A_141 = arith.constant 0 : i32
          %add3A_142 = vector.broadcast %add3A_141 : i32 to vector<16xi32>
          %add3A_143 = arith.addi %add3A_142, %iota3A : vector<16xi32>
          %gather3A = arith.constant 1 : i32
          %gather3A_144 = arith.constant 0 : i32
          %gather3A_145 = arith.constant 0 : i32
          %gather3A_146 = tpu.memref_slice %arg13[%gather3A, %gather3A_144, %gather3A_145] : memref<2x80x16xf32, #tpu.memory_space<vmem>> -> memref<1x80x16xf32, #tpu.memory_space<vmem>>
          %gather3A_147 = tpu.memref_squeeze %gather3A_146 : memref<1x80x16xf32, #tpu.memory_space<vmem>> -> memref<80x16xf32, #tpu.memory_space<vmem>>
          %gather3A_148 = tpu.vector_load_idx %gather3A_147[%add3A_143, %broadcast_in_dim3A_1] : memref<80x16xf32, #tpu.memory_space<vmem>>[vector<16xi32>, vector<16xi32>], vector<16xf32>,
          %gather3A_149 = arith.constant 1 : i32
          %gather3A_150 = arith.constant 0 : i32
          %gather3A_151 = arith.constant 0 : i32
          %gather3A_152 = tpu.memref_slice %arg14[%gather3A_149, %gather3A_150, %gather3A_151] : memref<2x80x16xf32, #tpu.memory_space<vmem>> -> memref<1x80x16xf32, #tpu.memory_space<vmem>>
          %gather3A_153 = tpu.memref_squeeze %gather3A_152 : memref<1x80x16xf32, #tpu.memory_space<vmem>> -> memref<80x16xf32, #tpu.memory_space<vmem>>
          %gather3A_154 = tpu.vector_load_idx %gather3A_153[%add3A_143, %add3A_4] : memref<80x16xf32, #tpu.memory_space<vmem>>[vector<16xi32>, vector<16xi32>], vector<16xf32>,
          %add3A_155 = arith.addf %gather3A_148, %gather3A_154 : vector<16xf32>
          %get3A = arith.constant 1 : i32
          %get3A_156 = arith.index_cast %get3A : i32 to index
          %get3A_157 = arith.constant 80 : index
          %get3A_158 = tpu.vector_load %arg10[%get3A_156, %get3A_157] {strides = array<i32>} : memref<2x160xf32, #tpu.memory_space<vmem>>, vector<16xf32>,
          %add3A_159 = arith.addf %add3A_155, %get3A_158 : vector<16xf32>
          %mul3A_160 = arith.constant 2.000000e-01 : f32
          %mul3A_161 = vector.broadcast %mul3A_160 : f32 to vector<16xf32>
          %mul3A_162 = arith.mulf %add3A_159, %mul3A_161 : vector<16xf32>
          %max3A = arith.maximumf %add3A_159, %mul3A_162 : vector<16xf32>
          %exp3A = math.exp %max3A : vector<16xf32>
          %swap3A = arith.constant 1 : i32
          %swap3A_163 = arith.index_cast %swap3A : i32 to index
          %swap3A_164 = arith.constant 0 : index
          %swap3A_165 = tpu.vector_load %arg10[%swap3A_163, %swap3A_164] {strides = array<i32>} : memref<2x160xf32, #tpu.memory_space<vmem>>, vector<16xf32>,
          tpu.vector_store %arg10[%swap3A_163, %swap3A_164], %exp3A {strides = array<i32>} : memref<2x160xf32, #tpu.memory_space<vmem>>, vector<16xf32>,
          %add3A_166 = arith.constant 16 : i32
          %add3A_167 = vector.broadcast %add3A_166 : i32 to vector<16xi32>
          %add3A_168 = arith.addi %add3A_167, %iota3A : vector<16xi32>
          %gather3A_169 = arith.constant 1 : i32
          %gather3A_170 = arith.constant 0 : i32
          %gather3A_171 = arith.constant 0 : i32
          %gather3A_172 = tpu.memref_slice %arg13[%gather3A_169, %gather3A_170, %gather3A_171] : memref<2x80x16xf32, #tpu.memory_space<vmem>> -> memref<1x80x16xf32, #tpu.memory_space<vmem>>
          %gather3A_173 = tpu.memref_squeeze %gather3A_172 : memref<1x80x16xf32, #tpu.memory_space<vmem>> -> memref<80x16xf32, #tpu.memory_space<vmem>>
          %gather3A_174 = tpu.vector_load_idx %gather3A_173[%add3A_168, %broadcast_in_dim3A_1] : memref<80x16xf32, #tpu.memory_space<vmem>>[vector<16xi32>, vector<16xi32>], vector<16xf32>,
          %gather3A_175 = arith.constant 1 : i32
          %gather3A_176 = arith.constant 0 : i32
          %gather3A_177 = arith.constant 0 : i32
          %gather3A_178 = tpu.memref_slice %arg14[%gather3A_175, %gather3A_176, %gather3A_177] : memref<2x80x16xf32, #tpu.memory_space<vmem>> -> memref<1x80x16xf32, #tpu.memory_space<vmem>>
          %gather3A_179 = tpu.memref_squeeze %gather3A_178 : memref<1x80x16xf32, #tpu.memory_space<vmem>> -> memref<80x16xf32, #tpu.memory_space<vmem>>
          %gather3A_180 = tpu.vector_load_idx %gather3A_179[%add3A_168, %add3A_4] : memref<80x16xf32, #tpu.memory_space<vmem>>[vector<16xi32>, vector<16xi32>], vector<16xf32>,
          %add3A_181 = arith.addf %gather3A_174, %gather3A_180 : vector<16xf32>
          %get3A_182 = arith.constant 1 : i32
          %get3A_183 = arith.index_cast %get3A_182 : i32 to index
          %get3A_184 = arith.constant 96 : index
          %get3A_185 = tpu.vector_load %arg10[%get3A_183, %get3A_184] {strides = array<i32>} : memref<2x160xf32, #tpu.memory_space<vmem>>, vector<16xf32>,
          %add3A_186 = arith.addf %add3A_181, %get3A_185 : vector<16xf32>
          %mul3A_187 = arith.constant 2.000000e-01 : f32
          %mul3A_188 = vector.broadcast %mul3A_187 : f32 to vector<16xf32>
          %mul3A_189 = arith.mulf %add3A_186, %mul3A_188 : vector<16xf32>
          %max3A_190 = arith.maximumf %add3A_186, %mul3A_189 : vector<16xf32>
          %exp3A_191 = math.exp %max3A_190 : vector<16xf32>
          %swap3A_192 = arith.constant 1 : i32
          %swap3A_193 = arith.index_cast %swap3A_192 : i32 to index
          %swap3A_194 = arith.constant 16 : index
          %swap3A_195 = tpu.vector_load %arg10[%swap3A_193, %swap3A_194] {strides = array<i32>} : memref<2x160xf32, #tpu.memory_space<vmem>>, vector<16xf32>,
          tpu.vector_store %arg10[%swap3A_193, %swap3A_194], %exp3A_191 {strides = array<i32>} : memref<2x160xf32, #tpu.memory_space<vmem>>, vector<16xf32>,
          %add3A_196 = arith.constant 32 : i32
          %add3A_197 = vector.broadcast %add3A_196 : i32 to vector<16xi32>
          %add3A_198 = arith.addi %add3A_197, %iota3A : vector<16xi32>
          %gather3A_199 = arith.constant 1 : i32
          %gather3A_200 = arith.constant 0 : i32
          %gather3A_201 = arith.constant 0 : i32
          %gather3A_202 = tpu.memref_slice %arg13[%gather3A_199, %gather3A_200, %gather3A_201] : memref<2x80x16xf32, #tpu.memory_space<vmem>> -> memref<1x80x16xf32, #tpu.memory_space<vmem>>
          %gather3A_203 = tpu.memref_squeeze %gather3A_202 : memref<1x80x16xf32, #tpu.memory_space<vmem>> -> memref<80x16xf32, #tpu.memory_space<vmem>>
          %gather3A_204 = tpu.vector_load_idx %gather3A_203[%add3A_198, %broadcast_in_dim3A_1] : memref<80x16xf32, #tpu.memory_space<vmem>>[vector<16xi32>, vector<16xi32>], vector<16xf32>,
          %gather3A_205 = arith.constant 1 : i32
          %gather3A_206 = arith.constant 0 : i32
          %gather3A_207 = arith.constant 0 : i32
          %gather3A_208 = tpu.memref_slice %arg14[%gather3A_205, %gather3A_206, %gather3A_207] : memref<2x80x16xf32, #tpu.memory_space<vmem>> -> memref<1x80x16xf32, #tpu.memory_space<vmem>>
          %gather3A_209 = tpu.memref_squeeze %gather3A_208 : memref<1x80x16xf32, #tpu.memory_space<vmem>> -> memref<80x16xf32, #tpu.memory_space<vmem>>
          %gather3A_210 = tpu.vector_load_idx %gather3A_209[%add3A_198, %add3A_4] : memref<80x16xf32, #tpu.memory_space<vmem>>[vector<16xi32>, vector<16xi32>], vector<16xf32>,
          %add3A_211 = arith.addf %gather3A_204, %gather3A_210 : vector<16xf32>
          %get3A_212 = arith.constant 1 : i32
          %get3A_213 = arith.index_cast %get3A_212 : i32 to index
          %get3A_214 = arith.constant 112 : index
          %get3A_215 = tpu.vector_load %arg10[%get3A_213, %get3A_214] {strides = array<i32>} : memref<2x160xf32, #tpu.memory_space<vmem>>, vector<16xf32>,
          %add3A_216 = arith.addf %add3A_211, %get3A_215 : vector<16xf32>
          %mul3A_217 = arith.constant 2.000000e-01 : f32
          %mul3A_218 = vector.broadcast %mul3A_217 : f32 to vector<16xf32>
          %mul3A_219 = arith.mulf %add3A_216, %mul3A_218 : vector<16xf32>
          %max3A_220 = arith.maximumf %add3A_216, %mul3A_219 : vector<16xf32>
          %exp3A_221 = math.exp %max3A_220 : vector<16xf32>
          %swap3A_222 = arith.constant 1 : i32
          %swap3A_223 = arith.index_cast %swap3A_222 : i32 to index
          %swap3A_224 = arith.constant 32 : index
          %swap3A_225 = tpu.vector_load %arg10[%swap3A_223, %swap3A_224] {strides = array<i32>} : memref<2x160xf32, #tpu.memory_space<vmem>>, vector<16xf32>,
          tpu.vector_store %arg10[%swap3A_223, %swap3A_224], %exp3A_221 {strides = array<i32>} : memref<2x160xf32, #tpu.memory_space<vmem>>, vector<16xf32>,
          %add3A_226 = arith.constant 48 : i32
          %add3A_227 = vector.broadcast %add3A_226 : i32 to vector<16xi32>
          %add3A_228 = arith.addi %add3A_227, %iota3A : vector<16xi32>
          %gather3A_229 = arith.constant 1 : i32
          %gather3A_230 = arith.constant 0 : i32
          %gather3A_231 = arith.constant 0 : i32
          %gather3A_232 = tpu.memref_slice %arg13[%gather3A_229, %gather3A_230, %gather3A_231] : memref<2x80x16xf32, #tpu.memory_space<vmem>> -> memref<1x80x16xf32, #tpu.memory_space<vmem>>
          %gather3A_233 = tpu.memref_squeeze %gather3A_232 : memref<1x80x16xf32, #tpu.memory_space<vmem>> -> memref<80x16xf32, #tpu.memory_space<vmem>>
          %gather3A_234 = tpu.vector_load_idx %gather3A_233[%add3A_228, %broadcast_in_dim3A_1] : memref<80x16xf32, #tpu.memory_space<vmem>>[vector<16xi32>, vector<16xi32>], vector<16xf32>,
          %gather3A_235 = arith.constant 1 : i32
          %gather3A_236 = arith.constant 0 : i32
          %gather3A_237 = arith.constant 0 : i32
          %gather3A_238 = tpu.memref_slice %arg14[%gather3A_235, %gather3A_236, %gather3A_237] : memref<2x80x16xf32, #tpu.memory_space<vmem>> -> memref<1x80x16xf32, #tpu.memory_space<vmem>>
          %gather3A_239 = tpu.memref_squeeze %gather3A_238 : memref<1x80x16xf32, #tpu.memory_space<vmem>> -> memref<80x16xf32, #tpu.memory_space<vmem>>
          %gather3A_240 = tpu.vector_load_idx %gather3A_239[%add3A_228, %add3A_4] : memref<80x16xf32, #tpu.memory_space<vmem>>[vector<16xi32>, vector<16xi32>], vector<16xf32>,
          %add3A_241 = arith.addf %gather3A_234, %gather3A_240 : vector<16xf32>
          %get3A_242 = arith.constant 1 : i32
          %get3A_243 = arith.index_cast %get3A_242 : i32 to index
          %get3A_244 = arith.constant 128 : index
          %get3A_245 = tpu.vector_load %arg10[%get3A_243, %get3A_244] {strides = array<i32>} : memref<2x160xf32, #tpu.memory_space<vmem>>, vector<16xf32>,
          %add3A_246 = arith.addf %add3A_241, %get3A_245 : vector<16xf32>
          %mul3A_247 = arith.constant 2.000000e-01 : f32
          %mul3A_248 = vector.broadcast %mul3A_247 : f32 to vector<16xf32>
          %mul3A_249 = arith.mulf %add3A_246, %mul3A_248 : vector<16xf32>
          %max3A_250 = arith.maximumf %add3A_246, %mul3A_249 : vector<16xf32>
          %exp3A_251 = math.exp %max3A_250 : vector<16xf32>
          %swap3A_252 = arith.constant 1 : i32
          %swap3A_253 = arith.index_cast %swap3A_252 : i32 to index
          %swap3A_254 = arith.constant 48 : index
          %swap3A_255 = tpu.vector_load %arg10[%swap3A_253, %swap3A_254] {strides = array<i32>} : memref<2x160xf32, #tpu.memory_space<vmem>>, vector<16xf32>,
          tpu.vector_store %arg10[%swap3A_253, %swap3A_254], %exp3A_251 {strides = array<i32>} : memref<2x160xf32, #tpu.memory_space<vmem>>, vector<16xf32>,
          %add3A_256 = arith.constant 64 : i32
          %add3A_257 = vector.broadcast %add3A_256 : i32 to vector<16xi32>
          %add3A_258 = arith.addi %add3A_257, %iota3A : vector<16xi32>
          %gather3A_259 = arith.constant 1 : i32
          %gather3A_260 = arith.constant 0 : i32
          %gather3A_261 = arith.constant 0 : i32
          %gather3A_262 = tpu.memref_slice %arg13[%gather3A_259, %gather3A_260, %gather3A_261] : memref<2x80x16xf32, #tpu.memory_space<vmem>> -> memref<1x80x16xf32, #tpu.memory_space<vmem>>
          %gather3A_263 = tpu.memref_squeeze %gather3A_262 : memref<1x80x16xf32, #tpu.memory_space<vmem>> -> memref<80x16xf32, #tpu.memory_space<vmem>>
          %gather3A_264 = tpu.vector_load_idx %gather3A_263[%add3A_258, %broadcast_in_dim3A_1] : memref<80x16xf32, #tpu.memory_space<vmem>>[vector<16xi32>, vector<16xi32>], vector<16xf32>,
          %gather3A_265 = arith.constant 1 : i32
          %gather3A_266 = arith.constant 0 : i32
          %gather3A_267 = arith.constant 0 : i32
          %gather3A_268 = tpu.memref_slice %arg14[%gather3A_265, %gather3A_266, %gather3A_267] : memref<2x80x16xf32, #tpu.memory_space<vmem>> -> memref<1x80x16xf32, #tpu.memory_space<vmem>>
          %gather3A_269 = tpu.memref_squeeze %gather3A_268 : memref<1x80x16xf32, #tpu.memory_space<vmem>> -> memref<80x16xf32, #tpu.memory_space<vmem>>
          %gather3A_270 = tpu.vector_load_idx %gather3A_269[%add3A_258, %add3A_4] : memref<80x16xf32, #tpu.memory_space<vmem>>[vector<16xi32>, vector<16xi32>], vector<16xf32>,
          %add3A_271 = arith.addf %gather3A_264, %gather3A_270 : vector<16xf32>
          %get3A_272 = arith.constant 1 : i32
          %get3A_273 = arith.index_cast %get3A_272 : i32 to index
          %get3A_274 = arith.constant 144 : index
          %get3A_275 = tpu.vector_load %arg10[%get3A_273, %get3A_274] {strides = array<i32>} : memref<2x160xf32, #tpu.memory_space<vmem>>, vector<16xf32>,
          %add3A_276 = arith.addf %add3A_271, %get3A_275 : vector<16xf32>
          %mul3A_277 = arith.constant 2.000000e-01 : f32
          %mul3A_278 = vector.broadcast %mul3A_277 : f32 to vector<16xf32>
          %mul3A_279 = arith.mulf %add3A_276, %mul3A_278 : vector<16xf32>
          %max3A_280 = arith.maximumf %add3A_276, %mul3A_279 : vector<16xf32>
          %exp3A_281 = math.exp %max3A_280 : vector<16xf32>
          %swap3A_282 = arith.constant 1 : i32
          %swap3A_283 = arith.index_cast %swap3A_282 : i32 to index
          %swap3A_284 = arith.constant 64 : index
          %swap3A_285 = tpu.vector_load %arg10[%swap3A_283, %swap3A_284] {strides = array<i32>} : memref<2x160xf32, #tpu.memory_space<vmem>>, vector<16xf32>,
          tpu.vector_store %arg10[%swap3A_283, %swap3A_284], %exp3A_281 {strides = array<i32>} : memref<2x160xf32, #tpu.memory_space<vmem>>, vector<16xf32>,
          %scan3A_286 = arith.constant 0 : i32
          %scan3A_287 = arith.constant 0 : i32
          %scan3A_288 = arith.constant 80 : i32
          %scan3A_289 = arith.addi %scan3A_287, %scan3A_288 : i32
          %scan3A_290 = arith.constant 1 : i32
          %scan3A_291 = scf.for %scan3A_305 = %scan3A_287 to %scan3A_289 step %scan3A_290 iter_args(%scan3A_306 = %scan3A_286) -> (i32)  : i32 {
            %broadcast_in_dim3A_307 = vector.broadcast %scan3A_305 : i32 to vector<16xi32>
            %gather3A_308 = arith.constant 1 : i32
            %gather3A_309 = arith.constant 0 : i32
            %gather3A_310 = tpu.memref_slice %arg10[%gather3A_308, %gather3A_309] : memref<2x160xf32, #tpu.memory_space<vmem>> -> memref<1x160xf32, #tpu.memory_space<vmem>>
            %gather3A_311 = tpu.memref_squeeze %gather3A_310 : memref<1x160xf32, #tpu.memory_space<vmem>> -> memref<160xf32, #tpu.memory_space<vmem>>
            %gather3A_312 = tpu.vector_load_idx %gather3A_311[%broadcast_in_dim3A_307] : memref<160xf32, #tpu.memory_space<vmem>>[vector<16xi32>], vector<16xf32>,
            %get3A_313 = arith.constant 1 : i32
            %get3A_314 = arith.index_cast %get3A_313 : i32 to index
            %get3A_315 = arith.index_cast %scan3A_305 : i32 to index
            %get3A_316 = arith.constant 0 : index
            %get3A_317 = tpu.vector_load %arg11[%get3A_314, %get3A_315, %get3A_316] {strides = array<i32>} : memref<2x80x96xf32, #tpu.memory_space<vmem>>, vector<16xf32>,
            %mul3A_318 = arith.mulf %get3A_317, %gather3A_312 : vector<16xf32>
            %swap3A_319 = arith.constant 1 : i32
            %swap3A_320 = arith.index_cast %swap3A_319 : i32 to index
            %swap3A_321 = arith.index_cast %scan3A_305 : i32 to index
            %swap3A_322 = arith.constant 0 : index
            %swap3A_323 = tpu.vector_load %arg12[%swap3A_320, %swap3A_321, %swap3A_322] {strides = array<i32>} : memref<2x80x112xf32, #tpu.memory_space<vmem>>, vector<16xf32>,
            tpu.vector_store %arg12[%swap3A_320, %swap3A_321, %swap3A_322], %mul3A_318 {strides = array<i32>} : memref<2x80x112xf32, #tpu.memory_space<vmem>>, vector<16xf32>,
            %get3A_324 = arith.constant 1 : i32
            %get3A_325 = arith.index_cast %get3A_324 : i32 to index
            %get3A_326 = arith.index_cast %scan3A_305 : i32 to index
            %get3A_327 = arith.constant 16 : index
            %get3A_328 = tpu.vector_load %arg11[%get3A_325, %get3A_326, %get3A_327] {strides = array<i32>} : memref<2x80x96xf32, #tpu.memory_space<vmem>>, vector<16xf32>,
            %mul3A_329 = arith.mulf %get3A_328, %gather3A_312 : vector<16xf32>
            %swap3A_330 = arith.constant 1 : i32
            %swap3A_331 = arith.index_cast %swap3A_330 : i32 to index
            %swap3A_332 = arith.index_cast %scan3A_305 : i32 to index
            %swap3A_333 = arith.constant 16 : index
            %swap3A_334 = tpu.vector_load %arg12[%swap3A_331, %swap3A_332, %swap3A_333] {strides = array<i32>} : memref<2x80x112xf32, #tpu.memory_space<vmem>>, vector<16xf32>,
            tpu.vector_store %arg12[%swap3A_331, %swap3A_332, %swap3A_333], %mul3A_329 {strides = array<i32>} : memref<2x80x112xf32, #tpu.memory_space<vmem>>, vector<16xf32>,
            %get3A_335 = arith.constant 1 : i32
            %get3A_336 = arith.index_cast %get3A_335 : i32 to index
            %get3A_337 = arith.index_cast %scan3A_305 : i32 to index
            %get3A_338 = arith.constant 32 : index
            %get3A_339 = tpu.vector_load %arg11[%get3A_336, %get3A_337, %get3A_338] {strides = array<i32>} : memref<2x80x96xf32, #tpu.memory_space<vmem>>, vector<16xf32>,
            %mul3A_340 = arith.mulf %get3A_339, %gather3A_312 : vector<16xf32>
            %swap3A_341 = arith.constant 1 : i32
            %swap3A_342 = arith.index_cast %swap3A_341 : i32 to index
            %swap3A_343 = arith.index_cast %scan3A_305 : i32 to index
            %swap3A_344 = arith.constant 32 : index
            %swap3A_345 = tpu.vector_load %arg12[%swap3A_342, %swap3A_343, %swap3A_344] {strides = array<i32>} : memref<2x80x112xf32, #tpu.memory_space<vmem>>, vector<16xf32>,
            tpu.vector_store %arg12[%swap3A_342, %swap3A_343, %swap3A_344], %mul3A_340 {strides = array<i32>} : memref<2x80x112xf32, #tpu.memory_space<vmem>>, vector<16xf32>,
            %get3A_346 = arith.constant 1 : i32
            %get3A_347 = arith.index_cast %get3A_346 : i32 to index
            %get3A_348 = arith.index_cast %scan3A_305 : i32 to index
            %get3A_349 = arith.constant 48 : index
            %get3A_350 = tpu.vector_load %arg11[%get3A_347, %get3A_348, %get3A_349] {strides = array<i32>} : memref<2x80x96xf32, #tpu.memory_space<vmem>>, vector<16xf32>,
            %mul3A_351 = arith.mulf %get3A_350, %gather3A_312 : vector<16xf32>
            %swap3A_352 = arith.constant 1 : i32
            %swap3A_353 = arith.index_cast %swap3A_352 : i32 to index
            %swap3A_354 = arith.index_cast %scan3A_305 : i32 to index
            %swap3A_355 = arith.constant 48 : index
            %swap3A_356 = tpu.vector_load %arg12[%swap3A_353, %swap3A_354, %swap3A_355] {strides = array<i32>} : memref<2x80x112xf32, #tpu.memory_space<vmem>>, vector<16xf32>,
            tpu.vector_store %arg12[%swap3A_353, %swap3A_354, %swap3A_355], %mul3A_351 {strides = array<i32>} : memref<2x80x112xf32, #tpu.memory_space<vmem>>, vector<16xf32>,
            %get3A_357 = arith.constant 1 : i32
            %get3A_358 = arith.index_cast %get3A_357 : i32 to index
            %get3A_359 = arith.index_cast %scan3A_305 : i32 to index
            %get3A_360 = arith.constant 64 : index
            %get3A_361 = tpu.vector_load %arg11[%get3A_358, %get3A_359, %get3A_360] {strides = array<i32>} : memref<2x80x96xf32, #tpu.memory_space<vmem>>, vector<16xf32>,
            %mul3A_362 = arith.mulf %get3A_361, %gather3A_312 : vector<16xf32>
            %swap3A_363 = arith.constant 1 : i32
            %swap3A_364 = arith.index_cast %swap3A_363 : i32 to index
            %swap3A_365 = arith.index_cast %scan3A_305 : i32 to index
            %swap3A_366 = arith.constant 64 : index
            %swap3A_367 = tpu.vector_load %arg12[%swap3A_364, %swap3A_365, %swap3A_366] {strides = array<i32>} : memref<2x80x112xf32, #tpu.memory_space<vmem>>, vector<16xf32>,
            tpu.vector_store %arg12[%swap3A_364, %swap3A_365, %swap3A_366], %mul3A_362 {strides = array<i32>} : memref<2x80x112xf32, #tpu.memory_space<vmem>>, vector<16xf32>,
            %get3A_368 = arith.constant 1 : i32
            %get3A_369 = arith.index_cast %get3A_368 : i32 to index
            %get3A_370 = arith.index_cast %scan3A_305 : i32 to index
            %get3A_371 = arith.constant 80 : index
            %get3A_372 = tpu.vector_load %arg11[%get3A_369, %get3A_370, %get3A_371] {strides = array<i32>} : memref<2x80x96xf32, #tpu.memory_space<vmem>>, vector<16xf32>,
            %mul3A_373 = arith.mulf %get3A_372, %gather3A_312 : vector<16xf32>
            %swap3A_374 = arith.constant 1 : i32
            %swap3A_375 = arith.index_cast %swap3A_374 : i32 to index
            %swap3A_376 = arith.index_cast %scan3A_305 : i32 to index
            %swap3A_377 = arith.constant 80 : index
            %swap3A_378 = tpu.vector_load %arg12[%swap3A_375, %swap3A_376, %swap3A_377] {strides = array<i32>} : memref<2x80x112xf32, #tpu.memory_space<vmem>>, vector<16xf32>,
            tpu.vector_store %arg12[%swap3A_375, %swap3A_376, %swap3A_377], %mul3A_373 {strides = array<i32>} : memref<2x80x112xf32, #tpu.memory_space<vmem>>, vector<16xf32>,
            %add3A_379 = arith.constant 80 : i32
            %add3A_380 = arith.addi %add3A_379, %scan3A_305 : i32
            %broadcast_in_dim3A_381 = vector.broadcast %add3A_380 : i32 to vector<16xi32>
            %gather3A_382 = arith.constant 1 : i32
            %gather3A_383 = arith.constant 0 : i32
            %gather3A_384 = tpu.memref_slice %arg10[%gather3A_382, %gather3A_383] : memref<2x160xf32, #tpu.memory_space<vmem>> -> memref<1x160xf32, #tpu.memory_space<vmem>>
            %gather3A_385 = tpu.memref_squeeze %gather3A_384 : memref<1x160xf32, #tpu.memory_space<vmem>> -> memref<160xf32, #tpu.memory_space<vmem>>
            %gather3A_386 = tpu.vector_load_idx %gather3A_385[%broadcast_in_dim3A_381] : memref<160xf32, #tpu.memory_space<vmem>>[vector<16xi32>], vector<16xf32>,
            %eq3A_387 = arith.constant 0 : i32
            %eq3A_388 = vector.broadcast %eq3A_387 : i32 to vector<16xi32>
            %eq3A_389 = arith.cmpi eq, %iota3A, %eq3A_388 : vector<16xi32>
            %eq3A_390 = arith.constant 1 : i32
            %eq3A_391 = vector.broadcast %eq3A_390 : i32 to vector<16xi32>
            %eq3A_392 = arith.cmpi eq, %iota3A, %eq3A_391 : vector<16xi32>
            %eq3A_393 = arith.constant 2 : i32
            %eq3A_394 = vector.broadcast %eq3A_393 : i32 to vector<16xi32>
            %eq3A_395 = arith.cmpi eq, %iota3A, %eq3A_394 : vector<16xi32>
            %jit3A = arith.constant 1.000000e+00 : f32
            %jit3A_396 = arith.constant 0.000000e+00 : f32
            %broadcast_in_dim3A_397 = vector.broadcast %jit3A : f32 to vector<16xf32>
            %broadcast_in_dim3A_398 = vector.broadcast %jit3A_396 : f32 to vector<16xf32>
            %select_n3A = arith.select %eq3A_395, %broadcast_in_dim3A_397, %broadcast_in_dim3A_398 : vector<16xi1>, vector<16xf32>
            %select_n3A_399 = arith.select %eq3A_392, %gather3A_386, %select_n3A : vector<16xi1>, vector<16xf32>
            %select_n3A_400 = arith.select %eq3A_389, %gather3A_312, %select_n3A_399 : vector<16xi1>, vector<16xf32>
            %swap3A_401 = arith.constant 1 : i32
            %swap3A_402 = arith.index_cast %swap3A_401 : i32 to index
            %swap3A_403 = arith.index_cast %scan3A_305 : i32 to index
            %swap3A_404 = arith.constant 96 : index
            %swap3A_405 = tpu.vector_load %arg12[%swap3A_402, %swap3A_403, %swap3A_404] {strides = array<i32>} : memref<2x80x112xf32, #tpu.memory_space<vmem>>, vector<16xf32>,
            tpu.vector_store %arg12[%swap3A_402, %swap3A_403, %swap3A_404], %select_n3A_400 {strides = array<i32>} : memref<2x80x112xf32, #tpu.memory_space<vmem>>, vector<16xf32>,
            %scan3A_406 = arith.constant 0 : i32
            scf.yield %scan3A_406 : i32
          }
          %scan3A_292 = arith.constant 80 : i32
          %dma_start3A_293 = arith.constant 1 : i32
          %dma_start3A_294 = arith.constant 1 : i32
          %dma_start3A_295 = arith.constant 0 : i32
          %dma_start3A_296 = arith.constant 0 : i32
          %dma_start3A_297 = tpu.memref_slice %arg12[%dma_start3A_293, %dma_start3A_295, %dma_start3A_296] : memref<2x80x112xf32, #tpu.memory_space<vmem>> -> memref<1x80x112xf32, #tpu.memory_space<vmem>>
          %dma_start3A_298 = tpu.memref_squeeze %dma_start3A_297 : memref<1x80x112xf32, #tpu.memory_space<vmem>> -> memref<80x112xf32, #tpu.memory_space<vmem>>
          %dma_start3A_299 = arith.constant 0 : i32
          %dma_start3A_300 = tpu.memref_slice %arg9[%dma_start3A_294, %dma_start3A_299] : memref<2x80xi32, #tpu.memory_space<vmem>> -> memref<1x80xi32, #tpu.memory_space<vmem>>
          %dma_start3A_301 = tpu.memref_squeeze %dma_start3A_300 : memref<1x80xi32, #tpu.memory_space<vmem>> -> memref<80xi32, #tpu.memory_space<vmem>>
          %dma_start3A_302 = arith.constant 0 : i32
          %dma_start3A_303 = arith.constant 0 : i32
          %dma_start3A_304 = tpu.memref_slice %arg15[%dma_start3A_302, %dma_start3A_303] : memref<10000x112xf32, #tpu.memory_space<vmem_shared>> -> memref<10000x112xf32, #tpu.memory_space<vmem_shared>>
          tpu.enqueue_indirect_dma source(%dma_start3A_298 : memref<80x112xf32, #tpu.memory_space<vmem>>) target(%dma_start3A_304 : memref<10000x112xf32, #tpu.memory_space<vmem_shared>>) offsets(%dma_start3A_301 : memref<80xi32, #tpu.memory_space<vmem>>) semaphore(%arg22 : memref<!tpu.dma_semaphore, #tpu.memory_space<semaphore_mem>>) {add = true}
        } else {
        }
      } else {
      }
      %scan3A_91 = arith.constant 0 : i32
      scf.yield %scan3A_91 : i32
    }
    %scan3A_39 = arith.constant 126 : i32
    %dma_wait3A = arith.constant 0 : i32
    %dma_wait3A_40 = arith.constant 0 : i32
    %dma_wait3A_41 = arith.constant 0 : i32
    %dma_wait3A_42 = arith.constant 0 : i32
    %dma_wait3A_43 = tpu.memref_slice %arg12[%dma_wait3A_40, %dma_wait3A_41, %dma_wait3A_42] : memref<2x80x112xf32, #tpu.memory_space<vmem>> -> memref<1x80x112xf32, #tpu.memory_space<vmem>>
    %dma_wait3A_44 = tpu.memref_squeeze %dma_wait3A_43 : memref<1x80x112xf32, #tpu.memory_space<vmem>> -> memref<80x112xf32, #tpu.memory_space<vmem>>
    %dma_wait3A_45 = arith.constant 0 : i32
    %dma_wait3A_46 = arith.constant 0 : i32
    %dma_wait3A_47 = tpu.memref_slice %arg5[%dma_wait3A, %dma_wait3A_45, %dma_wait3A_46] : memref<2x10000x112xf32, #tpu.memory_space<hbm>> -> memref<1x80x112xf32, #tpu.memory_space<hbm>>
    %dma_wait3A_48 = tpu.memref_squeeze %dma_wait3A_47 : memref<1x80x112xf32, #tpu.memory_space<hbm>> -> memref<80x112xf32, #tpu.memory_space<hbm>>
    %dma_wait3A_49 = arith.constant 0 : i32
    %dma_wait3A_50 = arith.constant 0 : i32
    %dma_wait3A_51 = tpu.memref_slice %arg12[%dma_wait3A_40, %dma_wait3A_49, %dma_wait3A_50] : memref<2x80x112xf32, #tpu.memory_space<vmem>> -> memref<1x80x112xf32, #tpu.memory_space<vmem>>
    %dma_wait3A_52 = tpu.memref_squeeze %dma_wait3A_51 : memref<1x80x112xf32, #tpu.memory_space<vmem>> -> memref<80x112xf32, #tpu.memory_space<vmem>>
    %dma_wait3A_53 = arith.constant 0 : i32
    %dma_wait3A_54 = arith.constant 0 : i32
    %dma_wait3A_55 = tpu.memref_slice %arg5[%dma_wait3A, %dma_wait3A_53, %dma_wait3A_54] : memref<2x10000x112xf32, #tpu.memory_space<hbm>> -> memref<1x80x112xf32, #tpu.memory_space<hbm>>
    %dma_wait3A_56 = tpu.memref_squeeze %dma_wait3A_55 : memref<1x80x112xf32, #tpu.memory_space<hbm>> -> memref<80x112xf32, #tpu.memory_space<hbm>>
    tpu.wait_dma2 semaphore(%arg21 : memref<!tpu.dma_semaphore, #tpu.memory_space<semaphore_mem>>) src(%dma_wait3A_56 : memref<80x112xf32, #tpu.memory_space<hbm>>) dst(%dma_wait3A_52 : memref<80x112xf32, #tpu.memory_space<vmem>>)
    %dma_wait3A_57 = arith.constant 0 : i32
    %dma_wait3A_58 = arith.constant 1 : i32
    %dma_wait3A_59 = arith.constant 0 : i32
    %dma_wait3A_60 = arith.constant 0 : i32
    %dma_wait3A_61 = tpu.memref_slice %arg12[%dma_wait3A_58, %dma_wait3A_59, %dma_wait3A_60] : memref<2x80x112xf32, #tpu.memory_space<vmem>> -> memref<1x80x112xf32, #tpu.memory_space<vmem>>
    %dma_wait3A_62 = tpu.memref_squeeze %dma_wait3A_61 : memref<1x80x112xf32, #tpu.memory_space<vmem>> -> memref<80x112xf32, #tpu.memory_space<vmem>>
    %dma_wait3A_63 = arith.constant 0 : i32
    %dma_wait3A_64 = arith.constant 0 : i32
    %dma_wait3A_65 = tpu.memref_slice %arg5[%dma_wait3A_57, %dma_wait3A_63, %dma_wait3A_64] : memref<2x10000x112xf32, #tpu.memory_space<hbm>> -> memref<1x80x112xf32, #tpu.memory_space<hbm>>
    %dma_wait3A_66 = tpu.memref_squeeze %dma_wait3A_65 : memref<1x80x112xf32, #tpu.memory_space<hbm>> -> memref<80x112xf32, #tpu.memory_space<hbm>>
    %dma_wait3A_67 = arith.constant 0 : i32
    %dma_wait3A_68 = arith.constant 0 : i32
    %dma_wait3A_69 = tpu.memref_slice %arg12[%dma_wait3A_58, %dma_wait3A_67, %dma_wait3A_68] : memref<2x80x112xf32, #tpu.memory_space<vmem>> -> memref<1x80x112xf32, #tpu.memory_space<vmem>>
    %dma_wait3A_70 = tpu.memref_squeeze %dma_wait3A_69 : memref<1x80x112xf32, #tpu.memory_space<vmem>> -> memref<80x112xf32, #tpu.memory_space<vmem>>
    %dma_wait3A_71 = arith.constant 0 : i32
    %dma_wait3A_72 = arith.constant 0 : i32
    %dma_wait3A_73 = tpu.memref_slice %arg5[%dma_wait3A_57, %dma_wait3A_71, %dma_wait3A_72] : memref<2x10000x112xf32, #tpu.memory_space<hbm>> -> memref<1x80x112xf32, #tpu.memory_space<hbm>>
    %dma_wait3A_74 = tpu.memref_squeeze %dma_wait3A_73 : memref<1x80x112xf32, #tpu.memory_space<hbm>> -> memref<80x112xf32, #tpu.memory_space<hbm>>
    tpu.wait_dma2 semaphore(%arg22 : memref<!tpu.dma_semaphore, #tpu.memory_space<semaphore_mem>>) src(%dma_wait3A_74 : memref<80x112xf32, #tpu.memory_space<hbm>>) dst(%dma_wait3A_70 : memref<80x112xf32, #tpu.memory_space<vmem>>)
    %barrier3A_75 = arith.constant 0 : index
    tpu.barrier barrier_id(%barrier3A_75)
    %scan3A_76 = arith.constant 0 : i32
    %scan3A_77 = arith.constant 0 : i32
    %scan3A_78 = arith.constant 8 : i32
    %scan3A_79 = arith.addi %scan3A_77, %scan3A_78 : i32
    %scan3A_80 = arith.constant 1 : i32
    %scan3A_81 = scf.for %scan3A_83 = %scan3A_77 to %scan3A_79 step %scan3A_80 iter_args(%scan3A_84 = %scan3A_76) -> (i32)  : i32 {
      %mul3A_85 = arith.constant 16 : i32
      %mul3A_86 = arith.muli %scan3A_83, %mul3A_85 : i32
      %add3A_87 = arith.addi %mul3A_86, %arg1 : i32
      %lt3A = arith.constant 125 : i32
      %lt3A_88 = arith.cmpi slt, %add3A_87, %lt3A : i32
      %convert_element_type3A = arith.extui %lt3A_88 : i1 to i32
      %cond3A = arith.constant 0 : i32
      %cond3A_89 = arith.cmpi ne, %convert_element_type3A, %cond3A : i32
      scf.if %cond3A_89 {
        %mul3A_91 = arith.constant 80 : i32
        %mul3A_92 = arith.muli %add3A_87, %mul3A_91 : i32
        %mul3A_93 = arith.constant 80 : i32
        %mul3A_94 = arith.muli %add3A_87, %mul3A_93 : i32
        "tpu.region"() ({
          %run_scoped3A = tpu.sem_alloc : memref<!tpu.dma_semaphore, #tpu.memory_space<semaphore_mem>>
          %dma_start3A_95 = arith.constant 0 : i32
          %dma_start3A_96 = tpu.memref_slice %arg5[%arg0, %mul3A_94, %dma_start3A_95] : memref<2x10000x112xf32, #tpu.memory_space<hbm>> -> memref<1x80x112xf32, #tpu.memory_space<hbm>>
          %dma_start3A_97 = tpu.memref_squeeze %dma_start3A_96 : memref<1x80x112xf32, #tpu.memory_space<hbm>> -> memref<80x112xf32, #tpu.memory_space<hbm>>
          %dma_start3A_98 = arith.constant 0 : i32
          %dma_start3A_99 = tpu.memref_slice %arg15[%mul3A_92, %dma_start3A_98] : memref<10000x112xf32, #tpu.memory_space<vmem_shared>> -> memref<80x112xf32, #tpu.memory_space<vmem_shared>>
          tpu.enqueue_dma source(%dma_start3A_99 : memref<80x112xf32, #tpu.memory_space<vmem_shared>>) target(%dma_start3A_97 : memref<80x112xf32, #tpu.memory_space<hbm>>) target_semaphore(%run_scoped3A : memref<!tpu.dma_semaphore, #tpu.memory_space<semaphore_mem>>)
          %dma_wait3A_100 = arith.constant 0 : i32
          %dma_wait3A_101 = tpu.memref_slice %arg5[%arg0, %mul3A_94, %dma_wait3A_100] : memref<2x10000x112xf32, #tpu.memory_space<hbm>> -> memref<1x80x112xf32, #tpu.memory_space<hbm>>
          %dma_wait3A_102 = tpu.memref_squeeze %dma_wait3A_101 : memref<1x80x112xf32, #tpu.memory_space<hbm>> -> memref<80x112xf32, #tpu.memory_space<hbm>>
          %dma_wait3A_103 = arith.constant 0 : i32
          %dma_wait3A_104 = tpu.memref_slice %arg15[%mul3A_92, %dma_wait3A_103] : memref<10000x112xf32, #tpu.memory_space<vmem_shared>> -> memref<80x112xf32, #tpu.memory_space<vmem_shared>>
          tpu.wait_dma2 semaphore(%run_scoped3A : memref<!tpu.dma_semaphore, #tpu.memory_space<semaphore_mem>>) src(%dma_wait3A_104 : memref<80x112xf32, #tpu.memory_space<vmem_shared>>) dst(%dma_wait3A_102 : memref<80x112xf32, #tpu.memory_space<hbm>>)
          tpu.yield
        }) : () -> ()
      } else {
      }
      %scan3A_90 = arith.constant 0 : i32
      scf.yield %scan3A_90 : i32
    }
    %scan3A_82 = arith.constant 8 : i32
    return
  }
}

#map = affine_map<(d0, d1) -> (0, 0)>
#map1 = affine_map<(d0, d1) -> (0, 0, 0)>
module attributes {stable_mosaic.version = 14 : i64} {
  func.func @body(%arg0: i32, %arg1: i32, %arg2: memref<2000x240xi32, #tpu.memory_space<hbm>>, %arg3: memref<40000x96xf32, #tpu.memory_space<hbm>>, %arg4: memref<10000x16xf32, #tpu.memory_space<hbm>>, %arg5: memref<2x10000x112xf32, #tpu.memory_space<hbm>>, %arg6: memref<2x240xi32, #tpu.memory_space<vmem>>, %arg7: memref<2x80xi32, #tpu.memory_space<vmem>>, %arg8: memref<2x80xi32, #tpu.memory_space<vmem>>, %arg9: memref<2x80xi32, #tpu.memory_space<vmem>>, %arg10: memref<2x160xf32, #tpu.memory_space<vmem>>, %arg11: memref<2x80x96xf32, #tpu.memory_space<vmem>>, %arg12: memref<2x80x112xf32, #tpu.memory_space<vmem>>, %arg13: memref<2x80x16xf32, #tpu.memory_space<vmem>>, %arg14: memref<2x80x16xf32, #tpu.memory_space<vmem>>, %arg15: memref<10000x112xf32, #tpu.memory_space<vmem_shared>>, %arg16: memref<!tpu.dma_semaphore, #tpu.memory_space<semaphore_mem>>, %arg17: memref<!tpu.dma_semaphore, #tpu.memory_space<semaphore_mem>>, %arg18: memref<!tpu.dma_semaphore, #tpu.memory_space<semaphore_mem>>, %arg19: memref<!tpu.dma_semaphore, #tpu.memory_space<semaphore_mem>>, %arg20: memref<!tpu.dma_semaphore, #tpu.memory_space<semaphore_mem>>, %arg21: memref<!tpu.dma_semaphore, #tpu.memory_space<semaphore_mem>>, %arg22: memref<!tpu.dma_semaphore, #tpu.memory_space<semaphore_mem>>) attributes {dimension_semantics = [#tpu.dimension_semantics<core_parallel>, #tpu.dimension_semantics<subcore_parallel>], iteration_bounds = array<i64: 2, 16>, scalar_prefetch = 0 : i64, scratch_operands = 17 : i64, tpu.core_type = #tpu.core_type<sc_vector_subcore>, window_params = [{transform_indices = #map}, {transform_indices = #map}, {transform_indices = #map}, {transform_indices = #map1}]} {
    %add3A = arith.constant 0 : i32
    %add3A_0 = arith.addi %add3A, %arg0 : i32
    %iota3A = tpu.iota {dimensions = array<i32: 0>} : vector<16xi32>
    %broadcast_in_dim3A = arith.constant 0 : i32
    %broadcast_in_dim3A_1 = vector.broadcast %broadcast_in_dim3A : i32 to vector<16xi32>
    %add3A_2 = arith.constant 1 : i32
    %add3A_3 = vector.broadcast %add3A_2 : i32 to vector<16xi32>
    %add3A_4 = arith.addi %broadcast_in_dim3A_1, %add3A_3 : vector<16xi32>
    %scan3A = arith.constant 0 : i32
    %scan3A_5 = arith.constant 0 : i32
    %scan3A_6 = arith.constant 80 : i32
    %scan3A_7 = arith.addi %scan3A_5, %scan3A_6 : i32
    %scan3A_8 = arith.constant 1 : i32
    %scan3A_9 = scf.for %scan3A_83 = %scan3A_5 to %scan3A_7 step %scan3A_8 iter_args(%scan3A_84 = %scan3A) -> (i32)  : i32 {
      %broadcast_in_dim3A_85 = arith.constant 0.000000e+00 : f32
      %broadcast_in_dim3A_86 = vector.broadcast %broadcast_in_dim3A_85 : f32 to vector<16xf32>
      %swap3A = arith.constant 0 : i32
      %swap3A_87 = arith.index_cast %swap3A : i32 to index
      %swap3A_88 = arith.index_cast %scan3A_83 : i32 to index
      %swap3A_89 = arith.constant 0 : index
      %swap3A_90 = tpu.vector_load %arg12[%swap3A_87, %swap3A_88, %swap3A_89] {strides = array<i32>} : memref<2x80x112xf32, #tpu.memory_space<vmem>>, vector<16xf32>,
      tpu.vector_store %arg12[%swap3A_87, %swap3A_88, %swap3A_89], %broadcast_in_dim3A_86 {strides = array<i32>} : memref<2x80x112xf32, #tpu.memory_space<vmem>>, vector<16xf32>,
      %broadcast_in_dim3A_91 = arith.constant 0.000000e+00 : f32
      %broadcast_in_dim3A_92 = vector.broadcast %broadcast_in_dim3A_91 : f32 to vector<16xf32>
      %swap3A_93 = arith.constant 0 : i32
      %swap3A_94 = arith.index_cast %swap3A_93 : i32 to index
      %swap3A_95 = arith.index_cast %scan3A_83 : i32 to index
      %swap3A_96 = arith.constant 16 : index
      %swap3A_97 = tpu.vector_load %arg12[%swap3A_94, %swap3A_95, %swap3A_96] {strides = array<i32>} : memref<2x80x112xf32, #tpu.memory_space<vmem>>, vector<16xf32>,
      tpu.vector_store %arg12[%swap3A_94, %swap3A_95, %swap3A_96], %broadcast_in_dim3A_92 {strides = array<i32>} : memref<2x80x112xf32, #tpu.memory_space<vmem>>, vector<16xf32>,
      %broadcast_in_dim3A_98 = arith.constant 0.000000e+00 : f32
      %broadcast_in_dim3A_99 = vector.broadcast %broadcast_in_dim3A_98 : f32 to vector<16xf32>
      %swap3A_100 = arith.constant 0 : i32
      %swap3A_101 = arith.index_cast %swap3A_100 : i32 to index
      %swap3A_102 = arith.index_cast %scan3A_83 : i32 to index
      %swap3A_103 = arith.constant 32 : index
      %swap3A_104 = tpu.vector_load %arg12[%swap3A_101, %swap3A_102, %swap3A_103] {strides = array<i32>} : memref<2x80x112xf32, #tpu.memory_space<vmem>>, vector<16xf32>,
      tpu.vector_store %arg12[%swap3A_101, %swap3A_102, %swap3A_103], %broadcast_in_dim3A_99 {strides = array<i32>} : memref<2x80x112xf32, #tpu.memory_space<vmem>>, vector<16xf32>,
      %broadcast_in_dim3A_105 = arith.constant 0.000000e+00 : f32
      %broadcast_in_dim3A_106 = vector.broadcast %broadcast_in_dim3A_105 : f32 to vector<16xf32>
      %swap3A_107 = arith.constant 0 : i32
      %swap3A_108 = arith.index_cast %swap3A_107 : i32 to index
      %swap3A_109 = arith.index_cast %scan3A_83 : i32 to index
      %swap3A_110 = arith.constant 48 : index
      %swap3A_111 = tpu.vector_load %arg12[%swap3A_108, %swap3A_109, %swap3A_110] {strides = array<i32>} : memref<2x80x112xf32, #tpu.memory_space<vmem>>, vector<16xf32>,
      tpu.vector_store %arg12[%swap3A_108, %swap3A_109, %swap3A_110], %broadcast_in_dim3A_106 {strides = array<i32>} : memref<2x80x112xf32, #tpu.memory_space<vmem>>, vector<16xf32>,
      %broadcast_in_dim3A_112 = arith.constant 0.000000e+00 : f32
      %broadcast_in_dim3A_113 = vector.broadcast %broadcast_in_dim3A_112 : f32 to vector<16xf32>
      %swap3A_114 = arith.constant 0 : i32
      %swap3A_115 = arith.index_cast %swap3A_114 : i32 to index
      %swap3A_116 = arith.index_cast %scan3A_83 : i32 to index
      %swap3A_117 = arith.constant 64 : index
      %swap3A_118 = tpu.vector_load %arg12[%swap3A_115, %swap3A_116, %swap3A_117] {strides = array<i32>} : memref<2x80x112xf32, #tpu.memory_space<vmem>>, vector<16xf32>,
      tpu.vector_store %arg12[%swap3A_115, %swap3A_116, %swap3A_117], %broadcast_in_dim3A_113 {strides = array<i32>} : memref<2x80x112xf32, #tpu.memory_space<vmem>>, vector<16xf32>,
      %broadcast_in_dim3A_119 = arith.constant 0.000000e+00 : f32
      %broadcast_in_dim3A_120 = vector.broadcast %broadcast_in_dim3A_119 : f32 to vector<16xf32>
      %swap3A_121 = arith.constant 0 : i32
      %swap3A_122 = arith.index_cast %swap3A_121 : i32 to index
      %swap3A_123 = arith.index_cast %scan3A_83 : i32 to index
      %swap3A_124 = arith.constant 80 : index
      %swap3A_125 = tpu.vector_load %arg12[%swap3A_122, %swap3A_123, %swap3A_124] {strides = array<i32>} : memref<2x80x112xf32, #tpu.memory_space<vmem>>, vector<16xf32>,
      tpu.vector_store %arg12[%swap3A_122, %swap3A_123, %swap3A_124], %broadcast_in_dim3A_120 {strides = array<i32>} : memref<2x80x112xf32, #tpu.memory_space<vmem>>, vector<16xf32>,
      %broadcast_in_dim3A_126 = arith.constant 0.000000e+00 : f32
      %broadcast_in_dim3A_127 = vector.broadcast %broadcast_in_dim3A_126 : f32 to vector<16xf32>
      %swap3A_128 = arith.constant 0 : i32
      %swap3A_129 = arith.index_cast %swap3A_128 : i32 to index
      %swap3A_130 = arith.index_cast %scan3A_83 : i32 to index
      %swap3A_131 = arith.constant 96 : index
      %swap3A_132 = tpu.vector_load %arg12[%swap3A_129, %swap3A_130, %swap3A_131] {strides = array<i32>} : memref<2x80x112xf32, #tpu.memory_space<vmem>>, vector<16xf32>,
      tpu.vector_store %arg12[%swap3A_129, %swap3A_130, %swap3A_131], %broadcast_in_dim3A_127 {strides = array<i32>} : memref<2x80x112xf32, #tpu.memory_space<vmem>>, vector<16xf32>,
      %scan3A_133 = arith.constant 0 : i32
      scf.yield %scan3A_133 : i32
    }
    %scan3A_10 = arith.constant 80 : i32
    %scan3A_11 = arith.constant 0 : i32
    %scan3A_12 = arith.constant 0 : i32
    %scan3A_13 = arith.constant 8 : i32
    %scan3A_14 = arith.addi %scan3A_12, %scan3A_13 : i32
    %scan3A_15 = arith.constant 1 : i32
    %scan3A_16 = scf.for %scan3A_83 = %scan3A_12 to %scan3A_14 step %scan3A_15 iter_args(%scan3A_84 = %scan3A_11) -> (i32)  : i32 {
      %mul3A_85 = arith.constant 16 : i32
      %mul3A_86 = arith.muli %scan3A_83, %mul3A_85 : i32
      %add3A_87 = arith.addi %mul3A_86, %arg1 : i32
      %lt3A = arith.constant 125 : i32
      %lt3A_88 = arith.cmpi slt, %add3A_87, %lt3A : i32
      %convert_element_type3A = arith.extui %lt3A_88 : i1 to i32
      %cond3A = arith.constant 0 : i32
      %cond3A_89 = arith.cmpi ne, %convert_element_type3A, %cond3A : i32
      scf.if %cond3A_89 {
        %mul3A_91 = arith.constant 80 : i32
        %mul3A_92 = arith.muli %add3A_87, %mul3A_91 : i32
        %run_scoped3A = arith.constant 0 : i32
        "tpu.region"() ({
          %run_scoped3A_93 = tpu.sem_alloc : memref<!tpu.dma_semaphore, #tpu.memory_space<semaphore_mem>>
          %dma_start3A_94 = arith.constant 0 : i32
          %dma_start3A_95 = arith.constant 0 : i32
          %dma_start3A_96 = tpu.memref_slice %arg12[%run_scoped3A, %dma_start3A_94, %dma_start3A_95] : memref<2x80x112xf32, #tpu.memory_space<vmem>> -> memref<1x80x112xf32, #tpu.memory_space<vmem>>
          %dma_start3A_97 = tpu.memref_squeeze %dma_start3A_96 : memref<1x80x112xf32, #tpu.memory_space<vmem>> -> memref<80x112xf32, #tpu.memory_space<vmem>>
          %dma_start3A_98 = arith.constant 0 : i32
          %dma_start3A_99 = tpu.memref_slice %arg15[%mul3A_92, %dma_start3A_98] : memref<10000x112xf32, #tpu.memory_space<vmem_shared>> -> memref<80x112xf32, #tpu.memory_space<vmem_shared>>
          %dma_start3A_100 = arith.constant 0 : i32
          %dma_start3A_101 = tpu.memref_slice %arg15[%mul3A_92, %dma_start3A_100] : memref<10000x112xf32, #tpu.memory_space<vmem_shared>> -> memref<80x112xf32, #tpu.memory_space<vmem_shared>>
          %dma_start3A_102 = arith.constant 0 : i32
          %dma_start3A_103 = arith.constant 0 : i32
          %dma_start3A_104 = tpu.memref_slice %arg12[%run_scoped3A, %dma_start3A_102, %dma_start3A_103] : memref<2x80x112xf32, #tpu.memory_space<vmem>> -> memref<1x80x112xf32, #tpu.memory_space<vmem>>
          %dma_start3A_105 = tpu.memref_squeeze %dma_start3A_104 : memref<1x80x112xf32, #tpu.memory_space<vmem>> -> memref<80x112xf32, #tpu.memory_space<vmem>>
          tpu.enqueue_dma source(%dma_start3A_105 : memref<80x112xf32, #tpu.memory_space<vmem>>) target(%dma_start3A_101 : memref<80x112xf32, #tpu.memory_space<vmem_shared>>) target_semaphore(%run_scoped3A_93 : memref<!tpu.dma_semaphore, #tpu.memory_space<semaphore_mem>>)
          %dma_wait3A_106 = arith.constant 0 : i32
          %dma_wait3A_107 = arith.constant 0 : i32
          %dma_wait3A_108 = tpu.memref_slice %arg12[%run_scoped3A, %dma_wait3A_106, %dma_wait3A_107] : memref<2x80x112xf32, #tpu.memory_space<vmem>> -> memref<1x80x112xf32, #tpu.memory_space<vmem>>
          %dma_wait3A_109 = tpu.memref_squeeze %dma_wait3A_108 : memref<1x80x112xf32, #tpu.memory_space<vmem>> -> memref<80x112xf32, #tpu.memory_space<vmem>>
          %dma_wait3A_110 = arith.constant 0 : i32
          %dma_wait3A_111 = tpu.memref_slice %arg15[%mul3A_92, %dma_wait3A_110] : memref<10000x112xf32, #tpu.memory_space<vmem_shared>> -> memref<80x112xf32, #tpu.memory_space<vmem_shared>>
          %dma_wait3A_112 = arith.constant 0 : i32
          %dma_wait3A_113 = tpu.memref_slice %arg15[%mul3A_92, %dma_wait3A_112] : memref<10000x112xf32, #tpu.memory_space<vmem_shared>> -> memref<80x112xf32, #tpu.memory_space<vmem_shared>>
          %dma_wait3A_114 = arith.constant 0 : i32
          %dma_wait3A_115 = arith.constant 0 : i32
          %dma_wait3A_116 = tpu.memref_slice %arg12[%run_scoped3A, %dma_wait3A_114, %dma_wait3A_115] : memref<2x80x112xf32, #tpu.memory_space<vmem>> -> memref<1x80x112xf32, #tpu.memory_space<vmem>>
          %dma_wait3A_117 = tpu.memref_squeeze %dma_wait3A_116 : memref<1x80x112xf32, #tpu.memory_space<vmem>> -> memref<80x112xf32, #tpu.memory_space<vmem>>
          tpu.wait_dma2 semaphore(%run_scoped3A_93 : memref<!tpu.dma_semaphore, #tpu.memory_space<semaphore_mem>>) src(%dma_wait3A_117 : memref<80x112xf32, #tpu.memory_space<vmem>>) dst(%dma_wait3A_113 : memref<80x112xf32, #tpu.memory_space<vmem_shared>>)
          tpu.yield
        }) : () -> ()
      } else {
      }
      %scan3A_90 = arith.constant 0 : i32
      scf.yield %scan3A_90 : i32
    }
    %scan3A_17 = arith.constant 8 : i32
    %barrier3A = arith.constant 0 : index
    tpu.barrier barrier_id(%barrier3A)
    %mul3A = arith.constant 125 : i32
    %mul3A_18 = arith.muli %arg1, %mul3A : i32
    %add3A_19 = arith.constant 0 : i32
    %add3A_20 = arith.addi %mul3A_18, %add3A_19 : i32
    %dma_start3A = arith.constant 0 : i32
    %dma_start3A_21 = arith.constant 0 : i32
    %dma_start3A_22 = tpu.memref_slice %arg6[%dma_start3A, %dma_start3A_21] : memref<2x240xi32, #tpu.memory_space<vmem>> -> memref<1x240xi32, #tpu.memory_space<vmem>>
    %dma_start3A_23 = tpu.memref_squeeze %dma_start3A_22 : memref<1x240xi32, #tpu.memory_space<vmem>> -> memref<240xi32, #tpu.memory_space<vmem>>
    %dma_start3A_24 = arith.constant 0 : i32
    %dma_start3A_25 = tpu.memref_slice %arg2[%add3A_20, %dma_start3A_24] : memref<2000x240xi32, #tpu.memory_space<hbm>> -> memref<1x240xi32, #tpu.memory_space<hbm>>
    %dma_start3A_26 = tpu.memref_squeeze %dma_start3A_25 : memref<1x240xi32, #tpu.memory_space<hbm>> -> memref<240xi32, #tpu.memory_space<hbm>>
    %dma_start3A_27 = arith.constant 0 : i32
    %dma_start3A_28 = tpu.memref_slice %arg6[%dma_start3A, %dma_start3A_27] : memref<2x240xi32, #tpu.memory_space<vmem>> -> memref<1x240xi32, #tpu.memory_space<vmem>>
    %dma_start3A_29 = tpu.memref_squeeze %dma_start3A_28 : memref<1x240xi32, #tpu.memory_space<vmem>> -> memref<240xi32, #tpu.memory_space<vmem>>
    %dma_start3A_30 = arith.constant 0 : i32
    %dma_start3A_31 = tpu.memref_slice %arg2[%add3A_20, %dma_start3A_30] : memref<2000x240xi32, #tpu.memory_space<hbm>> -> memref<1x240xi32, #tpu.memory_space<hbm>>
    %dma_start3A_32 = tpu.memref_squeeze %dma_start3A_31 : memref<1x240xi32, #tpu.memory_space<hbm>> -> memref<240xi32, #tpu.memory_space<hbm>>
    tpu.enqueue_dma source(%dma_start3A_32 : memref<240xi32, #tpu.memory_space<hbm>>) target(%dma_start3A_29 : memref<240xi32, #tpu.memory_space<vmem>>) target_semaphore(%arg16 : memref<!tpu.dma_semaphore, #tpu.memory_space<semaphore_mem>>)
    %scan3A_33 = arith.constant 0 : i32
    %scan3A_34 = arith.constant 0 : i32
    %scan3A_35 = arith.constant 126 : i32
    %scan3A_36 = arith.addi %scan3A_34, %scan3A_35 : i32
    %scan3A_37 = arith.constant 1 : i32
    %scan3A_38 = scf.for %scan3A_83 = %scan3A_34 to %scan3A_36 step %scan3A_37 iter_args(%scan3A_84 = %scan3A_33) -> (i32)  : i32 {
      %lt3A = arith.constant 125 : i32
      %lt3A_85 = arith.cmpi slt, %scan3A_83, %lt3A : i32
      %convert_element_type3A = arith.extui %lt3A_85 : i1 to i32
      %cond3A = arith.constant 0 : i32
      %cond3A_86 = arith.cmpi ne, %convert_element_type3A, %cond3A : i32
      scf.if %cond3A_86 {
        %rem3A = arith.constant 2 : i32
        %rem3A_92 = arith.remsi %scan3A_83, %rem3A : i32
        %eq3A = arith.constant 0 : i32
        %eq3A_93 = arith.cmpi eq, %rem3A_92, %eq3A : i32
        %convert_element_type3A_94 = arith.extui %eq3A_93 : i1 to i32
        %cond3A_95 = arith.constant 0 : i32
        %cond3A_96 = arith.cmpi ne, %convert_element_type3A_94, %cond3A_95 : i32
        scf.if %cond3A_96 {
          %ge3A_104 = arith.constant 2 : i32
          %ge3A_105 = arith.cmpi sge, %scan3A_83, %ge3A_104 : i32
          %convert_element_type3A_106 = arith.extui %ge3A_105 : i1 to i32
          %cond3A_107 = arith.constant 0 : i32
          %cond3A_108 = arith.cmpi ne, %convert_element_type3A_106, %cond3A_107 : i32
          scf.if %cond3A_108 {
            %dma_wait3A_333 = arith.constant 0 : i32
            %dma_wait3A_334 = arith.constant 0 : i32
            %dma_wait3A_335 = arith.constant 0 : i32
            %dma_wait3A_336 = arith.constant 0 : i32
            %dma_wait3A_337 = tpu.memref_slice %arg12[%dma_wait3A_334, %dma_wait3A_335, %dma_wait3A_336] : memref<2x80x112xf32, #tpu.memory_space<vmem>> -> memref<1x80x112xf32, #tpu.memory_space<vmem>>
            %dma_wait3A_338 = tpu.memref_squeeze %dma_wait3A_337 : memref<1x80x112xf32, #tpu.memory_space<vmem>> -> memref<80x112xf32, #tpu.memory_space<vmem>>
            %dma_wait3A_339 = arith.constant 0 : i32
            %dma_wait3A_340 = arith.constant 0 : i32
            %dma_wait3A_341 = tpu.memref_slice %arg5[%dma_wait3A_333, %dma_wait3A_339, %dma_wait3A_340] : memref<2x10000x112xf32, #tpu.memory_space<hbm>> -> memref<1x80x112xf32, #tpu.memory_space<hbm>>
            %dma_wait3A_342 = tpu.memref_squeeze %dma_wait3A_341 : memref<1x80x112xf32, #tpu.memory_space<hbm>> -> memref<80x112xf32, #tpu.memory_space<hbm>>
            %dma_wait3A_343 = arith.constant 0 : i32
            %dma_wait3A_344 = arith.constant 0 : i32
            %dma_wait3A_345 = tpu.memref_slice %arg12[%dma_wait3A_334, %dma_wait3A_343, %dma_wait3A_344] : memref<2x80x112xf32, #tpu.memory_space<vmem>> -> memref<1x80x112xf32, #tpu.memory_space<vmem>>
            %dma_wait3A_346 = tpu.memref_squeeze %dma_wait3A_345 : memref<1x80x112xf32, #tpu.memory_space<vmem>> -> memref<80x112xf32, #tpu.memory_space<vmem>>
            %dma_wait3A_347 = arith.constant 0 : i32
            %dma_wait3A_348 = arith.constant 0 : i32
            %dma_wait3A_349 = tpu.memref_slice %arg5[%dma_wait3A_333, %dma_wait3A_347, %dma_wait3A_348] : memref<2x10000x112xf32, #tpu.memory_space<hbm>> -> memref<1x80x112xf32, #tpu.memory_space<hbm>>
            %dma_wait3A_350 = tpu.memref_squeeze %dma_wait3A_349 : memref<1x80x112xf32, #tpu.memory_space<hbm>> -> memref<80x112xf32, #tpu.memory_space<hbm>>
            tpu.wait_dma2 semaphore(%arg21 : memref<!tpu.dma_semaphore, #tpu.memory_space<semaphore_mem>>) src(%dma_wait3A_350 : memref<80x112xf32, #tpu.memory_space<hbm>>) dst(%dma_wait3A_346 : memref<80x112xf32, #tpu.memory_space<vmem>>)
          } else {
          }
          %dma_wait3A_109 = arith.constant 0 : i32
          %dma_wait3A_110 = arith.constant 0 : i32
          %dma_wait3A_111 = arith.constant 0 : i32
          %dma_wait3A_112 = tpu.memref_slice %arg6[%dma_wait3A_110, %dma_wait3A_111] : memref<2x240xi32, #tpu.memory_space<vmem>> -> memref<1x240xi32, #tpu.memory_space<vmem>>
          %dma_wait3A_113 = tpu.memref_squeeze %dma_wait3A_112 : memref<1x240xi32, #tpu.memory_space<vmem>> -> memref<240xi32, #tpu.memory_space<vmem>>
          %dma_wait3A_114 = arith.constant 0 : i32
          %dma_wait3A_115 = tpu.memref_slice %arg2[%dma_wait3A_109, %dma_wait3A_114] : memref<2000x240xi32, #tpu.memory_space<hbm>> -> memref<1x240xi32, #tpu.memory_space<hbm>>
          %dma_wait3A_116 = tpu.memref_squeeze %dma_wait3A_115 : memref<1x240xi32, #tpu.memory_space<hbm>> -> memref<240xi32, #tpu.memory_space<hbm>>
          %dma_wait3A_117 = arith.constant 0 : i32
          %dma_wait3A_118 = tpu.memref_slice %arg6[%dma_wait3A_110, %dma_wait3A_117] : memref<2x240xi32, #tpu.memory_space<vmem>> -> memref<1x240xi32, #tpu.memory_space<vmem>>
          %dma_wait3A_119 = tpu.memref_squeeze %dma_wait3A_118 : memref<1x240xi32, #tpu.memory_space<vmem>> -> memref<240xi32, #tpu.memory_space<vmem>>
          %dma_wait3A_120 = arith.constant 0 : i32
          %dma_wait3A_121 = tpu.memref_slice %arg2[%dma_wait3A_109, %dma_wait3A_120] : memref<2000x240xi32, #tpu.memory_space<hbm>> -> memref<1x240xi32, #tpu.memory_space<hbm>>
          %dma_wait3A_122 = tpu.memref_squeeze %dma_wait3A_121 : memref<1x240xi32, #tpu.memory_space<hbm>> -> memref<240xi32, #tpu.memory_space<hbm>>
          tpu.wait_dma2 semaphore(%arg16 : memref<!tpu.dma_semaphore, #tpu.memory_space<semaphore_mem>>) src(%dma_wait3A_122 : memref<240xi32, #tpu.memory_space<hbm>>) dst(%dma_wait3A_119 : memref<240xi32, #tpu.memory_space<vmem>>)
          %get3A = arith.constant 0 : i32
          %get3A_123 = arith.index_cast %get3A : i32 to index
          %get3A_124 = arith.constant 0 : index
          %get3A_125 = tpu.vector_load %arg6[%get3A_123, %get3A_124] {strides = array<i32>} : memref<2x240xi32, #tpu.memory_space<vmem>>, vector<16xi32>,
          %get3A_126 = arith.constant 0 : i32
          %get3A_127 = arith.index_cast %get3A_126 : i32 to index
          %get3A_128 = arith.constant 80 : index
          %get3A_129 = tpu.vector_load %arg6[%get3A_127, %get3A_128] {strides = array<i32>} : memref<2x240xi32, #tpu.memory_space<vmem>>, vector<16xi32>,
          %get3A_130 = arith.constant 0 : i32
          %get3A_131 = arith.index_cast %get3A_130 : i32 to index
          %get3A_132 = arith.constant 160 : index
          %get3A_133 = tpu.vector_load %arg6[%get3A_131, %get3A_132] {strides = array<i32>} : memref<2x240xi32, #tpu.memory_space<vmem>>, vector<16xi32>,
          %bitcast3A = vector.bitcast %get3A_133 : vector<16xi32> to vector<16xf32>
          %mul3A_134 = arith.constant 4 : i32
          %mul3A_135 = vector.broadcast %mul3A_134 : i32 to vector<16xi32>
          %mul3A_136 = arith.muli %get3A_125, %mul3A_135 : vector<16xi32>
          %add3A_137 = vector.broadcast %add3A_0 : i32 to vector<16xi32>
          %add3A_138 = arith.addi %mul3A_136, %add3A_137 : vector<16xi32>
          %swap3A = arith.constant 0 : i32
          %swap3A_139 = arith.index_cast %swap3A : i32 to index
          %swap3A_140 = arith.constant 0 : index
          %swap3A_141 = tpu.vector_load %arg7[%swap3A_139, %swap3A_140] {strides = array<i32>} : memref<2x80xi32, #tpu.memory_space<vmem>>, vector<16xi32>,
          tpu.vector_store %arg7[%swap3A_139, %swap3A_140], %add3A_138 {strides = array<i32>} : memref<2x80xi32, #tpu.memory_space<vmem>>, vector<16xi32>,
          %swap3A_142 = arith.constant 0 : i32
          %swap3A_143 = arith.index_cast %swap3A_142 : i32 to index
          %swap3A_144 = arith.constant 0 : index
          %swap3A_145 = tpu.vector_load %arg8[%swap3A_143, %swap3A_144] {strides = array<i32>} : memref<2x80xi32, #tpu.memory_space<vmem>>, vector<16xi32>,
          tpu.vector_store %arg8[%swap3A_143, %swap3A_144], %get3A_125 {strides = array<i32>} : memref<2x80xi32, #tpu.memory_space<vmem>>, vector<16xi32>,
          %swap3A_146 = arith.constant 0 : i32
          %swap3A_147 = arith.index_cast %swap3A_146 : i32 to index
          %swap3A_148 = arith.constant 0 : index
          %swap3A_149 = tpu.vector_load %arg9[%swap3A_147, %swap3A_148] {strides = array<i32>} : memref<2x80xi32, #tpu.memory_space<vmem>>, vector<16xi32>,
          tpu.vector_store %arg9[%swap3A_147, %swap3A_148], %get3A_129 {strides = array<i32>} : memref<2x80xi32, #tpu.memory_space<vmem>>, vector<16xi32>,
          %swap3A_150 = arith.constant 0 : i32
          %swap3A_151 = arith.index_cast %swap3A_150 : i32 to index
          %swap3A_152 = arith.constant 80 : index
          %swap3A_153 = tpu.vector_load %arg10[%swap3A_151, %swap3A_152] {strides = array<i32>} : memref<2x160xf32, #tpu.memory_space<vmem>>, vector<16xf32>,
          tpu.vector_store %arg10[%swap3A_151, %swap3A_152], %bitcast3A {strides = array<i32>} : memref<2x160xf32, #tpu.memory_space<vmem>>, vector<16xf32>,
          %get3A_154 = arith.constant 0 : i32
          %get3A_155 = arith.index_cast %get3A_154 : i32 to index
          %get3A_156 = arith.constant 16 : index
          %get3A_157 = tpu.vector_load %arg6[%get3A_155, %get3A_156] {strides = array<i32>} : memref<2x240xi32, #tpu.memory_space<vmem>>, vector<16xi32>,
          %get3A_158 = arith.constant 0 : i32
          %get3A_159 = arith.index_cast %get3A_158 : i32 to index
          %get3A_160 = arith.constant 96 : index
          %get3A_161 = tpu.vector_load %arg6[%get3A_159, %get3A_160] {strides = array<i32>} : memref<2x240xi32, #tpu.memory_space<vmem>>, vector<16xi32>,
          %get3A_162 = arith.constant 0 : i32
          %get3A_163 = arith.index_cast %get3A_162 : i32 to index
          %get3A_164 = arith.constant 176 : index
          %get3A_165 = tpu.vector_load %arg6[%get3A_163, %get3A_164] {strides = array<i32>} : memref<2x240xi32, #tpu.memory_space<vmem>>, vector<16xi32>,
          %bitcast3A_166 = vector.bitcast %get3A_165 : vector<16xi32> to vector<16xf32>
          %mul3A_167 = arith.constant 4 : i32
          %mul3A_168 = vector.broadcast %mul3A_167 : i32 to vector<16xi32>
          %mul3A_169 = arith.muli %get3A_157, %mul3A_168 : vector<16xi32>
          %add3A_170 = vector.broadcast %add3A_0 : i32 to vector<16xi32>
          %add3A_171 = arith.addi %mul3A_169, %add3A_170 : vector<16xi32>
          %swap3A_172 = arith.constant 0 : i32
          %swap3A_173 = arith.index_cast %swap3A_172 : i32 to index
          %swap3A_174 = arith.constant 16 : index
          %swap3A_175 = tpu.vector_load %arg7[%swap3A_173, %swap3A_174] {strides = array<i32>} : memref<2x80xi32, #tpu.memory_space<vmem>>, vector<16xi32>,
          tpu.vector_store %arg7[%swap3A_173, %swap3A_174], %add3A_171 {strides = array<i32>} : memref<2x80xi32, #tpu.memory_space<vmem>>, vector<16xi32>,
          %swap3A_176 = arith.constant 0 : i32
          %swap3A_177 = arith.index_cast %swap3A_176 : i32 to index
          %swap3A_178 = arith.constant 16 : index
          %swap3A_179 = tpu.vector_load %arg8[%swap3A_177, %swap3A_178] {strides = array<i32>} : memref<2x80xi32, #tpu.memory_space<vmem>>, vector<16xi32>,
          tpu.vector_store %arg8[%swap3A_177, %swap3A_178], %get3A_157 {strides = array<i32>} : memref<2x80xi32, #tpu.memory_space<vmem>>, vector<16xi32>,
          %swap3A_180 = arith.constant 0 : i32
          %swap3A_181 = arith.index_cast %swap3A_180 : i32 to index
          %swap3A_182 = arith.constant 16 : index
          %swap3A_183 = tpu.vector_load %arg9[%swap3A_181, %swap3A_182] {strides = array<i32>} : memref<2x80xi32, #tpu.memory_space<vmem>>, vector<16xi32>,
          tpu.vector_store %arg9[%swap3A_181, %swap3A_182], %get3A_161 {strides = array<i32>} : memref<2x80xi32, #tpu.memory_space<vmem>>, vector<16xi32>,
          %swap3A_184 = arith.constant 0 : i32
          %swap3A_185 = arith.index_cast %swap3A_184 : i32 to index
          %swap3A_186 = arith.constant 96 : index
          %swap3A_187 = tpu.vector_load %arg10[%swap3A_185, %swap3A_186] {strides = array<i32>} : memref<2x160xf32, #tpu.memory_space<vmem>>, vector<16xf32>,
          tpu.vector_store %arg10[%swap3A_185, %swap3A_186], %bitcast3A_166 {strides = array<i32>} : memref<2x160xf32, #tpu.memory_space<vmem>>, vector<16xf32>,
          %get3A_188 = arith.constant 0 : i32
          %get3A_189 = arith.index_cast %get3A_188 : i32 to index
          %get3A_190 = arith.constant 32 : index
          %get3A_191 = tpu.vector_load %arg6[%get3A_189, %get3A_190] {strides = array<i32>} : memref<2x240xi32, #tpu.memory_space<vmem>>, vector<16xi32>,
          %get3A_192 = arith.constant 0 : i32
          %get3A_193 = arith.index_cast %get3A_192 : i32 to index
          %get3A_194 = arith.constant 112 : index
          %get3A_195 = tpu.vector_load %arg6[%get3A_193, %get3A_194] {strides = array<i32>} : memref<2x240xi32, #tpu.memory_space<vmem>>, vector<16xi32>,
          %get3A_196 = arith.constant 0 : i32
          %get3A_197 = arith.index_cast %get3A_196 : i32 to index
          %get3A_198 = arith.constant 192 : index
          %get3A_199 = tpu.vector_load %arg6[%get3A_197, %get3A_198] {strides = array<i32>} : memref<2x240xi32, #tpu.memory_space<vmem>>, vector<16xi32>,
          %bitcast3A_200 = vector.bitcast %get3A_199 : vector<16xi32> to vector<16xf32>
          %mul3A_201 = arith.constant 4 : i32
          %mul3A_202 = vector.broadcast %mul3A_201 : i32 to vector<16xi32>
          %mul3A_203 = arith.muli %get3A_191, %mul3A_202 : vector<16xi32>
          %add3A_204 = vector.broadcast %add3A_0 : i32 to vector<16xi32>
          %add3A_205 = arith.addi %mul3A_203, %add3A_204 : vector<16xi32>
          %swap3A_206 = arith.constant 0 : i32
          %swap3A_207 = arith.index_cast %swap3A_206 : i32 to index
          %swap3A_208 = arith.constant 32 : index
          %swap3A_209 = tpu.vector_load %arg7[%swap3A_207, %swap3A_208] {strides = array<i32>} : memref<2x80xi32, #tpu.memory_space<vmem>>, vector<16xi32>,
          tpu.vector_store %arg7[%swap3A_207, %swap3A_208], %add3A_205 {strides = array<i32>} : memref<2x80xi32, #tpu.memory_space<vmem>>, vector<16xi32>,
          %swap3A_210 = arith.constant 0 : i32
          %swap3A_211 = arith.index_cast %swap3A_210 : i32 to index
          %swap3A_212 = arith.constant 32 : index
          %swap3A_213 = tpu.vector_load %arg8[%swap3A_211, %swap3A_212] {strides = array<i32>} : memref<2x80xi32, #tpu.memory_space<vmem>>, vector<16xi32>,
          tpu.vector_store %arg8[%swap3A_211, %swap3A_212], %get3A_191 {strides = array<i32>} : memref<2x80xi32, #tpu.memory_space<vmem>>, vector<16xi32>,
          %swap3A_214 = arith.constant 0 : i32
          %swap3A_215 = arith.index_cast %swap3A_214 : i32 to index
          %swap3A_216 = arith.constant 32 : index
          %swap3A_217 = tpu.vector_load %arg9[%swap3A_215, %swap3A_216] {strides = array<i32>} : memref<2x80xi32, #tpu.memory_space<vmem>>, vector<16xi32>,
          tpu.vector_store %arg9[%swap3A_215, %swap3A_216], %get3A_195 {strides = array<i32>} : memref<2x80xi32, #tpu.memory_space<vmem>>, vector<16xi32>,
          %swap3A_218 = arith.constant 0 : i32
          %swap3A_219 = arith.index_cast %swap3A_218 : i32 to index
          %swap3A_220 = arith.constant 112 : index
          %swap3A_221 = tpu.vector_load %arg10[%swap3A_219, %swap3A_220] {strides = array<i32>} : memref<2x160xf32, #tpu.memory_space<vmem>>, vector<16xf32>,
          tpu.vector_store %arg10[%swap3A_219, %swap3A_220], %bitcast3A_200 {strides = array<i32>} : memref<2x160xf32, #tpu.memory_space<vmem>>, vector<16xf32>,
          %get3A_222 = arith.constant 0 : i32
          %get3A_223 = arith.index_cast %get3A_222 : i32 to index
          %get3A_224 = arith.constant 48 : index
          %get3A_225 = tpu.vector_load %arg6[%get3A_223, %get3A_224] {strides = array<i32>} : memref<2x240xi32, #tpu.memory_space<vmem>>, vector<16xi32>,
          %get3A_226 = arith.constant 0 : i32
          %get3A_227 = arith.index_cast %get3A_226 : i32 to index
          %get3A_228 = arith.constant 128 : index
          %get3A_229 = tpu.vector_load %arg6[%get3A_227, %get3A_228] {strides = array<i32>} : memref<2x240xi32, #tpu.memory_space<vmem>>, vector<16xi32>,
          %get3A_230 = arith.constant 0 : i32
          %get3A_231 = arith.index_cast %get3A_230 : i32 to index
          %get3A_232 = arith.constant 208 : index
          %get3A_233 = tpu.vector_load %arg6[%get3A_231, %get3A_232] {strides = array<i32>} : memref<2x240xi32, #tpu.memory_space<vmem>>, vector<16xi32>,
          %bitcast3A_234 = vector.bitcast %get3A_233 : vector<16xi32> to vector<16xf32>
          %mul3A_235 = arith.constant 4 : i32
          %mul3A_236 = vector.broadcast %mul3A_235 : i32 to vector<16xi32>
          %mul3A_237 = arith.muli %get3A_225, %mul3A_236 : vector<16xi32>
          %add3A_238 = vector.broadcast %add3A_0 : i32 to vector<16xi32>
          %add3A_239 = arith.addi %mul3A_237, %add3A_238 : vector<16xi32>
          %swap3A_240 = arith.constant 0 : i32
          %swap3A_241 = arith.index_cast %swap3A_240 : i32 to index
          %swap3A_242 = arith.constant 48 : index
          %swap3A_243 = tpu.vector_load %arg7[%swap3A_241, %swap3A_242] {strides = array<i32>} : memref<2x80xi32, #tpu.memory_space<vmem>>, vector<16xi32>,
          tpu.vector_store %arg7[%swap3A_241, %swap3A_242], %add3A_239 {strides = array<i32>} : memref<2x80xi32, #tpu.memory_space<vmem>>, vector<16xi32>,
          %swap3A_244 = arith.constant 0 : i32
          %swap3A_245 = arith.index_cast %swap3A_244 : i32 to index
          %swap3A_246 = arith.constant 48 : index
          %swap3A_247 = tpu.vector_load %arg8[%swap3A_245, %swap3A_246] {strides = array<i32>} : memref<2x80xi32, #tpu.memory_space<vmem>>, vector<16xi32>,
          tpu.vector_store %arg8[%swap3A_245, %swap3A_246], %get3A_225 {strides = array<i32>} : memref<2x80xi32, #tpu.memory_space<vmem>>, vector<16xi32>,
          %swap3A_248 = arith.constant 0 : i32
          %swap3A_249 = arith.index_cast %swap3A_248 : i32 to index
          %swap3A_250 = arith.constant 48 : index
          %swap3A_251 = tpu.vector_load %arg9[%swap3A_249, %swap3A_250] {strides = array<i32>} : memref<2x80xi32, #tpu.memory_space<vmem>>, vector<16xi32>,
          tpu.vector_store %arg9[%swap3A_249, %swap3A_250], %get3A_229 {strides = array<i32>} : memref<2x80xi32, #tpu.memory_space<vmem>>, vector<16xi32>,
          %swap3A_252 = arith.constant 0 : i32
          %swap3A_253 = arith.index_cast %swap3A_252 : i32 to index
          %swap3A_254 = arith.constant 128 : index
          %swap3A_255 = tpu.vector_load %arg10[%swap3A_253, %swap3A_254] {strides = array<i32>} : memref<2x160xf32, #tpu.memory_space<vmem>>, vector<16xf32>,
          tpu.vector_store %arg10[%swap3A_253, %swap3A_254], %bitcast3A_234 {strides = array<i32>} : memref<2x160xf32, #tpu.memory_space<vmem>>, vector<16xf32>,
          %get3A_256 = arith.constant 0 : i32
          %get3A_257 = arith.index_cast %get3A_256 : i32 to index
          %get3A_258 = arith.constant 64 : index
          %get3A_259 = tpu.vector_load %arg6[%get3A_257, %get3A_258] {strides = array<i32>} : memref<2x240xi32, #tpu.memory_space<vmem>>, vector<16xi32>,
          %get3A_260 = arith.constant 0 : i32
          %get3A_261 = arith.index_cast %get3A_260 : i32 to index
          %get3A_262 = arith.constant 144 : index
          %get3A_263 = tpu.vector_load %arg6[%get3A_261, %get3A_262] {strides = array<i32>} : memref<2x240xi32, #tpu.memory_space<vmem>>, vector<16xi32>,
          %get3A_264 = arith.constant 0 : i32
          %get3A_265 = arith.index_cast %get3A_264 : i32 to index
          %get3A_266 = arith.constant 224 : index
          %get3A_267 = tpu.vector_load %arg6[%get3A_265, %get3A_266] {strides = array<i32>} : memref<2x240xi32, #tpu.memory_space<vmem>>, vector<16xi32>,
          %bitcast3A_268 = vector.bitcast %get3A_267 : vector<16xi32> to vector<16xf32>
          %mul3A_269 = arith.constant 4 : i32
          %mul3A_270 = vector.broadcast %mul3A_269 : i32 to vector<16xi32>
          %mul3A_271 = arith.muli %get3A_259, %mul3A_270 : vector<16xi32>
          %add3A_272 = vector.broadcast %add3A_0 : i32 to vector<16xi32>
          %add3A_273 = arith.addi %mul3A_271, %add3A_272 : vector<16xi32>
          %swap3A_274 = arith.constant 0 : i32
          %swap3A_275 = arith.index_cast %swap3A_274 : i32 to index
          %swap3A_276 = arith.constant 64 : index
          %swap3A_277 = tpu.vector_load %arg7[%swap3A_275, %swap3A_276] {strides = array<i32>} : memref<2x80xi32, #tpu.memory_space<vmem>>, vector<16xi32>,
          tpu.vector_store %arg7[%swap3A_275, %swap3A_276], %add3A_273 {strides = array<i32>} : memref<2x80xi32, #tpu.memory_space<vmem>>, vector<16xi32>,
          %swap3A_278 = arith.constant 0 : i32
          %swap3A_279 = arith.index_cast %swap3A_278 : i32 to index
          %swap3A_280 = arith.constant 64 : index
          %swap3A_281 = tpu.vector_load %arg8[%swap3A_279, %swap3A_280] {strides = array<i32>} : memref<2x80xi32, #tpu.memory_space<vmem>>, vector<16xi32>,
          tpu.vector_store %arg8[%swap3A_279, %swap3A_280], %get3A_259 {strides = array<i32>} : memref<2x80xi32, #tpu.memory_space<vmem>>, vector<16xi32>,
          %swap3A_282 = arith.constant 0 : i32
          %swap3A_283 = arith.index_cast %swap3A_282 : i32 to index
          %swap3A_284 = arith.constant 64 : index
          %swap3A_285 = tpu.vector_load %arg9[%swap3A_283, %swap3A_284] {strides = array<i32>} : memref<2x80xi32, #tpu.memory_space<vmem>>, vector<16xi32>,
          tpu.vector_store %arg9[%swap3A_283, %swap3A_284], %get3A_263 {strides = array<i32>} : memref<2x80xi32, #tpu.memory_space<vmem>>, vector<16xi32>,
          %swap3A_286 = arith.constant 0 : i32
          %swap3A_287 = arith.index_cast %swap3A_286 : i32 to index
          %swap3A_288 = arith.constant 144 : index
          %swap3A_289 = tpu.vector_load %arg10[%swap3A_287, %swap3A_288] {strides = array<i32>} : memref<2x160xf32, #tpu.memory_space<vmem>>, vector<16xf32>,
          tpu.vector_store %arg10[%swap3A_287, %swap3A_288], %bitcast3A_268 {strides = array<i32>} : memref<2x160xf32, #tpu.memory_space<vmem>>, vector<16xf32>,
          %add3A_290 = arith.constant 1 : i32
          %add3A_291 = arith.addi %scan3A_83, %add3A_290 : i32
          %lt3A_292 = arith.constant 125 : i32
          %lt3A_293 = arith.cmpi slt, %add3A_291, %lt3A_292 : i32
          %convert_element_type3A_294 = arith.extui %lt3A_293 : i1 to i32
          %cond3A_295 = arith.constant 0 : i32
          %cond3A_296 = arith.cmpi ne, %convert_element_type3A_294, %cond3A_295 : i32
          scf.if %cond3A_296 {
            %add3A_333 = arith.constant 1 : i32
            %add3A_334 = arith.addi %scan3A_83, %add3A_333 : i32
            %mul3A_335 = arith.constant 125 : i32
            %mul3A_336 = arith.muli %arg1, %mul3A_335 : i32
            %add3A_337 = arith.addi %mul3A_336, %add3A_334 : i32
            %dma_start3A_338 = arith.constant 1 : i32
            %dma_start3A_339 = arith.constant 0 : i32
            %dma_start3A_340 = tpu.memref_slice %arg6[%dma_start3A_338, %dma_start3A_339] : memref<2x240xi32, #tpu.memory_space<vmem>> -> memref<1x240xi32, #tpu.memory_space<vmem>>
            %dma_start3A_341 = tpu.memref_squeeze %dma_start3A_340 : memref<1x240xi32, #tpu.memory_space<vmem>> -> memref<240xi32, #tpu.memory_space<vmem>>
            %dma_start3A_342 = arith.constant 0 : i32
            %dma_start3A_343 = tpu.memref_slice %arg2[%add3A_337, %dma_start3A_342] : memref<2000x240xi32, #tpu.memory_space<hbm>> -> memref<1x240xi32, #tpu.memory_space<hbm>>
            %dma_start3A_344 = tpu.memref_squeeze %dma_start3A_343 : memref<1x240xi32, #tpu.memory_space<hbm>> -> memref<240xi32, #tpu.memory_space<hbm>>
            %dma_start3A_345 = arith.constant 0 : i32
            %dma_start3A_346 = tpu.memref_slice %arg6[%dma_start3A_338, %dma_start3A_345] : memref<2x240xi32, #tpu.memory_space<vmem>> -> memref<1x240xi32, #tpu.memory_space<vmem>>
            %dma_start3A_347 = tpu.memref_squeeze %dma_start3A_346 : memref<1x240xi32, #tpu.memory_space<vmem>> -> memref<240xi32, #tpu.memory_space<vmem>>
            %dma_start3A_348 = arith.constant 0 : i32
            %dma_start3A_349 = tpu.memref_slice %arg2[%add3A_337, %dma_start3A_348] : memref<2000x240xi32, #tpu.memory_space<hbm>> -> memref<1x240xi32, #tpu.memory_space<hbm>>
            %dma_start3A_350 = tpu.memref_squeeze %dma_start3A_349 : memref<1x240xi32, #tpu.memory_space<hbm>> -> memref<240xi32, #tpu.memory_space<hbm>>
            tpu.enqueue_dma source(%dma_start3A_350 : memref<240xi32, #tpu.memory_space<hbm>>) target(%dma_start3A_347 : memref<240xi32, #tpu.memory_space<vmem>>) target_semaphore(%arg16 : memref<!tpu.dma_semaphore, #tpu.memory_space<semaphore_mem>>)
          } else {
          }
          %dma_start3A_297 = arith.constant 0 : i32
          %dma_start3A_298 = arith.constant 0 : i32
          %dma_start3A_299 = arith.constant 0 : i32
          %dma_start3A_300 = arith.constant 0 : i32
          %dma_start3A_301 = tpu.memref_slice %arg11[%dma_start3A_298, %dma_start3A_299, %dma_start3A_300] : memref<2x80x96xf32, #tpu.memory_space<vmem>> -> memref<1x80x96xf32, #tpu.memory_space<vmem>>
          %dma_start3A_302 = tpu.memref_squeeze %dma_start3A_301 : memref<1x80x96xf32, #tpu.memory_space<vmem>> -> memref<80x96xf32, #tpu.memory_space<vmem>>
          %dma_start3A_303 = arith.constant 0 : i32
          %dma_start3A_304 = tpu.memref_slice %arg7[%dma_start3A_297, %dma_start3A_303] : memref<2x80xi32, #tpu.memory_space<vmem>> -> memref<1x80xi32, #tpu.memory_space<vmem>>
          %dma_start3A_305 = tpu.memref_squeeze %dma_start3A_304 : memref<1x80xi32, #tpu.memory_space<vmem>> -> memref<80xi32, #tpu.memory_space<vmem>>
          %dma_start3A_306 = arith.constant 0 : i32
          %dma_start3A_307 = arith.constant 0 : i32
          %dma_start3A_308 = tpu.memref_slice %arg3[%dma_start3A_306, %dma_start3A_307] : memref<40000x96xf32, #tpu.memory_space<hbm>> -> memref<40000x96xf32, #tpu.memory_space<hbm>>
          tpu.enqueue_indirect_dma source(%dma_start3A_308 : memref<40000x96xf32, #tpu.memory_space<hbm>>) target(%dma_start3A_302 : memref<80x96xf32, #tpu.memory_space<vmem>>) offsets(%dma_start3A_305 : memref<80xi32, #tpu.memory_space<vmem>>) semaphore(%arg17 : memref<!tpu.dma_semaphore, #tpu.memory_space<semaphore_mem>>)
          %dma_start3A_309 = arith.constant 0 : i32
          %dma_start3A_310 = arith.constant 0 : i32
          %dma_start3A_311 = arith.constant 0 : i32
          %dma_start3A_312 = arith.constant 0 : i32
          %dma_start3A_313 = tpu.memref_slice %arg13[%dma_start3A_310, %dma_start3A_311, %dma_start3A_312] : memref<2x80x16xf32, #tpu.memory_space<vmem>> -> memref<1x80x16xf32, #tpu.memory_space<vmem>>
          %dma_start3A_314 = tpu.memref_squeeze %dma_start3A_313 : memref<1x80x16xf32, #tpu.memory_space<vmem>> -> memref<80x16xf32, #tpu.memory_space<vmem>>
          %dma_start3A_315 = arith.constant 0 : i32
          %dma_start3A_316 = tpu.memref_slice %arg8[%dma_start3A_309, %dma_start3A_315] : memref<2x80xi32, #tpu.memory_space<vmem>> -> memref<1x80xi32, #tpu.memory_space<vmem>>
          %dma_start3A_317 = tpu.memref_squeeze %dma_start3A_316 : memref<1x80xi32, #tpu.memory_space<vmem>> -> memref<80xi32, #tpu.memory_space<vmem>>
          %dma_start3A_318 = arith.constant 0 : i32
          %dma_start3A_319 = arith.constant 0 : i32
          %dma_start3A_320 = tpu.memref_slice %arg4[%dma_start3A_318, %dma_start3A_319] : memref<10000x16xf32, #tpu.memory_space<hbm>> -> memref<10000x16xf32, #tpu.memory_space<hbm>>
          tpu.enqueue_indirect_dma source(%dma_start3A_320 : memref<10000x16xf32, #tpu.memory_space<hbm>>) target(%dma_start3A_314 : memref<80x16xf32, #tpu.memory_space<vmem>>) offsets(%dma_start3A_317 : memref<80xi32, #tpu.memory_space<vmem>>) semaphore(%arg19 : memref<!tpu.dma_semaphore, #tpu.memory_space<semaphore_mem>>)
          %dma_start3A_321 = arith.constant 0 : i32
          %dma_start3A_322 = arith.constant 0 : i32
          %dma_start3A_323 = arith.constant 0 : i32
          %dma_start3A_324 = arith.constant 0 : i32
          %dma_start3A_325 = tpu.memref_slice %arg14[%dma_start3A_322, %dma_start3A_323, %dma_start3A_324] : memref<2x80x16xf32, #tpu.memory_space<vmem>> -> memref<1x80x16xf32, #tpu.memory_space<vmem>>
          %dma_start3A_326 = tpu.memref_squeeze %dma_start3A_325 : memref<1x80x16xf32, #tpu.memory_space<vmem>> -> memref<80x16xf32, #tpu.memory_space<vmem>>
          %dma_start3A_327 = arith.constant 0 : i32
          %dma_start3A_328 = tpu.memref_slice %arg9[%dma_start3A_321, %dma_start3A_327] : memref<2x80xi32, #tpu.memory_space<vmem>> -> memref<1x80xi32, #tpu.memory_space<vmem>>
          %dma_start3A_329 = tpu.memref_squeeze %dma_start3A_328 : memref<1x80xi32, #tpu.memory_space<vmem>> -> memref<80xi32, #tpu.memory_space<vmem>>
          %dma_start3A_330 = arith.constant 0 : i32
          %dma_start3A_331 = arith.constant 0 : i32
          %dma_start3A_332 = tpu.memref_slice %arg4[%dma_start3A_330, %dma_start3A_331] : memref<10000x16xf32, #tpu.memory_space<hbm>> -> memref<10000x16xf32, #tpu.memory_space<hbm>>
          tpu.enqueue_indirect_dma source(%dma_start3A_332 : memref<10000x16xf32, #tpu.memory_space<hbm>>) target(%dma_start3A_326 : memref<80x16xf32, #tpu.memory_space<vmem>>) offsets(%dma_start3A_329 : memref<80xi32, #tpu.memory_space<vmem>>) semaphore(%arg19 : memref<!tpu.dma_semaphore, #tpu.memory_space<semaphore_mem>>)
        } else {
        }
        %rem3A_97 = arith.constant 2 : i32
        %rem3A_98 = arith.remsi %scan3A_83, %rem3A_97 : i32
        %eq3A_99 = arith.constant 1 : i32
        %eq3A_100 = arith.cmpi eq, %rem3A_98, %eq3A_99 : i32
        %convert_element_type3A_101 = arith.extui %eq3A_100 : i1 to i32
        %cond3A_102 = arith.constant 0 : i32
        %cond3A_103 = arith.cmpi ne, %convert_element_type3A_101, %cond3A_102 : i32
        scf.if %cond3A_103 {
          %ge3A_104 = arith.constant 2 : i32
          %ge3A_105 = arith.cmpi sge, %scan3A_83, %ge3A_104 : i32
          %convert_element_type3A_106 = arith.extui %ge3A_105 : i1 to i32
          %cond3A_107 = arith.constant 0 : i32
          %cond3A_108 = arith.cmpi ne, %convert_element_type3A_106, %cond3A_107 : i32
          scf.if %cond3A_108 {
            %dma_wait3A_333 = arith.constant 0 : i32
            %dma_wait3A_334 = arith.constant 1 : i32
            %dma_wait3A_335 = arith.constant 0 : i32
            %dma_wait3A_336 = arith.constant 0 : i32
            %dma_wait3A_337 = tpu.memref_slice %arg12[%dma_wait3A_334, %dma_wait3A_335, %dma_wait3A_336] : memref<2x80x112xf32, #tpu.memory_space<vmem>> -> memref<1x80x112xf32, #tpu.memory_space<vmem>>
            %dma_wait3A_338 = tpu.memref_squeeze %dma_wait3A_337 : memref<1x80x112xf32, #tpu.memory_space<vmem>> -> memref<80x112xf32, #tpu.memory_space<vmem>>
            %dma_wait3A_339 = arith.constant 0 : i32
            %dma_wait3A_340 = arith.constant 0 : i32
            %dma_wait3A_341 = tpu.memref_slice %arg5[%dma_wait3A_333, %dma_wait3A_339, %dma_wait3A_340] : memref<2x10000x112xf32, #tpu.memory_space<hbm>> -> memref<1x80x112xf32, #tpu.memory_space<hbm>>
            %dma_wait3A_342 = tpu.memref_squeeze %dma_wait3A_341 : memref<1x80x112xf32, #tpu.memory_space<hbm>> -> memref<80x112xf32, #tpu.memory_space<hbm>>
            %dma_wait3A_343 = arith.constant 0 : i32
            %dma_wait3A_344 = arith.constant 0 : i32
            %dma_wait3A_345 = tpu.memref_slice %arg12[%dma_wait3A_334, %dma_wait3A_343, %dma_wait3A_344] : memref<2x80x112xf32, #tpu.memory_space<vmem>> -> memref<1x80x112xf32, #tpu.memory_space<vmem>>
            %dma_wait3A_346 = tpu.memref_squeeze %dma_wait3A_345 : memref<1x80x112xf32, #tpu.memory_space<vmem>> -> memref<80x112xf32, #tpu.memory_space<vmem>>
            %dma_wait3A_347 = arith.constant 0 : i32
            %dma_wait3A_348 = arith.constant 0 : i32
            %dma_wait3A_349 = tpu.memref_slice %arg5[%dma_wait3A_333, %dma_wait3A_347, %dma_wait3A_348] : memref<2x10000x112xf32, #tpu.memory_space<hbm>> -> memref<1x80x112xf32, #tpu.memory_space<hbm>>
            %dma_wait3A_350 = tpu.memref_squeeze %dma_wait3A_349 : memref<1x80x112xf32, #tpu.memory_space<hbm>> -> memref<80x112xf32, #tpu.memory_space<hbm>>
            tpu.wait_dma2 semaphore(%arg22 : memref<!tpu.dma_semaphore, #tpu.memory_space<semaphore_mem>>) src(%dma_wait3A_350 : memref<80x112xf32, #tpu.memory_space<hbm>>) dst(%dma_wait3A_346 : memref<80x112xf32, #tpu.memory_space<vmem>>)
          } else {
          }
          %dma_wait3A_109 = arith.constant 0 : i32
          %dma_wait3A_110 = arith.constant 1 : i32
          %dma_wait3A_111 = arith.constant 0 : i32
          %dma_wait3A_112 = tpu.memref_slice %arg6[%dma_wait3A_110, %dma_wait3A_111] : memref<2x240xi32, #tpu.memory_space<vmem>> -> memref<1x240xi32, #tpu.memory_space<vmem>>
          %dma_wait3A_113 = tpu.memref_squeeze %dma_wait3A_112 : memref<1x240xi32, #tpu.memory_space<vmem>> -> memref<240xi32, #tpu.memory_space<vmem>>
          %dma_wait3A_114 = arith.constant 0 : i32
          %dma_wait3A_115 = tpu.memref_slice %arg2[%dma_wait3A_109, %dma_wait3A_114] : memref<2000x240xi32, #tpu.memory_space<hbm>> -> memref<1x240xi32, #tpu.memory_space<hbm>>
          %dma_wait3A_116 = tpu.memref_squeeze %dma_wait3A_115 : memref<1x240xi32, #tpu.memory_space<hbm>> -> memref<240xi32, #tpu.memory_space<hbm>>
          %dma_wait3A_117 = arith.constant 0 : i32
          %dma_wait3A_118 = tpu.memref_slice %arg6[%dma_wait3A_110, %dma_wait3A_117] : memref<2x240xi32, #tpu.memory_space<vmem>> -> memref<1x240xi32, #tpu.memory_space<vmem>>
          %dma_wait3A_119 = tpu.memref_squeeze %dma_wait3A_118 : memref<1x240xi32, #tpu.memory_space<vmem>> -> memref<240xi32, #tpu.memory_space<vmem>>
          %dma_wait3A_120 = arith.constant 0 : i32
          %dma_wait3A_121 = tpu.memref_slice %arg2[%dma_wait3A_109, %dma_wait3A_120] : memref<2000x240xi32, #tpu.memory_space<hbm>> -> memref<1x240xi32, #tpu.memory_space<hbm>>
          %dma_wait3A_122 = tpu.memref_squeeze %dma_wait3A_121 : memref<1x240xi32, #tpu.memory_space<hbm>> -> memref<240xi32, #tpu.memory_space<hbm>>
          tpu.wait_dma2 semaphore(%arg16 : memref<!tpu.dma_semaphore, #tpu.memory_space<semaphore_mem>>) src(%dma_wait3A_122 : memref<240xi32, #tpu.memory_space<hbm>>) dst(%dma_wait3A_119 : memref<240xi32, #tpu.memory_space<vmem>>)
          %get3A = arith.constant 1 : i32
          %get3A_123 = arith.index_cast %get3A : i32 to index
          %get3A_124 = arith.constant 0 : index
          %get3A_125 = tpu.vector_load %arg6[%get3A_123, %get3A_124] {strides = array<i32>} : memref<2x240xi32, #tpu.memory_space<vmem>>, vector<16xi32>,
          %get3A_126 = arith.constant 1 : i32
          %get3A_127 = arith.index_cast %get3A_126 : i32 to index
          %get3A_128 = arith.constant 80 : index
          %get3A_129 = tpu.vector_load %arg6[%get3A_127, %get3A_128] {strides = array<i32>} : memref<2x240xi32, #tpu.memory_space<vmem>>, vector<16xi32>,
          %get3A_130 = arith.constant 1 : i32
          %get3A_131 = arith.index_cast %get3A_130 : i32 to index
          %get3A_132 = arith.constant 160 : index
          %get3A_133 = tpu.vector_load %arg6[%get3A_131, %get3A_132] {strides = array<i32>} : memref<2x240xi32, #tpu.memory_space<vmem>>, vector<16xi32>,
          %bitcast3A = vector.bitcast %get3A_133 : vector<16xi32> to vector<16xf32>
          %mul3A_134 = arith.constant 4 : i32
          %mul3A_135 = vector.broadcast %mul3A_134 : i32 to vector<16xi32>
          %mul3A_136 = arith.muli %get3A_125, %mul3A_135 : vector<16xi32>
          %add3A_137 = vector.broadcast %add3A_0 : i32 to vector<16xi32>
          %add3A_138 = arith.addi %mul3A_136, %add3A_137 : vector<16xi32>
          %swap3A = arith.constant 1 : i32
          %swap3A_139 = arith.index_cast %swap3A : i32 to index
          %swap3A_140 = arith.constant 0 : index
          %swap3A_141 = tpu.vector_load %arg7[%swap3A_139, %swap3A_140] {strides = array<i32>} : memref<2x80xi32, #tpu.memory_space<vmem>>, vector<16xi32>,
          tpu.vector_store %arg7[%swap3A_139, %swap3A_140], %add3A_138 {strides = array<i32>} : memref<2x80xi32, #tpu.memory_space<vmem>>, vector<16xi32>,
          %swap3A_142 = arith.constant 1 : i32
          %swap3A_143 = arith.index_cast %swap3A_142 : i32 to index
          %swap3A_144 = arith.constant 0 : index
          %swap3A_145 = tpu.vector_load %arg8[%swap3A_143, %swap3A_144] {strides = array<i32>} : memref<2x80xi32, #tpu.memory_space<vmem>>, vector<16xi32>,
          tpu.vector_store %arg8[%swap3A_143, %swap3A_144], %get3A_125 {strides = array<i32>} : memref<2x80xi32, #tpu.memory_space<vmem>>, vector<16xi32>,
          %swap3A_146 = arith.constant 1 : i32
          %swap3A_147 = arith.index_cast %swap3A_146 : i32 to index
          %swap3A_148 = arith.constant 0 : index
          %swap3A_149 = tpu.vector_load %arg9[%swap3A_147, %swap3A_148] {strides = array<i32>} : memref<2x80xi32, #tpu.memory_space<vmem>>, vector<16xi32>,
          tpu.vector_store %arg9[%swap3A_147, %swap3A_148], %get3A_129 {strides = array<i32>} : memref<2x80xi32, #tpu.memory_space<vmem>>, vector<16xi32>,
          %swap3A_150 = arith.constant 1 : i32
          %swap3A_151 = arith.index_cast %swap3A_150 : i32 to index
          %swap3A_152 = arith.constant 80 : index
          %swap3A_153 = tpu.vector_load %arg10[%swap3A_151, %swap3A_152] {strides = array<i32>} : memref<2x160xf32, #tpu.memory_space<vmem>>, vector<16xf32>,
          tpu.vector_store %arg10[%swap3A_151, %swap3A_152], %bitcast3A {strides = array<i32>} : memref<2x160xf32, #tpu.memory_space<vmem>>, vector<16xf32>,
          %get3A_154 = arith.constant 1 : i32
          %get3A_155 = arith.index_cast %get3A_154 : i32 to index
          %get3A_156 = arith.constant 16 : index
          %get3A_157 = tpu.vector_load %arg6[%get3A_155, %get3A_156] {strides = array<i32>} : memref<2x240xi32, #tpu.memory_space<vmem>>, vector<16xi32>,
          %get3A_158 = arith.constant 1 : i32
          %get3A_159 = arith.index_cast %get3A_158 : i32 to index
          %get3A_160 = arith.constant 96 : index
          %get3A_161 = tpu.vector_load %arg6[%get3A_159, %get3A_160] {strides = array<i32>} : memref<2x240xi32, #tpu.memory_space<vmem>>, vector<16xi32>,
          %get3A_162 = arith.constant 1 : i32
          %get3A_163 = arith.index_cast %get3A_162 : i32 to index
          %get3A_164 = arith.constant 176 : index
          %get3A_165 = tpu.vector_load %arg6[%get3A_163, %get3A_164] {strides = array<i32>} : memref<2x240xi32, #tpu.memory_space<vmem>>, vector<16xi32>,
          %bitcast3A_166 = vector.bitcast %get3A_165 : vector<16xi32> to vector<16xf32>
          %mul3A_167 = arith.constant 4 : i32
          %mul3A_168 = vector.broadcast %mul3A_167 : i32 to vector<16xi32>
          %mul3A_169 = arith.muli %get3A_157, %mul3A_168 : vector<16xi32>
          %add3A_170 = vector.broadcast %add3A_0 : i32 to vector<16xi32>
          %add3A_171 = arith.addi %mul3A_169, %add3A_170 : vector<16xi32>
          %swap3A_172 = arith.constant 1 : i32
          %swap3A_173 = arith.index_cast %swap3A_172 : i32 to index
          %swap3A_174 = arith.constant 16 : index
          %swap3A_175 = tpu.vector_load %arg7[%swap3A_173, %swap3A_174] {strides = array<i32>} : memref<2x80xi32, #tpu.memory_space<vmem>>, vector<16xi32>,
          tpu.vector_store %arg7[%swap3A_173, %swap3A_174], %add3A_171 {strides = array<i32>} : memref<2x80xi32, #tpu.memory_space<vmem>>, vector<16xi32>,
          %swap3A_176 = arith.constant 1 : i32
          %swap3A_177 = arith.index_cast %swap3A_176 : i32 to index
          %swap3A_178 = arith.constant 16 : index
          %swap3A_179 = tpu.vector_load %arg8[%swap3A_177, %swap3A_178] {strides = array<i32>} : memref<2x80xi32, #tpu.memory_space<vmem>>, vector<16xi32>,
          tpu.vector_store %arg8[%swap3A_177, %swap3A_178], %get3A_157 {strides = array<i32>} : memref<2x80xi32, #tpu.memory_space<vmem>>, vector<16xi32>,
          %swap3A_180 = arith.constant 1 : i32
          %swap3A_181 = arith.index_cast %swap3A_180 : i32 to index
          %swap3A_182 = arith.constant 16 : index
          %swap3A_183 = tpu.vector_load %arg9[%swap3A_181, %swap3A_182] {strides = array<i32>} : memref<2x80xi32, #tpu.memory_space<vmem>>, vector<16xi32>,
          tpu.vector_store %arg9[%swap3A_181, %swap3A_182], %get3A_161 {strides = array<i32>} : memref<2x80xi32, #tpu.memory_space<vmem>>, vector<16xi32>,
          %swap3A_184 = arith.constant 1 : i32
          %swap3A_185 = arith.index_cast %swap3A_184 : i32 to index
          %swap3A_186 = arith.constant 96 : index
          %swap3A_187 = tpu.vector_load %arg10[%swap3A_185, %swap3A_186] {strides = array<i32>} : memref<2x160xf32, #tpu.memory_space<vmem>>, vector<16xf32>,
          tpu.vector_store %arg10[%swap3A_185, %swap3A_186], %bitcast3A_166 {strides = array<i32>} : memref<2x160xf32, #tpu.memory_space<vmem>>, vector<16xf32>,
          %get3A_188 = arith.constant 1 : i32
          %get3A_189 = arith.index_cast %get3A_188 : i32 to index
          %get3A_190 = arith.constant 32 : index
          %get3A_191 = tpu.vector_load %arg6[%get3A_189, %get3A_190] {strides = array<i32>} : memref<2x240xi32, #tpu.memory_space<vmem>>, vector<16xi32>,
          %get3A_192 = arith.constant 1 : i32
          %get3A_193 = arith.index_cast %get3A_192 : i32 to index
          %get3A_194 = arith.constant 112 : index
          %get3A_195 = tpu.vector_load %arg6[%get3A_193, %get3A_194] {strides = array<i32>} : memref<2x240xi32, #tpu.memory_space<vmem>>, vector<16xi32>,
          %get3A_196 = arith.constant 1 : i32
          %get3A_197 = arith.index_cast %get3A_196 : i32 to index
          %get3A_198 = arith.constant 192 : index
          %get3A_199 = tpu.vector_load %arg6[%get3A_197, %get3A_198] {strides = array<i32>} : memref<2x240xi32, #tpu.memory_space<vmem>>, vector<16xi32>,
          %bitcast3A_200 = vector.bitcast %get3A_199 : vector<16xi32> to vector<16xf32>
          %mul3A_201 = arith.constant 4 : i32
          %mul3A_202 = vector.broadcast %mul3A_201 : i32 to vector<16xi32>
          %mul3A_203 = arith.muli %get3A_191, %mul3A_202 : vector<16xi32>
          %add3A_204 = vector.broadcast %add3A_0 : i32 to vector<16xi32>
          %add3A_205 = arith.addi %mul3A_203, %add3A_204 : vector<16xi32>
          %swap3A_206 = arith.constant 1 : i32
          %swap3A_207 = arith.index_cast %swap3A_206 : i32 to index
          %swap3A_208 = arith.constant 32 : index
          %swap3A_209 = tpu.vector_load %arg7[%swap3A_207, %swap3A_208] {strides = array<i32>} : memref<2x80xi32, #tpu.memory_space<vmem>>, vector<16xi32>,
          tpu.vector_store %arg7[%swap3A_207, %swap3A_208], %add3A_205 {strides = array<i32>} : memref<2x80xi32, #tpu.memory_space<vmem>>, vector<16xi32>,
          %swap3A_210 = arith.constant 1 : i32
          %swap3A_211 = arith.index_cast %swap3A_210 : i32 to index
          %swap3A_212 = arith.constant 32 : index
          %swap3A_213 = tpu.vector_load %arg8[%swap3A_211, %swap3A_212] {strides = array<i32>} : memref<2x80xi32, #tpu.memory_space<vmem>>, vector<16xi32>,
          tpu.vector_store %arg8[%swap3A_211, %swap3A_212], %get3A_191 {strides = array<i32>} : memref<2x80xi32, #tpu.memory_space<vmem>>, vector<16xi32>,
          %swap3A_214 = arith.constant 1 : i32
          %swap3A_215 = arith.index_cast %swap3A_214 : i32 to index
          %swap3A_216 = arith.constant 32 : index
          %swap3A_217 = tpu.vector_load %arg9[%swap3A_215, %swap3A_216] {strides = array<i32>} : memref<2x80xi32, #tpu.memory_space<vmem>>, vector<16xi32>,
          tpu.vector_store %arg9[%swap3A_215, %swap3A_216], %get3A_195 {strides = array<i32>} : memref<2x80xi32, #tpu.memory_space<vmem>>, vector<16xi32>,
          %swap3A_218 = arith.constant 1 : i32
          %swap3A_219 = arith.index_cast %swap3A_218 : i32 to index
          %swap3A_220 = arith.constant 112 : index
          %swap3A_221 = tpu.vector_load %arg10[%swap3A_219, %swap3A_220] {strides = array<i32>} : memref<2x160xf32, #tpu.memory_space<vmem>>, vector<16xf32>,
          tpu.vector_store %arg10[%swap3A_219, %swap3A_220], %bitcast3A_200 {strides = array<i32>} : memref<2x160xf32, #tpu.memory_space<vmem>>, vector<16xf32>,
          %get3A_222 = arith.constant 1 : i32
          %get3A_223 = arith.index_cast %get3A_222 : i32 to index
          %get3A_224 = arith.constant 48 : index
          %get3A_225 = tpu.vector_load %arg6[%get3A_223, %get3A_224] {strides = array<i32>} : memref<2x240xi32, #tpu.memory_space<vmem>>, vector<16xi32>,
          %get3A_226 = arith.constant 1 : i32
          %get3A_227 = arith.index_cast %get3A_226 : i32 to index
          %get3A_228 = arith.constant 128 : index
          %get3A_229 = tpu.vector_load %arg6[%get3A_227, %get3A_228] {strides = array<i32>} : memref<2x240xi32, #tpu.memory_space<vmem>>, vector<16xi32>,
          %get3A_230 = arith.constant 1 : i32
          %get3A_231 = arith.index_cast %get3A_230 : i32 to index
          %get3A_232 = arith.constant 208 : index
          %get3A_233 = tpu.vector_load %arg6[%get3A_231, %get3A_232] {strides = array<i32>} : memref<2x240xi32, #tpu.memory_space<vmem>>, vector<16xi32>,
          %bitcast3A_234 = vector.bitcast %get3A_233 : vector<16xi32> to vector<16xf32>
          %mul3A_235 = arith.constant 4 : i32
          %mul3A_236 = vector.broadcast %mul3A_235 : i32 to vector<16xi32>
          %mul3A_237 = arith.muli %get3A_225, %mul3A_236 : vector<16xi32>
          %add3A_238 = vector.broadcast %add3A_0 : i32 to vector<16xi32>
          %add3A_239 = arith.addi %mul3A_237, %add3A_238 : vector<16xi32>
          %swap3A_240 = arith.constant 1 : i32
          %swap3A_241 = arith.index_cast %swap3A_240 : i32 to index
          %swap3A_242 = arith.constant 48 : index
          %swap3A_243 = tpu.vector_load %arg7[%swap3A_241, %swap3A_242] {strides = array<i32>} : memref<2x80xi32, #tpu.memory_space<vmem>>, vector<16xi32>,
          tpu.vector_store %arg7[%swap3A_241, %swap3A_242], %add3A_239 {strides = array<i32>} : memref<2x80xi32, #tpu.memory_space<vmem>>, vector<16xi32>,
          %swap3A_244 = arith.constant 1 : i32
          %swap3A_245 = arith.index_cast %swap3A_244 : i32 to index
          %swap3A_246 = arith.constant 48 : index
          %swap3A_247 = tpu.vector_load %arg8[%swap3A_245, %swap3A_246] {strides = array<i32>} : memref<2x80xi32, #tpu.memory_space<vmem>>, vector<16xi32>,
          tpu.vector_store %arg8[%swap3A_245, %swap3A_246], %get3A_225 {strides = array<i32>} : memref<2x80xi32, #tpu.memory_space<vmem>>, vector<16xi32>,
          %swap3A_248 = arith.constant 1 : i32
          %swap3A_249 = arith.index_cast %swap3A_248 : i32 to index
          %swap3A_250 = arith.constant 48 : index
          %swap3A_251 = tpu.vector_load %arg9[%swap3A_249, %swap3A_250] {strides = array<i32>} : memref<2x80xi32, #tpu.memory_space<vmem>>, vector<16xi32>,
          tpu.vector_store %arg9[%swap3A_249, %swap3A_250], %get3A_229 {strides = array<i32>} : memref<2x80xi32, #tpu.memory_space<vmem>>, vector<16xi32>,
          %swap3A_252 = arith.constant 1 : i32
          %swap3A_253 = arith.index_cast %swap3A_252 : i32 to index
          %swap3A_254 = arith.constant 128 : index
          %swap3A_255 = tpu.vector_load %arg10[%swap3A_253, %swap3A_254] {strides = array<i32>} : memref<2x160xf32, #tpu.memory_space<vmem>>, vector<16xf32>,
          tpu.vector_store %arg10[%swap3A_253, %swap3A_254], %bitcast3A_234 {strides = array<i32>} : memref<2x160xf32, #tpu.memory_space<vmem>>, vector<16xf32>,
          %get3A_256 = arith.constant 1 : i32
          %get3A_257 = arith.index_cast %get3A_256 : i32 to index
          %get3A_258 = arith.constant 64 : index
          %get3A_259 = tpu.vector_load %arg6[%get3A_257, %get3A_258] {strides = array<i32>} : memref<2x240xi32, #tpu.memory_space<vmem>>, vector<16xi32>,
          %get3A_260 = arith.constant 1 : i32
          %get3A_261 = arith.index_cast %get3A_260 : i32 to index
          %get3A_262 = arith.constant 144 : index
          %get3A_263 = tpu.vector_load %arg6[%get3A_261, %get3A_262] {strides = array<i32>} : memref<2x240xi32, #tpu.memory_space<vmem>>, vector<16xi32>,
          %get3A_264 = arith.constant 1 : i32
          %get3A_265 = arith.index_cast %get3A_264 : i32 to index
          %get3A_266 = arith.constant 224 : index
          %get3A_267 = tpu.vector_load %arg6[%get3A_265, %get3A_266] {strides = array<i32>} : memref<2x240xi32, #tpu.memory_space<vmem>>, vector<16xi32>,
          %bitcast3A_268 = vector.bitcast %get3A_267 : vector<16xi32> to vector<16xf32>
          %mul3A_269 = arith.constant 4 : i32
          %mul3A_270 = vector.broadcast %mul3A_269 : i32 to vector<16xi32>
          %mul3A_271 = arith.muli %get3A_259, %mul3A_270 : vector<16xi32>
          %add3A_272 = vector.broadcast %add3A_0 : i32 to vector<16xi32>
          %add3A_273 = arith.addi %mul3A_271, %add3A_272 : vector<16xi32>
          %swap3A_274 = arith.constant 1 : i32
          %swap3A_275 = arith.index_cast %swap3A_274 : i32 to index
          %swap3A_276 = arith.constant 64 : index
          %swap3A_277 = tpu.vector_load %arg7[%swap3A_275, %swap3A_276] {strides = array<i32>} : memref<2x80xi32, #tpu.memory_space<vmem>>, vector<16xi32>,
          tpu.vector_store %arg7[%swap3A_275, %swap3A_276], %add3A_273 {strides = array<i32>} : memref<2x80xi32, #tpu.memory_space<vmem>>, vector<16xi32>,
          %swap3A_278 = arith.constant 1 : i32
          %swap3A_279 = arith.index_cast %swap3A_278 : i32 to index
          %swap3A_280 = arith.constant 64 : index
          %swap3A_281 = tpu.vector_load %arg8[%swap3A_279, %swap3A_280] {strides = array<i32>} : memref<2x80xi32, #tpu.memory_space<vmem>>, vector<16xi32>,
          tpu.vector_store %arg8[%swap3A_279, %swap3A_280], %get3A_259 {strides = array<i32>} : memref<2x80xi32, #tpu.memory_space<vmem>>, vector<16xi32>,
          %swap3A_282 = arith.constant 1 : i32
          %swap3A_283 = arith.index_cast %swap3A_282 : i32 to index
          %swap3A_284 = arith.constant 64 : index
          %swap3A_285 = tpu.vector_load %arg9[%swap3A_283, %swap3A_284] {strides = array<i32>} : memref<2x80xi32, #tpu.memory_space<vmem>>, vector<16xi32>,
          tpu.vector_store %arg9[%swap3A_283, %swap3A_284], %get3A_263 {strides = array<i32>} : memref<2x80xi32, #tpu.memory_space<vmem>>, vector<16xi32>,
          %swap3A_286 = arith.constant 1 : i32
          %swap3A_287 = arith.index_cast %swap3A_286 : i32 to index
          %swap3A_288 = arith.constant 144 : index
          %swap3A_289 = tpu.vector_load %arg10[%swap3A_287, %swap3A_288] {strides = array<i32>} : memref<2x160xf32, #tpu.memory_space<vmem>>, vector<16xf32>,
          tpu.vector_store %arg10[%swap3A_287, %swap3A_288], %bitcast3A_268 {strides = array<i32>} : memref<2x160xf32, #tpu.memory_space<vmem>>, vector<16xf32>,
          %add3A_290 = arith.constant 1 : i32
          %add3A_291 = arith.addi %scan3A_83, %add3A_290 : i32
          %lt3A_292 = arith.constant 125 : i32
          %lt3A_293 = arith.cmpi slt, %add3A_291, %lt3A_292 : i32
          %convert_element_type3A_294 = arith.extui %lt3A_293 : i1 to i32
          %cond3A_295 = arith.constant 0 : i32
          %cond3A_296 = arith.cmpi ne, %convert_element_type3A_294, %cond3A_295 : i32
          scf.if %cond3A_296 {
            %add3A_333 = arith.constant 1 : i32
            %add3A_334 = arith.addi %scan3A_83, %add3A_333 : i32
            %mul3A_335 = arith.constant 125 : i32
            %mul3A_336 = arith.muli %arg1, %mul3A_335 : i32
            %add3A_337 = arith.addi %mul3A_336, %add3A_334 : i32
            %dma_start3A_338 = arith.constant 0 : i32
            %dma_start3A_339 = arith.constant 0 : i32
            %dma_start3A_340 = tpu.memref_slice %arg6[%dma_start3A_338, %dma_start3A_339] : memref<2x240xi32, #tpu.memory_space<vmem>> -> memref<1x240xi32, #tpu.memory_space<vmem>>
            %dma_start3A_341 = tpu.memref_squeeze %dma_start3A_340 : memref<1x240xi32, #tpu.memory_space<vmem>> -> memref<240xi32, #tpu.memory_space<vmem>>
            %dma_start3A_342 = arith.constant 0 : i32
            %dma_start3A_343 = tpu.memref_slice %arg2[%add3A_337, %dma_start3A_342] : memref<2000x240xi32, #tpu.memory_space<hbm>> -> memref<1x240xi32, #tpu.memory_space<hbm>>
            %dma_start3A_344 = tpu.memref_squeeze %dma_start3A_343 : memref<1x240xi32, #tpu.memory_space<hbm>> -> memref<240xi32, #tpu.memory_space<hbm>>
            %dma_start3A_345 = arith.constant 0 : i32
            %dma_start3A_346 = tpu.memref_slice %arg6[%dma_start3A_338, %dma_start3A_345] : memref<2x240xi32, #tpu.memory_space<vmem>> -> memref<1x240xi32, #tpu.memory_space<vmem>>
            %dma_start3A_347 = tpu.memref_squeeze %dma_start3A_346 : memref<1x240xi32, #tpu.memory_space<vmem>> -> memref<240xi32, #tpu.memory_space<vmem>>
            %dma_start3A_348 = arith.constant 0 : i32
            %dma_start3A_349 = tpu.memref_slice %arg2[%add3A_337, %dma_start3A_348] : memref<2000x240xi32, #tpu.memory_space<hbm>> -> memref<1x240xi32, #tpu.memory_space<hbm>>
            %dma_start3A_350 = tpu.memref_squeeze %dma_start3A_349 : memref<1x240xi32, #tpu.memory_space<hbm>> -> memref<240xi32, #tpu.memory_space<hbm>>
            tpu.enqueue_dma source(%dma_start3A_350 : memref<240xi32, #tpu.memory_space<hbm>>) target(%dma_start3A_347 : memref<240xi32, #tpu.memory_space<vmem>>) target_semaphore(%arg16 : memref<!tpu.dma_semaphore, #tpu.memory_space<semaphore_mem>>)
          } else {
          }
          %dma_start3A_297 = arith.constant 1 : i32
          %dma_start3A_298 = arith.constant 1 : i32
          %dma_start3A_299 = arith.constant 0 : i32
          %dma_start3A_300 = arith.constant 0 : i32
          %dma_start3A_301 = tpu.memref_slice %arg11[%dma_start3A_298, %dma_start3A_299, %dma_start3A_300] : memref<2x80x96xf32, #tpu.memory_space<vmem>> -> memref<1x80x96xf32, #tpu.memory_space<vmem>>
          %dma_start3A_302 = tpu.memref_squeeze %dma_start3A_301 : memref<1x80x96xf32, #tpu.memory_space<vmem>> -> memref<80x96xf32, #tpu.memory_space<vmem>>
          %dma_start3A_303 = arith.constant 0 : i32
          %dma_start3A_304 = tpu.memref_slice %arg7[%dma_start3A_297, %dma_start3A_303] : memref<2x80xi32, #tpu.memory_space<vmem>> -> memref<1x80xi32, #tpu.memory_space<vmem>>
          %dma_start3A_305 = tpu.memref_squeeze %dma_start3A_304 : memref<1x80xi32, #tpu.memory_space<vmem>> -> memref<80xi32, #tpu.memory_space<vmem>>
          %dma_start3A_306 = arith.constant 0 : i32
          %dma_start3A_307 = arith.constant 0 : i32
          %dma_start3A_308 = tpu.memref_slice %arg3[%dma_start3A_306, %dma_start3A_307] : memref<40000x96xf32, #tpu.memory_space<hbm>> -> memref<40000x96xf32, #tpu.memory_space<hbm>>
          tpu.enqueue_indirect_dma source(%dma_start3A_308 : memref<40000x96xf32, #tpu.memory_space<hbm>>) target(%dma_start3A_302 : memref<80x96xf32, #tpu.memory_space<vmem>>) offsets(%dma_start3A_305 : memref<80xi32, #tpu.memory_space<vmem>>) semaphore(%arg18 : memref<!tpu.dma_semaphore, #tpu.memory_space<semaphore_mem>>)
          %dma_start3A_309 = arith.constant 1 : i32
          %dma_start3A_310 = arith.constant 1 : i32
          %dma_start3A_311 = arith.constant 0 : i32
          %dma_start3A_312 = arith.constant 0 : i32
          %dma_start3A_313 = tpu.memref_slice %arg13[%dma_start3A_310, %dma_start3A_311, %dma_start3A_312] : memref<2x80x16xf32, #tpu.memory_space<vmem>> -> memref<1x80x16xf32, #tpu.memory_space<vmem>>
          %dma_start3A_314 = tpu.memref_squeeze %dma_start3A_313 : memref<1x80x16xf32, #tpu.memory_space<vmem>> -> memref<80x16xf32, #tpu.memory_space<vmem>>
          %dma_start3A_315 = arith.constant 0 : i32
          %dma_start3A_316 = tpu.memref_slice %arg8[%dma_start3A_309, %dma_start3A_315] : memref<2x80xi32, #tpu.memory_space<vmem>> -> memref<1x80xi32, #tpu.memory_space<vmem>>
          %dma_start3A_317 = tpu.memref_squeeze %dma_start3A_316 : memref<1x80xi32, #tpu.memory_space<vmem>> -> memref<80xi32, #tpu.memory_space<vmem>>
          %dma_start3A_318 = arith.constant 0 : i32
          %dma_start3A_319 = arith.constant 0 : i32
          %dma_start3A_320 = tpu.memref_slice %arg4[%dma_start3A_318, %dma_start3A_319] : memref<10000x16xf32, #tpu.memory_space<hbm>> -> memref<10000x16xf32, #tpu.memory_space<hbm>>
          tpu.enqueue_indirect_dma source(%dma_start3A_320 : memref<10000x16xf32, #tpu.memory_space<hbm>>) target(%dma_start3A_314 : memref<80x16xf32, #tpu.memory_space<vmem>>) offsets(%dma_start3A_317 : memref<80xi32, #tpu.memory_space<vmem>>) semaphore(%arg20 : memref<!tpu.dma_semaphore, #tpu.memory_space<semaphore_mem>>)
          %dma_start3A_321 = arith.constant 1 : i32
          %dma_start3A_322 = arith.constant 1 : i32
          %dma_start3A_323 = arith.constant 0 : i32
          %dma_start3A_324 = arith.constant 0 : i32
          %dma_start3A_325 = tpu.memref_slice %arg14[%dma_start3A_322, %dma_start3A_323, %dma_start3A_324] : memref<2x80x16xf32, #tpu.memory_space<vmem>> -> memref<1x80x16xf32, #tpu.memory_space<vmem>>
          %dma_start3A_326 = tpu.memref_squeeze %dma_start3A_325 : memref<1x80x16xf32, #tpu.memory_space<vmem>> -> memref<80x16xf32, #tpu.memory_space<vmem>>
          %dma_start3A_327 = arith.constant 0 : i32
          %dma_start3A_328 = tpu.memref_slice %arg9[%dma_start3A_321, %dma_start3A_327] : memref<2x80xi32, #tpu.memory_space<vmem>> -> memref<1x80xi32, #tpu.memory_space<vmem>>
          %dma_start3A_329 = tpu.memref_squeeze %dma_start3A_328 : memref<1x80xi32, #tpu.memory_space<vmem>> -> memref<80xi32, #tpu.memory_space<vmem>>
          %dma_start3A_330 = arith.constant 0 : i32
          %dma_start3A_331 = arith.constant 0 : i32
          %dma_start3A_332 = tpu.memref_slice %arg4[%dma_start3A_330, %dma_start3A_331] : memref<10000x16xf32, #tpu.memory_space<hbm>> -> memref<10000x16xf32, #tpu.memory_space<hbm>>
          tpu.enqueue_indirect_dma source(%dma_start3A_332 : memref<10000x16xf32, #tpu.memory_space<hbm>>) target(%dma_start3A_326 : memref<80x16xf32, #tpu.memory_space<vmem>>) offsets(%dma_start3A_329 : memref<80xi32, #tpu.memory_space<vmem>>) semaphore(%arg20 : memref<!tpu.dma_semaphore, #tpu.memory_space<semaphore_mem>>)
        } else {
        }
      } else {
      }
      %ge3A = arith.constant 1 : i32
      %ge3A_87 = arith.cmpi sge, %scan3A_83, %ge3A : i32
      %convert_element_type3A_88 = arith.extui %ge3A_87 : i1 to i32
      %cond3A_89 = arith.constant 0 : i32
      %cond3A_90 = arith.cmpi ne, %convert_element_type3A_88, %cond3A_89 : i32
      scf.if %cond3A_90 {
        %sub3A = arith.constant 1 : i32
        %sub3A_92 = arith.subi %scan3A_83, %sub3A : i32
        %rem3A = arith.constant 2 : i32
        %rem3A_93 = arith.remsi %sub3A_92, %rem3A : i32
        %eq3A = arith.constant 0 : i32
        %eq3A_94 = arith.cmpi eq, %rem3A_93, %eq3A : i32
        %convert_element_type3A_95 = arith.extui %eq3A_94 : i1 to i32
        %cond3A_96 = arith.constant 0 : i32
        %cond3A_97 = arith.cmpi ne, %convert_element_type3A_95, %cond3A_96 : i32
        scf.if %cond3A_97 {
          %dma_wait3A_105 = arith.constant 0 : i32
          %dma_wait3A_106 = arith.constant 0 : i32
          %dma_wait3A_107 = arith.constant 0 : i32
          %dma_wait3A_108 = arith.constant 0 : i32
          %dma_wait3A_109 = tpu.memref_slice %arg11[%dma_wait3A_106, %dma_wait3A_107, %dma_wait3A_108] : memref<2x80x96xf32, #tpu.memory_space<vmem>> -> memref<1x80x96xf32, #tpu.memory_space<vmem>>
          %dma_wait3A_110 = tpu.memref_squeeze %dma_wait3A_109 : memref<1x80x96xf32, #tpu.memory_space<vmem>> -> memref<80x96xf32, #tpu.memory_space<vmem>>
          %dma_wait3A_111 = arith.constant 0 : i32
          %dma_wait3A_112 = tpu.memref_slice %arg7[%dma_wait3A_105, %dma_wait3A_111] : memref<2x80xi32, #tpu.memory_space<vmem>> -> memref<1x80xi32, #tpu.memory_space<vmem>>
          %dma_wait3A_113 = tpu.memref_squeeze %dma_wait3A_112 : memref<1x80xi32, #tpu.memory_space<vmem>> -> memref<80xi32, #tpu.memory_space<vmem>>
          %dma_wait3A_114 = arith.constant 0 : i32
          %dma_wait3A_115 = arith.constant 0 : i32
          %dma_wait3A_116 = tpu.memref_slice %arg3[%dma_wait3A_114, %dma_wait3A_115] : memref<40000x96xf32, #tpu.memory_space<hbm>> -> memref<40000x96xf32, #tpu.memory_space<hbm>>
          tpu.wait_indirect_dma semaphore(%arg17 : memref<!tpu.dma_semaphore, #tpu.memory_space<semaphore_mem>>) src(%dma_wait3A_116 : memref<40000x96xf32, #tpu.memory_space<hbm>>) dst(%dma_wait3A_110 : memref<80x96xf32, #tpu.memory_space<vmem>>)
          %dma_wait3A_117 = arith.constant 0 : i32
          %dma_wait3A_118 = arith.constant 0 : i32
          %dma_wait3A_119 = arith.constant 0 : i32
          %dma_wait3A_120 = arith.constant 0 : i32
          %dma_wait3A_121 = tpu.memref_slice %arg13[%dma_wait3A_118, %dma_wait3A_119, %dma_wait3A_120] : memref<2x80x16xf32, #tpu.memory_space<vmem>> -> memref<1x80x16xf32, #tpu.memory_space<vmem>>
          %dma_wait3A_122 = tpu.memref_squeeze %dma_wait3A_121 : memref<1x80x16xf32, #tpu.memory_space<vmem>> -> memref<80x16xf32, #tpu.memory_space<vmem>>
          %dma_wait3A_123 = arith.constant 0 : i32
          %dma_wait3A_124 = tpu.memref_slice %arg8[%dma_wait3A_117, %dma_wait3A_123] : memref<2x80xi32, #tpu.memory_space<vmem>> -> memref<1x80xi32, #tpu.memory_space<vmem>>
          %dma_wait3A_125 = tpu.memref_squeeze %dma_wait3A_124 : memref<1x80xi32, #tpu.memory_space<vmem>> -> memref<80xi32, #tpu.memory_space<vmem>>
          %dma_wait3A_126 = arith.constant 0 : i32
          %dma_wait3A_127 = arith.constant 0 : i32
          %dma_wait3A_128 = tpu.memref_slice %arg4[%dma_wait3A_126, %dma_wait3A_127] : memref<10000x16xf32, #tpu.memory_space<hbm>> -> memref<10000x16xf32, #tpu.memory_space<hbm>>
          tpu.wait_indirect_dma semaphore(%arg19 : memref<!tpu.dma_semaphore, #tpu.memory_space<semaphore_mem>>) src(%dma_wait3A_128 : memref<10000x16xf32, #tpu.memory_space<hbm>>) dst(%dma_wait3A_122 : memref<80x16xf32, #tpu.memory_space<vmem>>)
          %dma_wait3A_129 = arith.constant 0 : i32
          %dma_wait3A_130 = arith.constant 0 : i32
          %dma_wait3A_131 = arith.constant 0 : i32
          %dma_wait3A_132 = arith.constant 0 : i32
          %dma_wait3A_133 = tpu.memref_slice %arg14[%dma_wait3A_130, %dma_wait3A_131, %dma_wait3A_132] : memref<2x80x16xf32, #tpu.memory_space<vmem>> -> memref<1x80x16xf32, #tpu.memory_space<vmem>>
          %dma_wait3A_134 = tpu.memref_squeeze %dma_wait3A_133 : memref<1x80x16xf32, #tpu.memory_space<vmem>> -> memref<80x16xf32, #tpu.memory_space<vmem>>
          %dma_wait3A_135 = arith.constant 0 : i32
          %dma_wait3A_136 = tpu.memref_slice %arg9[%dma_wait3A_129, %dma_wait3A_135] : memref<2x80xi32, #tpu.memory_space<vmem>> -> memref<1x80xi32, #tpu.memory_space<vmem>>
          %dma_wait3A_137 = tpu.memref_squeeze %dma_wait3A_136 : memref<1x80xi32, #tpu.memory_space<vmem>> -> memref<80xi32, #tpu.memory_space<vmem>>
          %dma_wait3A_138 = arith.constant 0 : i32
          %dma_wait3A_139 = arith.constant 0 : i32
          %dma_wait3A_140 = tpu.memref_slice %arg4[%dma_wait3A_138, %dma_wait3A_139] : memref<10000x16xf32, #tpu.memory_space<hbm>> -> memref<10000x16xf32, #tpu.memory_space<hbm>>
          tpu.wait_indirect_dma semaphore(%arg19 : memref<!tpu.dma_semaphore, #tpu.memory_space<semaphore_mem>>) src(%dma_wait3A_140 : memref<10000x16xf32, #tpu.memory_space<hbm>>) dst(%dma_wait3A_134 : memref<80x16xf32, #tpu.memory_space<vmem>>)
          %add3A_141 = arith.constant 0 : i32
          %add3A_142 = vector.broadcast %add3A_141 : i32 to vector<16xi32>
          %add3A_143 = arith.addi %add3A_142, %iota3A : vector<16xi32>
          %gather3A = arith.constant 0 : i32
          %gather3A_144 = arith.constant 0 : i32
          %gather3A_145 = arith.constant 0 : i32
          %gather3A_146 = tpu.memref_slice %arg13[%gather3A, %gather3A_144, %gather3A_145] : memref<2x80x16xf32, #tpu.memory_space<vmem>> -> memref<1x80x16xf32, #tpu.memory_space<vmem>>
          %gather3A_147 = tpu.memref_squeeze %gather3A_146 : memref<1x80x16xf32, #tpu.memory_space<vmem>> -> memref<80x16xf32, #tpu.memory_space<vmem>>
          %gather3A_148 = tpu.vector_load_idx %gather3A_147[%add3A_143, %broadcast_in_dim3A_1] : memref<80x16xf32, #tpu.memory_space<vmem>>[vector<16xi32>, vector<16xi32>], vector<16xf32>,
          %gather3A_149 = arith.constant 0 : i32
          %gather3A_150 = arith.constant 0 : i32
          %gather3A_151 = arith.constant 0 : i32
          %gather3A_152 = tpu.memref_slice %arg14[%gather3A_149, %gather3A_150, %gather3A_151] : memref<2x80x16xf32, #tpu.memory_space<vmem>> -> memref<1x80x16xf32, #tpu.memory_space<vmem>>
          %gather3A_153 = tpu.memref_squeeze %gather3A_152 : memref<1x80x16xf32, #tpu.memory_space<vmem>> -> memref<80x16xf32, #tpu.memory_space<vmem>>
          %gather3A_154 = tpu.vector_load_idx %gather3A_153[%add3A_143, %add3A_4] : memref<80x16xf32, #tpu.memory_space<vmem>>[vector<16xi32>, vector<16xi32>], vector<16xf32>,
          %add3A_155 = arith.addf %gather3A_148, %gather3A_154 : vector<16xf32>
          %get3A = arith.constant 0 : i32
          %get3A_156 = arith.index_cast %get3A : i32 to index
          %get3A_157 = arith.constant 80 : index
          %get3A_158 = tpu.vector_load %arg10[%get3A_156, %get3A_157] {strides = array<i32>} : memref<2x160xf32, #tpu.memory_space<vmem>>, vector<16xf32>,
          %add3A_159 = arith.addf %add3A_155, %get3A_158 : vector<16xf32>
          %mul3A_160 = arith.constant 2.000000e-01 : f32
          %mul3A_161 = vector.broadcast %mul3A_160 : f32 to vector<16xf32>
          %mul3A_162 = arith.mulf %add3A_159, %mul3A_161 : vector<16xf32>
          %max3A = arith.maximumf %add3A_159, %mul3A_162 : vector<16xf32>
          %exp3A = math.exp %max3A : vector<16xf32>
          %swap3A = arith.constant 0 : i32
          %swap3A_163 = arith.index_cast %swap3A : i32 to index
          %swap3A_164 = arith.constant 0 : index
          %swap3A_165 = tpu.vector_load %arg10[%swap3A_163, %swap3A_164] {strides = array<i32>} : memref<2x160xf32, #tpu.memory_space<vmem>>, vector<16xf32>,
          tpu.vector_store %arg10[%swap3A_163, %swap3A_164], %exp3A {strides = array<i32>} : memref<2x160xf32, #tpu.memory_space<vmem>>, vector<16xf32>,
          %add3A_166 = arith.constant 16 : i32
          %add3A_167 = vector.broadcast %add3A_166 : i32 to vector<16xi32>
          %add3A_168 = arith.addi %add3A_167, %iota3A : vector<16xi32>
          %gather3A_169 = arith.constant 0 : i32
          %gather3A_170 = arith.constant 0 : i32
          %gather3A_171 = arith.constant 0 : i32
          %gather3A_172 = tpu.memref_slice %arg13[%gather3A_169, %gather3A_170, %gather3A_171] : memref<2x80x16xf32, #tpu.memory_space<vmem>> -> memref<1x80x16xf32, #tpu.memory_space<vmem>>
          %gather3A_173 = tpu.memref_squeeze %gather3A_172 : memref<1x80x16xf32, #tpu.memory_space<vmem>> -> memref<80x16xf32, #tpu.memory_space<vmem>>
          %gather3A_174 = tpu.vector_load_idx %gather3A_173[%add3A_168, %broadcast_in_dim3A_1] : memref<80x16xf32, #tpu.memory_space<vmem>>[vector<16xi32>, vector<16xi32>], vector<16xf32>,
          %gather3A_175 = arith.constant 0 : i32
          %gather3A_176 = arith.constant 0 : i32
          %gather3A_177 = arith.constant 0 : i32
          %gather3A_178 = tpu.memref_slice %arg14[%gather3A_175, %gather3A_176, %gather3A_177] : memref<2x80x16xf32, #tpu.memory_space<vmem>> -> memref<1x80x16xf32, #tpu.memory_space<vmem>>
          %gather3A_179 = tpu.memref_squeeze %gather3A_178 : memref<1x80x16xf32, #tpu.memory_space<vmem>> -> memref<80x16xf32, #tpu.memory_space<vmem>>
          %gather3A_180 = tpu.vector_load_idx %gather3A_179[%add3A_168, %add3A_4] : memref<80x16xf32, #tpu.memory_space<vmem>>[vector<16xi32>, vector<16xi32>], vector<16xf32>,
          %add3A_181 = arith.addf %gather3A_174, %gather3A_180 : vector<16xf32>
          %get3A_182 = arith.constant 0 : i32
          %get3A_183 = arith.index_cast %get3A_182 : i32 to index
          %get3A_184 = arith.constant 96 : index
          %get3A_185 = tpu.vector_load %arg10[%get3A_183, %get3A_184] {strides = array<i32>} : memref<2x160xf32, #tpu.memory_space<vmem>>, vector<16xf32>,
          %add3A_186 = arith.addf %add3A_181, %get3A_185 : vector<16xf32>
          %mul3A_187 = arith.constant 2.000000e-01 : f32
          %mul3A_188 = vector.broadcast %mul3A_187 : f32 to vector<16xf32>
          %mul3A_189 = arith.mulf %add3A_186, %mul3A_188 : vector<16xf32>
          %max3A_190 = arith.maximumf %add3A_186, %mul3A_189 : vector<16xf32>
          %exp3A_191 = math.exp %max3A_190 : vector<16xf32>
          %swap3A_192 = arith.constant 0 : i32
          %swap3A_193 = arith.index_cast %swap3A_192 : i32 to index
          %swap3A_194 = arith.constant 16 : index
          %swap3A_195 = tpu.vector_load %arg10[%swap3A_193, %swap3A_194] {strides = array<i32>} : memref<2x160xf32, #tpu.memory_space<vmem>>, vector<16xf32>,
          tpu.vector_store %arg10[%swap3A_193, %swap3A_194], %exp3A_191 {strides = array<i32>} : memref<2x160xf32, #tpu.memory_space<vmem>>, vector<16xf32>,
          %add3A_196 = arith.constant 32 : i32
          %add3A_197 = vector.broadcast %add3A_196 : i32 to vector<16xi32>
          %add3A_198 = arith.addi %add3A_197, %iota3A : vector<16xi32>
          %gather3A_199 = arith.constant 0 : i32
          %gather3A_200 = arith.constant 0 : i32
          %gather3A_201 = arith.constant 0 : i32
          %gather3A_202 = tpu.memref_slice %arg13[%gather3A_199, %gather3A_200, %gather3A_201] : memref<2x80x16xf32, #tpu.memory_space<vmem>> -> memref<1x80x16xf32, #tpu.memory_space<vmem>>
          %gather3A_203 = tpu.memref_squeeze %gather3A_202 : memref<1x80x16xf32, #tpu.memory_space<vmem>> -> memref<80x16xf32, #tpu.memory_space<vmem>>
          %gather3A_204 = tpu.vector_load_idx %gather3A_203[%add3A_198, %broadcast_in_dim3A_1] : memref<80x16xf32, #tpu.memory_space<vmem>>[vector<16xi32>, vector<16xi32>], vector<16xf32>,
          %gather3A_205 = arith.constant 0 : i32
          %gather3A_206 = arith.constant 0 : i32
          %gather3A_207 = arith.constant 0 : i32
          %gather3A_208 = tpu.memref_slice %arg14[%gather3A_205, %gather3A_206, %gather3A_207] : memref<2x80x16xf32, #tpu.memory_space<vmem>> -> memref<1x80x16xf32, #tpu.memory_space<vmem>>
          %gather3A_209 = tpu.memref_squeeze %gather3A_208 : memref<1x80x16xf32, #tpu.memory_space<vmem>> -> memref<80x16xf32, #tpu.memory_space<vmem>>
          %gather3A_210 = tpu.vector_load_idx %gather3A_209[%add3A_198, %add3A_4] : memref<80x16xf32, #tpu.memory_space<vmem>>[vector<16xi32>, vector<16xi32>], vector<16xf32>,
          %add3A_211 = arith.addf %gather3A_204, %gather3A_210 : vector<16xf32>
          %get3A_212 = arith.constant 0 : i32
          %get3A_213 = arith.index_cast %get3A_212 : i32 to index
          %get3A_214 = arith.constant 112 : index
          %get3A_215 = tpu.vector_load %arg10[%get3A_213, %get3A_214] {strides = array<i32>} : memref<2x160xf32, #tpu.memory_space<vmem>>, vector<16xf32>,
          %add3A_216 = arith.addf %add3A_211, %get3A_215 : vector<16xf32>
          %mul3A_217 = arith.constant 2.000000e-01 : f32
          %mul3A_218 = vector.broadcast %mul3A_217 : f32 to vector<16xf32>
          %mul3A_219 = arith.mulf %add3A_216, %mul3A_218 : vector<16xf32>
          %max3A_220 = arith.maximumf %add3A_216, %mul3A_219 : vector<16xf32>
          %exp3A_221 = math.exp %max3A_220 : vector<16xf32>
          %swap3A_222 = arith.constant 0 : i32
          %swap3A_223 = arith.index_cast %swap3A_222 : i32 to index
          %swap3A_224 = arith.constant 32 : index
          %swap3A_225 = tpu.vector_load %arg10[%swap3A_223, %swap3A_224] {strides = array<i32>} : memref<2x160xf32, #tpu.memory_space<vmem>>, vector<16xf32>,
          tpu.vector_store %arg10[%swap3A_223, %swap3A_224], %exp3A_221 {strides = array<i32>} : memref<2x160xf32, #tpu.memory_space<vmem>>, vector<16xf32>,
          %add3A_226 = arith.constant 48 : i32
          %add3A_227 = vector.broadcast %add3A_226 : i32 to vector<16xi32>
          %add3A_228 = arith.addi %add3A_227, %iota3A : vector<16xi32>
          %gather3A_229 = arith.constant 0 : i32
          %gather3A_230 = arith.constant 0 : i32
          %gather3A_231 = arith.constant 0 : i32
          %gather3A_232 = tpu.memref_slice %arg13[%gather3A_229, %gather3A_230, %gather3A_231] : memref<2x80x16xf32, #tpu.memory_space<vmem>> -> memref<1x80x16xf32, #tpu.memory_space<vmem>>
          %gather3A_233 = tpu.memref_squeeze %gather3A_232 : memref<1x80x16xf32, #tpu.memory_space<vmem>> -> memref<80x16xf32, #tpu.memory_space<vmem>>
          %gather3A_234 = tpu.vector_load_idx %gather3A_233[%add3A_228, %broadcast_in_dim3A_1] : memref<80x16xf32, #tpu.memory_space<vmem>>[vector<16xi32>, vector<16xi32>], vector<16xf32>,
          %gather3A_235 = arith.constant 0 : i32
          %gather3A_236 = arith.constant 0 : i32
          %gather3A_237 = arith.constant 0 : i32
          %gather3A_238 = tpu.memref_slice %arg14[%gather3A_235, %gather3A_236, %gather3A_237] : memref<2x80x16xf32, #tpu.memory_space<vmem>> -> memref<1x80x16xf32, #tpu.memory_space<vmem>>
          %gather3A_239 = tpu.memref_squeeze %gather3A_238 : memref<1x80x16xf32, #tpu.memory_space<vmem>> -> memref<80x16xf32, #tpu.memory_space<vmem>>
          %gather3A_240 = tpu.vector_load_idx %gather3A_239[%add3A_228, %add3A_4] : memref<80x16xf32, #tpu.memory_space<vmem>>[vector<16xi32>, vector<16xi32>], vector<16xf32>,
          %add3A_241 = arith.addf %gather3A_234, %gather3A_240 : vector<16xf32>
          %get3A_242 = arith.constant 0 : i32
          %get3A_243 = arith.index_cast %get3A_242 : i32 to index
          %get3A_244 = arith.constant 128 : index
          %get3A_245 = tpu.vector_load %arg10[%get3A_243, %get3A_244] {strides = array<i32>} : memref<2x160xf32, #tpu.memory_space<vmem>>, vector<16xf32>,
          %add3A_246 = arith.addf %add3A_241, %get3A_245 : vector<16xf32>
          %mul3A_247 = arith.constant 2.000000e-01 : f32
          %mul3A_248 = vector.broadcast %mul3A_247 : f32 to vector<16xf32>
          %mul3A_249 = arith.mulf %add3A_246, %mul3A_248 : vector<16xf32>
          %max3A_250 = arith.maximumf %add3A_246, %mul3A_249 : vector<16xf32>
          %exp3A_251 = math.exp %max3A_250 : vector<16xf32>
          %swap3A_252 = arith.constant 0 : i32
          %swap3A_253 = arith.index_cast %swap3A_252 : i32 to index
          %swap3A_254 = arith.constant 48 : index
          %swap3A_255 = tpu.vector_load %arg10[%swap3A_253, %swap3A_254] {strides = array<i32>} : memref<2x160xf32, #tpu.memory_space<vmem>>, vector<16xf32>,
          tpu.vector_store %arg10[%swap3A_253, %swap3A_254], %exp3A_251 {strides = array<i32>} : memref<2x160xf32, #tpu.memory_space<vmem>>, vector<16xf32>,
          %add3A_256 = arith.constant 64 : i32
          %add3A_257 = vector.broadcast %add3A_256 : i32 to vector<16xi32>
          %add3A_258 = arith.addi %add3A_257, %iota3A : vector<16xi32>
          %gather3A_259 = arith.constant 0 : i32
          %gather3A_260 = arith.constant 0 : i32
          %gather3A_261 = arith.constant 0 : i32
          %gather3A_262 = tpu.memref_slice %arg13[%gather3A_259, %gather3A_260, %gather3A_261] : memref<2x80x16xf32, #tpu.memory_space<vmem>> -> memref<1x80x16xf32, #tpu.memory_space<vmem>>
          %gather3A_263 = tpu.memref_squeeze %gather3A_262 : memref<1x80x16xf32, #tpu.memory_space<vmem>> -> memref<80x16xf32, #tpu.memory_space<vmem>>
          %gather3A_264 = tpu.vector_load_idx %gather3A_263[%add3A_258, %broadcast_in_dim3A_1] : memref<80x16xf32, #tpu.memory_space<vmem>>[vector<16xi32>, vector<16xi32>], vector<16xf32>,
          %gather3A_265 = arith.constant 0 : i32
          %gather3A_266 = arith.constant 0 : i32
          %gather3A_267 = arith.constant 0 : i32
          %gather3A_268 = tpu.memref_slice %arg14[%gather3A_265, %gather3A_266, %gather3A_267] : memref<2x80x16xf32, #tpu.memory_space<vmem>> -> memref<1x80x16xf32, #tpu.memory_space<vmem>>
          %gather3A_269 = tpu.memref_squeeze %gather3A_268 : memref<1x80x16xf32, #tpu.memory_space<vmem>> -> memref<80x16xf32, #tpu.memory_space<vmem>>
          %gather3A_270 = tpu.vector_load_idx %gather3A_269[%add3A_258, %add3A_4] : memref<80x16xf32, #tpu.memory_space<vmem>>[vector<16xi32>, vector<16xi32>], vector<16xf32>,
          %add3A_271 = arith.addf %gather3A_264, %gather3A_270 : vector<16xf32>
          %get3A_272 = arith.constant 0 : i32
          %get3A_273 = arith.index_cast %get3A_272 : i32 to index
          %get3A_274 = arith.constant 144 : index
          %get3A_275 = tpu.vector_load %arg10[%get3A_273, %get3A_274] {strides = array<i32>} : memref<2x160xf32, #tpu.memory_space<vmem>>, vector<16xf32>,
          %add3A_276 = arith.addf %add3A_271, %get3A_275 : vector<16xf32>
          %mul3A_277 = arith.constant 2.000000e-01 : f32
          %mul3A_278 = vector.broadcast %mul3A_277 : f32 to vector<16xf32>
          %mul3A_279 = arith.mulf %add3A_276, %mul3A_278 : vector<16xf32>
          %max3A_280 = arith.maximumf %add3A_276, %mul3A_279 : vector<16xf32>
          %exp3A_281 = math.exp %max3A_280 : vector<16xf32>
          %swap3A_282 = arith.constant 0 : i32
          %swap3A_283 = arith.index_cast %swap3A_282 : i32 to index
          %swap3A_284 = arith.constant 64 : index
          %swap3A_285 = tpu.vector_load %arg10[%swap3A_283, %swap3A_284] {strides = array<i32>} : memref<2x160xf32, #tpu.memory_space<vmem>>, vector<16xf32>,
          tpu.vector_store %arg10[%swap3A_283, %swap3A_284], %exp3A_281 {strides = array<i32>} : memref<2x160xf32, #tpu.memory_space<vmem>>, vector<16xf32>,
          %scan3A_286 = arith.constant 0 : i32
          %scan3A_287 = arith.constant 0 : i32
          %scan3A_288 = arith.constant 80 : i32
          %scan3A_289 = arith.addi %scan3A_287, %scan3A_288 : i32
          %scan3A_290 = arith.constant 1 : i32
          %scan3A_291 = scf.for %scan3A_305 = %scan3A_287 to %scan3A_289 step %scan3A_290 iter_args(%scan3A_306 = %scan3A_286) -> (i32)  : i32 {
            %broadcast_in_dim3A_307 = vector.broadcast %scan3A_305 : i32 to vector<16xi32>
            %gather3A_308 = arith.constant 0 : i32
            %gather3A_309 = arith.constant 0 : i32
            %gather3A_310 = tpu.memref_slice %arg10[%gather3A_308, %gather3A_309] : memref<2x160xf32, #tpu.memory_space<vmem>> -> memref<1x160xf32, #tpu.memory_space<vmem>>
            %gather3A_311 = tpu.memref_squeeze %gather3A_310 : memref<1x160xf32, #tpu.memory_space<vmem>> -> memref<160xf32, #tpu.memory_space<vmem>>
            %gather3A_312 = tpu.vector_load_idx %gather3A_311[%broadcast_in_dim3A_307] : memref<160xf32, #tpu.memory_space<vmem>>[vector<16xi32>], vector<16xf32>,
            %get3A_313 = arith.constant 0 : i32
            %get3A_314 = arith.index_cast %get3A_313 : i32 to index
            %get3A_315 = arith.index_cast %scan3A_305 : i32 to index
            %get3A_316 = arith.constant 0 : index
            %get3A_317 = tpu.vector_load %arg11[%get3A_314, %get3A_315, %get3A_316] {strides = array<i32>} : memref<2x80x96xf32, #tpu.memory_space<vmem>>, vector<16xf32>,
            %mul3A_318 = arith.mulf %get3A_317, %gather3A_312 : vector<16xf32>
            %swap3A_319 = arith.constant 0 : i32
            %swap3A_320 = arith.index_cast %swap3A_319 : i32 to index
            %swap3A_321 = arith.index_cast %scan3A_305 : i32 to index
            %swap3A_322 = arith.constant 0 : index
            %swap3A_323 = tpu.vector_load %arg12[%swap3A_320, %swap3A_321, %swap3A_322] {strides = array<i32>} : memref<2x80x112xf32, #tpu.memory_space<vmem>>, vector<16xf32>,
            tpu.vector_store %arg12[%swap3A_320, %swap3A_321, %swap3A_322], %mul3A_318 {strides = array<i32>} : memref<2x80x112xf32, #tpu.memory_space<vmem>>, vector<16xf32>,
            %get3A_324 = arith.constant 0 : i32
            %get3A_325 = arith.index_cast %get3A_324 : i32 to index
            %get3A_326 = arith.index_cast %scan3A_305 : i32 to index
            %get3A_327 = arith.constant 16 : index
            %get3A_328 = tpu.vector_load %arg11[%get3A_325, %get3A_326, %get3A_327] {strides = array<i32>} : memref<2x80x96xf32, #tpu.memory_space<vmem>>, vector<16xf32>,
            %mul3A_329 = arith.mulf %get3A_328, %gather3A_312 : vector<16xf32>
            %swap3A_330 = arith.constant 0 : i32
            %swap3A_331 = arith.index_cast %swap3A_330 : i32 to index
            %swap3A_332 = arith.index_cast %scan3A_305 : i32 to index
            %swap3A_333 = arith.constant 16 : index
            %swap3A_334 = tpu.vector_load %arg12[%swap3A_331, %swap3A_332, %swap3A_333] {strides = array<i32>} : memref<2x80x112xf32, #tpu.memory_space<vmem>>, vector<16xf32>,
            tpu.vector_store %arg12[%swap3A_331, %swap3A_332, %swap3A_333], %mul3A_329 {strides = array<i32>} : memref<2x80x112xf32, #tpu.memory_space<vmem>>, vector<16xf32>,
            %get3A_335 = arith.constant 0 : i32
            %get3A_336 = arith.index_cast %get3A_335 : i32 to index
            %get3A_337 = arith.index_cast %scan3A_305 : i32 to index
            %get3A_338 = arith.constant 32 : index
            %get3A_339 = tpu.vector_load %arg11[%get3A_336, %get3A_337, %get3A_338] {strides = array<i32>} : memref<2x80x96xf32, #tpu.memory_space<vmem>>, vector<16xf32>,
            %mul3A_340 = arith.mulf %get3A_339, %gather3A_312 : vector<16xf32>
            %swap3A_341 = arith.constant 0 : i32
            %swap3A_342 = arith.index_cast %swap3A_341 : i32 to index
            %swap3A_343 = arith.index_cast %scan3A_305 : i32 to index
            %swap3A_344 = arith.constant 32 : index
            %swap3A_345 = tpu.vector_load %arg12[%swap3A_342, %swap3A_343, %swap3A_344] {strides = array<i32>} : memref<2x80x112xf32, #tpu.memory_space<vmem>>, vector<16xf32>,
            tpu.vector_store %arg12[%swap3A_342, %swap3A_343, %swap3A_344], %mul3A_340 {strides = array<i32>} : memref<2x80x112xf32, #tpu.memory_space<vmem>>, vector<16xf32>,
            %get3A_346 = arith.constant 0 : i32
            %get3A_347 = arith.index_cast %get3A_346 : i32 to index
            %get3A_348 = arith.index_cast %scan3A_305 : i32 to index
            %get3A_349 = arith.constant 48 : index
            %get3A_350 = tpu.vector_load %arg11[%get3A_347, %get3A_348, %get3A_349] {strides = array<i32>} : memref<2x80x96xf32, #tpu.memory_space<vmem>>, vector<16xf32>,
            %mul3A_351 = arith.mulf %get3A_350, %gather3A_312 : vector<16xf32>
            %swap3A_352 = arith.constant 0 : i32
            %swap3A_353 = arith.index_cast %swap3A_352 : i32 to index
            %swap3A_354 = arith.index_cast %scan3A_305 : i32 to index
            %swap3A_355 = arith.constant 48 : index
            %swap3A_356 = tpu.vector_load %arg12[%swap3A_353, %swap3A_354, %swap3A_355] {strides = array<i32>} : memref<2x80x112xf32, #tpu.memory_space<vmem>>, vector<16xf32>,
            tpu.vector_store %arg12[%swap3A_353, %swap3A_354, %swap3A_355], %mul3A_351 {strides = array<i32>} : memref<2x80x112xf32, #tpu.memory_space<vmem>>, vector<16xf32>,
            %get3A_357 = arith.constant 0 : i32
            %get3A_358 = arith.index_cast %get3A_357 : i32 to index
            %get3A_359 = arith.index_cast %scan3A_305 : i32 to index
            %get3A_360 = arith.constant 64 : index
            %get3A_361 = tpu.vector_load %arg11[%get3A_358, %get3A_359, %get3A_360] {strides = array<i32>} : memref<2x80x96xf32, #tpu.memory_space<vmem>>, vector<16xf32>,
            %mul3A_362 = arith.mulf %get3A_361, %gather3A_312 : vector<16xf32>
            %swap3A_363 = arith.constant 0 : i32
            %swap3A_364 = arith.index_cast %swap3A_363 : i32 to index
            %swap3A_365 = arith.index_cast %scan3A_305 : i32 to index
            %swap3A_366 = arith.constant 64 : index
            %swap3A_367 = tpu.vector_load %arg12[%swap3A_364, %swap3A_365, %swap3A_366] {strides = array<i32>} : memref<2x80x112xf32, #tpu.memory_space<vmem>>, vector<16xf32>,
            tpu.vector_store %arg12[%swap3A_364, %swap3A_365, %swap3A_366], %mul3A_362 {strides = array<i32>} : memref<2x80x112xf32, #tpu.memory_space<vmem>>, vector<16xf32>,
            %get3A_368 = arith.constant 0 : i32
            %get3A_369 = arith.index_cast %get3A_368 : i32 to index
            %get3A_370 = arith.index_cast %scan3A_305 : i32 to index
            %get3A_371 = arith.constant 80 : index
            %get3A_372 = tpu.vector_load %arg11[%get3A_369, %get3A_370, %get3A_371] {strides = array<i32>} : memref<2x80x96xf32, #tpu.memory_space<vmem>>, vector<16xf32>,
            %mul3A_373 = arith.mulf %get3A_372, %gather3A_312 : vector<16xf32>
            %swap3A_374 = arith.constant 0 : i32
            %swap3A_375 = arith.index_cast %swap3A_374 : i32 to index
            %swap3A_376 = arith.index_cast %scan3A_305 : i32 to index
            %swap3A_377 = arith.constant 80 : index
            %swap3A_378 = tpu.vector_load %arg12[%swap3A_375, %swap3A_376, %swap3A_377] {strides = array<i32>} : memref<2x80x112xf32, #tpu.memory_space<vmem>>, vector<16xf32>,
            tpu.vector_store %arg12[%swap3A_375, %swap3A_376, %swap3A_377], %mul3A_373 {strides = array<i32>} : memref<2x80x112xf32, #tpu.memory_space<vmem>>, vector<16xf32>,
            %add3A_379 = arith.constant 80 : i32
            %add3A_380 = arith.addi %add3A_379, %scan3A_305 : i32
            %broadcast_in_dim3A_381 = vector.broadcast %add3A_380 : i32 to vector<16xi32>
            %gather3A_382 = arith.constant 0 : i32
            %gather3A_383 = arith.constant 0 : i32
            %gather3A_384 = tpu.memref_slice %arg10[%gather3A_382, %gather3A_383] : memref<2x160xf32, #tpu.memory_space<vmem>> -> memref<1x160xf32, #tpu.memory_space<vmem>>
            %gather3A_385 = tpu.memref_squeeze %gather3A_384 : memref<1x160xf32, #tpu.memory_space<vmem>> -> memref<160xf32, #tpu.memory_space<vmem>>
            %gather3A_386 = tpu.vector_load_idx %gather3A_385[%broadcast_in_dim3A_381] : memref<160xf32, #tpu.memory_space<vmem>>[vector<16xi32>], vector<16xf32>,
            %eq3A_387 = arith.constant 0 : i32
            %eq3A_388 = vector.broadcast %eq3A_387 : i32 to vector<16xi32>
            %eq3A_389 = arith.cmpi eq, %iota3A, %eq3A_388 : vector<16xi32>
            %eq3A_390 = arith.constant 1 : i32
            %eq3A_391 = vector.broadcast %eq3A_390 : i32 to vector<16xi32>
            %eq3A_392 = arith.cmpi eq, %iota3A, %eq3A_391 : vector<16xi32>
            %eq3A_393 = arith.constant 2 : i32
            %eq3A_394 = vector.broadcast %eq3A_393 : i32 to vector<16xi32>
            %eq3A_395 = arith.cmpi eq, %iota3A, %eq3A_394 : vector<16xi32>
            %jit3A = arith.constant 1.000000e+00 : f32
            %jit3A_396 = arith.constant 0.000000e+00 : f32
            %broadcast_in_dim3A_397 = vector.broadcast %jit3A : f32 to vector<16xf32>
            %broadcast_in_dim3A_398 = vector.broadcast %jit3A_396 : f32 to vector<16xf32>
            %select_n3A = arith.select %eq3A_395, %broadcast_in_dim3A_397, %broadcast_in_dim3A_398 : vector<16xi1>, vector<16xf32>
            %select_n3A_399 = arith.select %eq3A_392, %gather3A_386, %select_n3A : vector<16xi1>, vector<16xf32>
            %select_n3A_400 = arith.select %eq3A_389, %gather3A_312, %select_n3A_399 : vector<16xi1>, vector<16xf32>
            %swap3A_401 = arith.constant 0 : i32
            %swap3A_402 = arith.index_cast %swap3A_401 : i32 to index
            %swap3A_403 = arith.index_cast %scan3A_305 : i32 to index
            %swap3A_404 = arith.constant 96 : index
            %swap3A_405 = tpu.vector_load %arg12[%swap3A_402, %swap3A_403, %swap3A_404] {strides = array<i32>} : memref<2x80x112xf32, #tpu.memory_space<vmem>>, vector<16xf32>,
            tpu.vector_store %arg12[%swap3A_402, %swap3A_403, %swap3A_404], %select_n3A_400 {strides = array<i32>} : memref<2x80x112xf32, #tpu.memory_space<vmem>>, vector<16xf32>,
            %scan3A_406 = arith.constant 0 : i32
            scf.yield %scan3A_406 : i32
          }
          %scan3A_292 = arith.constant 80 : i32
          %dma_start3A_293 = arith.constant 0 : i32
          %dma_start3A_294 = arith.constant 0 : i32
          %dma_start3A_295 = arith.constant 0 : i32
          %dma_start3A_296 = arith.constant 0 : i32
          %dma_start3A_297 = tpu.memref_slice %arg12[%dma_start3A_293, %dma_start3A_295, %dma_start3A_296] : memref<2x80x112xf32, #tpu.memory_space<vmem>> -> memref<1x80x112xf32, #tpu.memory_space<vmem>>
          %dma_start3A_298 = tpu.memref_squeeze %dma_start3A_297 : memref<1x80x112xf32, #tpu.memory_space<vmem>> -> memref<80x112xf32, #tpu.memory_space<vmem>>
          %dma_start3A_299 = arith.constant 0 : i32
          %dma_start3A_300 = tpu.memref_slice %arg9[%dma_start3A_294, %dma_start3A_299] : memref<2x80xi32, #tpu.memory_space<vmem>> -> memref<1x80xi32, #tpu.memory_space<vmem>>
          %dma_start3A_301 = tpu.memref_squeeze %dma_start3A_300 : memref<1x80xi32, #tpu.memory_space<vmem>> -> memref<80xi32, #tpu.memory_space<vmem>>
          %dma_start3A_302 = arith.constant 0 : i32
          %dma_start3A_303 = arith.constant 0 : i32
          %dma_start3A_304 = tpu.memref_slice %arg15[%dma_start3A_302, %dma_start3A_303] : memref<10000x112xf32, #tpu.memory_space<vmem_shared>> -> memref<10000x112xf32, #tpu.memory_space<vmem_shared>>
          tpu.enqueue_indirect_dma source(%dma_start3A_298 : memref<80x112xf32, #tpu.memory_space<vmem>>) target(%dma_start3A_304 : memref<10000x112xf32, #tpu.memory_space<vmem_shared>>) offsets(%dma_start3A_301 : memref<80xi32, #tpu.memory_space<vmem>>) semaphore(%arg21 : memref<!tpu.dma_semaphore, #tpu.memory_space<semaphore_mem>>) {add = true}
        } else {
        }
        %rem3A_98 = arith.constant 2 : i32
        %rem3A_99 = arith.remsi %sub3A_92, %rem3A_98 : i32
        %eq3A_100 = arith.constant 1 : i32
        %eq3A_101 = arith.cmpi eq, %rem3A_99, %eq3A_100 : i32
        %convert_element_type3A_102 = arith.extui %eq3A_101 : i1 to i32
        %cond3A_103 = arith.constant 0 : i32
        %cond3A_104 = arith.cmpi ne, %convert_element_type3A_102, %cond3A_103 : i32
        scf.if %cond3A_104 {
          %dma_wait3A_105 = arith.constant 1 : i32
          %dma_wait3A_106 = arith.constant 1 : i32
          %dma_wait3A_107 = arith.constant 0 : i32
          %dma_wait3A_108 = arith.constant 0 : i32
          %dma_wait3A_109 = tpu.memref_slice %arg11[%dma_wait3A_106, %dma_wait3A_107, %dma_wait3A_108] : memref<2x80x96xf32, #tpu.memory_space<vmem>> -> memref<1x80x96xf32, #tpu.memory_space<vmem>>
          %dma_wait3A_110 = tpu.memref_squeeze %dma_wait3A_109 : memref<1x80x96xf32, #tpu.memory_space<vmem>> -> memref<80x96xf32, #tpu.memory_space<vmem>>
          %dma_wait3A_111 = arith.constant 0 : i32
          %dma_wait3A_112 = tpu.memref_slice %arg7[%dma_wait3A_105, %dma_wait3A_111] : memref<2x80xi32, #tpu.memory_space<vmem>> -> memref<1x80xi32, #tpu.memory_space<vmem>>
          %dma_wait3A_113 = tpu.memref_squeeze %dma_wait3A_112 : memref<1x80xi32, #tpu.memory_space<vmem>> -> memref<80xi32, #tpu.memory_space<vmem>>
          %dma_wait3A_114 = arith.constant 0 : i32
          %dma_wait3A_115 = arith.constant 0 : i32
          %dma_wait3A_116 = tpu.memref_slice %arg3[%dma_wait3A_114, %dma_wait3A_115] : memref<40000x96xf32, #tpu.memory_space<hbm>> -> memref<40000x96xf32, #tpu.memory_space<hbm>>
          tpu.wait_indirect_dma semaphore(%arg18 : memref<!tpu.dma_semaphore, #tpu.memory_space<semaphore_mem>>) src(%dma_wait3A_116 : memref<40000x96xf32, #tpu.memory_space<hbm>>) dst(%dma_wait3A_110 : memref<80x96xf32, #tpu.memory_space<vmem>>)
          %dma_wait3A_117 = arith.constant 1 : i32
          %dma_wait3A_118 = arith.constant 1 : i32
          %dma_wait3A_119 = arith.constant 0 : i32
          %dma_wait3A_120 = arith.constant 0 : i32
          %dma_wait3A_121 = tpu.memref_slice %arg13[%dma_wait3A_118, %dma_wait3A_119, %dma_wait3A_120] : memref<2x80x16xf32, #tpu.memory_space<vmem>> -> memref<1x80x16xf32, #tpu.memory_space<vmem>>
          %dma_wait3A_122 = tpu.memref_squeeze %dma_wait3A_121 : memref<1x80x16xf32, #tpu.memory_space<vmem>> -> memref<80x16xf32, #tpu.memory_space<vmem>>
          %dma_wait3A_123 = arith.constant 0 : i32
          %dma_wait3A_124 = tpu.memref_slice %arg8[%dma_wait3A_117, %dma_wait3A_123] : memref<2x80xi32, #tpu.memory_space<vmem>> -> memref<1x80xi32, #tpu.memory_space<vmem>>
          %dma_wait3A_125 = tpu.memref_squeeze %dma_wait3A_124 : memref<1x80xi32, #tpu.memory_space<vmem>> -> memref<80xi32, #tpu.memory_space<vmem>>
          %dma_wait3A_126 = arith.constant 0 : i32
          %dma_wait3A_127 = arith.constant 0 : i32
          %dma_wait3A_128 = tpu.memref_slice %arg4[%dma_wait3A_126, %dma_wait3A_127] : memref<10000x16xf32, #tpu.memory_space<hbm>> -> memref<10000x16xf32, #tpu.memory_space<hbm>>
          tpu.wait_indirect_dma semaphore(%arg20 : memref<!tpu.dma_semaphore, #tpu.memory_space<semaphore_mem>>) src(%dma_wait3A_128 : memref<10000x16xf32, #tpu.memory_space<hbm>>) dst(%dma_wait3A_122 : memref<80x16xf32, #tpu.memory_space<vmem>>)
          %dma_wait3A_129 = arith.constant 1 : i32
          %dma_wait3A_130 = arith.constant 1 : i32
          %dma_wait3A_131 = arith.constant 0 : i32
          %dma_wait3A_132 = arith.constant 0 : i32
          %dma_wait3A_133 = tpu.memref_slice %arg14[%dma_wait3A_130, %dma_wait3A_131, %dma_wait3A_132] : memref<2x80x16xf32, #tpu.memory_space<vmem>> -> memref<1x80x16xf32, #tpu.memory_space<vmem>>
          %dma_wait3A_134 = tpu.memref_squeeze %dma_wait3A_133 : memref<1x80x16xf32, #tpu.memory_space<vmem>> -> memref<80x16xf32, #tpu.memory_space<vmem>>
          %dma_wait3A_135 = arith.constant 0 : i32
          %dma_wait3A_136 = tpu.memref_slice %arg9[%dma_wait3A_129, %dma_wait3A_135] : memref<2x80xi32, #tpu.memory_space<vmem>> -> memref<1x80xi32, #tpu.memory_space<vmem>>
          %dma_wait3A_137 = tpu.memref_squeeze %dma_wait3A_136 : memref<1x80xi32, #tpu.memory_space<vmem>> -> memref<80xi32, #tpu.memory_space<vmem>>
          %dma_wait3A_138 = arith.constant 0 : i32
          %dma_wait3A_139 = arith.constant 0 : i32
          %dma_wait3A_140 = tpu.memref_slice %arg4[%dma_wait3A_138, %dma_wait3A_139] : memref<10000x16xf32, #tpu.memory_space<hbm>> -> memref<10000x16xf32, #tpu.memory_space<hbm>>
          tpu.wait_indirect_dma semaphore(%arg20 : memref<!tpu.dma_semaphore, #tpu.memory_space<semaphore_mem>>) src(%dma_wait3A_140 : memref<10000x16xf32, #tpu.memory_space<hbm>>) dst(%dma_wait3A_134 : memref<80x16xf32, #tpu.memory_space<vmem>>)
          %add3A_141 = arith.constant 0 : i32
          %add3A_142 = vector.broadcast %add3A_141 : i32 to vector<16xi32>
          %add3A_143 = arith.addi %add3A_142, %iota3A : vector<16xi32>
          %gather3A = arith.constant 1 : i32
          %gather3A_144 = arith.constant 0 : i32
          %gather3A_145 = arith.constant 0 : i32
          %gather3A_146 = tpu.memref_slice %arg13[%gather3A, %gather3A_144, %gather3A_145] : memref<2x80x16xf32, #tpu.memory_space<vmem>> -> memref<1x80x16xf32, #tpu.memory_space<vmem>>
          %gather3A_147 = tpu.memref_squeeze %gather3A_146 : memref<1x80x16xf32, #tpu.memory_space<vmem>> -> memref<80x16xf32, #tpu.memory_space<vmem>>
          %gather3A_148 = tpu.vector_load_idx %gather3A_147[%add3A_143, %broadcast_in_dim3A_1] : memref<80x16xf32, #tpu.memory_space<vmem>>[vector<16xi32>, vector<16xi32>], vector<16xf32>,
          %gather3A_149 = arith.constant 1 : i32
          %gather3A_150 = arith.constant 0 : i32
          %gather3A_151 = arith.constant 0 : i32
          %gather3A_152 = tpu.memref_slice %arg14[%gather3A_149, %gather3A_150, %gather3A_151] : memref<2x80x16xf32, #tpu.memory_space<vmem>> -> memref<1x80x16xf32, #tpu.memory_space<vmem>>
          %gather3A_153 = tpu.memref_squeeze %gather3A_152 : memref<1x80x16xf32, #tpu.memory_space<vmem>> -> memref<80x16xf32, #tpu.memory_space<vmem>>
          %gather3A_154 = tpu.vector_load_idx %gather3A_153[%add3A_143, %add3A_4] : memref<80x16xf32, #tpu.memory_space<vmem>>[vector<16xi32>, vector<16xi32>], vector<16xf32>,
          %add3A_155 = arith.addf %gather3A_148, %gather3A_154 : vector<16xf32>
          %get3A = arith.constant 1 : i32
          %get3A_156 = arith.index_cast %get3A : i32 to index
          %get3A_157 = arith.constant 80 : index
          %get3A_158 = tpu.vector_load %arg10[%get3A_156, %get3A_157] {strides = array<i32>} : memref<2x160xf32, #tpu.memory_space<vmem>>, vector<16xf32>,
          %add3A_159 = arith.addf %add3A_155, %get3A_158 : vector<16xf32>
          %mul3A_160 = arith.constant 2.000000e-01 : f32
          %mul3A_161 = vector.broadcast %mul3A_160 : f32 to vector<16xf32>
          %mul3A_162 = arith.mulf %add3A_159, %mul3A_161 : vector<16xf32>
          %max3A = arith.maximumf %add3A_159, %mul3A_162 : vector<16xf32>
          %exp3A = math.exp %max3A : vector<16xf32>
          %swap3A = arith.constant 1 : i32
          %swap3A_163 = arith.index_cast %swap3A : i32 to index
          %swap3A_164 = arith.constant 0 : index
          %swap3A_165 = tpu.vector_load %arg10[%swap3A_163, %swap3A_164] {strides = array<i32>} : memref<2x160xf32, #tpu.memory_space<vmem>>, vector<16xf32>,
          tpu.vector_store %arg10[%swap3A_163, %swap3A_164], %exp3A {strides = array<i32>} : memref<2x160xf32, #tpu.memory_space<vmem>>, vector<16xf32>,
          %add3A_166 = arith.constant 16 : i32
          %add3A_167 = vector.broadcast %add3A_166 : i32 to vector<16xi32>
          %add3A_168 = arith.addi %add3A_167, %iota3A : vector<16xi32>
          %gather3A_169 = arith.constant 1 : i32
          %gather3A_170 = arith.constant 0 : i32
          %gather3A_171 = arith.constant 0 : i32
          %gather3A_172 = tpu.memref_slice %arg13[%gather3A_169, %gather3A_170, %gather3A_171] : memref<2x80x16xf32, #tpu.memory_space<vmem>> -> memref<1x80x16xf32, #tpu.memory_space<vmem>>
          %gather3A_173 = tpu.memref_squeeze %gather3A_172 : memref<1x80x16xf32, #tpu.memory_space<vmem>> -> memref<80x16xf32, #tpu.memory_space<vmem>>
          %gather3A_174 = tpu.vector_load_idx %gather3A_173[%add3A_168, %broadcast_in_dim3A_1] : memref<80x16xf32, #tpu.memory_space<vmem>>[vector<16xi32>, vector<16xi32>], vector<16xf32>,
          %gather3A_175 = arith.constant 1 : i32
          %gather3A_176 = arith.constant 0 : i32
          %gather3A_177 = arith.constant 0 : i32
          %gather3A_178 = tpu.memref_slice %arg14[%gather3A_175, %gather3A_176, %gather3A_177] : memref<2x80x16xf32, #tpu.memory_space<vmem>> -> memref<1x80x16xf32, #tpu.memory_space<vmem>>
          %gather3A_179 = tpu.memref_squeeze %gather3A_178 : memref<1x80x16xf32, #tpu.memory_space<vmem>> -> memref<80x16xf32, #tpu.memory_space<vmem>>
          %gather3A_180 = tpu.vector_load_idx %gather3A_179[%add3A_168, %add3A_4] : memref<80x16xf32, #tpu.memory_space<vmem>>[vector<16xi32>, vector<16xi32>], vector<16xf32>,
          %add3A_181 = arith.addf %gather3A_174, %gather3A_180 : vector<16xf32>
          %get3A_182 = arith.constant 1 : i32
          %get3A_183 = arith.index_cast %get3A_182 : i32 to index
          %get3A_184 = arith.constant 96 : index
          %get3A_185 = tpu.vector_load %arg10[%get3A_183, %get3A_184] {strides = array<i32>} : memref<2x160xf32, #tpu.memory_space<vmem>>, vector<16xf32>,
          %add3A_186 = arith.addf %add3A_181, %get3A_185 : vector<16xf32>
          %mul3A_187 = arith.constant 2.000000e-01 : f32
          %mul3A_188 = vector.broadcast %mul3A_187 : f32 to vector<16xf32>
          %mul3A_189 = arith.mulf %add3A_186, %mul3A_188 : vector<16xf32>
          %max3A_190 = arith.maximumf %add3A_186, %mul3A_189 : vector<16xf32>
          %exp3A_191 = math.exp %max3A_190 : vector<16xf32>
          %swap3A_192 = arith.constant 1 : i32
          %swap3A_193 = arith.index_cast %swap3A_192 : i32 to index
          %swap3A_194 = arith.constant 16 : index
          %swap3A_195 = tpu.vector_load %arg10[%swap3A_193, %swap3A_194] {strides = array<i32>} : memref<2x160xf32, #tpu.memory_space<vmem>>, vector<16xf32>,
          tpu.vector_store %arg10[%swap3A_193, %swap3A_194], %exp3A_191 {strides = array<i32>} : memref<2x160xf32, #tpu.memory_space<vmem>>, vector<16xf32>,
          %add3A_196 = arith.constant 32 : i32
          %add3A_197 = vector.broadcast %add3A_196 : i32 to vector<16xi32>
          %add3A_198 = arith.addi %add3A_197, %iota3A : vector<16xi32>
          %gather3A_199 = arith.constant 1 : i32
          %gather3A_200 = arith.constant 0 : i32
          %gather3A_201 = arith.constant 0 : i32
          %gather3A_202 = tpu.memref_slice %arg13[%gather3A_199, %gather3A_200, %gather3A_201] : memref<2x80x16xf32, #tpu.memory_space<vmem>> -> memref<1x80x16xf32, #tpu.memory_space<vmem>>
          %gather3A_203 = tpu.memref_squeeze %gather3A_202 : memref<1x80x16xf32, #tpu.memory_space<vmem>> -> memref<80x16xf32, #tpu.memory_space<vmem>>
          %gather3A_204 = tpu.vector_load_idx %gather3A_203[%add3A_198, %broadcast_in_dim3A_1] : memref<80x16xf32, #tpu.memory_space<vmem>>[vector<16xi32>, vector<16xi32>], vector<16xf32>,
          %gather3A_205 = arith.constant 1 : i32
          %gather3A_206 = arith.constant 0 : i32
          %gather3A_207 = arith.constant 0 : i32
          %gather3A_208 = tpu.memref_slice %arg14[%gather3A_205, %gather3A_206, %gather3A_207] : memref<2x80x16xf32, #tpu.memory_space<vmem>> -> memref<1x80x16xf32, #tpu.memory_space<vmem>>
          %gather3A_209 = tpu.memref_squeeze %gather3A_208 : memref<1x80x16xf32, #tpu.memory_space<vmem>> -> memref<80x16xf32, #tpu.memory_space<vmem>>
          %gather3A_210 = tpu.vector_load_idx %gather3A_209[%add3A_198, %add3A_4] : memref<80x16xf32, #tpu.memory_space<vmem>>[vector<16xi32>, vector<16xi32>], vector<16xf32>,
          %add3A_211 = arith.addf %gather3A_204, %gather3A_210 : vector<16xf32>
          %get3A_212 = arith.constant 1 : i32
          %get3A_213 = arith.index_cast %get3A_212 : i32 to index
          %get3A_214 = arith.constant 112 : index
          %get3A_215 = tpu.vector_load %arg10[%get3A_213, %get3A_214] {strides = array<i32>} : memref<2x160xf32, #tpu.memory_space<vmem>>, vector<16xf32>,
          %add3A_216 = arith.addf %add3A_211, %get3A_215 : vector<16xf32>
          %mul3A_217 = arith.constant 2.000000e-01 : f32
          %mul3A_218 = vector.broadcast %mul3A_217 : f32 to vector<16xf32>
          %mul3A_219 = arith.mulf %add3A_216, %mul3A_218 : vector<16xf32>
          %max3A_220 = arith.maximumf %add3A_216, %mul3A_219 : vector<16xf32>
          %exp3A_221 = math.exp %max3A_220 : vector<16xf32>
          %swap3A_222 = arith.constant 1 : i32
          %swap3A_223 = arith.index_cast %swap3A_222 : i32 to index
          %swap3A_224 = arith.constant 32 : index
          %swap3A_225 = tpu.vector_load %arg10[%swap3A_223, %swap3A_224] {strides = array<i32>} : memref<2x160xf32, #tpu.memory_space<vmem>>, vector<16xf32>,
          tpu.vector_store %arg10[%swap3A_223, %swap3A_224], %exp3A_221 {strides = array<i32>} : memref<2x160xf32, #tpu.memory_space<vmem>>, vector<16xf32>,
          %add3A_226 = arith.constant 48 : i32
          %add3A_227 = vector.broadcast %add3A_226 : i32 to vector<16xi32>
          %add3A_228 = arith.addi %add3A_227, %iota3A : vector<16xi32>
          %gather3A_229 = arith.constant 1 : i32
          %gather3A_230 = arith.constant 0 : i32
          %gather3A_231 = arith.constant 0 : i32
          %gather3A_232 = tpu.memref_slice %arg13[%gather3A_229, %gather3A_230, %gather3A_231] : memref<2x80x16xf32, #tpu.memory_space<vmem>> -> memref<1x80x16xf32, #tpu.memory_space<vmem>>
          %gather3A_233 = tpu.memref_squeeze %gather3A_232 : memref<1x80x16xf32, #tpu.memory_space<vmem>> -> memref<80x16xf32, #tpu.memory_space<vmem>>
          %gather3A_234 = tpu.vector_load_idx %gather3A_233[%add3A_228, %broadcast_in_dim3A_1] : memref<80x16xf32, #tpu.memory_space<vmem>>[vector<16xi32>, vector<16xi32>], vector<16xf32>,
          %gather3A_235 = arith.constant 1 : i32
          %gather3A_236 = arith.constant 0 : i32
          %gather3A_237 = arith.constant 0 : i32
          %gather3A_238 = tpu.memref_slice %arg14[%gather3A_235, %gather3A_236, %gather3A_237] : memref<2x80x16xf32, #tpu.memory_space<vmem>> -> memref<1x80x16xf32, #tpu.memory_space<vmem>>
          %gather3A_239 = tpu.memref_squeeze %gather3A_238 : memref<1x80x16xf32, #tpu.memory_space<vmem>> -> memref<80x16xf32, #tpu.memory_space<vmem>>
          %gather3A_240 = tpu.vector_load_idx %gather3A_239[%add3A_228, %add3A_4] : memref<80x16xf32, #tpu.memory_space<vmem>>[vector<16xi32>, vector<16xi32>], vector<16xf32>,
          %add3A_241 = arith.addf %gather3A_234, %gather3A_240 : vector<16xf32>
          %get3A_242 = arith.constant 1 : i32
          %get3A_243 = arith.index_cast %get3A_242 : i32 to index
          %get3A_244 = arith.constant 128 : index
          %get3A_245 = tpu.vector_load %arg10[%get3A_243, %get3A_244] {strides = array<i32>} : memref<2x160xf32, #tpu.memory_space<vmem>>, vector<16xf32>,
          %add3A_246 = arith.addf %add3A_241, %get3A_245 : vector<16xf32>
          %mul3A_247 = arith.constant 2.000000e-01 : f32
          %mul3A_248 = vector.broadcast %mul3A_247 : f32 to vector<16xf32>
          %mul3A_249 = arith.mulf %add3A_246, %mul3A_248 : vector<16xf32>
          %max3A_250 = arith.maximumf %add3A_246, %mul3A_249 : vector<16xf32>
          %exp3A_251 = math.exp %max3A_250 : vector<16xf32>
          %swap3A_252 = arith.constant 1 : i32
          %swap3A_253 = arith.index_cast %swap3A_252 : i32 to index
          %swap3A_254 = arith.constant 48 : index
          %swap3A_255 = tpu.vector_load %arg10[%swap3A_253, %swap3A_254] {strides = array<i32>} : memref<2x160xf32, #tpu.memory_space<vmem>>, vector<16xf32>,
          tpu.vector_store %arg10[%swap3A_253, %swap3A_254], %exp3A_251 {strides = array<i32>} : memref<2x160xf32, #tpu.memory_space<vmem>>, vector<16xf32>,
          %add3A_256 = arith.constant 64 : i32
          %add3A_257 = vector.broadcast %add3A_256 : i32 to vector<16xi32>
          %add3A_258 = arith.addi %add3A_257, %iota3A : vector<16xi32>
          %gather3A_259 = arith.constant 1 : i32
          %gather3A_260 = arith.constant 0 : i32
          %gather3A_261 = arith.constant 0 : i32
          %gather3A_262 = tpu.memref_slice %arg13[%gather3A_259, %gather3A_260, %gather3A_261] : memref<2x80x16xf32, #tpu.memory_space<vmem>> -> memref<1x80x16xf32, #tpu.memory_space<vmem>>
          %gather3A_263 = tpu.memref_squeeze %gather3A_262 : memref<1x80x16xf32, #tpu.memory_space<vmem>> -> memref<80x16xf32, #tpu.memory_space<vmem>>
          %gather3A_264 = tpu.vector_load_idx %gather3A_263[%add3A_258, %broadcast_in_dim3A_1] : memref<80x16xf32, #tpu.memory_space<vmem>>[vector<16xi32>, vector<16xi32>], vector<16xf32>,
          %gather3A_265 = arith.constant 1 : i32
          %gather3A_266 = arith.constant 0 : i32
          %gather3A_267 = arith.constant 0 : i32
          %gather3A_268 = tpu.memref_slice %arg14[%gather3A_265, %gather3A_266, %gather3A_267] : memref<2x80x16xf32, #tpu.memory_space<vmem>> -> memref<1x80x16xf32, #tpu.memory_space<vmem>>
          %gather3A_269 = tpu.memref_squeeze %gather3A_268 : memref<1x80x16xf32, #tpu.memory_space<vmem>> -> memref<80x16xf32, #tpu.memory_space<vmem>>
          %gather3A_270 = tpu.vector_load_idx %gather3A_269[%add3A_258, %add3A_4] : memref<80x16xf32, #tpu.memory_space<vmem>>[vector<16xi32>, vector<16xi32>], vector<16xf32>,
          %add3A_271 = arith.addf %gather3A_264, %gather3A_270 : vector<16xf32>
          %get3A_272 = arith.constant 1 : i32
          %get3A_273 = arith.index_cast %get3A_272 : i32 to index
          %get3A_274 = arith.constant 144 : index
          %get3A_275 = tpu.vector_load %arg10[%get3A_273, %get3A_274] {strides = array<i32>} : memref<2x160xf32, #tpu.memory_space<vmem>>, vector<16xf32>,
          %add3A_276 = arith.addf %add3A_271, %get3A_275 : vector<16xf32>
          %mul3A_277 = arith.constant 2.000000e-01 : f32
          %mul3A_278 = vector.broadcast %mul3A_277 : f32 to vector<16xf32>
          %mul3A_279 = arith.mulf %add3A_276, %mul3A_278 : vector<16xf32>
          %max3A_280 = arith.maximumf %add3A_276, %mul3A_279 : vector<16xf32>
          %exp3A_281 = math.exp %max3A_280 : vector<16xf32>
          %swap3A_282 = arith.constant 1 : i32
          %swap3A_283 = arith.index_cast %swap3A_282 : i32 to index
          %swap3A_284 = arith.constant 64 : index
          %swap3A_285 = tpu.vector_load %arg10[%swap3A_283, %swap3A_284] {strides = array<i32>} : memref<2x160xf32, #tpu.memory_space<vmem>>, vector<16xf32>,
          tpu.vector_store %arg10[%swap3A_283, %swap3A_284], %exp3A_281 {strides = array<i32>} : memref<2x160xf32, #tpu.memory_space<vmem>>, vector<16xf32>,
          %scan3A_286 = arith.constant 0 : i32
          %scan3A_287 = arith.constant 0 : i32
          %scan3A_288 = arith.constant 80 : i32
          %scan3A_289 = arith.addi %scan3A_287, %scan3A_288 : i32
          %scan3A_290 = arith.constant 1 : i32
          %scan3A_291 = scf.for %scan3A_305 = %scan3A_287 to %scan3A_289 step %scan3A_290 iter_args(%scan3A_306 = %scan3A_286) -> (i32)  : i32 {
            %broadcast_in_dim3A_307 = vector.broadcast %scan3A_305 : i32 to vector<16xi32>
            %gather3A_308 = arith.constant 1 : i32
            %gather3A_309 = arith.constant 0 : i32
            %gather3A_310 = tpu.memref_slice %arg10[%gather3A_308, %gather3A_309] : memref<2x160xf32, #tpu.memory_space<vmem>> -> memref<1x160xf32, #tpu.memory_space<vmem>>
            %gather3A_311 = tpu.memref_squeeze %gather3A_310 : memref<1x160xf32, #tpu.memory_space<vmem>> -> memref<160xf32, #tpu.memory_space<vmem>>
            %gather3A_312 = tpu.vector_load_idx %gather3A_311[%broadcast_in_dim3A_307] : memref<160xf32, #tpu.memory_space<vmem>>[vector<16xi32>], vector<16xf32>,
            %get3A_313 = arith.constant 1 : i32
            %get3A_314 = arith.index_cast %get3A_313 : i32 to index
            %get3A_315 = arith.index_cast %scan3A_305 : i32 to index
            %get3A_316 = arith.constant 0 : index
            %get3A_317 = tpu.vector_load %arg11[%get3A_314, %get3A_315, %get3A_316] {strides = array<i32>} : memref<2x80x96xf32, #tpu.memory_space<vmem>>, vector<16xf32>,
            %mul3A_318 = arith.mulf %get3A_317, %gather3A_312 : vector<16xf32>
            %swap3A_319 = arith.constant 1 : i32
            %swap3A_320 = arith.index_cast %swap3A_319 : i32 to index
            %swap3A_321 = arith.index_cast %scan3A_305 : i32 to index
            %swap3A_322 = arith.constant 0 : index
            %swap3A_323 = tpu.vector_load %arg12[%swap3A_320, %swap3A_321, %swap3A_322] {strides = array<i32>} : memref<2x80x112xf32, #tpu.memory_space<vmem>>, vector<16xf32>,
            tpu.vector_store %arg12[%swap3A_320, %swap3A_321, %swap3A_322], %mul3A_318 {strides = array<i32>} : memref<2x80x112xf32, #tpu.memory_space<vmem>>, vector<16xf32>,
            %get3A_324 = arith.constant 1 : i32
            %get3A_325 = arith.index_cast %get3A_324 : i32 to index
            %get3A_326 = arith.index_cast %scan3A_305 : i32 to index
            %get3A_327 = arith.constant 16 : index
            %get3A_328 = tpu.vector_load %arg11[%get3A_325, %get3A_326, %get3A_327] {strides = array<i32>} : memref<2x80x96xf32, #tpu.memory_space<vmem>>, vector<16xf32>,
            %mul3A_329 = arith.mulf %get3A_328, %gather3A_312 : vector<16xf32>
            %swap3A_330 = arith.constant 1 : i32
            %swap3A_331 = arith.index_cast %swap3A_330 : i32 to index
            %swap3A_332 = arith.index_cast %scan3A_305 : i32 to index
            %swap3A_333 = arith.constant 16 : index
            %swap3A_334 = tpu.vector_load %arg12[%swap3A_331, %swap3A_332, %swap3A_333] {strides = array<i32>} : memref<2x80x112xf32, #tpu.memory_space<vmem>>, vector<16xf32>,
            tpu.vector_store %arg12[%swap3A_331, %swap3A_332, %swap3A_333], %mul3A_329 {strides = array<i32>} : memref<2x80x112xf32, #tpu.memory_space<vmem>>, vector<16xf32>,
            %get3A_335 = arith.constant 1 : i32
            %get3A_336 = arith.index_cast %get3A_335 : i32 to index
            %get3A_337 = arith.index_cast %scan3A_305 : i32 to index
            %get3A_338 = arith.constant 32 : index
            %get3A_339 = tpu.vector_load %arg11[%get3A_336, %get3A_337, %get3A_338] {strides = array<i32>} : memref<2x80x96xf32, #tpu.memory_space<vmem>>, vector<16xf32>,
            %mul3A_340 = arith.mulf %get3A_339, %gather3A_312 : vector<16xf32>
            %swap3A_341 = arith.constant 1 : i32
            %swap3A_342 = arith.index_cast %swap3A_341 : i32 to index
            %swap3A_343 = arith.index_cast %scan3A_305 : i32 to index
            %swap3A_344 = arith.constant 32 : index
            %swap3A_345 = tpu.vector_load %arg12[%swap3A_342, %swap3A_343, %swap3A_344] {strides = array<i32>} : memref<2x80x112xf32, #tpu.memory_space<vmem>>, vector<16xf32>,
            tpu.vector_store %arg12[%swap3A_342, %swap3A_343, %swap3A_344], %mul3A_340 {strides = array<i32>} : memref<2x80x112xf32, #tpu.memory_space<vmem>>, vector<16xf32>,
            %get3A_346 = arith.constant 1 : i32
            %get3A_347 = arith.index_cast %get3A_346 : i32 to index
            %get3A_348 = arith.index_cast %scan3A_305 : i32 to index
            %get3A_349 = arith.constant 48 : index
            %get3A_350 = tpu.vector_load %arg11[%get3A_347, %get3A_348, %get3A_349] {strides = array<i32>} : memref<2x80x96xf32, #tpu.memory_space<vmem>>, vector<16xf32>,
            %mul3A_351 = arith.mulf %get3A_350, %gather3A_312 : vector<16xf32>
            %swap3A_352 = arith.constant 1 : i32
            %swap3A_353 = arith.index_cast %swap3A_352 : i32 to index
            %swap3A_354 = arith.index_cast %scan3A_305 : i32 to index
            %swap3A_355 = arith.constant 48 : index
            %swap3A_356 = tpu.vector_load %arg12[%swap3A_353, %swap3A_354, %swap3A_355] {strides = array<i32>} : memref<2x80x112xf32, #tpu.memory_space<vmem>>, vector<16xf32>,
            tpu.vector_store %arg12[%swap3A_353, %swap3A_354, %swap3A_355], %mul3A_351 {strides = array<i32>} : memref<2x80x112xf32, #tpu.memory_space<vmem>>, vector<16xf32>,
            %get3A_357 = arith.constant 1 : i32
            %get3A_358 = arith.index_cast %get3A_357 : i32 to index
            %get3A_359 = arith.index_cast %scan3A_305 : i32 to index
            %get3A_360 = arith.constant 64 : index
            %get3A_361 = tpu.vector_load %arg11[%get3A_358, %get3A_359, %get3A_360] {strides = array<i32>} : memref<2x80x96xf32, #tpu.memory_space<vmem>>, vector<16xf32>,
            %mul3A_362 = arith.mulf %get3A_361, %gather3A_312 : vector<16xf32>
            %swap3A_363 = arith.constant 1 : i32
            %swap3A_364 = arith.index_cast %swap3A_363 : i32 to index
            %swap3A_365 = arith.index_cast %scan3A_305 : i32 to index
            %swap3A_366 = arith.constant 64 : index
            %swap3A_367 = tpu.vector_load %arg12[%swap3A_364, %swap3A_365, %swap3A_366] {strides = array<i32>} : memref<2x80x112xf32, #tpu.memory_space<vmem>>, vector<16xf32>,
            tpu.vector_store %arg12[%swap3A_364, %swap3A_365, %swap3A_366], %mul3A_362 {strides = array<i32>} : memref<2x80x112xf32, #tpu.memory_space<vmem>>, vector<16xf32>,
            %get3A_368 = arith.constant 1 : i32
            %get3A_369 = arith.index_cast %get3A_368 : i32 to index
            %get3A_370 = arith.index_cast %scan3A_305 : i32 to index
            %get3A_371 = arith.constant 80 : index
            %get3A_372 = tpu.vector_load %arg11[%get3A_369, %get3A_370, %get3A_371] {strides = array<i32>} : memref<2x80x96xf32, #tpu.memory_space<vmem>>, vector<16xf32>,
            %mul3A_373 = arith.mulf %get3A_372, %gather3A_312 : vector<16xf32>
            %swap3A_374 = arith.constant 1 : i32
            %swap3A_375 = arith.index_cast %swap3A_374 : i32 to index
            %swap3A_376 = arith.index_cast %scan3A_305 : i32 to index
            %swap3A_377 = arith.constant 80 : index
            %swap3A_378 = tpu.vector_load %arg12[%swap3A_375, %swap3A_376, %swap3A_377] {strides = array<i32>} : memref<2x80x112xf32, #tpu.memory_space<vmem>>, vector<16xf32>,
            tpu.vector_store %arg12[%swap3A_375, %swap3A_376, %swap3A_377], %mul3A_373 {strides = array<i32>} : memref<2x80x112xf32, #tpu.memory_space<vmem>>, vector<16xf32>,
            %add3A_379 = arith.constant 80 : i32
            %add3A_380 = arith.addi %add3A_379, %scan3A_305 : i32
            %broadcast_in_dim3A_381 = vector.broadcast %add3A_380 : i32 to vector<16xi32>
            %gather3A_382 = arith.constant 1 : i32
            %gather3A_383 = arith.constant 0 : i32
            %gather3A_384 = tpu.memref_slice %arg10[%gather3A_382, %gather3A_383] : memref<2x160xf32, #tpu.memory_space<vmem>> -> memref<1x160xf32, #tpu.memory_space<vmem>>
            %gather3A_385 = tpu.memref_squeeze %gather3A_384 : memref<1x160xf32, #tpu.memory_space<vmem>> -> memref<160xf32, #tpu.memory_space<vmem>>
            %gather3A_386 = tpu.vector_load_idx %gather3A_385[%broadcast_in_dim3A_381] : memref<160xf32, #tpu.memory_space<vmem>>[vector<16xi32>], vector<16xf32>,
            %eq3A_387 = arith.constant 0 : i32
            %eq3A_388 = vector.broadcast %eq3A_387 : i32 to vector<16xi32>
            %eq3A_389 = arith.cmpi eq, %iota3A, %eq3A_388 : vector<16xi32>
            %eq3A_390 = arith.constant 1 : i32
            %eq3A_391 = vector.broadcast %eq3A_390 : i32 to vector<16xi32>
            %eq3A_392 = arith.cmpi eq, %iota3A, %eq3A_391 : vector<16xi32>
            %eq3A_393 = arith.constant 2 : i32
            %eq3A_394 = vector.broadcast %eq3A_393 : i32 to vector<16xi32>
            %eq3A_395 = arith.cmpi eq, %iota3A, %eq3A_394 : vector<16xi32>
            %jit3A = arith.constant 1.000000e+00 : f32
            %jit3A_396 = arith.constant 0.000000e+00 : f32
            %broadcast_in_dim3A_397 = vector.broadcast %jit3A : f32 to vector<16xf32>
            %broadcast_in_dim3A_398 = vector.broadcast %jit3A_396 : f32 to vector<16xf32>
            %select_n3A = arith.select %eq3A_395, %broadcast_in_dim3A_397, %broadcast_in_dim3A_398 : vector<16xi1>, vector<16xf32>
            %select_n3A_399 = arith.select %eq3A_392, %gather3A_386, %select_n3A : vector<16xi1>, vector<16xf32>
            %select_n3A_400 = arith.select %eq3A_389, %gather3A_312, %select_n3A_399 : vector<16xi1>, vector<16xf32>
            %swap3A_401 = arith.constant 1 : i32
            %swap3A_402 = arith.index_cast %swap3A_401 : i32 to index
            %swap3A_403 = arith.index_cast %scan3A_305 : i32 to index
            %swap3A_404 = arith.constant 96 : index
            %swap3A_405 = tpu.vector_load %arg12[%swap3A_402, %swap3A_403, %swap3A_404] {strides = array<i32>} : memref<2x80x112xf32, #tpu.memory_space<vmem>>, vector<16xf32>,
            tpu.vector_store %arg12[%swap3A_402, %swap3A_403, %swap3A_404], %select_n3A_400 {strides = array<i32>} : memref<2x80x112xf32, #tpu.memory_space<vmem>>, vector<16xf32>,
            %scan3A_406 = arith.constant 0 : i32
            scf.yield %scan3A_406 : i32
          }
          %scan3A_292 = arith.constant 80 : i32
          %dma_start3A_293 = arith.constant 1 : i32
          %dma_start3A_294 = arith.constant 1 : i32
          %dma_start3A_295 = arith.constant 0 : i32
          %dma_start3A_296 = arith.constant 0 : i32
          %dma_start3A_297 = tpu.memref_slice %arg12[%dma_start3A_293, %dma_start3A_295, %dma_start3A_296] : memref<2x80x112xf32, #tpu.memory_space<vmem>> -> memref<1x80x112xf32, #tpu.memory_space<vmem>>
          %dma_start3A_298 = tpu.memref_squeeze %dma_start3A_297 : memref<1x80x112xf32, #tpu.memory_space<vmem>> -> memref<80x112xf32, #tpu.memory_space<vmem>>
          %dma_start3A_299 = arith.constant 0 : i32
          %dma_start3A_300 = tpu.memref_slice %arg9[%dma_start3A_294, %dma_start3A_299] : memref<2x80xi32, #tpu.memory_space<vmem>> -> memref<1x80xi32, #tpu.memory_space<vmem>>
          %dma_start3A_301 = tpu.memref_squeeze %dma_start3A_300 : memref<1x80xi32, #tpu.memory_space<vmem>> -> memref<80xi32, #tpu.memory_space<vmem>>
          %dma_start3A_302 = arith.constant 0 : i32
          %dma_start3A_303 = arith.constant 0 : i32
          %dma_start3A_304 = tpu.memref_slice %arg15[%dma_start3A_302, %dma_start3A_303] : memref<10000x112xf32, #tpu.memory_space<vmem_shared>> -> memref<10000x112xf32, #tpu.memory_space<vmem_shared>>
          tpu.enqueue_indirect_dma source(%dma_start3A_298 : memref<80x112xf32, #tpu.memory_space<vmem>>) target(%dma_start3A_304 : memref<10000x112xf32, #tpu.memory_space<vmem_shared>>) offsets(%dma_start3A_301 : memref<80xi32, #tpu.memory_space<vmem>>) semaphore(%arg22 : memref<!tpu.dma_semaphore, #tpu.memory_space<semaphore_mem>>) {add = true}
        } else {
        }
      } else {
      }
      %scan3A_91 = arith.constant 0 : i32
      scf.yield %scan3A_91 : i32
    }
    %scan3A_39 = arith.constant 126 : i32
    %dma_wait3A = arith.constant 0 : i32
    %dma_wait3A_40 = arith.constant 0 : i32
    %dma_wait3A_41 = arith.constant 0 : i32
    %dma_wait3A_42 = arith.constant 0 : i32
    %dma_wait3A_43 = tpu.memref_slice %arg12[%dma_wait3A_40, %dma_wait3A_41, %dma_wait3A_42] : memref<2x80x112xf32, #tpu.memory_space<vmem>> -> memref<1x80x112xf32, #tpu.memory_space<vmem>>
    %dma_wait3A_44 = tpu.memref_squeeze %dma_wait3A_43 : memref<1x80x112xf32, #tpu.memory_space<vmem>> -> memref<80x112xf32, #tpu.memory_space<vmem>>
    %dma_wait3A_45 = arith.constant 0 : i32
    %dma_wait3A_46 = arith.constant 0 : i32
    %dma_wait3A_47 = tpu.memref_slice %arg5[%dma_wait3A, %dma_wait3A_45, %dma_wait3A_46] : memref<2x10000x112xf32, #tpu.memory_space<hbm>> -> memref<1x80x112xf32, #tpu.memory_space<hbm>>
    %dma_wait3A_48 = tpu.memref_squeeze %dma_wait3A_47 : memref<1x80x112xf32, #tpu.memory_space<hbm>> -> memref<80x112xf32, #tpu.memory_space<hbm>>
    %dma_wait3A_49 = arith.constant 0 : i32
    %dma_wait3A_50 = arith.constant 0 : i32
    %dma_wait3A_51 = tpu.memref_slice %arg12[%dma_wait3A_40, %dma_wait3A_49, %dma_wait3A_50] : memref<2x80x112xf32, #tpu.memory_space<vmem>> -> memref<1x80x112xf32, #tpu.memory_space<vmem>>
    %dma_wait3A_52 = tpu.memref_squeeze %dma_wait3A_51 : memref<1x80x112xf32, #tpu.memory_space<vmem>> -> memref<80x112xf32, #tpu.memory_space<vmem>>
    %dma_wait3A_53 = arith.constant 0 : i32
    %dma_wait3A_54 = arith.constant 0 : i32
    %dma_wait3A_55 = tpu.memref_slice %arg5[%dma_wait3A, %dma_wait3A_53, %dma_wait3A_54] : memref<2x10000x112xf32, #tpu.memory_space<hbm>> -> memref<1x80x112xf32, #tpu.memory_space<hbm>>
    %dma_wait3A_56 = tpu.memref_squeeze %dma_wait3A_55 : memref<1x80x112xf32, #tpu.memory_space<hbm>> -> memref<80x112xf32, #tpu.memory_space<hbm>>
    tpu.wait_dma2 semaphore(%arg21 : memref<!tpu.dma_semaphore, #tpu.memory_space<semaphore_mem>>) src(%dma_wait3A_56 : memref<80x112xf32, #tpu.memory_space<hbm>>) dst(%dma_wait3A_52 : memref<80x112xf32, #tpu.memory_space<vmem>>)
    %dma_wait3A_57 = arith.constant 0 : i32
    %dma_wait3A_58 = arith.constant 1 : i32
    %dma_wait3A_59 = arith.constant 0 : i32
    %dma_wait3A_60 = arith.constant 0 : i32
    %dma_wait3A_61 = tpu.memref_slice %arg12[%dma_wait3A_58, %dma_wait3A_59, %dma_wait3A_60] : memref<2x80x112xf32, #tpu.memory_space<vmem>> -> memref<1x80x112xf32, #tpu.memory_space<vmem>>
    %dma_wait3A_62 = tpu.memref_squeeze %dma_wait3A_61 : memref<1x80x112xf32, #tpu.memory_space<vmem>> -> memref<80x112xf32, #tpu.memory_space<vmem>>
    %dma_wait3A_63 = arith.constant 0 : i32
    %dma_wait3A_64 = arith.constant 0 : i32
    %dma_wait3A_65 = tpu.memref_slice %arg5[%dma_wait3A_57, %dma_wait3A_63, %dma_wait3A_64] : memref<2x10000x112xf32, #tpu.memory_space<hbm>> -> memref<1x80x112xf32, #tpu.memory_space<hbm>>
    %dma_wait3A_66 = tpu.memref_squeeze %dma_wait3A_65 : memref<1x80x112xf32, #tpu.memory_space<hbm>> -> memref<80x112xf32, #tpu.memory_space<hbm>>
    %dma_wait3A_67 = arith.constant 0 : i32
    %dma_wait3A_68 = arith.constant 0 : i32
    %dma_wait3A_69 = tpu.memref_slice %arg12[%dma_wait3A_58, %dma_wait3A_67, %dma_wait3A_68] : memref<2x80x112xf32, #tpu.memory_space<vmem>> -> memref<1x80x112xf32, #tpu.memory_space<vmem>>
    %dma_wait3A_70 = tpu.memref_squeeze %dma_wait3A_69 : memref<1x80x112xf32, #tpu.memory_space<vmem>> -> memref<80x112xf32, #tpu.memory_space<vmem>>
    %dma_wait3A_71 = arith.constant 0 : i32
    %dma_wait3A_72 = arith.constant 0 : i32
    %dma_wait3A_73 = tpu.memref_slice %arg5[%dma_wait3A_57, %dma_wait3A_71, %dma_wait3A_72] : memref<2x10000x112xf32, #tpu.memory_space<hbm>> -> memref<1x80x112xf32, #tpu.memory_space<hbm>>
    %dma_wait3A_74 = tpu.memref_squeeze %dma_wait3A_73 : memref<1x80x112xf32, #tpu.memory_space<hbm>> -> memref<80x112xf32, #tpu.memory_space<hbm>>
    tpu.wait_dma2 semaphore(%arg22 : memref<!tpu.dma_semaphore, #tpu.memory_space<semaphore_mem>>) src(%dma_wait3A_74 : memref<80x112xf32, #tpu.memory_space<hbm>>) dst(%dma_wait3A_70 : memref<80x112xf32, #tpu.memory_space<vmem>>)
    %barrier3A_75 = arith.constant 0 : index
    tpu.barrier barrier_id(%barrier3A_75)
    %scan3A_76 = arith.constant 0 : i32
    %scan3A_77 = arith.constant 0 : i32
    %scan3A_78 = arith.constant 8 : i32
    %scan3A_79 = arith.addi %scan3A_77, %scan3A_78 : i32
    %scan3A_80 = arith.constant 1 : i32
    %scan3A_81 = scf.for %scan3A_83 = %scan3A_77 to %scan3A_79 step %scan3A_80 iter_args(%scan3A_84 = %scan3A_76) -> (i32)  : i32 {
      %mul3A_85 = arith.constant 16 : i32
      %mul3A_86 = arith.muli %scan3A_83, %mul3A_85 : i32
      %add3A_87 = arith.addi %mul3A_86, %arg1 : i32
      %lt3A = arith.constant 125 : i32
      %lt3A_88 = arith.cmpi slt, %add3A_87, %lt3A : i32
      %convert_element_type3A = arith.extui %lt3A_88 : i1 to i32
      %cond3A = arith.constant 0 : i32
      %cond3A_89 = arith.cmpi ne, %convert_element_type3A, %cond3A : i32
      scf.if %cond3A_89 {
        %mul3A_91 = arith.constant 80 : i32
        %mul3A_92 = arith.muli %add3A_87, %mul3A_91 : i32
        %mul3A_93 = arith.constant 80 : i32
        %mul3A_94 = arith.muli %add3A_87, %mul3A_93 : i32
        "tpu.region"() ({
          %run_scoped3A = tpu.sem_alloc : memref<!tpu.dma_semaphore, #tpu.memory_space<semaphore_mem>>
          %dma_start3A_95 = arith.constant 0 : i32
          %dma_start3A_96 = tpu.memref_slice %arg5[%arg0, %mul3A_94, %dma_start3A_95] : memref<2x10000x112xf32, #tpu.memory_space<hbm>> -> memref<1x80x112xf32, #tpu.memory_space<hbm>>
          %dma_start3A_97 = tpu.memref_squeeze %dma_start3A_96 : memref<1x80x112xf32, #tpu.memory_space<hbm>> -> memref<80x112xf32, #tpu.memory_space<hbm>>
          %dma_start3A_98 = arith.constant 0 : i32
          %dma_start3A_99 = tpu.memref_slice %arg15[%mul3A_92, %dma_start3A_98] : memref<10000x112xf32, #tpu.memory_space<vmem_shared>> -> memref<80x112xf32, #tpu.memory_space<vmem_shared>>
          tpu.enqueue_dma source(%dma_start3A_99 : memref<80x112xf32, #tpu.memory_space<vmem_shared>>) target(%dma_start3A_97 : memref<80x112xf32, #tpu.memory_space<hbm>>) target_semaphore(%run_scoped3A : memref<!tpu.dma_semaphore, #tpu.memory_space<semaphore_mem>>)
          %dma_wait3A_100 = arith.constant 0 : i32
          %dma_wait3A_101 = tpu.memref_slice %arg5[%arg0, %mul3A_94, %dma_wait3A_100] : memref<2x10000x112xf32, #tpu.memory_space<hbm>> -> memref<1x80x112xf32, #tpu.memory_space<hbm>>
          %dma_wait3A_102 = tpu.memref_squeeze %dma_wait3A_101 : memref<1x80x112xf32, #tpu.memory_space<hbm>> -> memref<80x112xf32, #tpu.memory_space<hbm>>
          %dma_wait3A_103 = arith.constant 0 : i32
          %dma_wait3A_104 = tpu.memref_slice %arg15[%mul3A_92, %dma_wait3A_103] : memref<10000x112xf32, #tpu.memory_space<vmem_shared>> -> memref<80x112xf32, #tpu.memory_space<vmem_shared>>
          tpu.wait_dma2 semaphore(%run_scoped3A : memref<!tpu.dma_semaphore, #tpu.memory_space<semaphore_mem>>) src(%dma_wait3A_104 : memref<80x112xf32, #tpu.memory_space<vmem_shared>>) dst(%dma_wait3A_102 : memref<80x112xf32, #tpu.memory_space<hbm>>)
          tpu.yield
        }) : () -> ()
      } else {
      }
      %scan3A_90 = arith.constant 0 : i32
      scf.yield %scan3A_90 : i32
    }
    %scan3A_82 = arith.constant 8 : i32
    return
  }
}

module attributes {stable_mosaic.version = 14 : i64} {
  func.func @_edges_body(%arg0: i32, %arg1: memref<1280x384xf32, #tpu.memory_space<vmem>>, %arg2: memref<384x384xf32, #tpu.memory_space<vmem>>, %arg3: memref<384x1xf32, #tpu.memory_space<vmem>>, %arg4: memref<1280x1xf32, #tpu.memory_space<vmem>>) attributes {dimension_semantics = [#tpu.dimension_semantics<arbitrary>], iteration_bounds = array<i64: 125>, scalar_prefetch = 0 : i64, scratch_operands = 0 : i64, tpu.core_type = #tpu.core_type<tc>, window_params = [{transform_indices = @transform_0, window_bounds = array<i64: 1280, 384>}, {pipeline_mode = #tpu.pipeline_mode<synchronous>, transform_indices = @transform_1, window_bounds = array<i64: 384, 384>}, {pipeline_mode = #tpu.pipeline_mode<synchronous>, transform_indices = @transform_2, window_bounds = array<i64: 384, 1>}, {transform_indices = @transform_3, window_bounds = array<i64: 1280, 1>}]} {
    %get3A = arith.constant 0 : index
    %get3A_0 = arith.constant 0 : index
    %get3A_1 = vector.load %arg2[%get3A, %get3A_0] : memref<384x384xf32, #tpu.memory_space<vmem>>, vector<384x384xf32>
    %get3A_2 = arith.constant 0 : index
    %get3A_3 = arith.constant 0 : index
    %get3A_4 = vector.load %arg3[%get3A_2, %get3A_3] : memref<384x1xf32, #tpu.memory_space<vmem>>, vector<384x1xf32>
    %dot_general3A = arith.constant dense<0.000000e+00> : vector<384x1xf32>
    %dot_general3A_5 = tpu.matmul %get3A_1, %get3A_4, %dot_general3A {dimension_numbers = #tpu.dot_dimension_numbers<[1], [0], [0], [1], [0, 0, 1, 1], [], []>, precision = #tpu.contract_precision<fp32>, transpose_lhs_hint = false} : vector<384x384xf32>, vector<384x1xf32>, vector<384x1xf32> -> vector<384x1xf32>
    %get3A_6 = arith.constant 0 : index
    %get3A_7 = arith.constant 0 : index
    %get3A_8 = vector.load %arg1[%get3A_6, %get3A_7] : memref<1280x384xf32, #tpu.memory_space<vmem>>, vector<1280x384xf32>
    %dot_general3A_9 = arith.constant dense<0.000000e+00> : vector<1280x1xf32>
    %dot_general3A_10 = tpu.matmul %get3A_8, %dot_general3A_5, %dot_general3A_9 {dimension_numbers = #tpu.dot_dimension_numbers<[1], [0], [0], [1], [0, 0, 1, 1], [], []>, precision = #tpu.contract_precision<fp32>, transpose_lhs_hint = false} : vector<1280x384xf32>, vector<384x1xf32>, vector<1280x1xf32> -> vector<1280x1xf32>
    %swap3A = arith.constant 0 : index
    %swap3A_11 = arith.constant 0 : index
    %swap3A_12 = vector.load %arg4[%swap3A, %swap3A_11] : memref<1280x1xf32, #tpu.memory_space<vmem>>, vector<1280x1xf32>
    tpu.vector_store %arg4[%swap3A, %swap3A_11], %dot_general3A_10 {strides = array<i32>} : memref<1280x1xf32, #tpu.memory_space<vmem>>, vector<1280x1xf32>,
    return
  }
  func.func @transform_0(%arg0: i32) -> (i32, i32) {
    %c0_i32 = arith.constant 0 : i32
    %c0_i32_0 = arith.constant 0 : i32
    return %arg0, %c0_i32 : i32, i32
  }
  func.func @transform_1(%arg0: i32) -> (i32, i32) {
    %c0_i32 = arith.constant 0 : i32
    %c0_i32_0 = arith.constant 0 : i32
    %c0_i32_1 = arith.constant 0 : i32
    return %c0_i32, %c0_i32_0 : i32, i32
  }
  func.func @transform_2(%arg0: i32) -> (i32, i32) {
    %c0_i32 = arith.constant 0 : i32
    %c0_i32_0 = arith.constant 0 : i32
    %c0_i32_1 = arith.constant 0 : i32
    return %c0_i32, %c0_i32_0 : i32, i32
  }
  func.func @transform_3(%arg0: i32) -> (i32, i32) {
    %c0_i32 = arith.constant 0 : i32
    %c0_i32_0 = arith.constant 0 : i32
    return %arg0, %c0_i32 : i32, i32
  }
}

module attributes {stable_mosaic.version = 14 : i64} {
  func.func @_nodes_body(%arg0: i32, %arg1: memref<1000x384xf32, #tpu.memory_space<vmem>>, %arg2: memref<384x384xf32, #tpu.memory_space<vmem>>, %arg3: memref<1x384xf32, #tpu.memory_space<vmem>>, %arg4: memref<1x384xf32, #tpu.memory_space<vmem>>, %arg5: memref<1000x384xf32, #tpu.memory_space<vmem>>, %arg6: memref<1000x16xf32, #tpu.memory_space<vmem>>) attributes {dimension_semantics = [#tpu.dimension_semantics<arbitrary>], iteration_bounds = array<i64: 10>, scalar_prefetch = 0 : i64, scratch_operands = 0 : i64, tpu.core_type = #tpu.core_type<tc>, window_params = [{transform_indices = @transform_0, window_bounds = array<i64: 1000, 384>}, {pipeline_mode = #tpu.pipeline_mode<synchronous>, transform_indices = @transform_1, window_bounds = array<i64: 384, 384>}, {pipeline_mode = #tpu.pipeline_mode<synchronous>, transform_indices = @transform_2, window_bounds = array<i64: 1, 384>}, {pipeline_mode = #tpu.pipeline_mode<synchronous>, transform_indices = @transform_3, window_bounds = array<i64: 1, 384>}, {transform_indices = @transform_4, window_bounds = array<i64: 1000, 384>}, {transform_indices = @transform_5, window_bounds = array<i64: 1000, 16>}]} {
    %get3A = arith.constant 0 : index
    %get3A_0 = arith.constant 0 : index
    %get3A_1 = vector.load %arg1[%get3A, %get3A_0] : memref<1000x384xf32, #tpu.memory_space<vmem>>, vector<1000x384xf32>
    %get3A_2 = arith.constant 0 : index
    %get3A_3 = arith.constant 0 : index
    %get3A_4 = vector.load %arg2[%get3A_2, %get3A_3] : memref<384x384xf32, #tpu.memory_space<vmem>>, vector<384x384xf32>
    %dot_general3A = arith.constant dense<0.000000e+00> : vector<1000x384xf32>
    %dot_general3A_5 = tpu.matmul %get3A_1, %get3A_4, %dot_general3A {dimension_numbers = #tpu.dot_dimension_numbers<[1], [0], [0], [1], [0, 0, 1, 1], [], []>, precision = #tpu.contract_precision<fp32>, transpose_lhs_hint = false} : vector<1000x384xf32>, vector<384x384xf32>, vector<1000x384xf32> -> vector<1000x384xf32>
    %swap3A = arith.constant 0 : index
    %swap3A_6 = arith.constant 0 : index
    %swap3A_7 = vector.load %arg5[%swap3A, %swap3A_6] : memref<1000x384xf32, #tpu.memory_space<vmem>>, vector<1000x384xf32>
    tpu.vector_store %arg5[%swap3A, %swap3A_6], %dot_general3A_5 {strides = array<i32>} : memref<1000x384xf32, #tpu.memory_space<vmem>>, vector<1000x384xf32>,
    %get3A_8 = arith.constant 0 : index
    %get3A_9 = arith.constant 0 : index
    %get3A_10 = vector.load %arg3[%get3A_8, %get3A_9] : memref<1x384xf32, #tpu.memory_space<vmem>>, vector<1x384xf32>
    %get3A_11 = vector.shape_cast %get3A_10 : vector<1x384xf32> to vector<384xf32>
    %dot_general3A_12 = arith.constant dense<0.000000e+00> : vector<1000xf32>
    %dot_general3A_13 = tpu.matmul %dot_general3A_5, %get3A_11, %dot_general3A_12 {dimension_numbers = #tpu.dot_dimension_numbers<[1], [0], [0], [], [0, 0], [], []>, precision = #tpu.contract_precision<fp32>, transpose_lhs_hint = false} : vector<1000x384xf32>, vector<384xf32>, vector<1000xf32> -> vector<1000xf32>
    %get3A_14 = arith.constant 0 : index
    %get3A_15 = arith.constant 0 : index
    %get3A_16 = vector.load %arg4[%get3A_14, %get3A_15] : memref<1x384xf32, #tpu.memory_space<vmem>>, vector<1x384xf32>
    %get3A_17 = vector.shape_cast %get3A_16 : vector<1x384xf32> to vector<384xf32>
    %dot_general3A_18 = arith.constant dense<0.000000e+00> : vector<1000xf32>
    %dot_general3A_19 = tpu.matmul %dot_general3A_5, %get3A_17, %dot_general3A_18 {dimension_numbers = #tpu.dot_dimension_numbers<[1], [0], [0], [], [0, 0], [], []>, precision = #tpu.contract_precision<fp32>, transpose_lhs_hint = false} : vector<1000x384xf32>, vector<384xf32>, vector<1000xf32> -> vector<1000xf32>
    %iota3A = tpu.iota {dimensions = array<i32: 1>} : vector<1000x16xi32>
    %eq3A = arith.constant 0 : i32
    %eq3A_20 = vector.broadcast %eq3A : i32 to vector<1000x16xi32>
    %eq3A_21 = arith.cmpi eq, %iota3A, %eq3A_20 : vector<1000x16xi32>
    %broadcast_in_dim3A = vector.shape_cast %dot_general3A_13 : vector<1000xf32> to vector<1000x1xf32>
    %eq3A_22 = arith.constant 1 : i32
    %eq3A_23 = vector.broadcast %eq3A_22 : i32 to vector<1000x16xi32>
    %eq3A_24 = arith.cmpi eq, %iota3A, %eq3A_23 : vector<1000x16xi32>
    %broadcast_in_dim3A_25 = vector.shape_cast %dot_general3A_19 : vector<1000xf32> to vector<1000x1xf32>
    %jit3A = arith.constant 0.000000e+00 : f32
    %broadcast_in_dim3A_26 = vector.shape_cast %broadcast_in_dim3A_25 : vector<1000x1xf32> to vector<1000x1xf32>
    %broadcast_in_dim3A_27 = vector.broadcast %broadcast_in_dim3A_26 : vector<1000x1xf32> to vector<1000x16xf32>
    %broadcast_in_dim3A_28 = vector.broadcast %jit3A : f32 to vector<1000x16xf32>
    %select_n3A = arith.select %eq3A_24, %broadcast_in_dim3A_27, %broadcast_in_dim3A_28 : vector<1000x16xi1>, vector<1000x16xf32>
    %broadcast_in_dim3A_29 = vector.shape_cast %broadcast_in_dim3A : vector<1000x1xf32> to vector<1000x1xf32>
    %broadcast_in_dim3A_30 = vector.broadcast %broadcast_in_dim3A_29 : vector<1000x1xf32> to vector<1000x16xf32>
    %select_n3A_31 = arith.select %eq3A_21, %broadcast_in_dim3A_30, %select_n3A : vector<1000x16xi1>, vector<1000x16xf32>
    %swap3A_32 = arith.constant 0 : index
    %swap3A_33 = arith.constant 0 : index
    %swap3A_34 = vector.load %arg6[%swap3A_32, %swap3A_33] : memref<1000x16xf32, #tpu.memory_space<vmem>>, vector<1000x16xf32>
    tpu.vector_store %arg6[%swap3A_32, %swap3A_33], %select_n3A_31 {strides = array<i32>} : memref<1000x16xf32, #tpu.memory_space<vmem>>, vector<1000x16xf32>,
    return
  }
  func.func @transform_0(%arg0: i32) -> (i32, i32) {
    %c0_i32 = arith.constant 0 : i32
    %c0_i32_0 = arith.constant 0 : i32
    return %arg0, %c0_i32 : i32, i32
  }
  func.func @transform_1(%arg0: i32) -> (i32, i32) {
    %c0_i32 = arith.constant 0 : i32
    %c0_i32_0 = arith.constant 0 : i32
    %c0_i32_1 = arith.constant 0 : i32
    return %c0_i32, %c0_i32_0 : i32, i32
  }
  func.func @transform_2(%arg0: i32) -> (i32, i32) {
    %c0_i32 = arith.constant 0 : i32
    %c0_i32_0 = arith.constant 0 : i32
    %c0_i32_1 = arith.constant 0 : i32
    return %c0_i32, %c0_i32_0 : i32, i32
  }
  func.func @transform_3(%arg0: i32) -> (i32, i32) {
    %c0_i32 = arith.constant 0 : i32
    %c0_i32_0 = arith.constant 0 : i32
    %c0_i32_1 = arith.constant 0 : i32
    return %c0_i32, %c0_i32_0 : i32, i32
  }
  func.func @transform_4(%arg0: i32) -> (i32, i32) {
    %c0_i32 = arith.constant 0 : i32
    %c0_i32_0 = arith.constant 0 : i32
    return %arg0, %c0_i32 : i32, i32
  }
  func.func @transform_5(%arg0: i32) -> (i32, i32) {
    %c0_i32 = arith.constant 0 : i32
    %c0_i32_0 = arith.constant 0 : i32
    return %arg0, %c0_i32 : i32, i32
  }
}

module attributes {stable_mosaic.version = 14 : i64} {
  func.func @_final_body(%arg0: i32, %arg1: memref<1x1000x112xf32, #tpu.memory_space<vmem>>, %arg2: memref<1x1000x112xf32, #tpu.memory_space<vmem>>, %arg3: memref<1x1000x112xf32, #tpu.memory_space<vmem>>, %arg4: memref<1x1000x112xf32, #tpu.memory_space<vmem>>, %arg5: memref<1000x384xf32, #tpu.memory_space<vmem>>, %arg6: memref<1000x16xf32, #tpu.memory_space<vmem>>, %arg7: memref<1x384xf32, #tpu.memory_space<vmem>>, %arg8: memref<1x384xf32, #tpu.memory_space<vmem>>, %arg9: memref<1x384xf32, #tpu.memory_space<vmem>>, %arg10: memref<1x1xf32, #tpu.memory_space<smem>>, %arg11: memref<1x384xf32, #tpu.memory_space<vmem>>) attributes {dimension_semantics = [#tpu.dimension_semantics<arbitrary>], iteration_bounds = array<i64: 10>, scalar_prefetch = 0 : i64, scratch_operands = 2 : i64, tpu.core_type = #tpu.core_type<tc>, window_params = [{transform_indices = @transform_0, window_bounds = array<i64: 1, 1000, 112>}, {transform_indices = @transform_1, window_bounds = array<i64: 1, 1000, 112>}, {transform_indices = @transform_2, window_bounds = array<i64: 1, 1000, 112>}, {transform_indices = @transform_3, window_bounds = array<i64: 1, 1000, 112>}, {transform_indices = @transform_4, window_bounds = array<i64: 1000, 384>}, {transform_indices = @transform_5, window_bounds = array<i64: 1000, 16>}, {pipeline_mode = #tpu.pipeline_mode<synchronous>, transform_indices = @transform_6, window_bounds = array<i64: 1, 384>}, {pipeline_mode = #tpu.pipeline_mode<synchronous>, transform_indices = @transform_7, window_bounds = array<i64: 1, 384>}, {pipeline_mode = #tpu.pipeline_mode<synchronous>, transform_indices = @transform_8, window_bounds = array<i64: 1, 384>}]} {
    %eq3A = arith.constant 0 : i32
    %eq3A_0 = arith.cmpi eq, %arg0, %eq3A : i32
    %convert_element_type3A = arith.extui %eq3A_0 : i1 to i32
    %cond3A = arith.constant 0 : i32
    %cond3A_1 = arith.cmpi ne, %convert_element_type3A, %cond3A : i32
    scf.if %cond3A_1 {
      %swap3A = arith.constant -3.000000e+00 : f32
      %swap3A_101 = arith.constant 0 : index
      %swap3A_102 = arith.constant 0 : index
      %swap3A_103 = memref.load %arg10[%swap3A_101, %swap3A_102] : memref<1x1xf32, #tpu.memory_space<smem>>
      memref.store %swap3A, %arg10[%swap3A_101, %swap3A_102] : memref<1x1xf32, #tpu.memory_space<smem>>
    } else {
    }
    %get3A = arith.constant 0 : index
    %get3A_2 = arith.constant 0 : index
    %get3A_3 = arith.constant 0 : index
    %get3A_4 = vector.load %arg1[%get3A, %get3A_2, %get3A_3] : memref<1x1000x112xf32, #tpu.memory_space<vmem>>, vector<1x1000x112xf32>
    %get3A_5 = vector.shape_cast %get3A_4 : vector<1x1000x112xf32> to vector<1000x112xf32>
    %slice3A = vector.extract_strided_slice %get3A_5 {offsets = [0, 0], sizes = [1000, 96], strides = [1, 1]} : vector<1000x112xf32> to vector<1000x96xf32>
    %get3A_6 = arith.constant 0 : index
    %get3A_7 = arith.constant 0 : index
    %get3A_8 = arith.constant 0 : index
    %get3A_9 = vector.load %arg2[%get3A_6, %get3A_7, %get3A_8] : memref<1x1000x112xf32, #tpu.memory_space<vmem>>, vector<1x1000x112xf32>
    %get3A_10 = vector.shape_cast %get3A_9 : vector<1x1000x112xf32> to vector<1000x112xf32>
    %slice3A_11 = vector.extract_strided_slice %get3A_10 {offsets = [0, 0], sizes = [1000, 96], strides = [1, 1]} : vector<1000x112xf32> to vector<1000x96xf32>
    %get3A_12 = arith.constant 0 : index
    %get3A_13 = arith.constant 0 : index
    %get3A_14 = arith.constant 0 : index
    %get3A_15 = vector.load %arg3[%get3A_12, %get3A_13, %get3A_14] : memref<1x1000x112xf32, #tpu.memory_space<vmem>>, vector<1x1000x112xf32>
    %get3A_16 = vector.shape_cast %get3A_15 : vector<1x1000x112xf32> to vector<1000x112xf32>
    %slice3A_17 = vector.extract_strided_slice %get3A_16 {offsets = [0, 0], sizes = [1000, 96], strides = [1, 1]} : vector<1000x112xf32> to vector<1000x96xf32>
    %get3A_18 = arith.constant 0 : index
    %get3A_19 = arith.constant 0 : index
    %get3A_20 = arith.constant 0 : index
    %get3A_21 = vector.load %arg4[%get3A_18, %get3A_19, %get3A_20] : memref<1x1000x112xf32, #tpu.memory_space<vmem>>, vector<1x1000x112xf32>
    %get3A_22 = vector.shape_cast %get3A_21 : vector<1x1000x112xf32> to vector<1000x112xf32>
    %slice3A_23 = vector.extract_strided_slice %get3A_22 {offsets = [0, 0], sizes = [1000, 96], strides = [1, 1]} : vector<1000x112xf32> to vector<1000x96xf32>
    %concatenate3A = tpu.concatenate %slice3A, %slice3A_11, %slice3A_17, %slice3A_23 in 1 : vector<1000x96xf32>, vector<1000x96xf32>, vector<1000x96xf32>, vector<1000x96xf32> -> vector<1000x384xf32>
    %slice3A_24 = vector.extract_strided_slice %get3A_5 {offsets = [0, 96], sizes = [1000, 1], strides = [1, 1]} : vector<1000x112xf32> to vector<1000x1xf32>
    %squeeze3A = vector.shape_cast %slice3A_24 : vector<1000x1xf32> to vector<1000xf32>
    %slice3A_25 = vector.extract_strided_slice %get3A_5 {offsets = [0, 97], sizes = [1000, 1], strides = [1, 1]} : vector<1000x112xf32> to vector<1000x1xf32>
    %squeeze3A_26 = vector.shape_cast %slice3A_25 : vector<1000x1xf32> to vector<1000xf32>
    %slice3A_27 = vector.extract_strided_slice %get3A_5 {offsets = [0, 98], sizes = [1000, 1], strides = [1, 1]} : vector<1000x112xf32> to vector<1000x1xf32>
    %squeeze3A_28 = vector.shape_cast %slice3A_27 : vector<1000x1xf32> to vector<1000xf32>
    %get3A_29 = arith.constant 0 : index
    %get3A_30 = arith.constant 0 : index
    %get3A_31 = vector.load %arg5[%get3A_29, %get3A_30] : memref<1000x384xf32, #tpu.memory_space<vmem>>, vector<1000x384xf32>
    %max3A = arith.constant 1.000000e+00 : f32
    %max3A_32 = vector.broadcast %max3A : f32 to vector<1000xf32>
    %max3A_33 = arith.maximumf %squeeze3A_28, %max3A_32 : vector<1000xf32>
    %div3A = arith.divf %squeeze3A_26, %max3A_33 : vector<1000xf32>
    %get3A_34 = arith.constant 0 : index
    %get3A_35 = arith.constant 0 : index
    %get3A_36 = vector.load %arg6[%get3A_34, %get3A_35] : memref<1000x16xf32, #tpu.memory_space<vmem>>, vector<1000x1xf32>
    %get3A_37 = vector.shape_cast %get3A_36 : vector<1000x1xf32> to vector<1000xf32>
    %get3A_38 = arith.constant 0 : index
    %get3A_39 = arith.constant 1 : index
    %get3A_40 = vector.load %arg6[%get3A_38, %get3A_39] : memref<1000x16xf32, #tpu.memory_space<vmem>>, vector<1000x1xf32>
    %get3A_41 = vector.shape_cast %get3A_40 : vector<1000x1xf32> to vector<1000xf32>
    %add3A = arith.addf %get3A_37, %get3A_41 : vector<1000xf32>
    %add3A_42 = arith.addf %add3A, %div3A : vector<1000xf32>
    %mul3A = arith.constant 2.000000e-01 : f32
    %mul3A_43 = vector.broadcast %mul3A : f32 to vector<1000xf32>
    %mul3A_44 = arith.mulf %add3A_42, %mul3A_43 : vector<1000xf32>
    %max3A_45 = arith.maximumf %add3A_42, %mul3A_44 : vector<1000xf32>
    %exp3A = math.exp %max3A_45 : vector<1000xf32>
    %add3A_46 = arith.addf %squeeze3A, %exp3A : vector<1000xf32>
    %add3A_47 = arith.constant 1.000000e-16 : f32
    %add3A_48 = vector.broadcast %add3A_47 : f32 to vector<1000xf32>
    %add3A_49 = arith.addf %add3A_46, %add3A_48 : vector<1000xf32>
    %broadcast_in_dim3A = vector.shape_cast %exp3A : vector<1000xf32> to vector<1000x1xf32>
    %mul3A_50 = vector.broadcast %broadcast_in_dim3A : vector<1000x1xf32> to vector<1000x384xf32>
    %mul3A_51 = arith.mulf %mul3A_50, %get3A_31 : vector<1000x384xf32>
    %add3A_52 = arith.addf %concatenate3A, %mul3A_51 : vector<1000x384xf32>
    %broadcast_in_dim3A_53 = vector.shape_cast %add3A_49 : vector<1000xf32> to vector<1000x1xf32>
    %div3A_54 = vector.broadcast %broadcast_in_dim3A_53 : vector<1000x1xf32> to vector<1000x384xf32>
    %div3A_55 = arith.divf %add3A_52, %div3A_54 : vector<1000x384xf32>
    %get3A_56 = arith.constant 0 : index
    %get3A_57 = arith.constant 0 : index
    %get3A_58 = vector.load %arg8[%get3A_56, %get3A_57] : memref<1x384xf32, #tpu.memory_space<vmem>>, vector<1x384xf32>
    %add3A_59 = vector.broadcast %get3A_58 : vector<1x384xf32> to vector<1000x384xf32>
    %add3A_60 = arith.addf %div3A_55, %add3A_59 : vector<1000x384xf32>
    %mul3A_61 = arith.mulf %add3A_60, %add3A_60 : vector<1000x384xf32>
    %reduce_sum3A = arith.constant dense<0.000000e+00> : vector<1000xf32>
    %reduce_sum3A_62 = vector.multi_reduction <add>, %mul3A_61, %reduce_sum3A [1] : vector<1000x384xf32> to vector<1000xf32>
    %sqrt3A = math.sqrt %reduce_sum3A_62 : vector<1000xf32>
    %get3A_63 = arith.constant 0 : index
    %get3A_64 = arith.constant 0 : index
    %get3A_65 = vector.load %arg7[%get3A_63, %get3A_64] : memref<1x384xf32, #tpu.memory_space<vmem>>, vector<1x384xf32>
    %get3A_66 = vector.shape_cast %get3A_65 : vector<1x384xf32> to vector<384xf32>
    %dot_general3A = arith.constant dense<0.000000e+00> : vector<1000xf32>
    %dot_general3A_67 = tpu.matmul %add3A_60, %get3A_66, %dot_general3A {dimension_numbers = #tpu.dot_dimension_numbers<[1], [0], [0], [], [0, 0], [], []>, precision = #tpu.contract_precision<fp32>, transpose_lhs_hint = false} : vector<1000x384xf32>, vector<384xf32>, vector<1000xf32> -> vector<1000xf32>
    %max3A_68 = arith.constant 9.99999993E-9 : f32
    %max3A_69 = vector.broadcast %max3A_68 : f32 to vector<1000xf32>
    %max3A_70 = arith.maximumf %sqrt3A, %max3A_69 : vector<1000xf32>
    %div3A_71 = arith.divf %dot_general3A_67, %max3A_70 : vector<1000xf32>
    %reduce_max3A = vector.shape_cast %div3A_71 : vector<1000xf32> to vector<1x1000xf32>
    %reduce_max3A_72 = arith.constant dense<0xFF800000> : vector<1xf32>
    %reduce_max3A_73 = vector.multi_reduction <maximumf>, %reduce_max3A, %reduce_max3A_72 [1] : vector<1x1000xf32> to vector<1xf32>
    %reduce_max3A_74 = vector.shape_cast %reduce_max3A_73 : vector<1xf32> to vector<1x1xf32>
    %reduce_max3A_75 = vector.extract %reduce_max3A_74[0, 0] : f32 from vector<1x1xf32>
    %iota3A = tpu.iota {dimensions = array<i32: 1>} : vector<1x1000xi32>
    %iota3A_76 = vector.shape_cast %iota3A : vector<1x1000xi32> to vector<1000xi32>
    %eq3A_77 = vector.broadcast %reduce_max3A_75 : f32 to vector<1000xf32>
    %eq3A_78 = arith.cmpf oeq, %div3A_71, %eq3A_77 : vector<1000xf32>
    %jit3A = arith.constant 1000 : i32
    %broadcast_in_dim3A_79 = vector.broadcast %jit3A : i32 to vector<1000xi32>
    %select_n3A = arith.select %eq3A_78, %iota3A_76, %broadcast_in_dim3A_79 : vector<1000xi1>, vector<1000xi32>
    %reduce_min3A = vector.shape_cast %select_n3A : vector<1000xi32> to vector<1x1000xi32>
    %reduce_min3A_80 = arith.constant dense<2147483647> : vector<1xi32>
    %reduce_min3A_81 = vector.multi_reduction <minsi>, %reduce_min3A, %reduce_min3A_80 [1] : vector<1x1000xi32> to vector<1xi32>
    %reduce_min3A_82 = vector.shape_cast %reduce_min3A_81 : vector<1xi32> to vector<1x1xi32>
    %reduce_min3A_83 = vector.extract %reduce_min3A_82[0, 0] : i32 from vector<1x1xi32>
    %eq3A_84 = vector.broadcast %reduce_min3A_83 : i32 to vector<1000xi32>
    %eq3A_85 = arith.cmpi eq, %iota3A_76, %eq3A_84 : vector<1000xi32>
    %convert_element_type3A_86 = arith.extui %eq3A_85 : vector<1000xi1> to vector<1000xi32>
    %convert_element_type3A_87 = arith.sitofp %convert_element_type3A_86 : vector<1000xi32> to vector<1000xf32>
    %dot_general3A_88 = arith.constant dense<0.000000e+00> : vector<384xf32>
    %dot_general3A_89 = tpu.matmul %convert_element_type3A_87, %add3A_60, %dot_general3A_88 {dimension_numbers = #tpu.dot_dimension_numbers<[0], [0], [], [1], [1, 1], [], []>, precision = #tpu.contract_precision<fp32>, transpose_lhs_hint = false} : vector<1000xf32>, vector<1000x384xf32>, vector<384xf32> -> vector<384xf32>
    %get3A_90 = arith.constant 0 : index
    %get3A_91 = arith.constant 0 : index
    %get3A_92 = memref.load %arg10[%get3A_90, %get3A_91] : memref<1x1xf32, #tpu.memory_space<smem>>
    %gt3A = arith.cmpf ogt, %reduce_max3A_75, %get3A_92 : f32
    %convert_element_type3A_93 = arith.extui %gt3A : i1 to i32
    %cond3A_94 = arith.constant 0 : i32
    %cond3A_95 = arith.cmpi ne, %convert_element_type3A_93, %cond3A_94 : i32
    scf.if %cond3A_95 {
      %swap3A = arith.constant 0 : index
      %swap3A_101 = arith.constant 0 : index
      %swap3A_102 = memref.load %arg10[%swap3A, %swap3A_101] : memref<1x1xf32, #tpu.memory_space<smem>>
      memref.store %reduce_max3A_75, %arg10[%swap3A, %swap3A_101] : memref<1x1xf32, #tpu.memory_space<smem>>
      %broadcast_in_dim3A_103 = vector.shape_cast %dot_general3A_89 : vector<384xf32> to vector<1x384xf32>
      %swap3A_104 = arith.constant 0 : index
      %swap3A_105 = arith.constant 0 : index
      %swap3A_106 = vector.load %arg11[%swap3A_104, %swap3A_105] : memref<1x384xf32, #tpu.memory_space<vmem>>, vector<1x384xf32>
      tpu.vector_store %arg11[%swap3A_104, %swap3A_105], %broadcast_in_dim3A_103 {strides = array<i32>} : memref<1x384xf32, #tpu.memory_space<vmem>>, vector<1x384xf32>,
    } else {
    }
    %eq3A_96 = arith.constant 9 : i32
    %eq3A_97 = arith.cmpi eq, %arg0, %eq3A_96 : i32
    %convert_element_type3A_98 = arith.extui %eq3A_97 : i1 to i32
    %cond3A_99 = arith.constant 0 : i32
    %cond3A_100 = arith.cmpi ne, %convert_element_type3A_98, %cond3A_99 : i32
    scf.if %cond3A_100 {
      %get3A_101 = arith.constant 0 : index
      %get3A_102 = arith.constant 0 : index
      %get3A_103 = vector.load %arg11[%get3A_101, %get3A_102] : memref<1x384xf32, #tpu.memory_space<vmem>>, vector<1x384xf32>
      %swap3A = arith.constant 0 : index
      %swap3A_104 = arith.constant 0 : index
      %swap3A_105 = vector.load %arg9[%swap3A, %swap3A_104] : memref<1x384xf32, #tpu.memory_space<vmem>>, vector<1x384xf32>
      tpu.vector_store %arg9[%swap3A, %swap3A_104], %get3A_103 {strides = array<i32>} : memref<1x384xf32, #tpu.memory_space<vmem>>, vector<1x384xf32>,
    } else {
    }
    return
  }
  func.func @transform_0(%arg0: i32) -> (i32, i32, i32) {
    %c0_i32 = arith.constant 0 : i32
    %c0_i32_0 = arith.constant 0 : i32
    %c0_i32_1 = arith.constant 0 : i32
    return %c0_i32, %arg0, %c0_i32_0 : i32, i32, i32
  }
  func.func @transform_1(%arg0: i32) -> (i32, i32, i32) {
    %c1_i32 = arith.constant 1 : i32
    %c0_i32 = arith.constant 0 : i32
    %c0_i32_0 = arith.constant 0 : i32
    return %c1_i32, %arg0, %c0_i32 : i32, i32, i32
  }
  func.func @transform_2(%arg0: i32) -> (i32, i32, i32) {
    %c0_i32 = arith.constant 0 : i32
    %c0_i32_0 = arith.constant 0 : i32
    %c0_i32_1 = arith.constant 0 : i32
    return %c0_i32, %arg0, %c0_i32_0 : i32, i32, i32
  }
  func.func @transform_3(%arg0: i32) -> (i32, i32, i32) {
    %c1_i32 = arith.constant 1 : i32
    %c0_i32 = arith.constant 0 : i32
    %c0_i32_0 = arith.constant 0 : i32
    return %c1_i32, %arg0, %c0_i32 : i32, i32, i32
  }
  func.func @transform_4(%arg0: i32) -> (i32, i32) {
    %c0_i32 = arith.constant 0 : i32
    %c0_i32_0 = arith.constant 0 : i32
    return %arg0, %c0_i32 : i32, i32
  }
  func.func @transform_5(%arg0: i32) -> (i32, i32) {
    %c0_i32 = arith.constant 0 : i32
    %c0_i32_0 = arith.constant 0 : i32
    return %arg0, %c0_i32 : i32, i32
  }
  func.func @transform_6(%arg0: i32) -> (i32, i32) {
    %c0_i32 = arith.constant 0 : i32
    %c0_i32_0 = arith.constant 0 : i32
    %c0_i32_1 = arith.constant 0 : i32
    return %c0_i32, %c0_i32_0 : i32, i32
  }
  func.func @transform_7(%arg0: i32) -> (i32, i32) {
    %c0_i32 = arith.constant 0 : i32
    %c0_i32_0 = arith.constant 0 : i32
    %c0_i32_1 = arith.constant 0 : i32
    return %c0_i32, %c0_i32_0 : i32, i32
  }
  func.func @transform_8(%arg0: i32) -> (i32, i32) {
    %c0_i32 = arith.constant 0 : i32
    %c0_i32_0 = arith.constant 0 : i32
    %c0_i32_1 = arith.constant 0 : i32
    return %c0_i32, %c0_i32_0 : i32, i32
  }
}

</mosaic_0001>

<sc_bundles>
// kernel: kernel.10.cloned.1.call-start
scs
__scs_entry_jumppad:
0x0: {  	(pc) =	sbr.rel $0x88, $3  }
0x1: {  	(tag) =	ssettag $0x0;
	lr =	simm.s32 $0x1  }
0x2: {  	[smem:$0x3F97] =	sst lr;
	_ =	strace $0xD0000000  }
0x3: {  	_ = 	snop  }
0x4: {  	_ = 	snop  }
0x5: {  	_ = 	snop  }
0x6: {  	_ = 	snop  }
0x7: {  	_ = 	snop  }
__scs_overlays_trampoline_lowered:
0x8: {  	[smem:$0x3FA6] =	sst s0  }
0x9: {  	[smem:$0x3FA7] =	sst s1  }
0xa: {  	[smem:$0x3FA8] =	sst s2  }
0xb: {  	[smem:$0x3FA9] =	sst s3  }
0xc: {  	[smem:$0x3FAA] =	sst s4  }
0xd: {  	[smem:$0x3FAB] =	sst s5  }
0xe: {  	[smem:$0x3FAC] =	sst s6  }
0xf: {  	[smem:$0x3FAD] =	sst s7  }
0x10: {  	[smem:$0x3FAE] =	sst s8  }
0x11: {  	[smem:$0x3FAF] =	sst s9;
	s0 =	simm.s32 @!p0 $0x0  }
0x12: {  	s1 =	sld [smem:$0x3F95];
	s0 =	simm.s32 @p0 $0x1  }
0x13: {  	[smem:$0x3FB0] =	sst s0;
	s0 =	simm.s32 @!p1 $0x0  }
0x14: {  	s2 =	sld [smem:$0x3F94];
	s0 =	simm.s32 @p1 $0x1  }
0x15: {  	[smem:$0x3FB1] =	sst s0;
	s0 =	simm.s32 @!p2 $0x0  }
0x16: {  	s3 =	sld [smem:$0x3FDB];
	s0 =	simm.s32 @p2 $0x1  }
0x17: {  	s4 =	simm.s32 $0x1BF5;
	[smem:$0x3FB3] =	sst s0  }
0x18: {  	s0 =	sld [smem:$0x3F96];
	_ =	swait.ge [sflag:s4], $0x0  }
0x19: {  	s7 =	sld [smem:$0x3F97]  }
0x1a: {  	s8 =	sadd.s32 $0xFFFFE003, lr  }
0x1b: {  	s9 =	sadd.s32 $0xFFFFFEF7, lr;
	s5 =	simm.s32 $0xFFFFFFFF;
	p2 =	slt.u32 s8, $0xFFFFF086  }
0x1c: {  	p1 =	slt.u32 s9, $0xF7A;
	s5 =	simm.s32 @!p2 $0x0  }
0x1d: {  	s5 =	simm.s32 @p1 $0x1;
	p0 =	seq.s32 s7, s2  }
0x1e: {  	s7 =	smul.u32 @!p0 $0xF7A, s2;
	p2 =	seq.s32 @!p0 s5, $0x0  }
0x1f: {  	s9 =	smul.u32 $0xF7A, s1;
	s8 =	simm.s32 @!p0 $0x1BF5;
	p2 =	por !p2, p0  }
0x20: {  	[sflag:s8] =	ssyncset.s32 @!p0 $0xFFFFF086;
	s6 =	sadd.s32 @!p0 s3, s7;
	s7 =	simm.s32 @!p0 $0x108  }
0x21: {  	s3 =	sadd.s32 s3, s9;
	s6 =	sadd.s32 @!p0 $0x88, s6;
	s7 =	simm.s32 @p2 $0x1082  }
0x22: {  	[simem:s7], [sflag:s8] =	dma.local @!p0 [hbm:s6], $0xF7A  }
0x23: {  	s9 =	sor.u32 $0xD0000000, s2;
	s6 =	simm.s32 $0x108;
	_ =	swait.ge @!p0 [sflag:s8], $0x0  }
0x24: {  	s3 =	sadd.s32 $0x88, s3;
	s6 =	simm.s32 @!p1 $0x1082;
	[sflag:s4] =	ssyncset.s32 $0xFFFFF086  }
0x25: {  	[simem:s6], [sflag:s4] =	dma.local [hbm:s3], $0xF7A  }
0x26: {  	[smem:$0x3F97] =	sst s1;
	(tag) =	ssettag s2;
	_ =	strace s9  }
0x27: {  	s1 =	sld [smem:$0x3FA7]  }
0x28: {  	s2 =	sld [smem:$0x3FA8]  }
0x29: {  	s4 =	sld [smem:$0x3FAA]  }
0x2a: {  	p0 =	seq.s32 s5, $0x0;
	s5 =	sld [smem:$0x3FAB]  }
0x2b: {  	s6 =	sld [smem:$0x3FAC]  }
0x2c: {  	s7 =	sld [smem:$0x3FAD]  }
0x2d: {  	s3 =	simm.s32 $0x108;
	s8 =	sld [smem:$0x3FAE]  }
0x2e: {  	s3 =	simm.s32 @!p0 $0x1082;
	s9 =	sld [smem:$0x3FAF]  }
0x2f: {  	lr =	sadd.s32 s0, s3;
	s0 =	sld [smem:$0x3FA6]  }
0x30: {  	s3 =	sld [smem:$0x3FA9]  }
0x31: {  	[smem:$0x3FB2] =	sst s10  }
0x32: {  	s10 =	sld [smem:$0x3FB0];
	_ =	sdelay $0x3  }
0x33: {  	p0 =	seq.s32 s10, $0x1;
	s10 =	sld [smem:$0x3FB2];
	_ =	sdelay $0x3  }
0x34: {  	[smem:$0x3FB2] =	sst s10  }
0x35: {  	s10 =	sld [smem:$0x3FB1];
	_ =	sdelay $0x3  }
0x36: {  	p1 =	seq.s32 s10, $0x1;
	s10 =	sld [smem:$0x3FB2];
	_ =	sdelay $0x3  }
0x37: {  	[smem:$0x3FB2] =	sst s10  }
0x38: {  	s10 =	sld [smem:$0x3FB3]  }
0x39: {  	_ = 	snop;
	(pc) =	sbr.ind lr, $3  }
0x3a: {  	_ = 	snop  }
0x3b: {  	_ = 	snop  }
0x3c: {  	p2 =	seq.s32 s10, $0x1;
	s10 =	sld [smem:$0x3FB2]  }
0x3d: {  	_ =	shalt  }
0x3e: {  	_ =	shalt  }
0x3f: {  	_ =	shalt  }
0x40: {  	_ =	shalt  }
0x41: {  	_ =	shalt  }
0x42: {  	_ =	shalt  }
0x43: {  	_ =	shalt  }
0x44: {  	_ =	shalt  }
0x45: {  	_ =	shalt  }
0x46: {  	_ =	shalt  }
0x47: {  	_ =	shalt  }
0x48: {  	_ =	shalt  }
0x49: {  	_ =	shalt  }
0x4a: {  	_ =	shalt  }
0x4b: {  	_ =	shalt  }
0x4c: {  	_ =	shalt  }
0x4d: {  	_ =	shalt  }
0x4e: {  	_ =	shalt  }
0x4f: {  	_ =	shalt  }
0x50: {  	_ =	shalt  }
0x51: {  	_ =	shalt  }
0x52: {  	_ =	shalt  }
0x53: {  	_ =	shalt  }
0x54: {  	_ =	shalt  }
0x55: {  	_ =	shalt  }
0x56: {  	_ =	shalt  }
0x57: {  	_ =	shalt  }
0x58: {  	_ =	shalt  }
0x59: {  	_ =	shalt  }
0x5a: {  	_ =	shalt  }
0x5b: {  	_ =	shalt  }
0x5c: {  	_ =	shalt  }
0x5d: {  	_ =	shalt  }
0x5e: {  	_ =	shalt  }
0x5f: {  	_ =	shalt  }
0x60: {  	_ =	shalt  }
0x61: {  	_ =	shalt  }
0x62: {  	_ =	shalt  }
0x63: {  	_ =	shalt  }
0x64: {  	_ =	shalt  }
0x65: {  	_ =	shalt  }
0x66: {  	_ =	shalt  }
0x67: {  	_ =	shalt  }
0x68: {  	_ =	shalt  }
0x69: {  	_ =	shalt  }
0x6a: {  	_ =	shalt  }
0x6b: {  	_ =	shalt  }
0x6c: {  	_ =	shalt  }
0x6d: {  	_ =	shalt  }
0x6e: {  	_ =	shalt  }
0x6f: {  	_ =	shalt  }
0x70: {  	_ =	shalt  }
0x71: {  	_ =	shalt  }
0x72: {  	_ =	shalt  }
0x73: {  	_ =	shalt  }
0x74: {  	_ =	shalt  }
0x75: {  	_ =	shalt  }
0x76: {  	_ =	shalt  }
0x77: {  	_ =	shalt  }
0x78: {  	_ =	shalt  }
0x79: {  	_ =	shalt  }
0x7a: {  	_ =	shalt  }
0x7b: {  	_ =	shalt  }
0x7c: {  	_ =	shalt  }
0x7d: {  	_ =	shalt  }
0x7e: {  	_ =	shalt  }
0x7f: {  	_ =	shalt  }
0x80: {  	_ =	shalt  }
0x81: {  	_ =	shalt  }
0x82: {  	_ =	shalt  }
0x83: {  	_ =	shalt  }
0x84: {  	_ =	shalt  }
0x85: {  	_ =	shalt  }
0x86: {  	_ =	shalt  }
0x87: {  	_ =	shalt  }
.Lfunc_end0:
.L_simem_size_0:
called_computation.1_lowered:
.L_overlay_start_0:
0x88: {  	s2 =	sld [smem:$0x3FD9]  }
0x89: {  	s3 =	sld [smem:$0x3FFE];
	_ =	sdelay $0x1  }
0x8a: {  	s1 =	srdreg.scid  }
0x8b: {  	s0 =	sand.u32 $0x1, s1  }
0x8c: {  	s17 =	sshll.u32 s0, $0xA;
	s2 =	sadd.s32 s3, s2  }
0x8d: {  	s2 =	sadd.s32 s2, s17  }
0x8e: {  	[smem:$0x3FBE] =	sst s2  }
0x8f: {  	_ = 	snop  }
0x90: {  	(tm) =	ssettm $0x1  }
0x91: {  	s18 =	sld [smem:$0x3FFB];
	_ =	sdelay $0x3  }
0x92: {  	_ =	strace s18  }
0x93: {  	s2 =	sld [smem:$0x3FFC];
	_ =	sdelay $0x3  }
0x94: {  	_ =	strace s2  }
0x95: {  	s2 =	sld [smem:$0x3FFD];
	_ =	sdelay $0x3  }
0x96: {  	_ =	strace s2  }
0x97: {  	_ =	strace $0x8FFFFFFF  }
0x98: {  	s19 =	sld [smem:$0x3FDB];
	_ =	sdelay $0x1  }
0x99: {  	s20 =	simm.s32 $_scs_section_size  }
0x9a: {  	s4 =	simm.s32 $_size__tile_overlayer_lowered;
	s5 =	simm.s32 $_tile_overlayer_lowered  }
0x9b: {  	s6 =	simm.s32 $0x1BFF;
	s21 =	sshll.u32 s5, $0x1;
	s3 =	sadd.s32 s20, s19  }
0x9c: {  	s22 =	simm.s32 $0x0;
	s4 =	sshll.u32 s4, $0x1;
	s5 =	sadd.s32 s21, s3  }
0x9d: {  	[timem:s22], [sflag:s6] =	dma.local [hbm:s5], s4  }
0x9e: {  	_ =	swait.ge [sflag:s6], s4  }
0x9f: {  	s4 =	ssub.s32 $0x0, s4;
	[sflag:s6] =	ssyncset.done $0x0  }
0xa0: {  	[sflag:s6] =	ssyncadd.s32 s4;
	_ =	sdelay $0x1  }
0xa1: {  	s23 =	simm.s32 $0x1B8B  }
0xa2: {  	_ =	swait.ge [sflag:s23], $0x1  }
0xa3: {  	[sflag:s23] =	ssyncset.done $0x0  }
0xa4: {  	[sflag:s23] =	ssyncadd.s32 $0xFFFFFFFF  }
0xa5: {  	s4 =	sld [smem:$0x0]  }
0xa6: {  	s5 =	sand.u32 $0xFFFFFFFE, s1  }
0xa7: {  	p0 =	sne.s32 s1, s5  }
0xa8: {  	s5 =	sshll.u32 @p0 s5, $0xE  }
0xa9: {  	s5 =	sadd.s32 @p0 $0x11B8D, s5;
	s6 =	sshll.u32 @p0 s4, $0x11  }
0xaa: {  	s5 =	sor.u32 @p0 s6, s5  }
0xab: {  	[sflag:s5] =	ssyncadd.remote.s32 @p0 $0x1;
	_ =	sdelay $0x1  }
0xac: {  	s5 =	simm.s32 @p0 $0x1B8D  }
0xad: {  	_ =	swait.eq @p0 [sflag:s5], $0x1  }
0xae: {  	[sflag:s5] =	ssyncadd.s32 @p0 $0xFFFFFFFF  }
0xaf: {  	s6 =	sshll.u32 @!p0 s1, $0xE  }
0xb0: {  	s6 =	sor.u32 @!p0 $0x4000, s6;
	s5 =	simm.s32 @!p0 $0x1B8D  }
0xb1: {  	s4 =	sshll.u32 @!p0 s4, $0x11;
	s6 =	sadd.s32 @!p0 $0x11B8D, s6;
	_ =	swait.eq @!p0 [sflag:s5], $0x1  }
0xb2: {  	s4 =	sor.u32 @!p0 s4, s6;
	[sflag:s5] =	ssyncadd.s32 @!p0 $0xFFFFFFFF  }
0xb3: {  	s25 =	simm.s32 $0x1B8E;
	s24 =	sld [smem:$0x3FFE];
	[sflag:s4] =	ssyncadd.remote.s32 @!p0 $0x1  }
0xb4: {  	s26 =	simm.s32 $execute0_lowered;
	[smem:$0x3FD2] =	sst s25  }
0xb5: {  	s5 =	sshll.u32 s26, $0x1;
	_ =	strace $0x80000049;
	[dreg:$0x1] =	wrdreg $0xFFFFFFFF  }
0xb6: {  	s28 =	simm.s32 $_size_execute0_lowered;
	s3 =	sadd.s32 s3, s5;
	[dreg:$0x0] =	wrdreg $0x0  }
0xb7: {  	s5 =	sshll.u32 s28, $0x1;
	[dreg:$0x2] =	wrdreg s3  }
0xb8: {  	[dreg:$0x3] =	wrdreg s5  }
0xb9: {  	[dreg:$0x4] =	wrdreg $0xC0  }
0xba: {  	_ =	task [dreg:s22], $0x5FFFF  }
0xbb: {  	[dreg:$0x1] =	wrdreg $0xFFFFFFFF  }
0xbc: {  	[dreg:$0x0] =	wrdreg $0x60  }
0xbd: {  	[dreg:$0x2] =	wrdreg s24  }
0xbe: {  	[dreg:$0x3] =	wrdreg $0x9B000  }
0xbf: {  	[dreg:$0x4] =	wrdreg $0xA  }
0xc0: {  	_ =	task.clear_ibuf [dreg:s22], $0x5FFFF;
	_ =	strace $0x90000049  }
0xc1: {  	s29 =	simm.s32 $0xA;
	_ =	strace $0x8000004B  }
0xc2: {  	_ =	swait.ge [sflag:s29], $0x1  }
0xc3: {  	[sflag:s29] =	ssyncadd.s32 $0xFFFFFFFF  }
0xc4: {  	_ =	strace $0x9000004B  }
0xc5: {  	_ =	sfence  }
0xc6: {  	s30 =	sld [smem:$0x0];
	_ =	sdelay $0x2  }
0xc7: {  	s31 =	sshll.u32 s1, $0xD;
	s1 =	sshrl.u32 s1, $0x2  }
0xc8: {  	s4 =	sand.u32 $0x4000, s31;
	s1 =	sadd.s32 s1, s30  }
0xc9: {  	s0 =	sor.u32 s4, s0;
	s1 =	sshll.u32 s1, $0x11  }
0xca: {  	s0 =	sor.u32 s1, s0  }
0xcb: {  	s0 =	sadd.s32 $0x8F2B, s0  }
0xcc: {  	[sflag:s0] =	ssyncadd.remote.s32 $0x1  }
0xcd: {  	_ =	sfence.sel $0xFFFF  }
0xce: {  	[dreg:$0x0] =	wrdreg $0xFFFFFFFF;
	(pc) =	sbr.abs _section_cstart, $3  }
0xcf: {  	[dreg:$0x1] =	wrdreg $0xFFFFFFFF  }
0xd0: {  	_ =	task.clear_ibuf [dreg:s22], $0x2FFFF;
	_ =	strace $0x9FFFFFFF  }
0xd1: {  	(tm) =	ssettm $0x7FFFFFFF  }
tec
execute0_lowered:
.L_overlay_start_1:
0x0: {  	(tag) =	ssettag $0x1  }
0x1: {  	s0 =	srdreg.scid  }
0x2: {  	s6 =	rddreg [dreg:$0x0];
	s16 =	stileid.u32;
	s28 =	simm.s32 $0x1E0  }
0x3: {  	s29 =	simm.s32 $0x500;
	s30 =	simm.s32 $0x280;
	s31 =	simm.s32 $0x3  }
0x4: {  	s5 =	sand.u32 $0x1, s0;
	s0 =	simm.s32 $0x0;
	s7 =	sadd.s32 $0x143000, s6  }
0x5: {  	s11 =	sor.u32 $0x10, s16;
	s15 =	sor.u32 $0x20, s16;
	s1 =	ssub.s32 $0x2, s5  }
0x6: {  	s17 =	sor.u32 $0x30, s16;
	s9 =	smul.u32 $0x111700, s5;
	s2 =	sshrl.u32 s1, $0x1  }
0x7: {  	s18 =	sor.u32 $0x40, s16;
	s8 =	ssub.s32 s1, s2;
	s1 =	smul.u32 $0x2300, s16  }
0x8: {  	s19 =	sor.u32 $0x50, s16;
	s20 =	sor.u32 $0x60, s16;
	s2 =	smul.u32 $0x2300, s11  }
0x9: {  	s21 =	sor.u32 $0x70, s16;
	s3 =	smul.u32 $0x2300, s15;
	s4 =	sadd.s32 s9, s1  }
0xa: {  	[smem:$0x7FF] =	sst s0;
	s10 =	sadd.s32 s9, s2;
	s12 =	sshrl.u32 s4, $0x3  }
0xb: {  	s22 =	sadd.s32 s9, s3;
	s10 =	sshrl.u32 s10, $0x3;
	s12 =	sadd.s32 s7, s12  }
0xc: {  	s4 =	smul.u32 $0x2300, s17;
	s10 =	sadd.s32 s7, s10;
	[dreg:$0x3] =	wrdreg s12  }
0xd: {  	p0 =	sgt.u32 s21, $0x7C;
	[dreg:$0x4] =	wrdreg s10;
	s10 =	sshrl.u32 s22, $0x3  }
0xe: {  	s23 =	sadd.s32 s9, s4;
	s22 =	smul.u32 $0x2300, s18;
	s12 =	sadd.s32 $0x600, s6  }
0xf: {  	s10 =	sadd.s32 s7, s10;
	s24 =	sshrl.u32 s23, $0x3;
	s23 =	smul.u32 $0x2300, s19  }
0x10: {  	[dreg:$0x5] =	wrdreg s10;
	s10 =	sadd.s32 s7, s24;
	s24 =	smul.u32 $0x2300, s20  }
0x11: {  	s25 =	sadd.s32 s9, s22;
	s20 =	smul.u32 $0x8C00, s20;
	[dreg:$0x6] =	wrdreg s10  }
0x12: {  	s10 =	sshrl.u32 s25, $0x3;
	s26 =	sadd.s32 s9, s23;
	s25 =	smul.u32 $0x2300, s21  }
0x13: {  	s21 =	smul.u32 $0x8C00, s21;
	s10 =	sadd.s32 s7, s10;
	s13 =	sshrl.u32 s26, $0x3  }
0x14: {  	s14 =	sadd.s32 s9, s24;
	[dreg:$0x7] =	wrdreg s10;
	s10 =	sadd.s32 s7, s13  }
0x15: {  	s26 =	sshrl.u32 s14, $0x3;
	s9 =	sadd.s32 s9, s25;
	s13 =	sadd.s32 $0x84600, s6  }
0x16: {  	s14 =	sadd.s32 $0xF9A00, s6;
	[dreg:$0x8] =	wrdreg s10;
	s10 =	sadd.s32 s7, s26  }
0x17: {  	s6 =	smul.u32 $0x7D, s16;
	s9 =	sshrl.u32 s9, $0x3;
	[dreg:$0x9] =	wrdreg s10  }
0x18: {  	s10 =	rddreg [dreg:$0x1];
	s7 =	sadd.s32 s7, s9;
	s9 =	smul.u32 $0x8C00, s16  }
0x19: {  	s26 =	sor.u32 $0x2, s5;
	[dreg:$0xa] =	wrdreg s7;
	s7 =	smul.u32 $0x8C00, s11  }
0x1a: {  	v1 =	vmov s26;
	s26 =	simm.s32 $0x9600;
	s11 =	smul.u32 $0xEA6, s16;
	s16 =	sadd.s32 $0x1, s6  }
0x1b: {  	s1 =	sadd.s32 s1, s10;
	s2 =	sadd.s32 s2, s10;
	s3 =	sadd.s32 s3, s10  }
0x1c: {  	s4 =	sadd.s32 s4, s10;
	_ =	strace $0x8000004A;
	s5 =	sshrl.u32 s9, $0x2  }
0x1d: {  	s9 =	smul.u32 $0x8C00, s17;
	s1 =	sshrl.u32 s1, $0x3;
	s11 =	sadd.s32 s12, s11  }
0x1e: {  	s7 =	sshrl.u32 s7, $0x2;
	s5 =	sadd.s32 s5, s10;
	[dreg:$0x15] =	wrdreg s1  }
0x1f: {  	[dreg:$0xb] =	wrdreg s11;
	s11 =	smax.u32 s8, $0x1;
	s8 =	smul.u32 $0x8C00, s15  }
0x20: {  	[dreg:$0xd] =	wrdreg s5;
	s15 =	smul.u32 $0x8C00, s18;
	s17 =	sshrl.u32 s9, $0x2  }
0x21: {  	s18 =	smul.u32 $0x8C00, s19;
	[dreg:$0xc] =	wrdreg s11;
	s11 =	sadd.s32 s7, s10  }
0x22: {  	s19 =	sadd.s32 s17, s10;
	s17 =	sadd.s32 s22, s10;
	s22 =	sshrl.u32 s4, $0x3  }
0x23: {  	s4 =	simm.s32 $0x8;
	s7 =	simm.s32 $0x8700;
	[dreg:$0xe] =	wrdreg s11  }
0x24: {  	s6 =	sshrl.u32 s8, $0x2;
	[dreg:$0x10] =	wrdreg s19;
	s5 =	sshrl.u32 s15, $0x2  }
0x25: {  	s9 =	sshrl.u32 s18, $0x2;
	s15 =	sshrl.u32 s21, $0x2;
	s18 =	sadd.s32 s23, s10  }
0x26: {  	s19 =	sadd.s32 s24, s10;
	s21 =	sshrl.u32 s3, $0x3;
	[dreg:$0x18] =	wrdreg s22  }
0x27: {  	s8 =	sadd.s32 s25, s10;
	s23 =	sshrl.u32 s17, $0x3;
	[dreg:$0x17] =	wrdreg s21  }
0x28: {  	s3 =	simm.s32 $0x4100;
	s6 =	sadd.s32 s6, s10;
	[dreg:$0x19] =	wrdreg s23  }
0x29: {  	s17 =	simm.s32 $0x320;
	s5 =	sadd.s32 s5, s10;
	[dreg:$0xf] =	wrdreg s6  }
0x2a: {  	s24 =	sshrl.u32 s18, $0x3;
	s25 =	sshrl.u32 s19, $0x3;
	[dreg:$0x11] =	wrdreg s5  }
0x2b: {  	s1 =	sshrl.u32 @!p0 s8, $0x3;
	s8 =	simm.s32 $0x5;
	[dreg:$0x1a] =	wrdreg s24  }
0x2c: {  	s6 =	sshrl.u32 s20, $0x2;
	s5 =	sadd.s32 s9, s10;
	[dreg:$0x1b] =	wrdreg s25  }
0x2d: {  	v0 =	vlaneseq.u32;
	s20 =	sshrl.u32 s2, $0x3;
	[dreg:$0x1c] =	wrdreg s1;
	s9 =	simm.s32 $0x9100  }
.Ltmp0:
0x2e: {  	v2 =	vimm.f32 $0.0e+00;
	vm0 =	vcmask $0xB08;
	v0 =	vmul.u32 $0x10, v0;
	s24 =	simm.s32 $0x8C00;
	s25 =	simm.s32 $0x370;
	(pc) =	sbr.rel .LBB2_1-.Ltmp0, $4  }
0x2f: {  	vm1 =	vmmov $0x1;
	v12 =	vsel vm0, $0x3F800000, v2;
	vm0 =	vcmask $0x3F08;
	s1 =	simm.s32 $0x460;
	[dreg:$0x12] =	wrdreg s5;
	s11 =	sadd.s32 s6, s10  }
0x30: {  	v3 =	vor.u32 $0x1, v0;
	v4 =	vor.u32 $0x100, v0;
	v5 =	vor.u32 $0x101, v0;
	s5 =	sadd.s32 s15, s10;
	[dreg:$0x16] =	wrdreg s20;
	s6 =	simm.s32 $0x4  }
0x31: {  	v6 =	vor.u32 $0x200, v0;
	v7 =	vor.u32 $0x201, v0;
	v8 =	vor.u32 $0x300, v0;
	s15 =	simm.s32 $0x50;
	s20 =	simm.s32 $0x1;
	[dreg:$0x13] =	wrdreg s11  }
0x32: {  	v9 =	vor.u32 $0x301, v0;
	v10 =	vor.u32 $0x400, v0;
	v11 =	vor.u32 $0x401, v0;
	[dreg:$0x14] =	wrdreg s5;
	s5 =	simm.s32 $0x2;
	s11 =	simm.s32 $0x3C0  }
.LBB2_15:
0x33: {  	s2 =	simm.s32 $0x6  }
0x34: {  	_ =	swait.ge [sflag:s2], $0x2300  }
0x35: {  	[sflag:s2] =	ssyncset.done $0x0  }
0x36: {  	s19 =	simm.s32 $0x7;
	[sflag:s2] =	ssyncadd.s32 $0xFFFFDD00  }
0x37: {  	_ =	swait.ge [sflag:s19], $0x2300  }
0x38: {  	[sflag:s19] =	ssyncset.done $0x0  }
0x39: {  	[sflag:s19] =	ssyncadd.s32 $0xFFFFDD00  }
0x3a: {  	s21 =	stileid.u32;
	[bflag:$0x0] =	sbarrier.arrive $0xFFFF  }
0x3b: {  	s2 =	sshll.u32 s21, $0x6;
	s18 =	rddreg [dreg:$0x3]  }
0x3c: {  	s2 =	sor.u32 $0x1C08, s2;
	s19 =	rddreg [dreg:$0x15]  }
0x3d: {  	[hbm:s18], [sflag:s2] =	dma.local [spmem:s19], $0x460  }
0x3e: {  	_ =	swait.ge [sflag:s4], $0x460  }
0x3f: {  	[sflag:s4] =	ssyncset.done $0x0;
	s22 =	rddreg [dreg:$0x4]  }
0x40: {  	s23 =	rddreg [dreg:$0x16];
	[sflag:s4] =	ssyncadd.s32 $0xFFFFFBA0  }
0x41: {  	[hbm:s22], [sflag:s2] =	dma.local [spmem:s23], $0x460  }
0x42: {  	_ =	swait.ge [sflag:s4], $0x460  }
0x43: {  	[sflag:s4] =	ssyncset.done $0x0;
	s19 =	rddreg [dreg:$0x5]  }
0x44: {  	s21 =	rddreg [dreg:$0x17];
	[sflag:s4] =	ssyncadd.s32 $0xFFFFFBA0  }
0x45: {  	[hbm:s19], [sflag:s2] =	dma.local [spmem:s21], $0x460  }
0x46: {  	_ =	swait.ge [sflag:s4], $0x460  }
0x47: {  	[sflag:s4] =	ssyncset.done $0x0;
	s22 =	rddreg [dreg:$0x6]  }
0x48: {  	s23 =	rddreg [dreg:$0x18];
	[sflag:s4] =	ssyncadd.s32 $0xFFFFFBA0  }
0x49: {  	[hbm:s22], [sflag:s2] =	dma.local [spmem:s23], $0x460  }
0x4a: {  	_ =	swait.ge [sflag:s4], $0x460  }
0x4b: {  	[sflag:s4] =	ssyncset.done $0x0;
	s19 =	rddreg [dreg:$0x7]  }
0x4c: {  	s21 =	rddreg [dreg:$0x19];
	[sflag:s4] =	ssyncadd.s32 $0xFFFFFBA0  }
0x4d: {  	[hbm:s19], [sflag:s2] =	dma.local [spmem:s21], $0x460  }
0x4e: {  	_ =	swait.ge [sflag:s4], $0x460  }
0x4f: {  	[sflag:s4] =	ssyncset.done $0x0;
	s22 =	rddreg [dreg:$0x8]  }
0x50: {  	s23 =	rddreg [dreg:$0x1a];
	[sflag:s4] =	ssyncadd.s32 $0xFFFFFBA0  }
0x51: {  	[hbm:s22], [sflag:s2] =	dma.local [spmem:s23], $0x460  }
0x52: {  	_ =	swait.ge [sflag:s4], $0x460  }
0x53: {  	[sflag:s4] =	ssyncset.done $0x0;
	s21 =	rddreg [dreg:$0x9]  }
0x54: {  	s22 =	rddreg [dreg:$0x1b];
	[sflag:s4] =	ssyncadd.s32 $0xFFFFFBA0  }
0x55: {  	[hbm:s21], [sflag:s2] =	dma.local [spmem:s22], $0x460  }
0x56: {  	_ =	swait.ge [sflag:s4], $0x460  }
0x57: {  	[sflag:s4] =	ssyncset.done $0x0;
	s18 =	rddreg [dreg:$0xa]  }
0x58: {  	s19 =	rddreg [dreg:$0x1c];
	[sflag:s4] =	ssyncadd.s32 $0xFFFFFBA0  }
0x59: {  	[hbm:s18], [sflag:s2] =	dma.local @!p0 [spmem:s19], $0x460  }
0x5a: {  	s2 =	simm.s32 @!p0 $0x8  }
0x5b: {  	_ =	swait.ge @!p0 [sflag:s2], $0x460  }
0x5c: {  	s0 =	sadd.s32 $0x1, s0;
	s23 =	rddreg [dreg:$0xc]  }
0x5d: {  	p1 =	sne.s32 s0, s23  }
.Ltmp1:
0x5e: {  	_ = 	snop;
	(pc) =	sbr.rel @!p1 .LBB2_16-.Ltmp1, $3  }
0x5f: {  	_ =	sdelay $0x1  }
0x60: {  	[sflag:s2] =	ssyncset.done @!p0 $0x0  }
0x61: {  	[sflag:s2] =	ssyncadd.s32 @!p0 $0xFFFFFBA0  }
.LBB2_1:
0x62: {  	s2 =	simm.s32 $0x0;
	s18 =	simm.s32 $0x1C0  }
.LBB2_2:
0x63: {  	p1 =	sne.s32 s18, $0x8A40;
	[tilespmem:s2+$0x4160] =	vst v2  }
0x64: {  	[tilespmem:s2+$0x4100] =	vst v2  }
.Ltmp2:
0x65: {  	[tilespmem:s2+$0x4110] =	vst v2;
	(pc) =	sbr.rel @p1 .LBB2_2-.Ltmp2, $4  }
0x66: {  	[tilespmem:s2+$0x4120] =	vst v2  }
0x67: {  	[tilespmem:s2+$0x4130] =	vst v2  }
0x68: {  	[tilespmem:s2+$0x4140] =	vst v2  }
0x69: {  	[tilespmem:s2+$0x4150] =	vst v2;
	s2 =	sshra.s32 s18, $0x2;
	s18 =	sadd.s32 $0x1C0, s18  }
0x6a: {  	[tilespmem:s2+$0x4160] =	vst v2  }
0x6b: {  	[tilespmem:s2+$0x4100] =	vst v2  }
0x6c: {  	[tilespmem:s2+$0x4110] =	vst v2  }
0x6d: {  	[tilespmem:s2+$0x4120] =	vst v2  }
0x6e: {  	[tilespmem:s2+$0x4130] =	vst v2  }
0x6f: {  	[tilespmem:s2+$0x4140] =	vst v2  }
0x70: {  	[tilespmem:s2+$0x4150] =	vst v2;
	s21 =	rddreg [dreg:$0xd]  }
0x71: {  	[spmem:s21] =	stream.linear.scatter [tilespmem:s3], [sflag:$0x8], $0x2300, $0x38;
	[tilespmem:$0x1AC70] =	vst v63  }
0x72: {  	_ =	swait.ge [sflag:s4], $0x2300  }
0x73: {  	[sflag:s4] =	ssyncset.done $0x0  }
0x74: {  	s22 =	rddreg [dreg:$0xe];
	[sflag:s4] =	ssyncadd.s32 $0xFFFFDD00  }
0x75: {  	[spmem:s22] =	stream.linear.scatter [tilespmem:s3], [sflag:$0x8], $0x2300, $0x38;
	[tilespmem:$0x1AC70] =	vst v63  }
0x76: {  	_ =	swait.ge [sflag:s4], $0x2300  }
0x77: {  	[sflag:s4] =	ssyncset.done $0x0  }
0x78: {  	s23 =	rddreg [dreg:$0xf];
	[sflag:s4] =	ssyncadd.s32 $0xFFFFDD00  }
0x79: {  	[spmem:s23] =	stream.linear.scatter [tilespmem:s3], [sflag:$0x8], $0x2300, $0x38;
	[tilespmem:$0x1AC70] =	vst v63  }
0x7a: {  	_ =	swait.ge [sflag:s4], $0x2300  }
0x7b: {  	[sflag:s4] =	ssyncset.done $0x0  }
0x7c: {  	s18 =	rddreg [dreg:$0x10];
	[sflag:s4] =	ssyncadd.s32 $0xFFFFDD00  }
0x7d: {  	[spmem:s18] =	stream.linear.scatter [tilespmem:s3], [sflag:$0x8], $0x2300, $0x38;
	[tilespmem:$0x1AC70] =	vst v63  }
0x7e: {  	_ =	swait.ge [sflag:s4], $0x2300  }
0x7f: {  	[sflag:s4] =	ssyncset.done $0x0  }
0x80: {  	s19 =	rddreg [dreg:$0x11];
	[sflag:s4] =	ssyncadd.s32 $0xFFFFDD00  }
0x81: {  	[spmem:s19] =	stream.linear.scatter [tilespmem:s3], [sflag:$0x8], $0x2300, $0x38;
	[tilespmem:$0x1AC70] =	vst v63  }
0x82: {  	_ =	swait.ge [sflag:s4], $0x2300  }
0x83: {  	[sflag:s4] =	ssyncset.done $0x0  }
0x84: {  	s21 =	rddreg [dreg:$0x12];
	[sflag:s4] =	ssyncadd.s32 $0xFFFFDD00  }
0x85: {  	[spmem:s21] =	stream.linear.scatter [tilespmem:s3], [sflag:$0x8], $0x2300, $0x38;
	[tilespmem:$0x1AC70] =	vst v63  }
0x86: {  	_ =	swait.ge [sflag:s4], $0x2300  }
0x87: {  	[sflag:s4] =	ssyncset.done $0x0  }
0x88: {  	s22 =	rddreg [dreg:$0x13];
	[sflag:s4] =	ssyncadd.s32 $0xFFFFDD00  }
0x89: {  	[spmem:s22] =	stream.linear.scatter [tilespmem:s3], [sflag:$0x8], $0x2300, $0x38;
	[tilespmem:$0x1AC70] =	vst v63  }
0x8a: {  	_ =	swait.ge [sflag:s4], $0x2300  }
0x8b: {  	[sflag:s4] =	ssyncset.done $0x0  }
0x8c: {  	s2 =	simm.s32 @!p0 $0x4100;
	s18 =	rddreg [dreg:$0x14];
	[sflag:s4] =	ssyncadd.s32 $0xFFFFDD00  }
0x8d: {  	[spmem:s18] =	stream.linear.scatter @!p0 [tilespmem:s2], [sflag:$0x8], $0x2300, $0x38;
	[tilespmem:$0x1AC70] =	vst v63  }
0x8e: {  	s2 =	simm.s32 @!p0 $0x8  }
0x8f: {  	_ =	swait.ge @!p0 [sflag:s2], $0x2300  }
.Ltmp3:
0x90: {  	[sflag:s2] =	ssyncset.done @!p0 $0x0;
	(pc) =	sbr.rel .LBB2_4-.Ltmp3, $4  }
0x91: {  	[sflag:s2] =	ssyncadd.s32 @!p0 $0xFFFFDD00  }
0x92: {  	[bflag:$0x0] =	sbarrier.arrive $0xFFFF  }
0x93: {  	s18 =	simm.s32 $0x0;
	s23 =	rddreg [dreg:$0xb]  }
0x94: {  	[tilespmem:s18], [sflag:$0x1] =	stream.linear.gather [hbm4b:s23+s18], $0xF0, $0x38;
	[tilespmem:$0x1AC70] =	vst v63  }
.LBB2_9:
0x95: {  	_ = 	snop  }
0x96: {  	v15 =	vsel vm0, v12, v15  }
0x97: {  	v13 =	vsel vm1, v13, v15  }
0x98: {  	[tilespmem:s2+$0x0] =	vst v13  }
0x99: {  	s19 =	sadd.s32 $0x60, s19;
	v13 =	vld.idx.msk [tilespmem:v14+s1+$0x0], $0xffff  }
0x9a: {  	v14 =	vld [tilespmem:s19+$0xFFFFFFB0];
	_ =	sdelay $0x4  }
0x9b: {  	v14 =	vmul.f32 v14, v13  }
0x9c: {  	s23 =	sadd.s32 $0x70, s2  }
0x9d: {  	[tilespmem:s23+$0xFFFFFFA0] =	vst v14  }
0x9e: {  	v14 =	vld [tilespmem:s19+$0xFFFFFFC0];
	_ =	sdelay $0x4  }
0x9f: {  	v14 =	vmul.f32 v14, v13;
	_ =	sdelay $0x1  }
0xa0: {  	[tilespmem:s23+$0xFFFFFFB0] =	vst v14  }
0xa1: {  	v14 =	vld [tilespmem:s19+$0xFFFFFFD0];
	_ =	sdelay $0x4  }
0xa2: {  	v14 =	vmul.f32 v14, v13;
	_ =	sdelay $0x1  }
0xa3: {  	[tilespmem:s23+$0xFFFFFFC0] =	vst v14  }
0xa4: {  	v14 =	vld [tilespmem:s19+$0xFFFFFFE0];
	_ =	sdelay $0x4  }
0xa5: {  	v14 =	vmul.f32 v14, v13;
	_ =	sdelay $0x1  }
0xa6: {  	[tilespmem:s23+$0xFFFFFFD0] =	vst v14  }
0xa7: {  	v14 =	vld [tilespmem:s19+$0xFFFFFFF0];
	_ =	sdelay $0x4  }
0xa8: {  	v14 =	vmul.f32 v14, v13;
	_ =	sdelay $0x1  }
0xa9: {  	[tilespmem:s23+$0xFFFFFFE0] =	vst v14  }
0xaa: {  	v14 =	vld [tilespmem:s19+$0x0];
	_ =	sdelay $0x1  }
0xab: {  	s22 =	sadd.s32 $0x50, s21  }
0xac: {  	v15 =	vmov s22;
	_ =	sdelay $0x1  }
0xad: {  	v14 =	vmul.f32 v14, v13;
	_ =	sdelay $0x1  }
0xae: {  	[tilespmem:s23+$0xFFFFFFF0] =	vst v14  }
0xaf: {  	v14 =	vld.idx.msk [tilespmem:v15+s1+$0x0], $0xffff;
	_ =	sdelay $0x4  }
0xb0: {  	v14 =	vsel vm0, v12, v14  }
0xb1: {  	v13 =	vsel vm1, v13, v14  }
0xb2: {  	[tilespmem:s23+$0x0] =	vst v13;
	s23 =	simm.s32 $0x6400  }
0xb3: {  	[spmem:s10] =	stream.indirect.scatter.add.f32 [tilespmem:s23], [sflag:$0x7], $0x70, s25, s15, $0xb8;
	[tilespmem:$0x1AC70] =	vst v63  }
.LBB2_14:
0xb4: {  	s18 =	sadd.s32 $0x1, s18  }
0xb5: {  	p1 =	sne.s32 s18, $0x7E  }
.Ltmp4:
0xb6: {  	_ = 	snop;
	(pc) =	sbr.rel @!p1 .LBB2_15-.Ltmp4, $1  }
0xb7: {  	_ =	sdelay $0x3  }
.LBB2_4:
0xb8: {  	p1 =	seq.s32 s18, $0x7D  }
.Ltmp5:
0xb9: {  	_ = 	snop;
	(pc) =	sbr.rel @p1 .LBB2_11-.Ltmp5, $1  }
0xba: {  	_ =	sdelay $0x3  }
0xbb: {  	s2 =	sand.u32 $0x1, s18  }
0xbc: {  	p2 =	seq.s32 s2, $0x1  }
.Ltmp6:
0xbd: {  	_ = 	snop;
	(pc) =	sbr.rel @!p2 .LBB2_6-.Ltmp6, $2  }
0xbe: {  	_ =	sdelay $0x2  }
0xbf: {  	p1 =	slt.u32 s18, $0x2  }
0xc0: {  	s2 =	simm.s32 @!p1 $0x7  }
0xc1: {  	_ =	swait.ge @!p1 [sflag:s2], $0x2300  }
0xc2: {  	[sflag:s2] =	ssyncset.done @!p1 $0x0  }
0xc3: {  	[sflag:s2] =	ssyncadd.s32 @!p1 $0xFFFFDD00  }
0xc4: {  	_ =	swait.ge [sflag:s20], $0xF0  }
0xc5: {  	[sflag:s20] =	ssyncset.done $0x0  }
0xc6: {  	[sflag:s20] =	ssyncadd.s32 $0xFFFFFF10  }
0xc7: {  	v13 =	vld [tilespmem:$0xF0]  }
0xc8: {  	v14 =	vld [tilespmem:$0x140]  }
0xc9: {  	v15 =	vld [tilespmem:$0x100]  }
0xca: {  	v16 =	vld [tilespmem:$0x190]  }
0xcb: {  	v54 =	vld [tilespmem:$0x150]  }
0xcc: {  	v56 =	vld [tilespmem:$0x160]  }
0xcd: {  	v57 =	vld [tilespmem:$0x1B0];
	[tilespmem:$0x2D0] =	vst v13  }
0xce: {  	v59 =	vld [tilespmem:$0x1C0];
	[tilespmem:$0x370] =	vst v14  }
0xcf: {  	v17 =	vshll.u32 v13, $0x2;
	v13 =	vld [tilespmem:$0x110];
	[tilespmem:$0x4B0] =	vst v16  }
0xd0: {  	v14 =	vld [tilespmem:$0x1A0];
	[tilespmem:$0x2E0] =	vst v15  }
0xd1: {  	[tilespmem:$0x380] =	vst v54  }
0xd2: {  	[tilespmem:$0x390] =	vst v56  }
0xd3: {  	[tilespmem:$0x4D0] =	vst v57  }
0xd4: {  	v18 =	vshll.u32 v15, $0x2;
	v15 =	vld [tilespmem:$0x120];
	[tilespmem:$0x4E0] =	vst v59;
	v58 =	vshll.u32 v13, $0x2  }
0xd5: {  	[tilespmem:$0x4C0] =	vst v14;
	v14 =	vor.u32 v1, v58  }
0xd6: {  	v17 =	vor.u32 v1, v17;
	[tilespmem:$0x250] =	vst v14;
	v14 =	vld [tilespmem:$0x170]  }
0xd7: {  	[tilespmem:$0x230] =	vst v17  }
0xd8: {  	[tilespmem:$0x2F0] =	vst v13;
	v13 =	vld [tilespmem:$0x130]  }
0xd9: {  	v55 =	vor.u32 v1, v18;
	v60 =	vshll.u32 v15, $0x2;
	[tilespmem:$0x300] =	vst v15;
	v15 =	vld [tilespmem:$0x180]  }
0xda: {  	[tilespmem:$0x240] =	vst v55  }
0xdb: {  	v61 =	vor.u32 v1, v60;
	[tilespmem:$0x3A0] =	vst v14;
	v14 =	vld [tilespmem:$0x1D0]  }
0xdc: {  	p1 =	sgt.u32 s18, $0x7B;
	[tilespmem:$0x260] =	vst v61  }
0xdd: {  	s2 =	sadd.s32 @!p1 s18, s16;
	v62 =	vshll.u32 v13, $0x2;
	[tilespmem:$0x310] =	vst v13  }
0xde: {  	s2 =	smul.u32 @!p1 $0x1E, s2;
	[tilespmem:$0x3B0] =	vst v15;
	v63 =	vor.u32 v1, v62  }
0xdf: {  	[tilespmem:$0x270] =	vst v63  }
0xe0: {  	s19 =	simm.s32 @!p1 $0x0;
	s2 =	sadd.s32 @!p1 s12, s2;
	[tilespmem:$0x4F0] =	vst v14  }
0xe1: {  	[tilespmem:s19], [sflag:$0x1] =	stream.linear.gather @!p1 [hbm4b:s2+s19], $0xF0, $0x38;
	[tilespmem:$0x1AC70] =	vst v63  }
0xe2: {  	s21 =	simm.s32 $0x230;
	s22 =	simm.s32 $0x2300  }
0xe3: {  	[tilespmem:s22], [sflag:$0x3] =	stream.indirect.gather [hbm4b:s13+s15], $0x60, s21, s15, $0xb8;
	[tilespmem:$0x1AC70] =	vst v63  }
0xe4: {  	s23 =	simm.s32 $0x2D0  }
0xe5: {  	[tilespmem:s24], [sflag:$0x5] =	stream.indirect.gather [hbm4b:s14+s15], $0x10, s23, s15, $0xb8;
	[tilespmem:$0x1AC70] =	vst v63  }
0xe6: {  	_ = 	snop  }
0xe7: {  	[tilespmem:s26], [sflag:$0x5] =	stream.indirect.gather [hbm4b:s14+s15], $0x10, s25, s15, $0xb8;
	[tilespmem:$0x1AC70] =	vst v63  }
.LBB2_11:
0xe8: {  	_ =	swait.ge [sflag:s5], $0x1E00  }
0xe9: {  	[sflag:s5] =	ssyncset.done $0x0  }
0xea: {  	[sflag:s5] =	ssyncadd.s32 $0xFFFFE200  }
0xeb: {  	_ =	swait.ge [sflag:s6], $0x500  }
0xec: {  	[sflag:s6] =	ssyncset.done $0x0  }
0xed: {  	[sflag:s6] =	ssyncadd.s32 $0xFFFFFB00  }
0xee: {  	_ =	swait.ge [sflag:s6], $0x500  }
0xef: {  	[sflag:s6] =	ssyncset.done $0x0  }
0xf0: {  	[sflag:s6] =	ssyncadd.s32 $0xFFFFFB00  }
0xf1: {  	v13 =	vld.idx.msk [tilespmem:v0+s7+$0x0], $0xffff  }
0xf2: {  	v14 =	vld.idx.msk [tilespmem:v3+s9+$0x0], $0xffff;
	_ =	sdelay $0x1  }
0xf3: {  	v15 =	vld [tilespmem:$0x410];
	_ =	sdelay $0x2  }
0xf4: {  	v13 =	vadd.f32 v14, v13;
	_ =	sdelay $0x1  }
0xf5: {  	v13 =	vadd.f32 v15, v13;
	_ =	sdelay $0x1  }
0xf6: {  	v14 =	vmul.f32 $2.000000030e-01, v13;
	_ =	sdelay $0x1  }
0xf7: {  	v13 =	vmax.f32 v13, v14  }
0xf8: {  	v13 =	vmul.f32 $1.442695020e+00, v13;
	_ =	sdelay $0x1  }
0xf9: {  	(erf) = vpow2.f32 v13;
	_ =	sdelay $0x8  }
0xfa: {  	v13 =	vpop (erf)  }
0xfb: {  	[tilespmem:$0x3C0] =	vst v13  }
0xfc: {  	v13 =	vld.idx.msk [tilespmem:v4+s7+$0x0], $0xffff  }
0xfd: {  	v14 =	vld.idx.msk [tilespmem:v5+s9+$0x0], $0xffff;
	_ =	sdelay $0x1  }
0xfe: {  	v15 =	vld [tilespmem:$0x420];
	_ =	sdelay $0x2  }
0xff: {  	v13 =	vadd.f32 v14, v13;
	_ =	sdelay $0x1  }
0x100: {  	v13 =	vadd.f32 v15, v13;
	_ =	sdelay $0x1  }
0x101: {  	v14 =	vmul.f32 $2.000000030e-01, v13;
	_ =	sdelay $0x1  }
0x102: {  	v13 =	vmax.f32 v13, v14  }
0x103: {  	v13 =	vmul.f32 $1.442695020e+00, v13;
	_ =	sdelay $0x1  }
0x104: {  	(erf) = vpow2.f32 v13;
	_ =	sdelay $0x8  }
0x105: {  	v13 =	vpop (erf)  }
0x106: {  	[tilespmem:$0x3D0] =	vst v13  }
0x107: {  	v13 =	vld.idx.msk [tilespmem:v6+s7+$0x0], $0xffff  }
0x108: {  	v14 =	vld.idx.msk [tilespmem:v7+s9+$0x0], $0xffff;
	_ =	sdelay $0x1  }
0x109: {  	v15 =	vld [tilespmem:$0x430];
	_ =	sdelay $0x2  }
0x10a: {  	v13 =	vadd.f32 v14, v13;
	_ =	sdelay $0x1  }
0x10b: {  	v13 =	vadd.f32 v15, v13;
	_ =	sdelay $0x1  }
0x10c: {  	v14 =	vmul.f32 $2.000000030e-01, v13;
	_ =	sdelay $0x1  }
0x10d: {  	v13 =	vmax.f32 v13, v14  }
0x10e: {  	v13 =	vmul.f32 $1.442695020e+00, v13;
	_ =	sdelay $0x1  }
0x10f: {  	(erf) = vpow2.f32 v13;
	_ =	sdelay $0x8  }
0x110: {  	v13 =	vpop (erf)  }
0x111: {  	[tilespmem:$0x3E0] =	vst v13  }
0x112: {  	v13 =	vld.idx.msk [tilespmem:v8+s7+$0x0], $0xffff  }
0x113: {  	v14 =	vld.idx.msk [tilespmem:v9+s9+$0x0], $0xffff;
	_ =	sdelay $0x1  }
0x114: {  	v15 =	vld [tilespmem:$0x440];
	_ =	sdelay $0x2  }
0x115: {  	v13 =	vadd.f32 v14, v13;
	_ =	sdelay $0x1  }
0x116: {  	v13 =	vadd.f32 v15, v13;
	_ =	sdelay $0x1  }
0x117: {  	v14 =	vmul.f32 $2.000000030e-01, v13;
	_ =	sdelay $0x1  }
0x118: {  	v13 =	vmax.f32 v13, v14  }
0x119: {  	v13 =	vmul.f32 $1.442695020e+00, v13;
	_ =	sdelay $0x1  }
0x11a: {  	(erf) = vpow2.f32 v13;
	_ =	sdelay $0x8  }
0x11b: {  	v13 =	vpop (erf)  }
0x11c: {  	[tilespmem:$0x3F0] =	vst v13  }
0x11d: {  	v13 =	vld.idx.msk [tilespmem:v10+s7+$0x0], $0xffff  }
0x11e: {  	v14 =	vld.idx.msk [tilespmem:v11+s9+$0x0], $0xffff;
	_ =	sdelay $0x1  }
0x11f: {  	v15 =	vld [tilespmem:$0x450];
	_ =	sdelay $0x2  }
0x120: {  	v13 =	vadd.f32 v14, v13;
	_ =	sdelay $0x1  }
0x121: {  	v13 =	vadd.f32 v15, v13;
	_ =	sdelay $0x1  }
0x122: {  	v14 =	vmul.f32 $2.000000030e-01, v13;
	_ =	sdelay $0x1  }
0x123: {  	v13 =	vmax.f32 v13, v14  }
0x124: {  	v13 =	vmul.f32 $1.442695020e+00, v13;
	_ =	sdelay $0x1  }
0x125: {  	(erf) = vpow2.f32 v13;
	_ =	sdelay $0x4  }
0x126: {  	s2 =	simm.s32 $0x0  }
0x127: {  	v13 =	vmov s2;
	_ =	sdelay $0x2  }
0x128: {  	v14 =	vpop (erf)  }
0x129: {  	[tilespmem:$0x400] =	vst v14  }
0x12a: {  	s19 =	simm.s32 $0x530;
	v13 =	vld.idx.msk [tilespmem:v13+s11+$0x0], $0xffff  }
0x12b: {  	v14 =	vld [tilespmem:s19+$0xFFFFFFD0];
	_ =	sdelay $0x4  }
0x12c: {  	v14 =	vmul.f32 v14, v13  }
0x12d: {  	s2 =	simm.s32 $0x4130  }
0x12e: {  	[tilespmem:s2+$0xFFFFFFD0] =	vst v14  }
0x12f: {  	v14 =	vld [tilespmem:s19+$0xFFFFFFE0];
	_ =	sdelay $0x4  }
0x130: {  	v14 =	vmul.f32 v14, v13;
	_ =	sdelay $0x1  }
0x131: {  	[tilespmem:s2+$0xFFFFFFE0] =	vst v14  }
0x132: {  	v14 =	vld [tilespmem:s19+$0xFFFFFFF0];
	_ =	sdelay $0x4  }
0x133: {  	v14 =	vmul.f32 v14, v13;
	_ =	sdelay $0x1  }
0x134: {  	[tilespmem:s2+$0xFFFFFFF0] =	vst v14  }
0x135: {  	v14 =	vld [tilespmem:s19+$0x0];
	_ =	sdelay $0x4  }
0x136: {  	v14 =	vmul.f32 v14, v13;
	_ =	sdelay $0x1  }
0x137: {  	[tilespmem:s2+$0x0] =	vst v14  }
0x138: {  	v14 =	vld [tilespmem:s19+$0x10];
	_ =	sdelay $0x4  }
0x139: {  	v14 =	vmul.f32 v14, v13;
	_ =	sdelay $0x1  }
0x13a: {  	[tilespmem:s2+$0x10] =	vst v14  }
0x13b: {  	v14 =	vld [tilespmem:s19+$0x20];
	_ =	sdelay $0x1  }
0x13c: {  	s21 =	simm.s32 $0x50  }
0x13d: {  	v15 =	vmov s21;
	_ =	sdelay $0x1  }
0x13e: {  	v14 =	vmul.f32 v14, v13;
	_ =	sdelay $0x1  }
0x13f: {  	[tilespmem:s2+$0x20] =	vst v14  }
0x140: {  	v15 =	vld.idx.msk [tilespmem:v15+s11+$0x0], $0xffff;
	_ =	sdelay $0x1  }
0x141: {  	s21 =	simm.s32 $0x1  }
0x142: {  	s22 =	simm.s32 $0x2;
	v14 =	vmov s21  }
.LBB2_12:
0x143: {  	p1 =	sne.s32 s22, $0x4F  }
0x144: {  	v15 =	vsel vm0, v12, v15  }
0x145: {  	v13 =	vsel vm1, v13, v15  }
0x146: {  	[tilespmem:s2+$0x30] =	vst v13  }
0x147: {  	s19 =	sadd.s32 $0x60, s19;
	v13 =	vld.idx.msk [tilespmem:v14+s11+$0x0], $0xffff  }
0x148: {  	v14 =	vld [tilespmem:s19+$0xFFFFFFD0];
	_ =	sdelay $0x4  }
0x149: {  	v14 =	vmul.f32 v14, v13  }
0x14a: {  	s2 =	sadd.s32 $0x70, s2  }
0x14b: {  	[tilespmem:s2+$0xFFFFFFD0] =	vst v14  }
0x14c: {  	v14 =	vld [tilespmem:s19+$0xFFFFFFE0];
	_ =	sdelay $0x4  }
0x14d: {  	v14 =	vmul.f32 v14, v13;
	_ =	sdelay $0x1  }
0x14e: {  	[tilespmem:s2+$0xFFFFFFE0] =	vst v14  }
0x14f: {  	v14 =	vld [tilespmem:s19+$0xFFFFFFF0];
	_ =	sdelay $0x4  }
0x150: {  	v14 =	vmul.f32 v14, v13;
	_ =	sdelay $0x1  }
0x151: {  	[tilespmem:s2+$0xFFFFFFF0] =	vst v14  }
0x152: {  	v14 =	vld [tilespmem:s19+$0x0];
	_ =	sdelay $0x4  }
0x153: {  	v14 =	vmul.f32 v14, v13;
	_ =	sdelay $0x1  }
0x154: {  	[tilespmem:s2+$0x0] =	vst v14  }
0x155: {  	v14 =	vld [tilespmem:s19+$0x10];
	_ =	sdelay $0x4  }
0x156: {  	v14 =	vmul.f32 v14, v13;
	_ =	sdelay $0x1  }
0x157: {  	[tilespmem:s2+$0x10] =	vst v14  }
0x158: {  	v14 =	vld [tilespmem:s19+$0x20];
	_ =	sdelay $0x1  }
0x159: {  	s23 =	sadd.s32 $0x50, s21;
	s21 =	smov.u32 s22  }
0x15a: {  	v15 =	vmov s23;
	_ =	sdelay $0x1  }
0x15b: {  	v14 =	vmul.f32 v14, v13;
	_ =	sdelay $0x1  }
0x15c: {  	[tilespmem:s2+$0x20] =	vst v14  }
.Ltmp7:
0x15d: {  	v15 =	vld.idx.msk [tilespmem:v15+s11+$0x0], $0xffff;
	(pc) =	sbr.rel @p1 .LBB2_12-.Ltmp7, $2  }
0x15e: {  	_ =	sdelay $0x2  }
0x15f: {  	s22 =	sadd.s32 $0x1, s22;
	v14 =	vmov s21  }
0x160: {  	_ = 	snop  }
0x161: {  	v15 =	vsel vm0, v12, v15  }
0x162: {  	v13 =	vsel vm1, v13, v15  }
0x163: {  	[tilespmem:s2+$0x30] =	vst v13  }
0x164: {  	s19 =	sadd.s32 $0x60, s19;
	v13 =	vld.idx.msk [tilespmem:v14+s11+$0x0], $0xffff  }
0x165: {  	v14 =	vld [tilespmem:s19+$0xFFFFFFD0];
	_ =	sdelay $0x4  }
0x166: {  	v14 =	vmul.f32 v14, v13  }
0x167: {  	s22 =	sadd.s32 $0x70, s2  }
0x168: {  	[tilespmem:s22+$0xFFFFFFD0] =	vst v14  }
0x169: {  	v14 =	vld [tilespmem:s19+$0xFFFFFFE0];
	_ =	sdelay $0x4  }
0x16a: {  	v14 =	vmul.f32 v14, v13;
	_ =	sdelay $0x1  }
0x16b: {  	[tilespmem:s22+$0xFFFFFFE0] =	vst v14  }
0x16c: {  	v14 =	vld [tilespmem:s19+$0xFFFFFFF0];
	_ =	sdelay $0x4  }
0x16d: {  	v14 =	vmul.f32 v14, v13;
	_ =	sdelay $0x1  }
0x16e: {  	[tilespmem:s22+$0xFFFFFFF0] =	vst v14  }
0x16f: {  	v14 =	vld [tilespmem:s19+$0x0];
	_ =	sdelay $0x4  }
0x170: {  	v14 =	vmul.f32 v14, v13;
	_ =	sdelay $0x1  }
0x171: {  	[tilespmem:s22+$0x0] =	vst v14  }
0x172: {  	v14 =	vld [tilespmem:s19+$0x10];
	_ =	sdelay $0x4  }
0x173: {  	v14 =	vmul.f32 v14, v13;
	_ =	sdelay $0x1  }
0x174: {  	[tilespmem:s22+$0x10] =	vst v14  }
0x175: {  	v14 =	vld [tilespmem:s19+$0x20];
	_ =	sdelay $0x1  }
0x176: {  	s23 =	sadd.s32 $0x50, s21  }
0x177: {  	v15 =	vmov s23;
	_ =	sdelay $0x1  }
0x178: {  	v14 =	vmul.f32 v14, v13;
	_ =	sdelay $0x1  }
0x179: {  	[tilespmem:s22+$0x20] =	vst v14  }
0x17a: {  	v14 =	vld.idx.msk [tilespmem:v15+s11+$0x0], $0xffff;
	_ =	sdelay $0x3  }
.Ltmp8:
0x17b: {  	_ = 	snop;
	(pc) =	sbr.rel .LBB2_14-.Ltmp8, $4  }
0x17c: {  	v14 =	vsel vm0, v12, v14  }
0x17d: {  	v13 =	vsel vm1, v13, v14  }
0x17e: {  	[tilespmem:s22+$0x30] =	vst v13  }
0x17f: {  	[spmem:s10] =	stream.indirect.scatter.add.f32 [tilespmem:s3], [sflag:$0x6], $0x70, s17, s15, $0xb8;
	[tilespmem:$0x1AC70] =	vst v63  }
.LBB2_6:
0x180: {  	s2 =	simm.s32 @!p1 $0x6  }
0x181: {  	_ =	swait.ge @!p1 [sflag:s2], $0x2300  }
0x182: {  	[sflag:s2] =	ssyncset.done @!p1 $0x0  }
0x183: {  	[sflag:s2] =	ssyncadd.s32 @!p1 $0xFFFFDD00  }
0x184: {  	_ =	swait.ge [sflag:s20], $0xF0  }
0x185: {  	[sflag:s20] =	ssyncset.done $0x0  }
0x186: {  	[sflag:s20] =	ssyncadd.s32 $0xFFFFFF10  }
0x187: {  	v13 =	vld [tilespmem:$0x0]  }
0x188: {  	v14 =	vld [tilespmem:$0x50]  }
0x189: {  	v15 =	vld [tilespmem:$0x10]  }
0x18a: {  	v16 =	vld [tilespmem:$0xA0]  }
0x18b: {  	v54 =	vld [tilespmem:$0x60]  }
0x18c: {  	v56 =	vld [tilespmem:$0x70]  }
0x18d: {  	v57 =	vld [tilespmem:$0xC0];
	[tilespmem:$0x280] =	vst v13  }
0x18e: {  	v59 =	vld [tilespmem:$0xD0];
	[tilespmem:$0x320] =	vst v14  }
0x18f: {  	v17 =	vshll.u32 v13, $0x2;
	v13 =	vld [tilespmem:$0x20];
	[tilespmem:$0x410] =	vst v16  }
0x190: {  	v14 =	vld [tilespmem:$0xB0];
	[tilespmem:$0x290] =	vst v15  }
0x191: {  	[tilespmem:$0x330] =	vst v54  }
0x192: {  	[tilespmem:$0x340] =	vst v56  }
0x193: {  	[tilespmem:$0x430] =	vst v57  }
0x194: {  	v18 =	vshll.u32 v15, $0x2;
	v15 =	vld [tilespmem:$0x30];
	[tilespmem:$0x440] =	vst v59;
	v58 =	vshll.u32 v13, $0x2  }
0x195: {  	[tilespmem:$0x420] =	vst v14;
	v14 =	vor.u32 v1, v58  }
0x196: {  	v17 =	vor.u32 v1, v17;
	[tilespmem:$0x200] =	vst v14;
	v14 =	vld [tilespmem:$0x80]  }
0x197: {  	[tilespmem:$0x1E0] =	vst v17  }
0x198: {  	[tilespmem:$0x2A0] =	vst v13;
	v13 =	vld [tilespmem:$0x40]  }
0x199: {  	v55 =	vor.u32 v1, v18;
	v60 =	vshll.u32 v15, $0x2;
	[tilespmem:$0x2B0] =	vst v15;
	v15 =	vld [tilespmem:$0x90]  }
0x19a: {  	[tilespmem:$0x1F0] =	vst v55  }
0x19b: {  	v61 =	vor.u32 v1, v60;
	[tilespmem:$0x350] =	vst v14;
	v14 =	vld [tilespmem:$0xE0]  }
0x19c: {  	p1 =	sgt.u32 s18, $0x7B;
	[tilespmem:$0x210] =	vst v61  }
0x19d: {  	s2 =	sadd.s32 @!p1 s18, s16;
	v62 =	vshll.u32 v13, $0x2;
	[tilespmem:$0x2C0] =	vst v13  }
0x19e: {  	s2 =	smul.u32 @!p1 $0x1E, s2;
	[tilespmem:$0x360] =	vst v15;
	v63 =	vor.u32 v1, v62  }
0x19f: {  	[tilespmem:$0x220] =	vst v63  }
0x1a0: {  	s19 =	simm.s32 @!p1 $0x0;
	s21 =	simm.s32 @!p1 $0xF0;
	s2 =	sadd.s32 @!p1 s12, s2;
	[tilespmem:$0x450] =	vst v14  }
0x1a1: {  	[tilespmem:s21], [sflag:$0x1] =	stream.linear.gather @!p1 [hbm4b:s2+s19], $0xF0, $0x38;
	[tilespmem:$0x1AC70] =	vst v63  }
0x1a2: {  	p1 =	seq.s32 s18, $0x0  }
0x1a3: {  	[tilespmem:s29], [sflag:$0x2] =	stream.indirect.gather [hbm4b:s13+s15], $0x60, s28, s15, $0xb8;
	[tilespmem:$0x1AC70] =	vst v63  }
.Ltmp9:
0x1a4: {  	_ = 	snop;
	(pc) =	sbr.rel @p1 .LBB2_14-.Ltmp9, $4  }
0x1a5: {  	_ = 	snop  }
0x1a6: {  	[tilespmem:s7], [sflag:$0x4] =	stream.indirect.gather [hbm4b:s14+s15], $0x10, s30, s15, $0xb8;
	[tilespmem:$0x1AC70] =	vst v63  }
0x1a7: {  	_ = 	snop  }
0x1a8: {  	[tilespmem:s9], [sflag:$0x4] =	stream.indirect.gather [hbm4b:s14+s15], $0x10, s17, s15, $0xb8;
	[tilespmem:$0x1AC70] =	vst v63  }
0x1a9: {  	_ =	swait.ge [sflag:s31], $0x1E00  }
0x1aa: {  	[sflag:s31] =	ssyncset.done $0x0  }
0x1ab: {  	[sflag:s31] =	ssyncadd.s32 $0xFFFFE200  }
0x1ac: {  	_ =	swait.ge [sflag:s8], $0x500  }
0x1ad: {  	[sflag:s8] =	ssyncset.done $0x0  }
0x1ae: {  	[sflag:s8] =	ssyncadd.s32 $0xFFFFFB00  }
0x1af: {  	_ =	swait.ge [sflag:s8], $0x500  }
0x1b0: {  	[sflag:s8] =	ssyncset.done $0x0  }
0x1b1: {  	[sflag:s8] =	ssyncadd.s32 $0xFFFFFB00  }
0x1b2: {  	v13 =	vld.idx.msk [tilespmem:v0+s24+$0x0], $0xffff  }
0x1b3: {  	v14 =	vld.idx.msk [tilespmem:v3+s26+$0x0], $0xffff;
	_ =	sdelay $0x1  }
0x1b4: {  	v15 =	vld [tilespmem:$0x4B0];
	_ =	sdelay $0x2  }
0x1b5: {  	v13 =	vadd.f32 v14, v13;
	_ =	sdelay $0x1  }
0x1b6: {  	v13 =	vadd.f32 v15, v13;
	_ =	sdelay $0x1  }
0x1b7: {  	v14 =	vmul.f32 $2.000000030e-01, v13;
	_ =	sdelay $0x1  }
0x1b8: {  	v13 =	vmax.f32 v13, v14  }
0x1b9: {  	v13 =	vmul.f32 $1.442695020e+00, v13;
	_ =	sdelay $0x1  }
0x1ba: {  	(erf) = vpow2.f32 v13;
	_ =	sdelay $0x8  }
0x1bb: {  	v13 =	vpop (erf)  }
0x1bc: {  	[tilespmem:$0x460] =	vst v13  }
0x1bd: {  	v13 =	vld.idx.msk [tilespmem:v4+s24+$0x0], $0xffff  }
0x1be: {  	v14 =	vld.idx.msk [tilespmem:v5+s26+$0x0], $0xffff;
	_ =	sdelay $0x1  }
0x1bf: {  	v15 =	vld [tilespmem:$0x4C0];
	_ =	sdelay $0x2  }
0x1c0: {  	v13 =	vadd.f32 v14, v13;
	_ =	sdelay $0x1  }
0x1c1: {  	v13 =	vadd.f32 v15, v13;
	_ =	sdelay $0x1  }
0x1c2: {  	v14 =	vmul.f32 $2.000000030e-01, v13;
	_ =	sdelay $0x1  }
0x1c3: {  	v13 =	vmax.f32 v13, v14  }
0x1c4: {  	v13 =	vmul.f32 $1.442695020e+00, v13;
	_ =	sdelay $0x1  }
0x1c5: {  	(erf) = vpow2.f32 v13;
	_ =	sdelay $0x8  }
0x1c6: {  	v13 =	vpop (erf)  }
0x1c7: {  	[tilespmem:$0x470] =	vst v13  }
0x1c8: {  	v13 =	vld.idx.msk [tilespmem:v6+s24+$0x0], $0xffff  }
0x1c9: {  	v14 =	vld.idx.msk [tilespmem:v7+s26+$0x0], $0xffff;
	_ =	sdelay $0x1  }
0x1ca: {  	v15 =	vld [tilespmem:$0x4D0];
	_ =	sdelay $0x2  }
0x1cb: {  	v13 =	vadd.f32 v14, v13;
	_ =	sdelay $0x1  }
0x1cc: {  	v13 =	vadd.f32 v15, v13;
	_ =	sdelay $0x1  }
0x1cd: {  	v14 =	vmul.f32 $2.000000030e-01, v13;
	_ =	sdelay $0x1  }
0x1ce: {  	v13 =	vmax.f32 v13, v14  }
0x1cf: {  	v13 =	vmul.f32 $1.442695020e+00, v13;
	_ =	sdelay $0x1  }
0x1d0: {  	(erf) = vpow2.f32 v13;
	_ =	sdelay $0x8  }
0x1d1: {  	v13 =	vpop (erf)  }
0x1d2: {  	[tilespmem:$0x480] =	vst v13  }
0x1d3: {  	v13 =	vld.idx.msk [tilespmem:v8+s24+$0x0], $0xffff  }
0x1d4: {  	v14 =	vld.idx.msk [tilespmem:v9+s26+$0x0], $0xffff;
	_ =	sdelay $0x1  }
0x1d5: {  	v15 =	vld [tilespmem:$0x4E0];
	_ =	sdelay $0x2  }
0x1d6: {  	v13 =	vadd.f32 v14, v13;
	_ =	sdelay $0x1  }
0x1d7: {  	v13 =	vadd.f32 v15, v13;
	_ =	sdelay $0x1  }
0x1d8: {  	v14 =	vmul.f32 $2.000000030e-01, v13;
	_ =	sdelay $0x1  }
0x1d9: {  	v13 =	vmax.f32 v13, v14  }
0x1da: {  	v13 =	vmul.f32 $1.442695020e+00, v13;
	_ =	sdelay $0x1  }
0x1db: {  	(erf) = vpow2.f32 v13;
	_ =	sdelay $0x8  }
0x1dc: {  	v13 =	vpop (erf)  }
0x1dd: {  	[tilespmem:$0x490] =	vst v13  }
0x1de: {  	v13 =	vld.idx.msk [tilespmem:v10+s24+$0x0], $0xffff  }
0x1df: {  	v14 =	vld.idx.msk [tilespmem:v11+s26+$0x0], $0xffff;
	_ =	sdelay $0x1  }
0x1e0: {  	v15 =	vld [tilespmem:$0x4F0];
	_ =	sdelay $0x2  }
0x1e1: {  	v13 =	vadd.f32 v14, v13;
	_ =	sdelay $0x1  }
0x1e2: {  	v13 =	vadd.f32 v15, v13;
	_ =	sdelay $0x1  }
0x1e3: {  	v14 =	vmul.f32 $2.000000030e-01, v13;
	_ =	sdelay $0x1  }
0x1e4: {  	v13 =	vmax.f32 v13, v14  }
0x1e5: {  	v13 =	vmul.f32 $1.442695020e+00, v13;
	_ =	sdelay $0x1  }
0x1e6: {  	(erf) = vpow2.f32 v13;
	_ =	sdelay $0x4  }
0x1e7: {  	s2 =	simm.s32 $0x0  }
0x1e8: {  	v13 =	vmov s2;
	_ =	sdelay $0x2  }
0x1e9: {  	v14 =	vpop (erf)  }
0x1ea: {  	[tilespmem:$0x4A0] =	vst v14  }
0x1eb: {  	s19 =	simm.s32 $0x2350;
	v13 =	vld.idx.msk [tilespmem:v13+s1+$0x0], $0xffff  }
0x1ec: {  	v14 =	vld [tilespmem:s19+$0xFFFFFFB0];
	_ =	sdelay $0x4  }
0x1ed: {  	v14 =	vmul.f32 v14, v13  }
0x1ee: {  	s2 =	simm.s32 $0x6460  }
0x1ef: {  	[tilespmem:s2+$0xFFFFFFA0] =	vst v14  }
0x1f0: {  	v14 =	vld [tilespmem:s19+$0xFFFFFFC0];
	_ =	sdelay $0x4  }
0x1f1: {  	v14 =	vmul.f32 v14, v13;
	_ =	sdelay $0x1  }
0x1f2: {  	[tilespmem:s2+$0xFFFFFFB0] =	vst v14  }
0x1f3: {  	v14 =	vld [tilespmem:s19+$0xFFFFFFD0];
	_ =	sdelay $0x4  }
0x1f4: {  	v14 =	vmul.f32 v14, v13;
	_ =	sdelay $0x1  }
0x1f5: {  	[tilespmem:s2+$0xFFFFFFC0] =	vst v14  }
0x1f6: {  	v14 =	vld [tilespmem:s19+$0xFFFFFFE0];
	_ =	sdelay $0x4  }
0x1f7: {  	v14 =	vmul.f32 v14, v13;
	_ =	sdelay $0x1  }
0x1f8: {  	[tilespmem:s2+$0xFFFFFFD0] =	vst v14  }
0x1f9: {  	v14 =	vld [tilespmem:s19+$0xFFFFFFF0];
	_ =	sdelay $0x4  }
0x1fa: {  	v14 =	vmul.f32 v14, v13;
	_ =	sdelay $0x1  }
0x1fb: {  	[tilespmem:s2+$0xFFFFFFE0] =	vst v14  }
0x1fc: {  	v14 =	vld [tilespmem:s19+$0x0];
	_ =	sdelay $0x1  }
0x1fd: {  	s21 =	simm.s32 $0x50  }
0x1fe: {  	v15 =	vmov s21;
	_ =	sdelay $0x1  }
0x1ff: {  	v14 =	vmul.f32 v14, v13;
	_ =	sdelay $0x1  }
0x200: {  	[tilespmem:s2+$0xFFFFFFF0] =	vst v14  }
0x201: {  	v15 =	vld.idx.msk [tilespmem:v15+s1+$0x0], $0xffff;
	_ =	sdelay $0x1  }
0x202: {  	s21 =	simm.s32 $0x1  }
0x203: {  	s22 =	simm.s32 $0x2;
	v14 =	vmov s21  }
.LBB2_8:
0x204: {  	p1 =	sne.s32 s22, $0x4F  }
0x205: {  	v15 =	vsel vm0, v12, v15  }
0x206: {  	v13 =	vsel vm1, v13, v15  }
0x207: {  	[tilespmem:s2+$0x0] =	vst v13  }
0x208: {  	s19 =	sadd.s32 $0x60, s19;
	v13 =	vld.idx.msk [tilespmem:v14+s1+$0x0], $0xffff  }
0x209: {  	v14 =	vld [tilespmem:s19+$0xFFFFFFB0];
	_ =	sdelay $0x4  }
0x20a: {  	v14 =	vmul.f32 v14, v13  }
0x20b: {  	s2 =	sadd.s32 $0x70, s2  }
0x20c: {  	[tilespmem:s2+$0xFFFFFFA0] =	vst v14  }
0x20d: {  	v14 =	vld [tilespmem:s19+$0xFFFFFFC0];
	_ =	sdelay $0x4  }
0x20e: {  	v14 =	vmul.f32 v14, v13;
	_ =	sdelay $0x1  }
0x20f: {  	[tilespmem:s2+$0xFFFFFFB0] =	vst v14  }
0x210: {  	v14 =	vld [tilespmem:s19+$0xFFFFFFD0];
	_ =	sdelay $0x4  }
0x211: {  	v14 =	vmul.f32 v14, v13;
	_ =	sdelay $0x1  }
0x212: {  	[tilespmem:s2+$0xFFFFFFC0] =	vst v14  }
0x213: {  	v14 =	vld [tilespmem:s19+$0xFFFFFFE0];
	_ =	sdelay $0x4  }
0x214: {  	v14 =	vmul.f32 v14, v13;
	_ =	sdelay $0x1  }
0x215: {  	[tilespmem:s2+$0xFFFFFFD0] =	vst v14  }
0x216: {  	v14 =	vld [tilespmem:s19+$0xFFFFFFF0];
	_ =	sdelay $0x4  }
0x217: {  	v14 =	vmul.f32 v14, v13;
	_ =	sdelay $0x1  }
0x218: {  	[tilespmem:s2+$0xFFFFFFE0] =	vst v14  }
0x219: {  	v14 =	vld [tilespmem:s19+$0x0];
	_ =	sdelay $0x1  }
0x21a: {  	s23 =	sadd.s32 $0x50, s21;
	s21 =	smov.u32 s22  }
0x21b: {  	v15 =	vmov s23;
	_ =	sdelay $0x1  }
0x21c: {  	v14 =	vmul.f32 v14, v13;
	_ =	sdelay $0x1  }
0x21d: {  	[tilespmem:s2+$0xFFFFFFF0] =	vst v14  }
.Ltmp10:
0x21e: {  	v15 =	vld.idx.msk [tilespmem:v15+s1+$0x0], $0xffff;
	(pc) =	sbr.rel @p1 .LBB2_8-.Ltmp10, $2  }
0x21f: {  	_ =	sdelay $0x2  }
0x220: {  	s22 =	sadd.s32 $0x1, s22;
	v14 =	vmov s21  }
.Ltmp11:
0x221: {  	_ = 	snop;
	(pc) =	sbr.rel .LBB2_9-.Ltmp11, $1  }
0x222: {  	_ =	sdelay $0x3  }
.LBB2_16:
0x223: {  	_ =	sfence.sel $0x180000  }
0x224: {  	[bflag:$0x0] =	sbarrier.arrive $0xFFFF  }
0x225: {  	_ =	strace $0x9000004A  }
0x226: {  	s0 =	stileid.u32;
	[bflag:$0x2] =	sbarrier.arrive $0xFFFF  }
0x227: {  	p0 =	sne.s32 s0, $0x0;
	s0 =	rddreg [dreg:$0x2]  }
0x228: {  	s0 =	sadd.s32 @!p0 $0x100000, s0  }
0x229: {  	[sflag:s0] =	ssyncadd.tile.s32 @!p0 $0x1;
	_ =	shalt  }
.Lfunc_end2:
_tile_overlayer_lowered:
.L_overlay_start_2:
0x22a: {  	(tag) =	ssettag $0x2  }
0x22b: {  	s0 =	rddreg [dreg:$0x0];
	s2 =	stileid.u32  }
0x22c: {  	s1 =	rddreg [dreg:$0x1];
	p0 =	sne.s32 s2, $0x0  }
0x22d: {  	s3 =	rddreg [dreg:$0x2];
	[bflag:$0x3] =	sbarrier.arrive $0xFFFF;
	s2 =	simm.s32 @!p0 $0x1C08  }
0x22e: {  	[timem:s3], [sflag:s2] =	dma.local @!p0 [hbm:s0], s1  }
0x22f: {  	s0 =	simm.s32 @!p0 $0x8  }
0x230: {  	_ =	swait.ge @!p0 [sflag:s0], s1  }
0x231: {  	s1 =	ssub.s32 @!p0 $0x0, s1;
	[sflag:s0] =	ssyncset.done @!p0 $0x0  }
0x232: {  	[sflag:s0] =	ssyncadd.s32 @!p0 s1  }
0x233: {  	[bflag:$0x3] =	sbarrier.arrive $0xFFFF  }
0x234: {  	_ =	shalt  }

// kernel: kernel.7.cloned.1.call-start
scs
__scs_entry_jumppad:
0x0: {  	(pc) =	sbr.rel $0x88, $3  }
0x1: {  	(tag) =	ssettag $0x0;
	lr =	simm.s32 $0x1  }
0x2: {  	[smem:$0x3F97] =	sst lr;
	_ =	strace $0xD0000000  }
0x3: {  	_ = 	snop  }
0x4: {  	_ = 	snop  }
0x5: {  	_ = 	snop  }
0x6: {  	_ = 	snop  }
0x7: {  	_ = 	snop  }
__scs_overlays_trampoline_lowered:
0x8: {  	[smem:$0x3FA6] =	sst s0  }
0x9: {  	[smem:$0x3FA7] =	sst s1  }
0xa: {  	[smem:$0x3FA8] =	sst s2  }
0xb: {  	[smem:$0x3FA9] =	sst s3  }
0xc: {  	[smem:$0x3FAA] =	sst s4  }
0xd: {  	[smem:$0x3FAB] =	sst s5  }
0xe: {  	[smem:$0x3FAC] =	sst s6  }
0xf: {  	[smem:$0x3FAD] =	sst s7  }
0x10: {  	[smem:$0x3FAE] =	sst s8  }
0x11: {  	[smem:$0x3FAF] =	sst s9;
	s0 =	simm.s32 @!p0 $0x0  }
0x12: {  	s1 =	sld [smem:$0x3F95];
	s0 =	simm.s32 @p0 $0x1  }
0x13: {  	[smem:$0x3FB0] =	sst s0;
	s0 =	simm.s32 @!p1 $0x0  }
0x14: {  	s2 =	sld [smem:$0x3F94];
	s0 =	simm.s32 @p1 $0x1  }
0x15: {  	[smem:$0x3FB1] =	sst s0;
	s0 =	simm.s32 @!p2 $0x0  }
0x16: {  	s3 =	sld [smem:$0x3FDB];
	s0 =	simm.s32 @p2 $0x1  }
0x17: {  	s4 =	simm.s32 $0x1BF5;
	[smem:$0x3FB3] =	sst s0  }
0x18: {  	s0 =	sld [smem:$0x3F96];
	_ =	swait.ge [sflag:s4], $0x0  }
0x19: {  	s7 =	sld [smem:$0x3F97]  }
0x1a: {  	s8 =	sadd.s32 $0xFFFFE003, lr  }
0x1b: {  	s9 =	sadd.s32 $0xFFFFFEF7, lr;
	s5 =	simm.s32 $0xFFFFFFFF;
	p2 =	slt.u32 s8, $0xFFFFF086  }
0x1c: {  	p1 =	slt.u32 s9, $0xF7A;
	s5 =	simm.s32 @!p2 $0x0  }
0x1d: {  	s5 =	simm.s32 @p1 $0x1;
	p0 =	seq.s32 s7, s2  }
0x1e: {  	s7 =	smul.u32 @!p0 $0xF7A, s2;
	p2 =	seq.s32 @!p0 s5, $0x0  }
0x1f: {  	s9 =	smul.u32 $0xF7A, s1;
	s8 =	simm.s32 @!p0 $0x1BF5;
	p2 =	por !p2, p0  }
0x20: {  	[sflag:s8] =	ssyncset.s32 @!p0 $0xFFFFF086;
	s6 =	sadd.s32 @!p0 s3, s7;
	s7 =	simm.s32 @!p0 $0x108  }
0x21: {  	s3 =	sadd.s32 s3, s9;
	s6 =	sadd.s32 @!p0 $0x88, s6;
	s7 =	simm.s32 @p2 $0x1082  }
0x22: {  	[simem:s7], [sflag:s8] =	dma.local @!p0 [hbm:s6], $0xF7A  }
0x23: {  	s9 =	sor.u32 $0xD0000000, s2;
	s6 =	simm.s32 $0x108;
	_ =	swait.ge @!p0 [sflag:s8], $0x0  }
0x24: {  	s3 =	sadd.s32 $0x88, s3;
	s6 =	simm.s32 @!p1 $0x1082;
	[sflag:s4] =	ssyncset.s32 $0xFFFFF086  }
0x25: {  	[simem:s6], [sflag:s4] =	dma.local [hbm:s3], $0xF7A  }
0x26: {  	[smem:$0x3F97] =	sst s1;
	(tag) =	ssettag s2;
	_ =	strace s9  }
0x27: {  	s1 =	sld [smem:$0x3FA7]  }
0x28: {  	s2 =	sld [smem:$0x3FA8]  }
0x29: {  	s4 =	sld [smem:$0x3FAA]  }
0x2a: {  	p0 =	seq.s32 s5, $0x0;
	s5 =	sld [smem:$0x3FAB]  }
0x2b: {  	s6 =	sld [smem:$0x3FAC]  }
0x2c: {  	s7 =	sld [smem:$0x3FAD]  }
0x2d: {  	s3 =	simm.s32 $0x108;
	s8 =	sld [smem:$0x3FAE]  }
0x2e: {  	s3 =	simm.s32 @!p0 $0x1082;
	s9 =	sld [smem:$0x3FAF]  }
0x2f: {  	lr =	sadd.s32 s0, s3;
	s0 =	sld [smem:$0x3FA6]  }
0x30: {  	s3 =	sld [smem:$0x3FA9]  }
0x31: {  	[smem:$0x3FB2] =	sst s10  }
0x32: {  	s10 =	sld [smem:$0x3FB0];
	_ =	sdelay $0x3  }
0x33: {  	p0 =	seq.s32 s10, $0x1;
	s10 =	sld [smem:$0x3FB2];
	_ =	sdelay $0x3  }
0x34: {  	[smem:$0x3FB2] =	sst s10  }
0x35: {  	s10 =	sld [smem:$0x3FB1];
	_ =	sdelay $0x3  }
0x36: {  	p1 =	seq.s32 s10, $0x1;
	s10 =	sld [smem:$0x3FB2];
	_ =	sdelay $0x3  }
0x37: {  	[smem:$0x3FB2] =	sst s10  }
0x38: {  	s10 =	sld [smem:$0x3FB3]  }
0x39: {  	_ = 	snop;
	(pc) =	sbr.ind lr, $3  }
0x3a: {  	_ = 	snop  }
0x3b: {  	_ = 	snop  }
0x3c: {  	p2 =	seq.s32 s10, $0x1;
	s10 =	sld [smem:$0x3FB2]  }
0x3d: {  	_ =	shalt  }
0x3e: {  	_ =	shalt  }
0x3f: {  	_ =	shalt  }
0x40: {  	_ =	shalt  }
0x41: {  	_ =	shalt  }
0x42: {  	_ =	shalt  }
0x43: {  	_ =	shalt  }
0x44: {  	_ =	shalt  }
0x45: {  	_ =	shalt  }
0x46: {  	_ =	shalt  }
0x47: {  	_ =	shalt  }
0x48: {  	_ =	shalt  }
0x49: {  	_ =	shalt  }
0x4a: {  	_ =	shalt  }
0x4b: {  	_ =	shalt  }
0x4c: {  	_ =	shalt  }
0x4d: {  	_ =	shalt  }
0x4e: {  	_ =	shalt  }
0x4f: {  	_ =	shalt  }
0x50: {  	_ =	shalt  }
0x51: {  	_ =	shalt  }
0x52: {  	_ =	shalt  }
0x53: {  	_ =	shalt  }
0x54: {  	_ =	shalt  }
0x55: {  	_ =	shalt  }
0x56: {  	_ =	shalt  }
0x57: {  	_ =	shalt  }
0x58: {  	_ =	shalt  }
0x59: {  	_ =	shalt  }
0x5a: {  	_ =	shalt  }
0x5b: {  	_ =	shalt  }
0x5c: {  	_ =	shalt  }
0x5d: {  	_ =	shalt  }
0x5e: {  	_ =	shalt  }
0x5f: {  	_ =	shalt  }
0x60: {  	_ =	shalt  }
0x61: {  	_ =	shalt  }
0x62: {  	_ =	shalt  }
0x63: {  	_ =	shalt  }
0x64: {  	_ =	shalt  }
0x65: {  	_ =	shalt  }
0x66: {  	_ =	shalt  }
0x67: {  	_ =	shalt  }
0x68: {  	_ =	shalt  }
0x69: {  	_ =	shalt  }
0x6a: {  	_ =	shalt  }
0x6b: {  	_ =	shalt  }
0x6c: {  	_ =	shalt  }
0x6d: {  	_ =	shalt  }
0x6e: {  	_ =	shalt  }
0x6f: {  	_ =	shalt  }
0x70: {  	_ =	shalt  }
0x71: {  	_ =	shalt  }
0x72: {  	_ =	shalt  }
0x73: {  	_ =	shalt  }
0x74: {  	_ =	shalt  }
0x75: {  	_ =	shalt  }
0x76: {  	_ =	shalt  }
0x77: {  	_ =	shalt  }
0x78: {  	_ =	shalt  }
0x79: {  	_ =	shalt  }
0x7a: {  	_ =	shalt  }
0x7b: {  	_ =	shalt  }
0x7c: {  	_ =	shalt  }
0x7d: {  	_ =	shalt  }
0x7e: {  	_ =	shalt  }
0x7f: {  	_ =	shalt  }
0x80: {  	_ =	shalt  }
0x81: {  	_ =	shalt  }
0x82: {  	_ =	shalt  }
0x83: {  	_ =	shalt  }
0x84: {  	_ =	shalt  }
0x85: {  	_ =	shalt  }
0x86: {  	_ =	shalt  }
0x87: {  	_ =	shalt  }
.Lfunc_end0:
.L_simem_size_0:
called_computation_lowered:
.L_overlay_start_0:
0x88: {  	s2 =	sld [smem:$0x3FD9]  }
0x89: {  	s3 =	sld [smem:$0x3FFE];
	_ =	sdelay $0x1  }
0x8a: {  	s1 =	srdreg.scid  }
0x8b: {  	s0 =	sand.u32 $0x1, s1  }
0x8c: {  	s16 =	sshll.u32 s0, $0xA;
	s2 =	sadd.s32 s3, s2  }
0x8d: {  	s2 =	sadd.s32 s2, s16  }
0x8e: {  	[smem:$0x3FBE] =	sst s2  }
0x8f: {  	_ = 	snop  }
0x90: {  	(tm) =	ssettm $0x1  }
0x91: {  	s17 =	sld [smem:$0x3FFB];
	_ =	sdelay $0x3  }
0x92: {  	_ =	strace s17  }
0x93: {  	s2 =	sld [smem:$0x3FFC];
	_ =	sdelay $0x3  }
0x94: {  	_ =	strace s2  }
0x95: {  	s2 =	sld [smem:$0x3FFD];
	_ =	sdelay $0x3  }
0x96: {  	_ =	strace s2  }
0x97: {  	_ =	strace $0x8FFFFFFF  }
0x98: {  	s18 =	sld [smem:$0x3FDB];
	_ =	sdelay $0x1  }
0x99: {  	s19 =	simm.s32 $_scs_section_size  }
0x9a: {  	s4 =	simm.s32 $_size__tile_overlayer_lowered;
	s5 =	simm.s32 $_tile_overlayer_lowered  }
0x9b: {  	s22 =	simm.s32 $0x1BFF;
	s21 =	sshll.u32 s5, $0x1;
	s2 =	sadd.s32 s19, s18  }
0x9c: {  	s6 =	simm.s32 $0x0;
	s20 =	sshll.u32 s4, $0x1;
	s4 =	sadd.s32 s21, s2  }
0x9d: {  	[timem:s6], [sflag:s22] =	dma.local [hbm:s4], s20  }
0x9e: {  	_ =	swait.ge [sflag:s22], s20  }
0x9f: {  	s3 =	ssub.s32 $0x0, s20;
	[sflag:s22] =	ssyncset.done $0x0  }
0xa0: {  	[sflag:s22] =	ssyncadd.s32 s3;
	_ =	sdelay $0x1  }
0xa1: {  	s23 =	simm.s32 $0x1B8B  }
0xa2: {  	_ =	swait.ge [sflag:s23], $0x1  }
0xa3: {  	[sflag:s23] =	ssyncset.done $0x0  }
0xa4: {  	s25 =	simm.s32 $0x1B8E;
	s24 =	sld [smem:$0x3FFE];
	[sflag:s23] =	ssyncadd.s32 $0xFFFFFFFF  }
0xa5: {  	s26 =	simm.s32 $execute0_lowered;
	[smem:$0x3FD2] =	sst s25  }
0xa6: {  	s4 =	sshll.u32 s26, $0x1;
	_ =	strace $0x80000046;
	[dreg:$0x1] =	wrdreg $0xFFFFFFFF  }
0xa7: {  	s28 =	simm.s32 $_size_execute0_lowered;
	s2 =	sadd.s32 s2, s4;
	[dreg:$0x0] =	wrdreg $0x0  }
0xa8: {  	s4 =	sshll.u32 s28, $0x1;
	[dreg:$0x2] =	wrdreg s2  }
0xa9: {  	[dreg:$0x3] =	wrdreg s4  }
0xaa: {  	[dreg:$0x4] =	wrdreg $0xC0  }
0xab: {  	_ =	task [dreg:s6], $0x5FFFF  }
0xac: {  	[dreg:$0x1] =	wrdreg $0xFFFFFFFF  }
0xad: {  	[dreg:$0x0] =	wrdreg $0x60  }
0xae: {  	[dreg:$0x2] =	wrdreg s24  }
0xaf: {  	[dreg:$0x3] =	wrdreg $0x9B000  }
0xb0: {  	[dreg:$0x4] =	wrdreg $0x9  }
0xb1: {  	_ =	task.clear_ibuf [dreg:s6], $0x5FFFF;
	_ =	strace $0x90000046  }
0xb2: {  	s29 =	simm.s32 $0x9;
	_ =	strace $0x80000048  }
0xb3: {  	_ =	swait.ge [sflag:s29], $0x1  }
0xb4: {  	[sflag:s29] =	ssyncadd.s32 $0xFFFFFFFF  }
0xb5: {  	_ =	strace $0x90000048  }
0xb6: {  	_ =	sfence  }
0xb7: {  	s30 =	sld [smem:$0x0];
	_ =	sdelay $0x2  }
0xb8: {  	s31 =	sshll.u32 s1, $0xD;
	s1 =	sshrl.u32 s1, $0x2  }
0xb9: {  	s3 =	sand.u32 $0x4000, s31;
	s1 =	sadd.s32 s1, s30  }
0xba: {  	s0 =	sor.u32 s3, s0;
	s1 =	sshll.u32 s1, $0x11  }
0xbb: {  	s0 =	sor.u32 s1, s0  }
0xbc: {  	s0 =	sadd.s32 $0x8F2B, s0  }
0xbd: {  	[sflag:s0] =	ssyncadd.remote.s32 $0x1  }
0xbe: {  	_ =	sfence.sel $0xFFFF  }
0xbf: {  	[dreg:$0x0] =	wrdreg $0xFFFFFFFF;
	(pc) =	sbr.abs _section_cstart, $3  }
0xc0: {  	[dreg:$0x1] =	wrdreg $0xFFFFFFFF  }
0xc1: {  	_ =	task.clear_ibuf [dreg:s6], $0x2FFFF;
	_ =	strace $0x9FFFFFFF  }
0xc2: {  	(tm) =	ssettm $0x7FFFFFFF  }
0xc3: {  	_ =	shalt  }
tec
execute0_lowered:
.L_overlay_start_1:
0x0: {  	(tag) =	ssettag $0x1  }
0x1: {  	s0 =	srdreg.scid;
	s6 =	rddreg [dreg:$0x0];
	s1 =	simm.s32 $0x0  }
0x2: {  	s16 =	stileid.u32;
	s28 =	simm.s32 $0x1E0;
	s29 =	simm.s32 $0x500  }
0x3: {  	s30 =	simm.s32 $0x280;
	s31 =	simm.s32 $0x3;
	s0 =	sand.u32 $0x1, s0  }
0x4: {  	[smem:$0x7FF] =	sst s1;
	s4 =	sor.u32 $0x10, s16;
	s7 =	smul.u32 $0x111700, s0  }
0x5: {  	s18 =	sor.u32 $0x40, s16;
	s2 =	ssub.s32 $0x2, s0;
	s11 =	smul.u32 $0x8C00, s4  }
0x6: {  	s8 =	sadd.s32 $0xFEA00, s6;
	s22 =	smul.u32 $0x2300, s18;
	s3 =	sshrl.u32 s2, $0x1  }
0x7: {  	s15 =	sor.u32 $0x20, s16;
	s10 =	ssub.s32 s2, s3;
	s2 =	smul.u32 $0x2300, s16  }
0x8: {  	s17 =	sor.u32 $0x30, s16;
	s19 =	sor.u32 $0x50, s16;
	s3 =	smul.u32 $0x2300, s4  }
0x9: {  	s20 =	sor.u32 $0x60, s16;
	s21 =	sor.u32 $0x70, s16;
	s4 =	smul.u32 $0x2300, s15  }
0xa: {  	s23 =	smul.u32 $0x2300, s19;
	s5 =	sadd.s32 s7, s2;
	s12 =	sadd.s32 s7, s3  }
0xb: {  	s26 =	sadd.s32 s7, s4;
	s9 =	sshrl.u32 s5, $0x3;
	s5 =	smul.u32 $0x2300, s17  }
0xc: {  	s25 =	sshrl.u32 s12, $0x3;
	s12 =	sshrl.u32 s26, $0x3;
	s26 =	sadd.s32 s7, s23  }
0xd: {  	s9 =	sadd.s32 s8, s9;
	s14 =	sadd.s32 s8, s12;
	s12 =	sshrl.u32 s26, $0x3  }
0xe: {  	s26 =	smul.u32 $0xEA6, s16;
	[dreg:$0x3] =	wrdreg s9;
	s13 =	sadd.s32 s7, s5  }
0xf: {  	s9 =	sadd.s32 s8, s25;
	[dreg:$0x5] =	wrdreg s14;
	s25 =	sadd.s32 s7, s22  }
0x10: {  	s12 =	sadd.s32 s8, s12;
	s13 =	sshrl.u32 s13, $0x3;
	[dreg:$0x4] =	wrdreg s9  }
0x11: {  	s9 =	sshrl.u32 s25, $0x3;
	[dreg:$0x8] =	wrdreg s12;
	s24 =	sadd.s32 s8, s13  }
0x12: {  	s25 =	smul.u32 $0x2300, s21;
	s9 =	sadd.s32 s8, s9;
	[dreg:$0x6] =	wrdreg s24  }
0x13: {  	p0 =	sgt.u32 s21, $0x7C;
	s24 =	smul.u32 $0x2300, s20;
	[dreg:$0x7] =	wrdreg s9  }
0x14: {  	v1 =	vmov s0;
	s0 =	simm.s32 $0x460;
	s9 =	rddreg [dreg:$0x1];
	s20 =	smul.u32 $0x8C00, s20  }
0x15: {  	s2 =	sadd.s32 s2, s9;
	s3 =	sadd.s32 s3, s9;
	s13 =	sadd.s32 s7, s24  }
0x16: {  	s4 =	sadd.s32 s4, s9;
	s7 =	sadd.s32 s7, s25;
	s14 =	sshrl.u32 s13, $0x3  }
0x17: {  	s5 =	sadd.s32 s5, s9;
	s7 =	sshrl.u32 s7, $0x3;
	s12 =	sadd.s32 s8, s14  }
0x18: {  	s2 =	sshrl.u32 s2, $0x3;
	s7 =	sadd.s32 s8, s7;
	[dreg:$0x9] =	wrdreg s12  }
0x19: {  	s8 =	smul.u32 $0x7D, s16;
	[dreg:$0xa] =	wrdreg s7;
	s12 =	sadd.s32 $0x600, s6  }
0x1a: {  	s13 =	sadd.s32 $0x84600, s6;
	_ =	strace $0x80000047;
	s7 =	sadd.s32 s12, s26  }
0x1b: {  	s26 =	smul.u32 $0x8C00, s16;
	s16 =	sadd.s32 $0x1, s8;
	s8 =	smax.u32 s10, $0x1  }
0x1c: {  	s10 =	smul.u32 $0x8C00, s15;
	s15 =	sshrl.u32 s11, $0x2;
	[dreg:$0x15] =	wrdreg s2  }
0x1d: {  	[dreg:$0xb] =	wrdreg s7;
	s11 =	sadd.s32 s15, s9;
	s15 =	smul.u32 $0x8C00, s18  }
0x1e: {  	s14 =	sadd.s32 $0xF9A00, s6;
	[dreg:$0xc] =	wrdreg s8;
	s18 =	smul.u32 $0x8C00, s19  }
0x1f: {  	s8 =	simm.s32 $0x5;
	s6 =	sshrl.u32 s26, $0x2;
	s26 =	smul.u32 $0x8C00, s17  }
0x20: {  	[dreg:$0xe] =	wrdreg s11;
	s7 =	sshrl.u32 s10, $0x2;
	s10 =	sadd.s32 s25, s9  }
0x21: {  	s6 =	sadd.s32 s6, s9;
	s7 =	sadd.s32 s7, s9;
	s11 =	sshrl.u32 s18, $0x2  }
0x22: {  	s18 =	sadd.s32 s22, s9;
	s22 =	sshrl.u32 s4, $0x3;
	s2 =	sshrl.u32 @!p0 s10, $0x3  }
0x23: {  	s4 =	simm.s32 $0x8;
	s10 =	simm.s32 $0x9100;
	[dreg:$0xd] =	wrdreg s6  }
0x24: {  	s17 =	sshrl.u32 s26, $0x2;
	[dreg:$0xf] =	wrdreg s7;
	s6 =	sshrl.u32 s15, $0x2  }
0x25: {  	s26 =	smul.u32 $0x8C00, s21;
	s7 =	sshrl.u32 s20, $0x2;
	[dreg:$0x17] =	wrdreg s22  }
0x26: {  	s20 =	sadd.s32 s24, s9;
	s21 =	sshrl.u32 s3, $0x3;
	[dreg:$0x1c] =	wrdreg s2  }
0x27: {  	s24 =	sshrl.u32 s18, $0x3;
	s3 =	simm.s32 $0x4100;
	[dreg:$0x16] =	wrdreg s21  }
0x28: {  	s19 =	sadd.s32 s17, s9;
	s6 =	sadd.s32 s6, s9;
	[dreg:$0x19] =	wrdreg s24  }
0x29: {  	s15 =	sadd.s32 s7, s9;
	s7 =	simm.s32 $0x8700;
	[dreg:$0x10] =	wrdreg s19  }
0x2a: {  	s24 =	simm.s32 $0x8C00;
	[dreg:$0x11] =	wrdreg s6;
	s6 =	sadd.s32 s11, s9  }
0x2b: {  	[dreg:$0x13] =	wrdreg s15;
	s17 =	sshrl.u32 s26, $0x2;
	s19 =	sadd.s32 s23, s9  }
0x2c: {  	v0 =	vlaneseq.u32;
	s23 =	sshrl.u32 s5, $0x3;
	s26 =	sshrl.u32 s20, $0x3;
	s5 =	simm.s32 $0x2  }
.Ltmp0:
0x2d: {  	v2 =	vimm.f32 $0.0e+00;
	vm0 =	vcmask $0xB08;
	v0 =	vmul.u32 $0x10, v0;
	s11 =	simm.s32 $0x3C0;
	[dreg:$0x12] =	wrdreg s6;
	(pc) =	sbr.rel .LBB2_1-.Ltmp0, $4  }
0x2e: {  	vm1 =	vmmov $0x1;
	v12 =	vsel vm0, $0x3F800000, v2;
	vm0 =	vcmask $0x3F08;
	s15 =	simm.s32 $0x50;
	s20 =	simm.s32 $0x1;
	[dreg:$0x18] =	wrdreg s23  }
0x2f: {  	v3 =	vor.u32 $0x1, v0;
	v4 =	vor.u32 $0x100, v0;
	v5 =	vor.u32 $0x101, v0;
	s6 =	sadd.s32 s17, s9;
	s25 =	sshrl.u32 s19, $0x3;
	[dreg:$0x1b] =	wrdreg s26  }
0x30: {  	v6 =	vor.u32 $0x200, v0;
	v7 =	vor.u32 $0x201, v0;
	v8 =	vor.u32 $0x300, v0;
	s17 =	simm.s32 $0x320;
	s26 =	simm.s32 $0x9600;
	[dreg:$0x14] =	wrdreg s6  }
0x31: {  	v9 =	vor.u32 $0x301, v0;
	v10 =	vor.u32 $0x400, v0;
	v11 =	vor.u32 $0x401, v0;
	[dreg:$0x1a] =	wrdreg s25;
	s6 =	simm.s32 $0x4;
	s25 =	simm.s32 $0x370  }
.LBB2_15:
0x32: {  	s2 =	simm.s32 $0x6  }
0x33: {  	_ =	swait.ge [sflag:s2], $0x2300  }
0x34: {  	[sflag:s2] =	ssyncset.done $0x0  }
0x35: {  	s19 =	simm.s32 $0x7;
	[sflag:s2] =	ssyncadd.s32 $0xFFFFDD00  }
0x36: {  	_ =	swait.ge [sflag:s19], $0x2300  }
0x37: {  	[sflag:s19] =	ssyncset.done $0x0  }
0x38: {  	[sflag:s19] =	ssyncadd.s32 $0xFFFFDD00  }
0x39: {  	s21 =	stileid.u32;
	[bflag:$0x0] =	sbarrier.arrive $0xFFFF  }
0x3a: {  	s2 =	sshll.u32 s21, $0x6;
	s18 =	rddreg [dreg:$0x3]  }
0x3b: {  	s2 =	sor.u32 $0x1C08, s2;
	s19 =	rddreg [dreg:$0x15]  }
0x3c: {  	[hbm:s18], [sflag:s2] =	dma.local [spmem:s19], $0x460  }
0x3d: {  	_ =	swait.ge [sflag:s4], $0x460  }
0x3e: {  	[sflag:s4] =	ssyncset.done $0x0;
	s22 =	rddreg [dreg:$0x4]  }
0x3f: {  	s23 =	rddreg [dreg:$0x16];
	[sflag:s4] =	ssyncadd.s32 $0xFFFFFBA0  }
0x40: {  	[hbm:s22], [sflag:s2] =	dma.local [spmem:s23], $0x460  }
0x41: {  	_ =	swait.ge [sflag:s4], $0x460  }
0x42: {  	[sflag:s4] =	ssyncset.done $0x0;
	s19 =	rddreg [dreg:$0x5]  }
0x43: {  	s21 =	rddreg [dreg:$0x17];
	[sflag:s4] =	ssyncadd.s32 $0xFFFFFBA0  }
0x44: {  	[hbm:s19], [sflag:s2] =	dma.local [spmem:s21], $0x460  }
0x45: {  	_ =	swait.ge [sflag:s4], $0x460  }
0x46: {  	[sflag:s4] =	ssyncset.done $0x0;
	s22 =	rddreg [dreg:$0x6]  }
0x47: {  	s23 =	rddreg [dreg:$0x18];
	[sflag:s4] =	ssyncadd.s32 $0xFFFFFBA0  }
0x48: {  	[hbm:s22], [sflag:s2] =	dma.local [spmem:s23], $0x460  }
0x49: {  	_ =	swait.ge [sflag:s4], $0x460  }
0x4a: {  	[sflag:s4] =	ssyncset.done $0x0;
	s19 =	rddreg [dreg:$0x7]  }
0x4b: {  	s21 =	rddreg [dreg:$0x19];
	[sflag:s4] =	ssyncadd.s32 $0xFFFFFBA0  }
0x4c: {  	[hbm:s19], [sflag:s2] =	dma.local [spmem:s21], $0x460  }
0x4d: {  	_ =	swait.ge [sflag:s4], $0x460  }
0x4e: {  	[sflag:s4] =	ssyncset.done $0x0;
	s22 =	rddreg [dreg:$0x8]  }
0x4f: {  	s23 =	rddreg [dreg:$0x1a];
	[sflag:s4] =	ssyncadd.s32 $0xFFFFFBA0  }
0x50: {  	[hbm:s22], [sflag:s2] =	dma.local [spmem:s23], $0x460  }
0x51: {  	_ =	swait.ge [sflag:s4], $0x460  }
0x52: {  	[sflag:s4] =	ssyncset.done $0x0;
	s21 =	rddreg [dreg:$0x9]  }
0x53: {  	s22 =	rddreg [dreg:$0x1b];
	[sflag:s4] =	ssyncadd.s32 $0xFFFFFBA0  }
0x54: {  	[hbm:s21], [sflag:s2] =	dma.local [spmem:s22], $0x460  }
0x55: {  	_ =	swait.ge [sflag:s4], $0x460  }
0x56: {  	[sflag:s4] =	ssyncset.done $0x0;
	s18 =	rddreg [dreg:$0xa]  }
0x57: {  	s19 =	rddreg [dreg:$0x1c];
	[sflag:s4] =	ssyncadd.s32 $0xFFFFFBA0  }
0x58: {  	[hbm:s18], [sflag:s2] =	dma.local @!p0 [spmem:s19], $0x460  }
0x59: {  	s2 =	simm.s32 @!p0 $0x8  }
0x5a: {  	_ =	swait.ge @!p0 [sflag:s2], $0x460  }
0x5b: {  	s1 =	sadd.s32 $0x1, s1;
	s23 =	rddreg [dreg:$0xc]  }
0x5c: {  	p1 =	sne.s32 s1, s23  }
.Ltmp1:
0x5d: {  	_ = 	snop;
	(pc) =	sbr.rel @!p1 .LBB2_16-.Ltmp1, $3  }
0x5e: {  	_ =	sdelay $0x1  }
0x5f: {  	[sflag:s2] =	ssyncset.done @!p0 $0x0  }
0x60: {  	[sflag:s2] =	ssyncadd.s32 @!p0 $0xFFFFFBA0  }
.LBB2_1:
0x61: {  	s2 =	simm.s32 $0x0;
	s18 =	simm.s32 $0x1C0  }
.LBB2_2:
0x62: {  	p1 =	sne.s32 s18, $0x8A40;
	[tilespmem:s2+$0x4160] =	vst v2  }
0x63: {  	[tilespmem:s2+$0x4100] =	vst v2  }
.Ltmp2:
0x64: {  	[tilespmem:s2+$0x4110] =	vst v2;
	(pc) =	sbr.rel @p1 .LBB2_2-.Ltmp2, $4  }
0x65: {  	[tilespmem:s2+$0x4120] =	vst v2  }
0x66: {  	[tilespmem:s2+$0x4130] =	vst v2  }
0x67: {  	[tilespmem:s2+$0x4140] =	vst v2  }
0x68: {  	[tilespmem:s2+$0x4150] =	vst v2;
	s2 =	sshra.s32 s18, $0x2;
	s18 =	sadd.s32 $0x1C0, s18  }
0x69: {  	[tilespmem:s2+$0x4160] =	vst v2  }
0x6a: {  	[tilespmem:s2+$0x4100] =	vst v2  }
0x6b: {  	[tilespmem:s2+$0x4110] =	vst v2  }
0x6c: {  	[tilespmem:s2+$0x4120] =	vst v2  }
0x6d: {  	[tilespmem:s2+$0x4130] =	vst v2  }
0x6e: {  	[tilespmem:s2+$0x4140] =	vst v2  }
0x6f: {  	[tilespmem:s2+$0x4150] =	vst v2;
	s21 =	rddreg [dreg:$0xd]  }
0x70: {  	[spmem:s21] =	stream.linear.scatter [tilespmem:s3], [sflag:$0x8], $0x2300, $0x38;
	[tilespmem:$0x1AC70] =	vst v63  }
0x71: {  	_ =	swait.ge [sflag:s4], $0x2300  }
0x72: {  	[sflag:s4] =	ssyncset.done $0x0  }
0x73: {  	s22 =	rddreg [dreg:$0xe];
	[sflag:s4] =	ssyncadd.s32 $0xFFFFDD00  }
0x74: {  	[spmem:s22] =	stream.linear.scatter [tilespmem:s3], [sflag:$0x8], $0x2300, $0x38;
	[tilespmem:$0x1AC70] =	vst v63  }
0x75: {  	_ =	swait.ge [sflag:s4], $0x2300  }
0x76: {  	[sflag:s4] =	ssyncset.done $0x0  }
0x77: {  	s23 =	rddreg [dreg:$0xf];
	[sflag:s4] =	ssyncadd.s32 $0xFFFFDD00  }
0x78: {  	[spmem:s23] =	stream.linear.scatter [tilespmem:s3], [sflag:$0x8], $0x2300, $0x38;
	[tilespmem:$0x1AC70] =	vst v63  }
0x79: {  	_ =	swait.ge [sflag:s4], $0x2300  }
0x7a: {  	[sflag:s4] =	ssyncset.done $0x0  }
0x7b: {  	s18 =	rddreg [dreg:$0x10];
	[sflag:s4] =	ssyncadd.s32 $0xFFFFDD00  }
0x7c: {  	[spmem:s18] =	stream.linear.scatter [tilespmem:s3], [sflag:$0x8], $0x2300, $0x38;
	[tilespmem:$0x1AC70] =	vst v63  }
0x7d: {  	_ =	swait.ge [sflag:s4], $0x2300  }
0x7e: {  	[sflag:s4] =	ssyncset.done $0x0  }
0x7f: {  	s19 =	rddreg [dreg:$0x11];
	[sflag:s4] =	ssyncadd.s32 $0xFFFFDD00  }
0x80: {  	[spmem:s19] =	stream.linear.scatter [tilespmem:s3], [sflag:$0x8], $0x2300, $0x38;
	[tilespmem:$0x1AC70] =	vst v63  }
0x81: {  	_ =	swait.ge [sflag:s4], $0x2300  }
0x82: {  	[sflag:s4] =	ssyncset.done $0x0  }
0x83: {  	s21 =	rddreg [dreg:$0x12];
	[sflag:s4] =	ssyncadd.s32 $0xFFFFDD00  }
0x84: {  	[spmem:s21] =	stream.linear.scatter [tilespmem:s3], [sflag:$0x8], $0x2300, $0x38;
	[tilespmem:$0x1AC70] =	vst v63  }
0x85: {  	_ =	swait.ge [sflag:s4], $0x2300  }
0x86: {  	[sflag:s4] =	ssyncset.done $0x0  }
0x87: {  	s22 =	rddreg [dreg:$0x13];
	[sflag:s4] =	ssyncadd.s32 $0xFFFFDD00  }
0x88: {  	[spmem:s22] =	stream.linear.scatter [tilespmem:s3], [sflag:$0x8], $0x2300, $0x38;
	[tilespmem:$0x1AC70] =	vst v63  }
0x89: {  	_ =	swait.ge [sflag:s4], $0x2300  }
0x8a: {  	[sflag:s4] =	ssyncset.done $0x0  }
0x8b: {  	s2 =	simm.s32 @!p0 $0x4100;
	s18 =	rddreg [dreg:$0x14];
	[sflag:s4] =	ssyncadd.s32 $0xFFFFDD00  }
0x8c: {  	[spmem:s18] =	stream.linear.scatter @!p0 [tilespmem:s2], [sflag:$0x8], $0x2300, $0x38;
	[tilespmem:$0x1AC70] =	vst v63  }
0x8d: {  	s2 =	simm.s32 @!p0 $0x8  }
0x8e: {  	_ =	swait.ge @!p0 [sflag:s2], $0x2300  }
.Ltmp3:
0x8f: {  	[sflag:s2] =	ssyncset.done @!p0 $0x0;
	(pc) =	sbr.rel .LBB2_4-.Ltmp3, $4  }
0x90: {  	[sflag:s2] =	ssyncadd.s32 @!p0 $0xFFFFDD00  }
0x91: {  	[bflag:$0x0] =	sbarrier.arrive $0xFFFF  }
0x92: {  	s18 =	simm.s32 $0x0;
	s23 =	rddreg [dreg:$0xb]  }
0x93: {  	[tilespmem:s18], [sflag:$0x1] =	stream.linear.gather [hbm4b:s23+s18], $0xF0, $0x38;
	[tilespmem:$0x1AC70] =	vst v63  }
.LBB2_9:
0x94: {  	_ = 	snop  }
0x95: {  	v15 =	vsel vm0, v12, v15  }
0x96: {  	v13 =	vsel vm1, v13, v15  }
0x97: {  	[tilespmem:s2+$0x0] =	vst v13  }
0x98: {  	s19 =	sadd.s32 $0x60, s19;
	v13 =	vld.idx.msk [tilespmem:v14+s0+$0x0], $0xffff  }
0x99: {  	v14 =	vld [tilespmem:s19+$0xFFFFFFB0];
	_ =	sdelay $0x4  }
0x9a: {  	v14 =	vmul.f32 v14, v13  }
0x9b: {  	s23 =	sadd.s32 $0x70, s2  }
0x9c: {  	[tilespmem:s23+$0xFFFFFFA0] =	vst v14  }
0x9d: {  	v14 =	vld [tilespmem:s19+$0xFFFFFFC0];
	_ =	sdelay $0x4  }
0x9e: {  	v14 =	vmul.f32 v14, v13;
	_ =	sdelay $0x1  }
0x9f: {  	[tilespmem:s23+$0xFFFFFFB0] =	vst v14  }
0xa0: {  	v14 =	vld [tilespmem:s19+$0xFFFFFFD0];
	_ =	sdelay $0x4  }
0xa1: {  	v14 =	vmul.f32 v14, v13;
	_ =	sdelay $0x1  }
0xa2: {  	[tilespmem:s23+$0xFFFFFFC0] =	vst v14  }
0xa3: {  	v14 =	vld [tilespmem:s19+$0xFFFFFFE0];
	_ =	sdelay $0x4  }
0xa4: {  	v14 =	vmul.f32 v14, v13;
	_ =	sdelay $0x1  }
0xa5: {  	[tilespmem:s23+$0xFFFFFFD0] =	vst v14  }
0xa6: {  	v14 =	vld [tilespmem:s19+$0xFFFFFFF0];
	_ =	sdelay $0x4  }
0xa7: {  	v14 =	vmul.f32 v14, v13;
	_ =	sdelay $0x1  }
0xa8: {  	[tilespmem:s23+$0xFFFFFFE0] =	vst v14  }
0xa9: {  	v14 =	vld [tilespmem:s19+$0x0];
	_ =	sdelay $0x1  }
0xaa: {  	s22 =	sadd.s32 $0x50, s21  }
0xab: {  	v15 =	vmov s22;
	_ =	sdelay $0x1  }
0xac: {  	v14 =	vmul.f32 v14, v13;
	_ =	sdelay $0x1  }
0xad: {  	[tilespmem:s23+$0xFFFFFFF0] =	vst v14  }
0xae: {  	v14 =	vld.idx.msk [tilespmem:v15+s0+$0x0], $0xffff;
	_ =	sdelay $0x4  }
0xaf: {  	v14 =	vsel vm0, v12, v14  }
0xb0: {  	v13 =	vsel vm1, v13, v14  }
0xb1: {  	[tilespmem:s23+$0x0] =	vst v13;
	s23 =	simm.s32 $0x6400  }
0xb2: {  	[spmem:s9] =	stream.indirect.scatter.add.f32 [tilespmem:s23], [sflag:$0x7], $0x70, s25, s15, $0xb8;
	[tilespmem:$0x1AC70] =	vst v63  }
.LBB2_14:
0xb3: {  	s18 =	sadd.s32 $0x1, s18  }
0xb4: {  	p1 =	sne.s32 s18, $0x7E  }
.Ltmp4:
0xb5: {  	_ = 	snop;
	(pc) =	sbr.rel @!p1 .LBB2_15-.Ltmp4, $1  }
0xb6: {  	_ =	sdelay $0x3  }
.LBB2_4:
0xb7: {  	p1 =	seq.s32 s18, $0x7D  }
.Ltmp5:
0xb8: {  	_ = 	snop;
	(pc) =	sbr.rel @p1 .LBB2_11-.Ltmp5, $1  }
0xb9: {  	_ =	sdelay $0x3  }
0xba: {  	s2 =	sand.u32 $0x1, s18  }
0xbb: {  	p2 =	seq.s32 s2, $0x1  }
.Ltmp6:
0xbc: {  	_ = 	snop;
	(pc) =	sbr.rel @!p2 .LBB2_6-.Ltmp6, $2  }
0xbd: {  	_ =	sdelay $0x2  }
0xbe: {  	p1 =	slt.u32 s18, $0x2  }
0xbf: {  	s2 =	simm.s32 @!p1 $0x7  }
0xc0: {  	_ =	swait.ge @!p1 [sflag:s2], $0x2300  }
0xc1: {  	[sflag:s2] =	ssyncset.done @!p1 $0x0  }
0xc2: {  	[sflag:s2] =	ssyncadd.s32 @!p1 $0xFFFFDD00  }
0xc3: {  	_ =	swait.ge [sflag:s20], $0xF0  }
0xc4: {  	[sflag:s20] =	ssyncset.done $0x0  }
0xc5: {  	[sflag:s20] =	ssyncadd.s32 $0xFFFFFF10  }
0xc6: {  	v13 =	vld [tilespmem:$0xF0]  }
0xc7: {  	v14 =	vld [tilespmem:$0x140]  }
0xc8: {  	v15 =	vld [tilespmem:$0x100]  }
0xc9: {  	v16 =	vld [tilespmem:$0x190]  }
0xca: {  	v54 =	vld [tilespmem:$0x150]  }
0xcb: {  	v56 =	vld [tilespmem:$0x160]  }
0xcc: {  	v57 =	vld [tilespmem:$0x1B0];
	[tilespmem:$0x2D0] =	vst v13  }
0xcd: {  	v59 =	vld [tilespmem:$0x1C0];
	[tilespmem:$0x370] =	vst v14  }
0xce: {  	v17 =	vshll.u32 v13, $0x2;
	v13 =	vld [tilespmem:$0x110];
	[tilespmem:$0x4B0] =	vst v16  }
0xcf: {  	v14 =	vld [tilespmem:$0x1A0];
	[tilespmem:$0x2E0] =	vst v15  }
0xd0: {  	[tilespmem:$0x380] =	vst v54  }
0xd1: {  	[tilespmem:$0x390] =	vst v56  }
0xd2: {  	[tilespmem:$0x4D0] =	vst v57  }
0xd3: {  	v18 =	vshll.u32 v15, $0x2;
	v15 =	vld [tilespmem:$0x120];
	[tilespmem:$0x4E0] =	vst v59;
	v58 =	vshll.u32 v13, $0x2  }
0xd4: {  	[tilespmem:$0x4C0] =	vst v14;
	v14 =	vor.u32 v1, v58  }
0xd5: {  	v17 =	vor.u32 v1, v17;
	[tilespmem:$0x250] =	vst v14;
	v14 =	vld [tilespmem:$0x170]  }
0xd6: {  	[tilespmem:$0x230] =	vst v17  }
0xd7: {  	[tilespmem:$0x2F0] =	vst v13;
	v13 =	vld [tilespmem:$0x130]  }
0xd8: {  	v55 =	vor.u32 v1, v18;
	v60 =	vshll.u32 v15, $0x2;
	[tilespmem:$0x300] =	vst v15;
	v15 =	vld [tilespmem:$0x180]  }
0xd9: {  	[tilespmem:$0x240] =	vst v55  }
0xda: {  	v61 =	vor.u32 v1, v60;
	[tilespmem:$0x3A0] =	vst v14;
	v14 =	vld [tilespmem:$0x1D0]  }
0xdb: {  	p1 =	sgt.u32 s18, $0x7B;
	[tilespmem:$0x260] =	vst v61  }
0xdc: {  	s2 =	sadd.s32 @!p1 s18, s16;
	v62 =	vshll.u32 v13, $0x2;
	[tilespmem:$0x310] =	vst v13  }
0xdd: {  	s2 =	smul.u32 @!p1 $0x1E, s2;
	[tilespmem:$0x3B0] =	vst v15;
	v63 =	vor.u32 v1, v62  }
0xde: {  	[tilespmem:$0x270] =	vst v63  }
0xdf: {  	s19 =	simm.s32 @!p1 $0x0;
	s2 =	sadd.s32 @!p1 s12, s2;
	[tilespmem:$0x4F0] =	vst v14  }
0xe0: {  	[tilespmem:s19], [sflag:$0x1] =	stream.linear.gather @!p1 [hbm4b:s2+s19], $0xF0, $0x38;
	[tilespmem:$0x1AC70] =	vst v63  }
0xe1: {  	s21 =	simm.s32 $0x230;
	s22 =	simm.s32 $0x2300  }
0xe2: {  	[tilespmem:s22], [sflag:$0x3] =	stream.indirect.gather [hbm4b:s13+s15], $0x60, s21, s15, $0xb8;
	[tilespmem:$0x1AC70] =	vst v63  }
0xe3: {  	s23 =	simm.s32 $0x2D0  }
0xe4: {  	[tilespmem:s24], [sflag:$0x5] =	stream.indirect.gather [hbm4b:s14+s15], $0x10, s23, s15, $0xb8;
	[tilespmem:$0x1AC70] =	vst v63  }
0xe5: {  	_ = 	snop  }
0xe6: {  	[tilespmem:s26], [sflag:$0x5] =	stream.indirect.gather [hbm4b:s14+s15], $0x10, s25, s15, $0xb8;
	[tilespmem:$0x1AC70] =	vst v63  }
.LBB2_11:
0xe7: {  	_ =	swait.ge [sflag:s5], $0x1E00  }
0xe8: {  	[sflag:s5] =	ssyncset.done $0x0  }
0xe9: {  	[sflag:s5] =	ssyncadd.s32 $0xFFFFE200  }
0xea: {  	_ =	swait.ge [sflag:s6], $0x500  }
0xeb: {  	[sflag:s6] =	ssyncset.done $0x0  }
0xec: {  	[sflag:s6] =	ssyncadd.s32 $0xFFFFFB00  }
0xed: {  	_ =	swait.ge [sflag:s6], $0x500  }
0xee: {  	[sflag:s6] =	ssyncset.done $0x0  }
0xef: {  	[sflag:s6] =	ssyncadd.s32 $0xFFFFFB00  }
0xf0: {  	v13 =	vld.idx.msk [tilespmem:v0+s7+$0x0], $0xffff  }
0xf1: {  	v14 =	vld.idx.msk [tilespmem:v3+s10+$0x0], $0xffff;
	_ =	sdelay $0x1  }
0xf2: {  	v15 =	vld [tilespmem:$0x410];
	_ =	sdelay $0x2  }
0xf3: {  	v13 =	vadd.f32 v14, v13;
	_ =	sdelay $0x1  }
0xf4: {  	v13 =	vadd.f32 v15, v13;
	_ =	sdelay $0x1  }
0xf5: {  	v14 =	vmul.f32 $2.000000030e-01, v13;
	_ =	sdelay $0x1  }
0xf6: {  	v13 =	vmax.f32 v13, v14  }
0xf7: {  	v13 =	vmul.f32 $1.442695020e+00, v13;
	_ =	sdelay $0x1  }
0xf8: {  	(erf) = vpow2.f32 v13;
	_ =	sdelay $0x8  }
0xf9: {  	v13 =	vpop (erf)  }
0xfa: {  	[tilespmem:$0x3C0] =	vst v13  }
0xfb: {  	v13 =	vld.idx.msk [tilespmem:v4+s7+$0x0], $0xffff  }
0xfc: {  	v14 =	vld.idx.msk [tilespmem:v5+s10+$0x0], $0xffff;
	_ =	sdelay $0x1  }
0xfd: {  	v15 =	vld [tilespmem:$0x420];
	_ =	sdelay $0x2  }
0xfe: {  	v13 =	vadd.f32 v14, v13;
	_ =	sdelay $0x1  }
0xff: {  	v13 =	vadd.f32 v15, v13;
	_ =	sdelay $0x1  }
0x100: {  	v14 =	vmul.f32 $2.000000030e-01, v13;
	_ =	sdelay $0x1  }
0x101: {  	v13 =	vmax.f32 v13, v14  }
0x102: {  	v13 =	vmul.f32 $1.442695020e+00, v13;
	_ =	sdelay $0x1  }
0x103: {  	(erf) = vpow2.f32 v13;
	_ =	sdelay $0x8  }
0x104: {  	v13 =	vpop (erf)  }
0x105: {  	[tilespmem:$0x3D0] =	vst v13  }
0x106: {  	v13 =	vld.idx.msk [tilespmem:v6+s7+$0x0], $0xffff  }
0x107: {  	v14 =	vld.idx.msk [tilespmem:v7+s10+$0x0], $0xffff;
	_ =	sdelay $0x1  }
0x108: {  	v15 =	vld [tilespmem:$0x430];
	_ =	sdelay $0x2  }
0x109: {  	v13 =	vadd.f32 v14, v13;
	_ =	sdelay $0x1  }
0x10a: {  	v13 =	vadd.f32 v15, v13;
	_ =	sdelay $0x1  }
0x10b: {  	v14 =	vmul.f32 $2.000000030e-01, v13;
	_ =	sdelay $0x1  }
0x10c: {  	v13 =	vmax.f32 v13, v14  }
0x10d: {  	v13 =	vmul.f32 $1.442695020e+00, v13;
	_ =	sdelay $0x1  }
0x10e: {  	(erf) = vpow2.f32 v13;
	_ =	sdelay $0x8  }
0x10f: {  	v13 =	vpop (erf)  }
0x110: {  	[tilespmem:$0x3E0] =	vst v13  }
0x111: {  	v13 =	vld.idx.msk [tilespmem:v8+s7+$0x0], $0xffff  }
0x112: {  	v14 =	vld.idx.msk [tilespmem:v9+s10+$0x0], $0xffff;
	_ =	sdelay $0x1  }
0x113: {  	v15 =	vld [tilespmem:$0x440];
	_ =	sdelay $0x2  }
0x114: {  	v13 =	vadd.f32 v14, v13;
	_ =	sdelay $0x1  }
0x115: {  	v13 =	vadd.f32 v15, v13;
	_ =	sdelay $0x1  }
0x116: {  	v14 =	vmul.f32 $2.000000030e-01, v13;
	_ =	sdelay $0x1  }
0x117: {  	v13 =	vmax.f32 v13, v14  }
0x118: {  	v13 =	vmul.f32 $1.442695020e+00, v13;
	_ =	sdelay $0x1  }
0x119: {  	(erf) = vpow2.f32 v13;
	_ =	sdelay $0x8  }
0x11a: {  	v13 =	vpop (erf)  }
0x11b: {  	[tilespmem:$0x3F0] =	vst v13  }
0x11c: {  	v13 =	vld.idx.msk [tilespmem:v10+s7+$0x0], $0xffff  }
0x11d: {  	v14 =	vld.idx.msk [tilespmem:v11+s10+$0x0], $0xffff;
	_ =	sdelay $0x1  }
0x11e: {  	v15 =	vld [tilespmem:$0x450];
	_ =	sdelay $0x2  }
0x11f: {  	v13 =	vadd.f32 v14, v13;
	_ =	sdelay $0x1  }
0x120: {  	v13 =	vadd.f32 v15, v13;
	_ =	sdelay $0x1  }
0x121: {  	v14 =	vmul.f32 $2.000000030e-01, v13;
	_ =	sdelay $0x1  }
0x122: {  	v13 =	vmax.f32 v13, v14  }
0x123: {  	v13 =	vmul.f32 $1.442695020e+00, v13;
	_ =	sdelay $0x1  }
0x124: {  	(erf) = vpow2.f32 v13;
	_ =	sdelay $0x4  }
0x125: {  	s2 =	simm.s32 $0x0  }
0x126: {  	v13 =	vmov s2;
	_ =	sdelay $0x2  }
0x127: {  	v14 =	vpop (erf)  }
0x128: {  	[tilespmem:$0x400] =	vst v14  }
0x129: {  	s19 =	simm.s32 $0x530;
	v13 =	vld.idx.msk [tilespmem:v13+s11+$0x0], $0xffff  }
0x12a: {  	v14 =	vld [tilespmem:s19+$0xFFFFFFD0];
	_ =	sdelay $0x4  }
0x12b: {  	v14 =	vmul.f32 v14, v13  }
0x12c: {  	s2 =	simm.s32 $0x4130  }
0x12d: {  	[tilespmem:s2+$0xFFFFFFD0] =	vst v14  }
0x12e: {  	v14 =	vld [tilespmem:s19+$0xFFFFFFE0];
	_ =	sdelay $0x4  }
0x12f: {  	v14 =	vmul.f32 v14, v13;
	_ =	sdelay $0x1  }
0x130: {  	[tilespmem:s2+$0xFFFFFFE0] =	vst v14  }
0x131: {  	v14 =	vld [tilespmem:s19+$0xFFFFFFF0];
	_ =	sdelay $0x4  }
0x132: {  	v14 =	vmul.f32 v14, v13;
	_ =	sdelay $0x1  }
0x133: {  	[tilespmem:s2+$0xFFFFFFF0] =	vst v14  }
0x134: {  	v14 =	vld [tilespmem:s19+$0x0];
	_ =	sdelay $0x4  }
0x135: {  	v14 =	vmul.f32 v14, v13;
	_ =	sdelay $0x1  }
0x136: {  	[tilespmem:s2+$0x0] =	vst v14  }
0x137: {  	v14 =	vld [tilespmem:s19+$0x10];
	_ =	sdelay $0x4  }
0x138: {  	v14 =	vmul.f32 v14, v13;
	_ =	sdelay $0x1  }
0x139: {  	[tilespmem:s2+$0x10] =	vst v14  }
0x13a: {  	v14 =	vld [tilespmem:s19+$0x20];
	_ =	sdelay $0x1  }
0x13b: {  	s21 =	simm.s32 $0x50  }
0x13c: {  	v15 =	vmov s21;
	_ =	sdelay $0x1  }
0x13d: {  	v14 =	vmul.f32 v14, v13;
	_ =	sdelay $0x1  }
0x13e: {  	[tilespmem:s2+$0x20] =	vst v14  }
0x13f: {  	v15 =	vld.idx.msk [tilespmem:v15+s11+$0x0], $0xffff;
	_ =	sdelay $0x1  }
0x140: {  	s21 =	simm.s32 $0x1  }
0x141: {  	s22 =	simm.s32 $0x2;
	v14 =	vmov s21  }
.LBB2_12:
0x142: {  	p1 =	sne.s32 s22, $0x4F  }
0x143: {  	v15 =	vsel vm0, v12, v15  }
0x144: {  	v13 =	vsel vm1, v13, v15  }
0x145: {  	[tilespmem:s2+$0x30] =	vst v13  }
0x146: {  	s19 =	sadd.s32 $0x60, s19;
	v13 =	vld.idx.msk [tilespmem:v14+s11+$0x0], $0xffff  }
0x147: {  	v14 =	vld [tilespmem:s19+$0xFFFFFFD0];
	_ =	sdelay $0x4  }
0x148: {  	v14 =	vmul.f32 v14, v13  }
0x149: {  	s2 =	sadd.s32 $0x70, s2  }
0x14a: {  	[tilespmem:s2+$0xFFFFFFD0] =	vst v14  }
0x14b: {  	v14 =	vld [tilespmem:s19+$0xFFFFFFE0];
	_ =	sdelay $0x4  }
0x14c: {  	v14 =	vmul.f32 v14, v13;
	_ =	sdelay $0x1  }
0x14d: {  	[tilespmem:s2+$0xFFFFFFE0] =	vst v14  }
0x14e: {  	v14 =	vld [tilespmem:s19+$0xFFFFFFF0];
	_ =	sdelay $0x4  }
0x14f: {  	v14 =	vmul.f32 v14, v13;
	_ =	sdelay $0x1  }
0x150: {  	[tilespmem:s2+$0xFFFFFFF0] =	vst v14  }
0x151: {  	v14 =	vld [tilespmem:s19+$0x0];
	_ =	sdelay $0x4  }
0x152: {  	v14 =	vmul.f32 v14, v13;
	_ =	sdelay $0x1  }
0x153: {  	[tilespmem:s2+$0x0] =	vst v14  }
0x154: {  	v14 =	vld [tilespmem:s19+$0x10];
	_ =	sdelay $0x4  }
0x155: {  	v14 =	vmul.f32 v14, v13;
	_ =	sdelay $0x1  }
0x156: {  	[tilespmem:s2+$0x10] =	vst v14  }
0x157: {  	v14 =	vld [tilespmem:s19+$0x20];
	_ =	sdelay $0x1  }
0x158: {  	s23 =	sadd.s32 $0x50, s21;
	s21 =	smov.u32 s22  }
0x159: {  	v15 =	vmov s23;
	_ =	sdelay $0x1  }
0x15a: {  	v14 =	vmul.f32 v14, v13;
	_ =	sdelay $0x1  }
0x15b: {  	[tilespmem:s2+$0x20] =	vst v14  }
.Ltmp7:
0x15c: {  	v15 =	vld.idx.msk [tilespmem:v15+s11+$0x0], $0xffff;
	(pc) =	sbr.rel @p1 .LBB2_12-.Ltmp7, $2  }
0x15d: {  	_ =	sdelay $0x2  }
0x15e: {  	s22 =	sadd.s32 $0x1, s22;
	v14 =	vmov s21  }
0x15f: {  	_ = 	snop  }
0x160: {  	v15 =	vsel vm0, v12, v15  }
0x161: {  	v13 =	vsel vm1, v13, v15  }
0x162: {  	[tilespmem:s2+$0x30] =	vst v13  }
0x163: {  	s19 =	sadd.s32 $0x60, s19;
	v13 =	vld.idx.msk [tilespmem:v14+s11+$0x0], $0xffff  }
0x164: {  	v14 =	vld [tilespmem:s19+$0xFFFFFFD0];
	_ =	sdelay $0x4  }
0x165: {  	v14 =	vmul.f32 v14, v13  }
0x166: {  	s22 =	sadd.s32 $0x70, s2  }
0x167: {  	[tilespmem:s22+$0xFFFFFFD0] =	vst v14  }
0x168: {  	v14 =	vld [tilespmem:s19+$0xFFFFFFE0];
	_ =	sdelay $0x4  }
0x169: {  	v14 =	vmul.f32 v14, v13;
	_ =	sdelay $0x1  }
0x16a: {  	[tilespmem:s22+$0xFFFFFFE0] =	vst v14  }
0x16b: {  	v14 =	vld [tilespmem:s19+$0xFFFFFFF0];
	_ =	sdelay $0x4  }
0x16c: {  	v14 =	vmul.f32 v14, v13;
	_ =	sdelay $0x1  }
0x16d: {  	[tilespmem:s22+$0xFFFFFFF0] =	vst v14  }
0x16e: {  	v14 =	vld [tilespmem:s19+$0x0];
	_ =	sdelay $0x4  }
0x16f: {  	v14 =	vmul.f32 v14, v13;
	_ =	sdelay $0x1  }
0x170: {  	[tilespmem:s22+$0x0] =	vst v14  }
0x171: {  	v14 =	vld [tilespmem:s19+$0x10];
	_ =	sdelay $0x4  }
0x172: {  	v14 =	vmul.f32 v14, v13;
	_ =	sdelay $0x1  }
0x173: {  	[tilespmem:s22+$0x10] =	vst v14  }
0x174: {  	v14 =	vld [tilespmem:s19+$0x20];
	_ =	sdelay $0x1  }
0x175: {  	s23 =	sadd.s32 $0x50, s21  }
0x176: {  	v15 =	vmov s23;
	_ =	sdelay $0x1  }
0x177: {  	v14 =	vmul.f32 v14, v13;
	_ =	sdelay $0x1  }
0x178: {  	[tilespmem:s22+$0x20] =	vst v14  }
0x179: {  	v14 =	vld.idx.msk [tilespmem:v15+s11+$0x0], $0xffff;
	_ =	sdelay $0x3  }
.Ltmp8:
0x17a: {  	_ = 	snop;
	(pc) =	sbr.rel .LBB2_14-.Ltmp8, $4  }
0x17b: {  	v14 =	vsel vm0, v12, v14  }
0x17c: {  	v13 =	vsel vm1, v13, v14  }
0x17d: {  	[tilespmem:s22+$0x30] =	vst v13  }
0x17e: {  	[spmem:s9] =	stream.indirect.scatter.add.f32 [tilespmem:s3], [sflag:$0x6], $0x70, s17, s15, $0xb8;
	[tilespmem:$0x1AC70] =	vst v63  }
.LBB2_6:
0x17f: {  	s2 =	simm.s32 @!p1 $0x6  }
0x180: {  	_ =	swait.ge @!p1 [sflag:s2], $0x2300  }
0x181: {  	[sflag:s2] =	ssyncset.done @!p1 $0x0  }
0x182: {  	[sflag:s2] =	ssyncadd.s32 @!p1 $0xFFFFDD00  }
0x183: {  	_ =	swait.ge [sflag:s20], $0xF0  }
0x184: {  	[sflag:s20] =	ssyncset.done $0x0  }
0x185: {  	[sflag:s20] =	ssyncadd.s32 $0xFFFFFF10  }
0x186: {  	v13 =	vld [tilespmem:$0x0]  }
0x187: {  	v14 =	vld [tilespmem:$0x50]  }
0x188: {  	v15 =	vld [tilespmem:$0x10]  }
0x189: {  	v16 =	vld [tilespmem:$0xA0]  }
0x18a: {  	v54 =	vld [tilespmem:$0x60]  }
0x18b: {  	v56 =	vld [tilespmem:$0x70]  }
0x18c: {  	v57 =	vld [tilespmem:$0xC0];
	[tilespmem:$0x280] =	vst v13  }
0x18d: {  	v59 =	vld [tilespmem:$0xD0];
	[tilespmem:$0x320] =	vst v14  }
0x18e: {  	v17 =	vshll.u32 v13, $0x2;
	v13 =	vld [tilespmem:$0x20];
	[tilespmem:$0x410] =	vst v16  }
0x18f: {  	v14 =	vld [tilespmem:$0xB0];
	[tilespmem:$0x290] =	vst v15  }
0x190: {  	[tilespmem:$0x330] =	vst v54  }
0x191: {  	[tilespmem:$0x340] =	vst v56  }
0x192: {  	[tilespmem:$0x430] =	vst v57  }
0x193: {  	v18 =	vshll.u32 v15, $0x2;
	v15 =	vld [tilespmem:$0x30];
	[tilespmem:$0x440] =	vst v59;
	v58 =	vshll.u32 v13, $0x2  }
0x194: {  	[tilespmem:$0x420] =	vst v14;
	v14 =	vor.u32 v1, v58  }
0x195: {  	v17 =	vor.u32 v1, v17;
	[tilespmem:$0x200] =	vst v14;
	v14 =	vld [tilespmem:$0x80]  }
0x196: {  	[tilespmem:$0x1E0] =	vst v17  }
0x197: {  	[tilespmem:$0x2A0] =	vst v13;
	v13 =	vld [tilespmem:$0x40]  }
0x198: {  	v55 =	vor.u32 v1, v18;
	v60 =	vshll.u32 v15, $0x2;
	[tilespmem:$0x2B0] =	vst v15;
	v15 =	vld [tilespmem:$0x90]  }
0x199: {  	[tilespmem:$0x1F0] =	vst v55  }
0x19a: {  	v61 =	vor.u32 v1, v60;
	[tilespmem:$0x350] =	vst v14;
	v14 =	vld [tilespmem:$0xE0]  }
0x19b: {  	p1 =	sgt.u32 s18, $0x7B;
	[tilespmem:$0x210] =	vst v61  }
0x19c: {  	s2 =	sadd.s32 @!p1 s18, s16;
	v62 =	vshll.u32 v13, $0x2;
	[tilespmem:$0x2C0] =	vst v13  }
0x19d: {  	s2 =	smul.u32 @!p1 $0x1E, s2;
	[tilespmem:$0x360] =	vst v15;
	v63 =	vor.u32 v1, v62  }
0x19e: {  	[tilespmem:$0x220] =	vst v63  }
0x19f: {  	s19 =	simm.s32 @!p1 $0x0;
	s21 =	simm.s32 @!p1 $0xF0;
	s2 =	sadd.s32 @!p1 s12, s2;
	[tilespmem:$0x450] =	vst v14  }
0x1a0: {  	[tilespmem:s21], [sflag:$0x1] =	stream.linear.gather @!p1 [hbm4b:s2+s19], $0xF0, $0x38;
	[tilespmem:$0x1AC70] =	vst v63  }
0x1a1: {  	p1 =	seq.s32 s18, $0x0  }
0x1a2: {  	[tilespmem:s29], [sflag:$0x2] =	stream.indirect.gather [hbm4b:s13+s15], $0x60, s28, s15, $0xb8;
	[tilespmem:$0x1AC70] =	vst v63  }
.Ltmp9:
0x1a3: {  	_ = 	snop;
	(pc) =	sbr.rel @p1 .LBB2_14-.Ltmp9, $4  }
0x1a4: {  	_ = 	snop  }
0x1a5: {  	[tilespmem:s7], [sflag:$0x4] =	stream.indirect.gather [hbm4b:s14+s15], $0x10, s30, s15, $0xb8;
	[tilespmem:$0x1AC70] =	vst v63  }
0x1a6: {  	_ = 	snop  }
0x1a7: {  	[tilespmem:s10], [sflag:$0x4] =	stream.indirect.gather [hbm4b:s14+s15], $0x10, s17, s15, $0xb8;
	[tilespmem:$0x1AC70] =	vst v63  }
0x1a8: {  	_ =	swait.ge [sflag:s31], $0x1E00  }
0x1a9: {  	[sflag:s31] =	ssyncset.done $0x0  }
0x1aa: {  	[sflag:s31] =	ssyncadd.s32 $0xFFFFE200  }
0x1ab: {  	_ =	swait.ge [sflag:s8], $0x500  }
0x1ac: {  	[sflag:s8] =	ssyncset.done $0x0  }
0x1ad: {  	[sflag:s8] =	ssyncadd.s32 $0xFFFFFB00  }
0x1ae: {  	_ =	swait.ge [sflag:s8], $0x500  }
0x1af: {  	[sflag:s8] =	ssyncset.done $0x0  }
0x1b0: {  	[sflag:s8] =	ssyncadd.s32 $0xFFFFFB00  }
0x1b1: {  	v13 =	vld.idx.msk [tilespmem:v0+s24+$0x0], $0xffff  }
0x1b2: {  	v14 =	vld.idx.msk [tilespmem:v3+s26+$0x0], $0xffff;
	_ =	sdelay $0x1  }
0x1b3: {  	v15 =	vld [tilespmem:$0x4B0];
	_ =	sdelay $0x2  }
0x1b4: {  	v13 =	vadd.f32 v14, v13;
	_ =	sdelay $0x1  }
0x1b5: {  	v13 =	vadd.f32 v15, v13;
	_ =	sdelay $0x1  }
0x1b6: {  	v14 =	vmul.f32 $2.000000030e-01, v13;
	_ =	sdelay $0x1  }
0x1b7: {  	v13 =	vmax.f32 v13, v14  }
0x1b8: {  	v13 =	vmul.f32 $1.442695020e+00, v13;
	_ =	sdelay $0x1  }
0x1b9: {  	(erf) = vpow2.f32 v13;
	_ =	sdelay $0x8  }
0x1ba: {  	v13 =	vpop (erf)  }
0x1bb: {  	[tilespmem:$0x460] =	vst v13  }
0x1bc: {  	v13 =	vld.idx.msk [tilespmem:v4+s24+$0x0], $0xffff  }
0x1bd: {  	v14 =	vld.idx.msk [tilespmem:v5+s26+$0x0], $0xffff;
	_ =	sdelay $0x1  }
0x1be: {  	v15 =	vld [tilespmem:$0x4C0];
	_ =	sdelay $0x2  }
0x1bf: {  	v13 =	vadd.f32 v14, v13;
	_ =	sdelay $0x1  }
0x1c0: {  	v13 =	vadd.f32 v15, v13;
	_ =	sdelay $0x1  }
0x1c1: {  	v14 =	vmul.f32 $2.000000030e-01, v13;
	_ =	sdelay $0x1  }
0x1c2: {  	v13 =	vmax.f32 v13, v14  }
0x1c3: {  	v13 =	vmul.f32 $1.442695020e+00, v13;
	_ =	sdelay $0x1  }
0x1c4: {  	(erf) = vpow2.f32 v13;
	_ =	sdelay $0x8  }
0x1c5: {  	v13 =	vpop (erf)  }
0x1c6: {  	[tilespmem:$0x470] =	vst v13  }
0x1c7: {  	v13 =	vld.idx.msk [tilespmem:v6+s24+$0x0], $0xffff  }
0x1c8: {  	v14 =	vld.idx.msk [tilespmem:v7+s26+$0x0], $0xffff;
	_ =	sdelay $0x1  }
0x1c9: {  	v15 =	vld [tilespmem:$0x4D0];
	_ =	sdelay $0x2  }
0x1ca: {  	v13 =	vadd.f32 v14, v13;
	_ =	sdelay $0x1  }
0x1cb: {  	v13 =	vadd.f32 v15, v13;
	_ =	sdelay $0x1  }
0x1cc: {  	v14 =	vmul.f32 $2.000000030e-01, v13;
	_ =	sdelay $0x1  }
0x1cd: {  	v13 =	vmax.f32 v13, v14  }
0x1ce: {  	v13 =	vmul.f32 $1.442695020e+00, v13;
	_ =	sdelay $0x1  }
0x1cf: {  	(erf) = vpow2.f32 v13;
	_ =	sdelay $0x8  }
0x1d0: {  	v13 =	vpop (erf)  }
0x1d1: {  	[tilespmem:$0x480] =	vst v13  }
0x1d2: {  	v13 =	vld.idx.msk [tilespmem:v8+s24+$0x0], $0xffff  }
0x1d3: {  	v14 =	vld.idx.msk [tilespmem:v9+s26+$0x0], $0xffff;
	_ =	sdelay $0x1  }
0x1d4: {  	v15 =	vld [tilespmem:$0x4E0];
	_ =	sdelay $0x2  }
0x1d5: {  	v13 =	vadd.f32 v14, v13;
	_ =	sdelay $0x1  }
0x1d6: {  	v13 =	vadd.f32 v15, v13;
	_ =	sdelay $0x1  }
0x1d7: {  	v14 =	vmul.f32 $2.000000030e-01, v13;
	_ =	sdelay $0x1  }
0x1d8: {  	v13 =	vmax.f32 v13, v14  }
0x1d9: {  	v13 =	vmul.f32 $1.442695020e+00, v13;
	_ =	sdelay $0x1  }
0x1da: {  	(erf) = vpow2.f32 v13;
	_ =	sdelay $0x8  }
0x1db: {  	v13 =	vpop (erf)  }
0x1dc: {  	[tilespmem:$0x490] =	vst v13  }
0x1dd: {  	v13 =	vld.idx.msk [tilespmem:v10+s24+$0x0], $0xffff  }
0x1de: {  	v14 =	vld.idx.msk [tilespmem:v11+s26+$0x0], $0xffff;
	_ =	sdelay $0x1  }
0x1df: {  	v15 =	vld [tilespmem:$0x4F0];
	_ =	sdelay $0x2  }
0x1e0: {  	v13 =	vadd.f32 v14, v13;
	_ =	sdelay $0x1  }
0x1e1: {  	v13 =	vadd.f32 v15, v13;
	_ =	sdelay $0x1  }
0x1e2: {  	v14 =	vmul.f32 $2.000000030e-01, v13;
	_ =	sdelay $0x1  }
0x1e3: {  	v13 =	vmax.f32 v13, v14  }
0x1e4: {  	v13 =	vmul.f32 $1.442695020e+00, v13;
	_ =	sdelay $0x1  }
0x1e5: {  	(erf) = vpow2.f32 v13;
	_ =	sdelay $0x4  }
0x1e6: {  	s2 =	simm.s32 $0x0  }
0x1e7: {  	v13 =	vmov s2;
	_ =	sdelay $0x2  }
0x1e8: {  	v14 =	vpop (erf)  }
0x1e9: {  	[tilespmem:$0x4A0] =	vst v14  }
0x1ea: {  	s19 =	simm.s32 $0x2350;
	v13 =	vld.idx.msk [tilespmem:v13+s0+$0x0], $0xffff  }
0x1eb: {  	v14 =	vld [tilespmem:s19+$0xFFFFFFB0];
	_ =	sdelay $0x4  }
0x1ec: {  	v14 =	vmul.f32 v14, v13  }
0x1ed: {  	s2 =	simm.s32 $0x6460  }
0x1ee: {  	[tilespmem:s2+$0xFFFFFFA0] =	vst v14  }
0x1ef: {  	v14 =	vld [tilespmem:s19+$0xFFFFFFC0];
	_ =	sdelay $0x4  }
0x1f0: {  	v14 =	vmul.f32 v14, v13;
	_ =	sdelay $0x1  }
0x1f1: {  	[tilespmem:s2+$0xFFFFFFB0] =	vst v14  }
0x1f2: {  	v14 =	vld [tilespmem:s19+$0xFFFFFFD0];
	_ =	sdelay $0x4  }
0x1f3: {  	v14 =	vmul.f32 v14, v13;
	_ =	sdelay $0x1  }
0x1f4: {  	[tilespmem:s2+$0xFFFFFFC0] =	vst v14  }
0x1f5: {  	v14 =	vld [tilespmem:s19+$0xFFFFFFE0];
	_ =	sdelay $0x4  }
0x1f6: {  	v14 =	vmul.f32 v14, v13;
	_ =	sdelay $0x1  }
0x1f7: {  	[tilespmem:s2+$0xFFFFFFD0] =	vst v14  }
0x1f8: {  	v14 =	vld [tilespmem:s19+$0xFFFFFFF0];
	_ =	sdelay $0x4  }
0x1f9: {  	v14 =	vmul.f32 v14, v13;
	_ =	sdelay $0x1  }
0x1fa: {  	[tilespmem:s2+$0xFFFFFFE0] =	vst v14  }
0x1fb: {  	v14 =	vld [tilespmem:s19+$0x0];
	_ =	sdelay $0x1  }
0x1fc: {  	s21 =	simm.s32 $0x50  }
0x1fd: {  	v15 =	vmov s21;
	_ =	sdelay $0x1  }
0x1fe: {  	v14 =	vmul.f32 v14, v13;
	_ =	sdelay $0x1  }
0x1ff: {  	[tilespmem:s2+$0xFFFFFFF0] =	vst v14  }
0x200: {  	v15 =	vld.idx.msk [tilespmem:v15+s0+$0x0], $0xffff;
	_ =	sdelay $0x1  }
0x201: {  	s21 =	simm.s32 $0x1  }
0x202: {  	s22 =	simm.s32 $0x2;
	v14 =	vmov s21  }
.LBB2_8:
0x203: {  	p1 =	sne.s32 s22, $0x4F  }
0x204: {  	v15 =	vsel vm0, v12, v15  }
0x205: {  	v13 =	vsel vm1, v13, v15  }
0x206: {  	[tilespmem:s2+$0x0] =	vst v13  }
0x207: {  	s19 =	sadd.s32 $0x60, s19;
	v13 =	vld.idx.msk [tilespmem:v14+s0+$0x0], $0xffff  }
0x208: {  	v14 =	vld [tilespmem:s19+$0xFFFFFFB0];
	_ =	sdelay $0x4  }
0x209: {  	v14 =	vmul.f32 v14, v13  }
0x20a: {  	s2 =	sadd.s32 $0x70, s2  }
0x20b: {  	[tilespmem:s2+$0xFFFFFFA0] =	vst v14  }
0x20c: {  	v14 =	vld [tilespmem:s19+$0xFFFFFFC0];
	_ =	sdelay $0x4  }
0x20d: {  	v14 =	vmul.f32 v14, v13;
	_ =	sdelay $0x1  }
0x20e: {  	[tilespmem:s2+$0xFFFFFFB0] =	vst v14  }
0x20f: {  	v14 =	vld [tilespmem:s19+$0xFFFFFFD0];
	_ =	sdelay $0x4  }
0x210: {  	v14 =	vmul.f32 v14, v13;
	_ =	sdelay $0x1  }
0x211: {  	[tilespmem:s2+$0xFFFFFFC0] =	vst v14  }
0x212: {  	v14 =	vld [tilespmem:s19+$0xFFFFFFE0];
	_ =	sdelay $0x4  }
0x213: {  	v14 =	vmul.f32 v14, v13;
	_ =	sdelay $0x1  }
0x214: {  	[tilespmem:s2+$0xFFFFFFD0] =	vst v14  }
0x215: {  	v14 =	vld [tilespmem:s19+$0xFFFFFFF0];
	_ =	sdelay $0x4  }
0x216: {  	v14 =	vmul.f32 v14, v13;
	_ =	sdelay $0x1  }
0x217: {  	[tilespmem:s2+$0xFFFFFFE0] =	vst v14  }
0x218: {  	v14 =	vld [tilespmem:s19+$0x0];
	_ =	sdelay $0x1  }
0x219: {  	s23 =	sadd.s32 $0x50, s21;
	s21 =	smov.u32 s22  }
0x21a: {  	v15 =	vmov s23;
	_ =	sdelay $0x1  }
0x21b: {  	v14 =	vmul.f32 v14, v13;
	_ =	sdelay $0x1  }
0x21c: {  	[tilespmem:s2+$0xFFFFFFF0] =	vst v14  }
.Ltmp10:
0x21d: {  	v15 =	vld.idx.msk [tilespmem:v15+s0+$0x0], $0xffff;
	(pc) =	sbr.rel @p1 .LBB2_8-.Ltmp10, $2  }
0x21e: {  	_ =	sdelay $0x2  }
0x21f: {  	s22 =	sadd.s32 $0x1, s22;
	v14 =	vmov s21  }
.Ltmp11:
0x220: {  	_ = 	snop;
	(pc) =	sbr.rel .LBB2_9-.Ltmp11, $1  }
0x221: {  	_ =	sdelay $0x3  }
.LBB2_16:
0x222: {  	_ =	sfence.sel $0x180000  }
0x223: {  	[bflag:$0x0] =	sbarrier.arrive $0xFFFF  }
0x224: {  	_ =	strace $0x90000047  }
0x225: {  	s0 =	stileid.u32;
	[bflag:$0x2] =	sbarrier.arrive $0xFFFF  }
0x226: {  	p0 =	sne.s32 s0, $0x0;
	s0 =	rddreg [dreg:$0x2]  }
0x227: {  	s0 =	sadd.s32 @!p0 $0x100000, s0  }
0x228: {  	[sflag:s0] =	ssyncadd.tile.s32 @!p0 $0x1;
	_ =	shalt  }
.Lfunc_end2:
_tile_overlayer_lowered:
.L_overlay_start_2:
0x229: {  	(tag) =	ssettag $0x2  }
0x22a: {  	s0 =	rddreg [dreg:$0x0];
	s2 =	stileid.u32  }
0x22b: {  	s1 =	rddreg [dreg:$0x1];
	p0 =	sne.s32 s2, $0x0  }
0x22c: {  	s3 =	rddreg [dreg:$0x2];
	[bflag:$0x3] =	sbarrier.arrive $0xFFFF;
	s2 =	simm.s32 @!p0 $0x1C08  }
0x22d: {  	[timem:s3], [sflag:s2] =	dma.local @!p0 [hbm:s0], s1  }
0x22e: {  	s0 =	simm.s32 @!p0 $0x8  }
0x22f: {  	_ =	swait.ge @!p0 [sflag:s0], s1  }
0x230: {  	s1 =	ssub.s32 @!p0 $0x0, s1;
	[sflag:s0] =	ssyncset.done @!p0 $0x0  }
0x231: {  	[sflag:s0] =	ssyncadd.s32 @!p0 s1  }
0x232: {  	[bflag:$0x3] =	sbarrier.arrive $0xFFFF  }
0x233: {  	_ =	shalt  }

</sc_bundles>
